<compile_context>
chip_gen: v7x
topology: tpu7x:2x2x1
jax: 0.10.2.dev20260603
libtpu: 0.0.44.dev20260713+nightly
codegen_flags: <defaults>
</compile_context>

<pallas_src>
import jax
import jax.numpy as jnp
from jax import lax
from jax.experimental import pallas as pl
from jax.experimental.pallas import tpu as pltpu
from jax.experimental.pallas import tpu_sc as plsc

_GATHER_DNUMS = lax.GatherDimensionNumbers(
    offset_dims=(), collapsed_slice_dims=(0,), start_index_map=(0,))


def _lane_bcast(p, lj):
    idx = jnp.full((16, 1), lj, jnp.int32)
    return lax.gather(p, idx, _GATHER_DNUMS, slice_sizes=(1,),
                      mode=lax.GatherScatterMode.PROMISE_IN_BOUNDS)


N = 10000
E = 320000
D = 128
N_REL = 200
N_TIME = 366

NC = 2
NS = 16
DH = D // NC
EPW = E // NS
C = 80
BC = 10
NBLK = EPW // (C * BC)
G = C // 16
NPAD = 10240
RPT = NPAD // NS


def _prep_body(x_ref, rel_ref, tim_ref, ah_ref, at_ref, ar_ref, ats_ref,
               wr_ref, h_ref, t_ref, r_ref, ts_ref, ro_ref):
    x = x_ref[...]
    h_ref[...] = jnp.sum(x * ah_ref[...], axis=1)
    t_ref[...] = jnp.sum(x * at_ref[...], axis=1)
    r_ref[...] = jnp.sum(rel_ref[...] * ar_ref[...], axis=1)
    ts_ref[...] = jnp.sum(tim_ref[...] * ats_ref[...], axis=1)
    ro_ref[...] = jnp.dot(rel_ref[...], wr_ref[...],
                          preferred_element_type=jnp.float32)


def _prep(x, rel_repr, time_emds, attn_h, attn_t, attn_r, attn_ts, w_rel):
    return pl.pallas_call(
        _prep_body,
        out_shape=[
            jax.ShapeDtypeStruct((N,), jnp.float32),
            jax.ShapeDtypeStruct((N,), jnp.float32),
            jax.ShapeDtypeStruct((N_REL,), jnp.float32),
            jax.ShapeDtypeStruct((N_TIME,), jnp.float32),
            jax.ShapeDtypeStruct((N_REL, D), jnp.float32),
        ],
    )(x, rel_repr, time_emds,
      attn_h.reshape(1, D), attn_t.reshape(1, D),
      attn_r.reshape(1, D), attn_ts.reshape(1, D), w_rel)


def _sc_body(hatt_hbm, tatt_hbm, ratt_hbm, tsatt_hbm,
             src_hbm, dst_hbm, et_hbm, ets_hbm,
             x2_hbm, rel2_hbm, tim2_hbm,
             acc_out, den_out,
             src_v, dst_v, et_v, ets_v,
             hatt_v, tatt_v, ratt_v, tsatt_v,
             xrA, rrA, ttA, prA, msgA, xrB, rrB, ttB, prB, msgB,
             acc_sp, den_sp, semA, semB, ssemA, ssemB):
    cid = lax.axis_index("c")
    sid = lax.axis_index("s")

    zero16 = jnp.zeros((16,), jnp.float32)
    izero16 = jnp.zeros((16,), jnp.int32)
    xoff_v = jnp.full((16,), cid * N, jnp.int32)
    roff_v = jnp.full((16,), cid * N_REL, jnp.int32)
    toff_v = jnp.full((16,), cid * N_TIME, jnp.int32)

    t1 = pltpu.async_copy(hatt_hbm, hatt_v, semB)
    t2 = pltpu.async_copy(tatt_hbm, tatt_v, semB)
    t3 = pltpu.async_copy(ratt_hbm, ratt_v, semB)
    t4 = pltpu.async_copy(tsatt_hbm, tsatt_v, semB)

    @pl.loop(0, C)
    def _(i):
        for v in range(DH // 16):
            xrA[i, pl.ds(v * 16, 16)] = zero16
        prA[i, :] = zero16
        prB[i, :] = zero16

    zcopies = []
    for k in range(RPT // C):
        off = sid * RPT + k * C
        zcopies.append(pltpu.async_copy(xrA, acc_sp.at[pl.ds(off, C)], ssemA))
        zcopies.append(pltpu.async_copy(prA, den_sp.at[pl.ds(off, C)], ssemB))
    for zc in zcopies:
        zc.wait()
    t1.wait()
    t2.wait()
    t3.wait()
    t4.wait()

    plsc.subcore_barrier()

    def issue_p1(jj, xr, rr, tt, sem):
        pltpu.async_copy(x2_hbm.at[src_v.at[jj]], xr, sem)
        pltpu.async_copy(rel2_hbm.at[et_v.at[jj]], rr, sem)
        pltpu.async_copy(tim2_hbm.at[ets_v.at[jj]], tt, sem)

    def wait_p1(jj, xr, rr, tt, sem):
        pltpu.make_async_copy(x2_hbm.at[src_v.at[jj]], xr, sem).wait()
        pltpu.make_async_copy(rel2_hbm.at[et_v.at[jj]], rr, sem).wait()
        pltpu.make_async_copy(tim2_hbm.at[ets_v.at[jj]], tt, sem).wait()

    def issue_scat(jj, msg, pr, sem):
        pltpu.async_copy(msg, acc_sp.at[dst_v.at[jj]], sem, add=True)

        @pl.when(cid == 0)
        def _():
            pltpu.async_copy(pr, den_sp.at[dst_v.at[jj]], sem, add=True)

    def wait_scat(jj, msg, pr, sem):
        pltpu.make_async_copy(msg, acc_sp.at[dst_v.at[jj]], sem).wait()

        @pl.when(cid == 0)
        def _():
            pltpu.make_async_copy(pr, den_sp.at[dst_v.at[jj]], sem).wait()

    def compute_chunk(jj, xr, rr, tt, msg, pr):
        @pl.loop(0, G)
        def _(g):
            b = g * 16
            sl = pl.ds(b, 16)
            h = plsc.load_gather(hatt_v, [src_v[jj, sl] - xoff_v])
            t = plsc.load_gather(tatt_v, [dst_v[jj, sl]])
            r = plsc.load_gather(ratt_v, [et_v[jj, sl] - roff_v])
            ts = plsc.load_gather(tsatt_v, [ets_v[jj, sl] - toff_v])
            e = h - t + r + ts
            e = jnp.where(e > 0.0, e, 0.1 * e)
            p = jnp.exp(e)
            rows = b + jax.lax.iota(jnp.int32, 16)
            plsc.store_scatter(pr, [rows, izero16], p)
            for lj in range(16):
                row = b + lj
                pb = _lane_bcast(p, lj)
                for v in range(DH // 16):
                    vsl = pl.ds(v * 16, 16)
                    tv = tt[row, vsl]
                    msg[row, vsl] = (
                        (xr[row, vsl] + tv) * (rr[row, vsl] + tv) * pb)

    @pl.loop(0, NBLK)
    def _(blk):
        i1 = pltpu.async_copy(src_hbm.at[sid, blk], src_v, semA)
        i2 = pltpu.async_copy(dst_hbm.at[sid, blk], dst_v, semA)
        i3 = pltpu.async_copy(et_hbm.at[sid, blk], et_v, semA)
        i4 = pltpu.async_copy(ets_hbm.at[sid, blk], ets_v, semA)
        i1.wait()
        i2.wait()
        i3.wait()
        i4.wait()

        @pl.loop(0, BC)
        def _(r):
            for v in range(G):
                sl = pl.ds(v * 16, 16)
                src_v[r, sl] = src_v[r, sl] + xoff_v
                et_v[r, sl] = et_v[r, sl] + roff_v
                ets_v[r, sl] = ets_v[r, sl] + toff_v

        issue_p1(0, xrA, rrA, ttA, semA)

        @pl.loop(0, BC, step=2)
        def _(jj):
            @pl.when(jj > 0)
            def _():
                wait_scat(jj - 2, msgA, prA, ssemA)

            issue_p1(jj + 1, xrB, rrB, ttB, semB)
            wait_p1(jj, xrA, rrA, ttA, semA)
            compute_chunk(jj, xrA, rrA, ttA, msgA, prA)
            issue_scat(jj, msgA, prA, ssemA)

            @pl.when(jj > 0)
            def _():
                wait_scat(jj - 1, msgB, prB, ssemB)

            @pl.when(jj + 2 < BC)
            def _():
                issue_p1(jj + 2, xrA, rrA, ttA, semA)

            wait_p1(jj + 1, xrB, rrB, ttB, semB)
            compute_chunk(jj + 1, xrB, rrB, ttB, msgB, prB)
            issue_scat(jj + 1, msgB, prB, ssemB)

        wait_scat(BC - 2, msgA, prA, ssemA)
        wait_scat(BC - 1, msgB, prB, ssemB)

    plsc.subcore_barrier()

    off = sid * RPT
    pltpu.sync_copy(acc_sp.at[pl.ds(off, RPT)], acc_out.at[cid, pl.ds(off, RPT)])

    @pl.when(cid == 0)
    def _():
        pltpu.sync_copy(den_sp.at[pl.ds(off, RPT)], den_out.at[pl.ds(off, RPT)])


def _sc_edge(hatt, tatt, ratt, tsatt, src4d, dst4d, et4d, ets4d,
             x2, rel2, tim2):
    mesh = plsc.VectorSubcoreMesh(core_axis_name="c", subcore_axis_name="s")
    cp = pltpu.CompilerParams(needs_layout_passes=False,
                              use_tc_tiling_on_sc=False)
    kern = pl.kernel(
        _sc_body,
        out_type=[
            jax.ShapeDtypeStruct((NC, NPAD, DH), jnp.float32),
            jax.ShapeDtypeStruct((NPAD, 16), jnp.float32),
        ],
        mesh=mesh,
        scratch_types=[
            pltpu.VMEM((BC, C), jnp.int32),
            pltpu.VMEM((BC, C), jnp.int32),
            pltpu.VMEM((BC, C), jnp.int32),
            pltpu.VMEM((BC, C), jnp.int32),
            pltpu.VMEM((N,), jnp.float32),
            pltpu.VMEM((N,), jnp.float32),
            pltpu.VMEM((N_REL,), jnp.float32),
            pltpu.VMEM((N_TIME,), jnp.float32),
            pltpu.VMEM((C, DH), jnp.float32),
            pltpu.VMEM((C, DH), jnp.float32),
            pltpu.VMEM((C, DH), jnp.float32),
            pltpu.VMEM((C, 16), jnp.float32),
            pltpu.VMEM((C, DH), jnp.float32),
            pltpu.VMEM((C, DH), jnp.float32),
            pltpu.VMEM((C, DH), jnp.float32),
            pltpu.VMEM((C, DH), jnp.float32),
            pltpu.VMEM((C, 16), jnp.float32),
            pltpu.VMEM((C, DH), jnp.float32),
            pltpu.VMEM_SHARED((NPAD, DH), jnp.float32),
            pltpu.VMEM_SHARED((NPAD, 16), jnp.float32),
            pltpu.SemaphoreType.DMA,
            pltpu.SemaphoreType.DMA,
            pltpu.SemaphoreType.DMA,
            pltpu.SemaphoreType.DMA,
        ],
        compiler_params=cp,
    )
    return kern(hatt, tatt, ratt, tsatt, src4d, dst4d, et4d, ets4d,
                x2, rel2, tim2)


def _finish_body(acc_ref, den_ref, x_ref, tw_ref, lw_ref, out_ref):
    a = jnp.concatenate([acc_ref[0, :N], acc_ref[1, :N]], axis=1)
    d = den_ref[:N, 0:1]
    d = jnp.where(d <= 0.0, 1.0, d)
    agg = a / d
    out_ref[...] = (
        jnp.dot(agg, tw_ref[...], preferred_element_type=jnp.float32)
        + jnp.dot(x_ref[...], lw_ref[...], preferred_element_type=jnp.float32))


def _finish(acc, den, x, trans_w, loop_w):
    return pl.pallas_call(
        _finish_body,
        out_shape=jax.ShapeDtypeStruct((N, D), jnp.float32),
    )(acc, den, x, trans_w, loop_w)


@jax.jit
def kernel(x, edge_index, edge_type, edge_time, rel_repr, time_emds,
           trans_w, loop_w, w_rel, attn_h, attn_t, attn_r, attn_ts):
    hatt, tatt, ratt, tsatt, rel_out = _prep(
        x, rel_repr, time_emds, attn_h, attn_t, attn_r, attn_ts, w_rel)

    src4d = edge_index[0].reshape(NS, NBLK, BC, C)
    dst4d = edge_index[1].reshape(NS, NBLK, BC, C)
    et4d = edge_type.reshape(NS, NBLK, BC, C)
    ets4d = edge_time.reshape(NS, NBLK, BC, C)

    x2 = jnp.concatenate([x[:, :DH], x[:, DH:]], axis=0)
    rel2 = jnp.concatenate([rel_repr[:, :DH], rel_repr[:, DH:]], axis=0)
    tim2 = jnp.concatenate([time_emds[:, :DH], time_emds[:, DH:]], axis=0)

    acc, den = _sc_edge(hatt, tatt, ratt, tsatt,
                        src4d, dst4d, et4d, ets4d,
                        x2, rel2, tim2)

    x_out = _finish(acc, den, x, trans_w, loop_w)
    return (x_out, rel_out)

# --- scband reference (transcript-rebuilt; emitter-appended) ---
"""Pipeline reference for scband-comp-gcncov-63204738728139 (READ-ONLY COPY).

The authoritative reference and input builder live on the scoring server;
editing this copy changes nothing except your own understanding.
"""

import jax, jax.numpy as jnp
import numpy as np

N = 10000
E = 320000
D_IN = 128
D_OUT = 128
N_REL = 200
N_TIME = 366


def _xavier(key, shape):
    gain = float(np.sqrt(2.0))  # calculate_gain('relu')
    fan_in, fan_out = shape[0], shape[1]
    std = gain * float(np.sqrt(2.0 / (fan_in + fan_out)))
    return jax.random.normal(key, shape, dtype=jnp.float32) * std


def setup_inputs(seed: int = 0):
    key = jax.random.key(seed)
    ks = jax.random.split(key, 13)
    return {
        'x': jax.random.normal(ks[0], (N, D_IN), dtype=jnp.float32),
        'edge_index': jax.random.randint(ks[1], (2, E), 0, N, dtype=jnp.int32),
        'edge_type': jax.random.randint(ks[2], (E,), 0, N_REL, dtype=jnp.int32),
        'edge_time': jax.random.randint(ks[3], (E,), 0, N_TIME, dtype=jnp.int32),
        'rel_repr': jax.random.normal(ks[4], (N_REL, D_IN), dtype=jnp.float32),
        'time_emds': jax.random.normal(ks[5], (N_TIME, D_IN), dtype=jnp.float32),
        'trans_w': _xavier(ks[6], (D_IN, D_OUT)),
        'loop_w': _xavier(ks[7], (D_IN, D_OUT)),
        'w_rel': _xavier(ks[8], (D_IN, D_OUT)),
        'attn_h': _xavier(ks[9], (D_IN, 1)),
        'attn_t': _xavier(ks[10], (D_IN, 1)),
        'attn_r': _xavier(ks[11], (D_IN, 1)),
        'attn_ts': _xavier(ks[12], (D_IN, 1)),
    }


def reference(x, edge_index, edge_type, edge_time, rel_repr, time_emds,
              trans_w, loop_w, w_rel, attn_h, attn_t, attn_r, attn_ts):
    src = edge_index[0]
    dst = edge_index[1]
    # per-node / per-relation / per-time attention scalars
    h_att = jnp.matmul(x, attn_h)          # [N, 1]
    t_att = jnp.matmul(x, attn_t)          # [N, 1]
    r_att = jnp.matmul(rel_repr, attn_r)   # [R, 1]
    ts_att = jnp.matmul(time_emds, attn_ts)  # [T, 1]
    # edge attention logits: leaky_relu(src_h - dst_t + rel + time)
    e = h_att[src] - t_att[dst] + r_att[edge_type] + ts_att[edge_time]  # [E, 1]
    e = jnp.where(e > 0, e, 0.1 * e)
    # edge_softmax: softmax over incoming edges of each destination node
    e_max = jax.ops.segment_max(e, dst, num_segments=N)
    e_max = jnp.where(jnp.isfinite(e_max), e_max, 0.0)
    e_exp = jnp.exp(e - e_max[dst])
    denom = jax.ops.segment_sum(e_exp, dst, num_segments=N)
    att = e_exp / denom[dst]  # [E, 1]
    # message function
    rel_emd = rel_repr[edge_type]     # [E, D]
    time_emd = time_emds[edge_time]   # [E, D]
    head_emd = x[src] + time_emd
    rel_e = rel_emd + time_emd
    msg = jnp.matmul(head_emd * rel_e, trans_w) * att  # [E, D_out]
    # sum-aggregate messages onto destination nodes
    agg = jax.ops.segment_sum(msg, dst, num_segments=N)  # [N, D_out]
    x_out = agg + jnp.matmul(x, loop_w)
    rel_out = jnp.matmul(rel_repr, w_rel)
    return (x_out, rel_out)

if __name__ == "__main__":
    import jax
    _d = setup_inputs()
    print(jax.jit(kernel)(*tuple(_d.values())))

</pallas_src>

<mosaic_0001>
#map = affine_map<(d0, d1) -> (0)>
#map1 = affine_map<(d0, d1) -> (0, 0, 0, 0)>
#map2 = affine_map<(d0, d1) -> (0, 0)>
#map3 = affine_map<(d0, d1) -> (0, 0, 0)>
module attributes {stable_mosaic.version = 14 : i64} {
  func.func @_sc_body(%arg0: i32, %arg1: i32, %arg2: memref<10000xf32, #tpu.memory_space<hbm>>, %arg3: memref<10000xf32, #tpu.memory_space<hbm>>, %arg4: memref<200xf32, #tpu.memory_space<hbm>>, %arg5: memref<366xf32, #tpu.memory_space<hbm>>, %arg6: memref<16x25x10x80xi32, #tpu.memory_space<hbm>>, %arg7: memref<16x25x10x80xi32, #tpu.memory_space<hbm>>, %arg8: memref<16x25x10x80xi32, #tpu.memory_space<hbm>>, %arg9: memref<16x25x10x80xi32, #tpu.memory_space<hbm>>, %arg10: memref<20000x64xf32, #tpu.memory_space<hbm>>, %arg11: memref<400x64xf32, #tpu.memory_space<hbm>>, %arg12: memref<732x64xf32, #tpu.memory_space<hbm>>, %arg13: memref<2x10240x64xf32, #tpu.memory_space<hbm>>, %arg14: memref<10240x16xf32, #tpu.memory_space<hbm>>, %arg15: memref<10x80xi32, #tpu.memory_space<vmem>>, %arg16: memref<10x80xi32, #tpu.memory_space<vmem>>, %arg17: memref<10x80xi32, #tpu.memory_space<vmem>>, %arg18: memref<10x80xi32, #tpu.memory_space<vmem>>, %arg19: memref<10000xf32, #tpu.memory_space<vmem>>, %arg20: memref<10000xf32, #tpu.memory_space<vmem>>, %arg21: memref<200xf32, #tpu.memory_space<vmem>>, %arg22: memref<366xf32, #tpu.memory_space<vmem>>, %arg23: memref<80x64xf32, #tpu.memory_space<vmem>>, %arg24: memref<80x64xf32, #tpu.memory_space<vmem>>, %arg25: memref<80x64xf32, #tpu.memory_space<vmem>>, %arg26: memref<80x16xf32, #tpu.memory_space<vmem>>, %arg27: memref<80x64xf32, #tpu.memory_space<vmem>>, %arg28: memref<80x64xf32, #tpu.memory_space<vmem>>, %arg29: memref<80x64xf32, #tpu.memory_space<vmem>>, %arg30: memref<80x64xf32, #tpu.memory_space<vmem>>, %arg31: memref<80x16xf32, #tpu.memory_space<vmem>>, %arg32: memref<80x64xf32, #tpu.memory_space<vmem>>, %arg33: memref<10240x64xf32, #tpu.memory_space<vmem_shared>>, %arg34: memref<10240x16xf32, #tpu.memory_space<vmem_shared>>, %arg35: memref<!tpu.dma_semaphore, #tpu.memory_space<semaphore_mem>>, %arg36: memref<!tpu.dma_semaphore, #tpu.memory_space<semaphore_mem>>, %arg37: memref<!tpu.dma_semaphore, #tpu.memory_space<semaphore_mem>>, %arg38: memref<!tpu.dma_semaphore, #tpu.memory_space<semaphore_mem>>) attributes {dimension_semantics = [#tpu.dimension_semantics<core_parallel>, #tpu.dimension_semantics<subcore_parallel>], iteration_bounds = array<i64: 2, 16>, scalar_prefetch = 0 : i64, scratch_operands = 24 : i64, tpu.core_type = #tpu.core_type<sc_vector_subcore>, window_params = [{transform_indices = #map}, {transform_indices = #map}, {transform_indices = #map}, {transform_indices = #map}, {transform_indices = #map1}, {transform_indices = #map1}, {transform_indices = #map1}, {transform_indices = #map1}, {transform_indices = #map2}, {transform_indices = #map2}, {transform_indices = #map2}, {transform_indices = #map3}, {transform_indices = #map2}]} {
    %broadcast_in_dim3A = arith.constant 0.000000e+00 : f32
    %broadcast_in_dim3A_0 = vector.broadcast %broadcast_in_dim3A : f32 to vector<16xf32>
    %broadcast_in_dim3A_1 = arith.constant 0 : i32
    %broadcast_in_dim3A_2 = vector.broadcast %broadcast_in_dim3A_1 : i32 to vector<16xi32>
    %mul3A = arith.constant 10000 : i32
    %mul3A_3 = arith.muli %arg0, %mul3A : i32
    %broadcast_in_dim3A_4 = vector.broadcast %mul3A_3 : i32 to vector<16xi32>
    %mul3A_5 = arith.constant 200 : i32
    %mul3A_6 = arith.muli %arg0, %mul3A_5 : i32
    %broadcast_in_dim3A_7 = vector.broadcast %mul3A_6 : i32 to vector<16xi32>
    %mul3A_8 = arith.constant 366 : i32
    %mul3A_9 = arith.muli %arg0, %mul3A_8 : i32
    %broadcast_in_dim3A_10 = vector.broadcast %mul3A_9 : i32 to vector<16xi32>
    tpu.enqueue_dma source(%arg2 : memref<10000xf32, #tpu.memory_space<hbm>>) target(%arg19 : memref<10000xf32, #tpu.memory_space<vmem>>) target_semaphore(%arg36 : memref<!tpu.dma_semaphore, #tpu.memory_space<semaphore_mem>>)
    tpu.enqueue_dma source(%arg3 : memref<10000xf32, #tpu.memory_space<hbm>>) target(%arg20 : memref<10000xf32, #tpu.memory_space<vmem>>) target_semaphore(%arg36 : memref<!tpu.dma_semaphore, #tpu.memory_space<semaphore_mem>>)
    tpu.enqueue_dma source(%arg4 : memref<200xf32, #tpu.memory_space<hbm>>) target(%arg21 : memref<200xf32, #tpu.memory_space<vmem>>) target_semaphore(%arg36 : memref<!tpu.dma_semaphore, #tpu.memory_space<semaphore_mem>>)
    tpu.enqueue_dma source(%arg5 : memref<366xf32, #tpu.memory_space<hbm>>) target(%arg22 : memref<366xf32, #tpu.memory_space<vmem>>) target_semaphore(%arg36 : memref<!tpu.dma_semaphore, #tpu.memory_space<semaphore_mem>>)
    %scan3A = arith.constant 0 : i32
    %scan3A_11 = arith.constant 80 : i32
    %scan3A_12 = arith.addi %scan3A, %scan3A_11 : i32
    %scan3A_13 = arith.constant 1 : i32
    scf.for %scan3A_182 = %scan3A to %scan3A_12 step %scan3A_13  : i32 {
      %mul3A_183 = arith.constant 1 : i32
      %mul3A_184 = arith.muli %scan3A_182, %mul3A_183 : i32
      %add3A_185 = arith.constant 0 : i32
      %add3A_186 = arith.addi %add3A_185, %mul3A_184 : i32
      %swap3A = arith.index_cast %add3A_186 : i32 to index
      %swap3A_187 = arith.constant 0 : index
      %swap3A_188 = tpu.vector_load %arg23[%swap3A, %swap3A_187] {strides = array<i32>} : memref<80x64xf32, #tpu.memory_space<vmem>>, vector<16xf32>,
      tpu.vector_store %arg23[%swap3A, %swap3A_187], %broadcast_in_dim3A_0 {strides = array<i32>} : memref<80x64xf32, #tpu.memory_space<vmem>>, vector<16xf32>,
      %swap3A_189 = arith.index_cast %add3A_186 : i32 to index
      %swap3A_190 = arith.constant 16 : index
      %swap3A_191 = tpu.vector_load %arg23[%swap3A_189, %swap3A_190] {strides = array<i32>} : memref<80x64xf32, #tpu.memory_space<vmem>>, vector<16xf32>,
      tpu.vector_store %arg23[%swap3A_189, %swap3A_190], %broadcast_in_dim3A_0 {strides = array<i32>} : memref<80x64xf32, #tpu.memory_space<vmem>>, vector<16xf32>,
      %swap3A_192 = arith.index_cast %add3A_186 : i32 to index
      %swap3A_193 = arith.constant 32 : index
      %swap3A_194 = tpu.vector_load %arg23[%swap3A_192, %swap3A_193] {strides = array<i32>} : memref<80x64xf32, #tpu.memory_space<vmem>>, vector<16xf32>,
      tpu.vector_store %arg23[%swap3A_192, %swap3A_193], %broadcast_in_dim3A_0 {strides = array<i32>} : memref<80x64xf32, #tpu.memory_space<vmem>>, vector<16xf32>,
      %swap3A_195 = arith.index_cast %add3A_186 : i32 to index
      %swap3A_196 = arith.constant 48 : index
      %swap3A_197 = tpu.vector_load %arg23[%swap3A_195, %swap3A_196] {strides = array<i32>} : memref<80x64xf32, #tpu.memory_space<vmem>>, vector<16xf32>,
      tpu.vector_store %arg23[%swap3A_195, %swap3A_196], %broadcast_in_dim3A_0 {strides = array<i32>} : memref<80x64xf32, #tpu.memory_space<vmem>>, vector<16xf32>,
      %swap3A_198 = arith.index_cast %add3A_186 : i32 to index
      %swap3A_199 = arith.constant 0 : index
      %swap3A_200 = tpu.vector_load %arg26[%swap3A_198, %swap3A_199] {strides = array<i32>} : memref<80x16xf32, #tpu.memory_space<vmem>>, vector<16xf32>,
      tpu.vector_store %arg26[%swap3A_198, %swap3A_199], %broadcast_in_dim3A_0 {strides = array<i32>} : memref<80x16xf32, #tpu.memory_space<vmem>>, vector<16xf32>,
      %swap3A_201 = arith.index_cast %add3A_186 : i32 to index
      %swap3A_202 = arith.constant 0 : index
      %swap3A_203 = tpu.vector_load %arg31[%swap3A_201, %swap3A_202] {strides = array<i32>} : memref<80x16xf32, #tpu.memory_space<vmem>>, vector<16xf32>,
      tpu.vector_store %arg31[%swap3A_201, %swap3A_202], %broadcast_in_dim3A_0 {strides = array<i32>} : memref<80x16xf32, #tpu.memory_space<vmem>>, vector<16xf32>,
    }
    %scan3A_14 = arith.constant 80 : i32
    %mul3A_15 = arith.constant 640 : i32
    %mul3A_16 = arith.muli %arg1, %mul3A_15 : i32
    %add3A = arith.constant 0 : i32
    %add3A_17 = arith.addi %mul3A_16, %add3A : i32
    %dma_start3A = arith.constant 0 : i32
    %dma_start3A_18 = tpu.memref_slice %arg33[%add3A_17, %dma_start3A] : memref<10240x64xf32, #tpu.memory_space<vmem_shared>> -> memref<80x64xf32, #tpu.memory_space<vmem_shared>>
    %dma_start3A_19 = arith.constant 0 : i32
    %dma_start3A_20 = tpu.memref_slice %arg33[%add3A_17, %dma_start3A_19] : memref<10240x64xf32, #tpu.memory_space<vmem_shared>> -> memref<80x64xf32, #tpu.memory_space<vmem_shared>>
    tpu.enqueue_dma source(%arg23 : memref<80x64xf32, #tpu.memory_space<vmem>>) target(%dma_start3A_20 : memref<80x64xf32, #tpu.memory_space<vmem_shared>>) target_semaphore(%arg37 : memref<!tpu.dma_semaphore, #tpu.memory_space<semaphore_mem>>)
    %dma_start3A_21 = arith.constant 0 : i32
    %dma_start3A_22 = tpu.memref_slice %arg34[%add3A_17, %dma_start3A_21] : memref<10240x16xf32, #tpu.memory_space<vmem_shared>> -> memref<80x16xf32, #tpu.memory_space<vmem_shared>>
    %dma_start3A_23 = arith.constant 0 : i32
    %dma_start3A_24 = tpu.memref_slice %arg34[%add3A_17, %dma_start3A_23] : memref<10240x16xf32, #tpu.memory_space<vmem_shared>> -> memref<80x16xf32, #tpu.memory_space<vmem_shared>>
    tpu.enqueue_dma source(%arg26 : memref<80x16xf32, #tpu.memory_space<vmem>>) target(%dma_start3A_24 : memref<80x16xf32, #tpu.memory_space<vmem_shared>>) target_semaphore(%arg38 : memref<!tpu.dma_semaphore, #tpu.memory_space<semaphore_mem>>)
    %mul3A_25 = arith.constant 640 : i32
    %mul3A_26 = arith.muli %arg1, %mul3A_25 : i32
    %add3A_27 = arith.constant 80 : i32
    %add3A_28 = arith.addi %mul3A_26, %add3A_27 : i32
    %dma_start3A_29 = arith.constant 0 : i32
    %dma_start3A_30 = tpu.memref_slice %arg33[%add3A_28, %dma_start3A_29] : memref<10240x64xf32, #tpu.memory_space<vmem_shared>> -> memref<80x64xf32, #tpu.memory_space<vmem_shared>>
    %dma_start3A_31 = arith.constant 0 : i32
    %dma_start3A_32 = tpu.memref_slice %arg33[%add3A_28, %dma_start3A_31] : memref<10240x64xf32, #tpu.memory_space<vmem_shared>> -> memref<80x64xf32, #tpu.memory_space<vmem_shared>>
    tpu.enqueue_dma source(%arg23 : memref<80x64xf32, #tpu.memory_space<vmem>>) target(%dma_start3A_32 : memref<80x64xf32, #tpu.memory_space<vmem_shared>>) target_semaphore(%arg37 : memref<!tpu.dma_semaphore, #tpu.memory_space<semaphore_mem>>)
    %dma_start3A_33 = arith.constant 0 : i32
    %dma_start3A_34 = tpu.memref_slice %arg34[%add3A_28, %dma_start3A_33] : memref<10240x16xf32, #tpu.memory_space<vmem_shared>> -> memref<80x16xf32, #tpu.memory_space<vmem_shared>>
    %dma_start3A_35 = arith.constant 0 : i32
    %dma_start3A_36 = tpu.memref_slice %arg34[%add3A_28, %dma_start3A_35] : memref<10240x16xf32, #tpu.memory_space<vmem_shared>> -> memref<80x16xf32, #tpu.memory_space<vmem_shared>>
    tpu.enqueue_dma source(%arg26 : memref<80x16xf32, #tpu.memory_space<vmem>>) target(%dma_start3A_36 : memref<80x16xf32, #tpu.memory_space<vmem_shared>>) target_semaphore(%arg38 : memref<!tpu.dma_semaphore, #tpu.memory_space<semaphore_mem>>)
    %mul3A_37 = arith.constant 640 : i32
    %mul3A_38 = arith.muli %arg1, %mul3A_37 : i32
    %add3A_39 = arith.constant 160 : i32
    %add3A_40 = arith.addi %mul3A_38, %add3A_39 : i32
    %dma_start3A_41 = arith.constant 0 : i32
    %dma_start3A_42 = tpu.memref_slice %arg33[%add3A_40, %dma_start3A_41] : memref<10240x64xf32, #tpu.memory_space<vmem_shared>> -> memref<80x64xf32, #tpu.memory_space<vmem_shared>>
    %dma_start3A_43 = arith.constant 0 : i32
    %dma_start3A_44 = tpu.memref_slice %arg33[%add3A_40, %dma_start3A_43] : memref<10240x64xf32, #tpu.memory_space<vmem_shared>> -> memref<80x64xf32, #tpu.memory_space<vmem_shared>>
    tpu.enqueue_dma source(%arg23 : memref<80x64xf32, #tpu.memory_space<vmem>>) target(%dma_start3A_44 : memref<80x64xf32, #tpu.memory_space<vmem_shared>>) target_semaphore(%arg37 : memref<!tpu.dma_semaphore, #tpu.memory_space<semaphore_mem>>)
    %dma_start3A_45 = arith.constant 0 : i32
    %dma_start3A_46 = tpu.memref_slice %arg34[%add3A_40, %dma_start3A_45] : memref<10240x16xf32, #tpu.memory_space<vmem_shared>> -> memref<80x16xf32, #tpu.memory_space<vmem_shared>>
    %dma_start3A_47 = arith.constant 0 : i32
    %dma_start3A_48 = tpu.memref_slice %arg34[%add3A_40, %dma_start3A_47] : memref<10240x16xf32, #tpu.memory_space<vmem_shared>> -> memref<80x16xf32, #tpu.memory_space<vmem_shared>>
    tpu.enqueue_dma source(%arg26 : memref<80x16xf32, #tpu.memory_space<vmem>>) target(%dma_start3A_48 : memref<80x16xf32, #tpu.memory_space<vmem_shared>>) target_semaphore(%arg38 : memref<!tpu.dma_semaphore, #tpu.memory_space<semaphore_mem>>)
    %mul3A_49 = arith.constant 640 : i32
    %mul3A_50 = arith.muli %arg1, %mul3A_49 : i32
    %add3A_51 = arith.constant 240 : i32
    %add3A_52 = arith.addi %mul3A_50, %add3A_51 : i32
    %dma_start3A_53 = arith.constant 0 : i32
    %dma_start3A_54 = tpu.memref_slice %arg33[%add3A_52, %dma_start3A_53] : memref<10240x64xf32, #tpu.memory_space<vmem_shared>> -> memref<80x64xf32, #tpu.memory_space<vmem_shared>>
    %dma_start3A_55 = arith.constant 0 : i32
    %dma_start3A_56 = tpu.memref_slice %arg33[%add3A_52, %dma_start3A_55] : memref<10240x64xf32, #tpu.memory_space<vmem_shared>> -> memref<80x64xf32, #tpu.memory_space<vmem_shared>>
    tpu.enqueue_dma source(%arg23 : memref<80x64xf32, #tpu.memory_space<vmem>>) target(%dma_start3A_56 : memref<80x64xf32, #tpu.memory_space<vmem_shared>>) target_semaphore(%arg37 : memref<!tpu.dma_semaphore, #tpu.memory_space<semaphore_mem>>)
    %dma_start3A_57 = arith.constant 0 : i32
    %dma_start3A_58 = tpu.memref_slice %arg34[%add3A_52, %dma_start3A_57] : memref<10240x16xf32, #tpu.memory_space<vmem_shared>> -> memref<80x16xf32, #tpu.memory_space<vmem_shared>>
    %dma_start3A_59 = arith.constant 0 : i32
    %dma_start3A_60 = tpu.memref_slice %arg34[%add3A_52, %dma_start3A_59] : memref<10240x16xf32, #tpu.memory_space<vmem_shared>> -> memref<80x16xf32, #tpu.memory_space<vmem_shared>>
    tpu.enqueue_dma source(%arg26 : memref<80x16xf32, #tpu.memory_space<vmem>>) target(%dma_start3A_60 : memref<80x16xf32, #tpu.memory_space<vmem_shared>>) target_semaphore(%arg38 : memref<!tpu.dma_semaphore, #tpu.memory_space<semaphore_mem>>)
    %mul3A_61 = arith.constant 640 : i32
    %mul3A_62 = arith.muli %arg1, %mul3A_61 : i32
    %add3A_63 = arith.constant 320 : i32
    %add3A_64 = arith.addi %mul3A_62, %add3A_63 : i32
    %dma_start3A_65 = arith.constant 0 : i32
    %dma_start3A_66 = tpu.memref_slice %arg33[%add3A_64, %dma_start3A_65] : memref<10240x64xf32, #tpu.memory_space<vmem_shared>> -> memref<80x64xf32, #tpu.memory_space<vmem_shared>>
    %dma_start3A_67 = arith.constant 0 : i32
    %dma_start3A_68 = tpu.memref_slice %arg33[%add3A_64, %dma_start3A_67] : memref<10240x64xf32, #tpu.memory_space<vmem_shared>> -> memref<80x64xf32, #tpu.memory_space<vmem_shared>>
    tpu.enqueue_dma source(%arg23 : memref<80x64xf32, #tpu.memory_space<vmem>>) target(%dma_start3A_68 : memref<80x64xf32, #tpu.memory_space<vmem_shared>>) target_semaphore(%arg37 : memref<!tpu.dma_semaphore, #tpu.memory_space<semaphore_mem>>)
    %dma_start3A_69 = arith.constant 0 : i32
    %dma_start3A_70 = tpu.memref_slice %arg34[%add3A_64, %dma_start3A_69] : memref<10240x16xf32, #tpu.memory_space<vmem_shared>> -> memref<80x16xf32, #tpu.memory_space<vmem_shared>>
    %dma_start3A_71 = arith.constant 0 : i32
    %dma_start3A_72 = tpu.memref_slice %arg34[%add3A_64, %dma_start3A_71] : memref<10240x16xf32, #tpu.memory_space<vmem_shared>> -> memref<80x16xf32, #tpu.memory_space<vmem_shared>>
    tpu.enqueue_dma source(%arg26 : memref<80x16xf32, #tpu.memory_space<vmem>>) target(%dma_start3A_72 : memref<80x16xf32, #tpu.memory_space<vmem_shared>>) target_semaphore(%arg38 : memref<!tpu.dma_semaphore, #tpu.memory_space<semaphore_mem>>)
    %mul3A_73 = arith.constant 640 : i32
    %mul3A_74 = arith.muli %arg1, %mul3A_73 : i32
    %add3A_75 = arith.constant 400 : i32
    %add3A_76 = arith.addi %mul3A_74, %add3A_75 : i32
    %dma_start3A_77 = arith.constant 0 : i32
    %dma_start3A_78 = tpu.memref_slice %arg33[%add3A_76, %dma_start3A_77] : memref<10240x64xf32, #tpu.memory_space<vmem_shared>> -> memref<80x64xf32, #tpu.memory_space<vmem_shared>>
    %dma_start3A_79 = arith.constant 0 : i32
    %dma_start3A_80 = tpu.memref_slice %arg33[%add3A_76, %dma_start3A_79] : memref<10240x64xf32, #tpu.memory_space<vmem_shared>> -> memref<80x64xf32, #tpu.memory_space<vmem_shared>>
    tpu.enqueue_dma source(%arg23 : memref<80x64xf32, #tpu.memory_space<vmem>>) target(%dma_start3A_80 : memref<80x64xf32, #tpu.memory_space<vmem_shared>>) target_semaphore(%arg37 : memref<!tpu.dma_semaphore, #tpu.memory_space<semaphore_mem>>)
    %dma_start3A_81 = arith.constant 0 : i32
    %dma_start3A_82 = tpu.memref_slice %arg34[%add3A_76, %dma_start3A_81] : memref<10240x16xf32, #tpu.memory_space<vmem_shared>> -> memref<80x16xf32, #tpu.memory_space<vmem_shared>>
    %dma_start3A_83 = arith.constant 0 : i32
    %dma_start3A_84 = tpu.memref_slice %arg34[%add3A_76, %dma_start3A_83] : memref<10240x16xf32, #tpu.memory_space<vmem_shared>> -> memref<80x16xf32, #tpu.memory_space<vmem_shared>>
    tpu.enqueue_dma source(%arg26 : memref<80x16xf32, #tpu.memory_space<vmem>>) target(%dma_start3A_84 : memref<80x16xf32, #tpu.memory_space<vmem_shared>>) target_semaphore(%arg38 : memref<!tpu.dma_semaphore, #tpu.memory_space<semaphore_mem>>)
    %mul3A_85 = arith.constant 640 : i32
    %mul3A_86 = arith.muli %arg1, %mul3A_85 : i32
    %add3A_87 = arith.constant 480 : i32
    %add3A_88 = arith.addi %mul3A_86, %add3A_87 : i32
    %dma_start3A_89 = arith.constant 0 : i32
    %dma_start3A_90 = tpu.memref_slice %arg33[%add3A_88, %dma_start3A_89] : memref<10240x64xf32, #tpu.memory_space<vmem_shared>> -> memref<80x64xf32, #tpu.memory_space<vmem_shared>>
    %dma_start3A_91 = arith.constant 0 : i32
    %dma_start3A_92 = tpu.memref_slice %arg33[%add3A_88, %dma_start3A_91] : memref<10240x64xf32, #tpu.memory_space<vmem_shared>> -> memref<80x64xf32, #tpu.memory_space<vmem_shared>>
    tpu.enqueue_dma source(%arg23 : memref<80x64xf32, #tpu.memory_space<vmem>>) target(%dma_start3A_92 : memref<80x64xf32, #tpu.memory_space<vmem_shared>>) target_semaphore(%arg37 : memref<!tpu.dma_semaphore, #tpu.memory_space<semaphore_mem>>)
    %dma_start3A_93 = arith.constant 0 : i32
    %dma_start3A_94 = tpu.memref_slice %arg34[%add3A_88, %dma_start3A_93] : memref<10240x16xf32, #tpu.memory_space<vmem_shared>> -> memref<80x16xf32, #tpu.memory_space<vmem_shared>>
    %dma_start3A_95 = arith.constant 0 : i32
    %dma_start3A_96 = tpu.memref_slice %arg34[%add3A_88, %dma_start3A_95] : memref<10240x16xf32, #tpu.memory_space<vmem_shared>> -> memref<80x16xf32, #tpu.memory_space<vmem_shared>>
    tpu.enqueue_dma source(%arg26 : memref<80x16xf32, #tpu.memory_space<vmem>>) target(%dma_start3A_96 : memref<80x16xf32, #tpu.memory_space<vmem_shared>>) target_semaphore(%arg38 : memref<!tpu.dma_semaphore, #tpu.memory_space<semaphore_mem>>)
    %mul3A_97 = arith.constant 640 : i32
    %mul3A_98 = arith.muli %arg1, %mul3A_97 : i32
    %add3A_99 = arith.constant 560 : i32
    %add3A_100 = arith.addi %mul3A_98, %add3A_99 : i32
    %dma_start3A_101 = arith.constant 0 : i32
    %dma_start3A_102 = tpu.memref_slice %arg33[%add3A_100, %dma_start3A_101] : memref<10240x64xf32, #tpu.memory_space<vmem_shared>> -> memref<80x64xf32, #tpu.memory_space<vmem_shared>>
    %dma_start3A_103 = arith.constant 0 : i32
    %dma_start3A_104 = tpu.memref_slice %arg33[%add3A_100, %dma_start3A_103] : memref<10240x64xf32, #tpu.memory_space<vmem_shared>> -> memref<80x64xf32, #tpu.memory_space<vmem_shared>>
    tpu.enqueue_dma source(%arg23 : memref<80x64xf32, #tpu.memory_space<vmem>>) target(%dma_start3A_104 : memref<80x64xf32, #tpu.memory_space<vmem_shared>>) target_semaphore(%arg37 : memref<!tpu.dma_semaphore, #tpu.memory_space<semaphore_mem>>)
    %dma_start3A_105 = arith.constant 0 : i32
    %dma_start3A_106 = tpu.memref_slice %arg34[%add3A_100, %dma_start3A_105] : memref<10240x16xf32, #tpu.memory_space<vmem_shared>> -> memref<80x16xf32, #tpu.memory_space<vmem_shared>>
    %dma_start3A_107 = arith.constant 0 : i32
    %dma_start3A_108 = tpu.memref_slice %arg34[%add3A_100, %dma_start3A_107] : memref<10240x16xf32, #tpu.memory_space<vmem_shared>> -> memref<80x16xf32, #tpu.memory_space<vmem_shared>>
    tpu.enqueue_dma source(%arg26 : memref<80x16xf32, #tpu.memory_space<vmem>>) target(%dma_start3A_108 : memref<80x16xf32, #tpu.memory_space<vmem_shared>>) target_semaphore(%arg38 : memref<!tpu.dma_semaphore, #tpu.memory_space<semaphore_mem>>)
    %dma_wait3A = arith.constant 0 : i32
    %dma_wait3A_109 = tpu.memref_slice %arg33[%add3A_17, %dma_wait3A] : memref<10240x64xf32, #tpu.memory_space<vmem_shared>> -> memref<80x64xf32, #tpu.memory_space<vmem_shared>>
    %dma_wait3A_110 = arith.constant 0 : i32
    %dma_wait3A_111 = tpu.memref_slice %arg33[%add3A_17, %dma_wait3A_110] : memref<10240x64xf32, #tpu.memory_space<vmem_shared>> -> memref<80x64xf32, #tpu.memory_space<vmem_shared>>
    tpu.wait_dma2 semaphore(%arg37 : memref<!tpu.dma_semaphore, #tpu.memory_space<semaphore_mem>>) src(%arg23 : memref<80x64xf32, #tpu.memory_space<vmem>>) dst(%dma_wait3A_111 : memref<80x64xf32, #tpu.memory_space<vmem_shared>>)
    %dma_wait3A_112 = arith.constant 0 : i32
    %dma_wait3A_113 = tpu.memref_slice %arg34[%add3A_17, %dma_wait3A_112] : memref<10240x16xf32, #tpu.memory_space<vmem_shared>> -> memref<80x16xf32, #tpu.memory_space<vmem_shared>>
    %dma_wait3A_114 = arith.constant 0 : i32
    %dma_wait3A_115 = tpu.memref_slice %arg34[%add3A_17, %dma_wait3A_114] : memref<10240x16xf32, #tpu.memory_space<vmem_shared>> -> memref<80x16xf32, #tpu.memory_space<vmem_shared>>
    tpu.wait_dma2 semaphore(%arg38 : memref<!tpu.dma_semaphore, #tpu.memory_space<semaphore_mem>>) src(%arg26 : memref<80x16xf32, #tpu.memory_space<vmem>>) dst(%dma_wait3A_115 : memref<80x16xf32, #tpu.memory_space<vmem_shared>>)
    %dma_wait3A_116 = arith.constant 0 : i32
    %dma_wait3A_117 = tpu.memref_slice %arg33[%add3A_28, %dma_wait3A_116] : memref<10240x64xf32, #tpu.memory_space<vmem_shared>> -> memref<80x64xf32, #tpu.memory_space<vmem_shared>>
    %dma_wait3A_118 = arith.constant 0 : i32
    %dma_wait3A_119 = tpu.memref_slice %arg33[%add3A_28, %dma_wait3A_118] : memref<10240x64xf32, #tpu.memory_space<vmem_shared>> -> memref<80x64xf32, #tpu.memory_space<vmem_shared>>
    tpu.wait_dma2 semaphore(%arg37 : memref<!tpu.dma_semaphore, #tpu.memory_space<semaphore_mem>>) src(%arg23 : memref<80x64xf32, #tpu.memory_space<vmem>>) dst(%dma_wait3A_119 : memref<80x64xf32, #tpu.memory_space<vmem_shared>>)
    %dma_wait3A_120 = arith.constant 0 : i32
    %dma_wait3A_121 = tpu.memref_slice %arg34[%add3A_28, %dma_wait3A_120] : memref<10240x16xf32, #tpu.memory_space<vmem_shared>> -> memref<80x16xf32, #tpu.memory_space<vmem_shared>>
    %dma_wait3A_122 = arith.constant 0 : i32
    %dma_wait3A_123 = tpu.memref_slice %arg34[%add3A_28, %dma_wait3A_122] : memref<10240x16xf32, #tpu.memory_space<vmem_shared>> -> memref<80x16xf32, #tpu.memory_space<vmem_shared>>
    tpu.wait_dma2 semaphore(%arg38 : memref<!tpu.dma_semaphore, #tpu.memory_space<semaphore_mem>>) src(%arg26 : memref<80x16xf32, #tpu.memory_space<vmem>>) dst(%dma_wait3A_123 : memref<80x16xf32, #tpu.memory_space<vmem_shared>>)
    %dma_wait3A_124 = arith.constant 0 : i32
    %dma_wait3A_125 = tpu.memref_slice %arg33[%add3A_40, %dma_wait3A_124] : memref<10240x64xf32, #tpu.memory_space<vmem_shared>> -> memref<80x64xf32, #tpu.memory_space<vmem_shared>>
    %dma_wait3A_126 = arith.constant 0 : i32
    %dma_wait3A_127 = tpu.memref_slice %arg33[%add3A_40, %dma_wait3A_126] : memref<10240x64xf32, #tpu.memory_space<vmem_shared>> -> memref<80x64xf32, #tpu.memory_space<vmem_shared>>
    tpu.wait_dma2 semaphore(%arg37 : memref<!tpu.dma_semaphore, #tpu.memory_space<semaphore_mem>>) src(%arg23 : memref<80x64xf32, #tpu.memory_space<vmem>>) dst(%dma_wait3A_127 : memref<80x64xf32, #tpu.memory_space<vmem_shared>>)
    %dma_wait3A_128 = arith.constant 0 : i32
    %dma_wait3A_129 = tpu.memref_slice %arg34[%add3A_40, %dma_wait3A_128] : memref<10240x16xf32, #tpu.memory_space<vmem_shared>> -> memref<80x16xf32, #tpu.memory_space<vmem_shared>>
    %dma_wait3A_130 = arith.constant 0 : i32
    %dma_wait3A_131 = tpu.memref_slice %arg34[%add3A_40, %dma_wait3A_130] : memref<10240x16xf32, #tpu.memory_space<vmem_shared>> -> memref<80x16xf32, #tpu.memory_space<vmem_shared>>
    tpu.wait_dma2 semaphore(%arg38 : memref<!tpu.dma_semaphore, #tpu.memory_space<semaphore_mem>>) src(%arg26 : memref<80x16xf32, #tpu.memory_space<vmem>>) dst(%dma_wait3A_131 : memref<80x16xf32, #tpu.memory_space<vmem_shared>>)
    %dma_wait3A_132 = arith.constant 0 : i32
    %dma_wait3A_133 = tpu.memref_slice %arg33[%add3A_52, %dma_wait3A_132] : memref<10240x64xf32, #tpu.memory_space<vmem_shared>> -> memref<80x64xf32, #tpu.memory_space<vmem_shared>>
    %dma_wait3A_134 = arith.constant 0 : i32
    %dma_wait3A_135 = tpu.memref_slice %arg33[%add3A_52, %dma_wait3A_134] : memref<10240x64xf32, #tpu.memory_space<vmem_shared>> -> memref<80x64xf32, #tpu.memory_space<vmem_shared>>
    tpu.wait_dma2 semaphore(%arg37 : memref<!tpu.dma_semaphore, #tpu.memory_space<semaphore_mem>>) src(%arg23 : memref<80x64xf32, #tpu.memory_space<vmem>>) dst(%dma_wait3A_135 : memref<80x64xf32, #tpu.memory_space<vmem_shared>>)
    %dma_wait3A_136 = arith.constant 0 : i32
    %dma_wait3A_137 = tpu.memref_slice %arg34[%add3A_52, %dma_wait3A_136] : memref<10240x16xf32, #tpu.memory_space<vmem_shared>> -> memref<80x16xf32, #tpu.memory_space<vmem_shared>>
    %dma_wait3A_138 = arith.constant 0 : i32
    %dma_wait3A_139 = tpu.memref_slice %arg34[%add3A_52, %dma_wait3A_138] : memref<10240x16xf32, #tpu.memory_space<vmem_shared>> -> memref<80x16xf32, #tpu.memory_space<vmem_shared>>
    tpu.wait_dma2 semaphore(%arg38 : memref<!tpu.dma_semaphore, #tpu.memory_space<semaphore_mem>>) src(%arg26 : memref<80x16xf32, #tpu.memory_space<vmem>>) dst(%dma_wait3A_139 : memref<80x16xf32, #tpu.memory_space<vmem_shared>>)
    %dma_wait3A_140 = arith.constant 0 : i32
    %dma_wait3A_141 = tpu.memref_slice %arg33[%add3A_64, %dma_wait3A_140] : memref<10240x64xf32, #tpu.memory_space<vmem_shared>> -> memref<80x64xf32, #tpu.memory_space<vmem_shared>>
    %dma_wait3A_142 = arith.constant 0 : i32
    %dma_wait3A_143 = tpu.memref_slice %arg33[%add3A_64, %dma_wait3A_142] : memref<10240x64xf32, #tpu.memory_space<vmem_shared>> -> memref<80x64xf32, #tpu.memory_space<vmem_shared>>
    tpu.wait_dma2 semaphore(%arg37 : memref<!tpu.dma_semaphore, #tpu.memory_space<semaphore_mem>>) src(%arg23 : memref<80x64xf32, #tpu.memory_space<vmem>>) dst(%dma_wait3A_143 : memref<80x64xf32, #tpu.memory_space<vmem_shared>>)
    %dma_wait3A_144 = arith.constant 0 : i32
    %dma_wait3A_145 = tpu.memref_slice %arg34[%add3A_64, %dma_wait3A_144] : memref<10240x16xf32, #tpu.memory_space<vmem_shared>> -> memref<80x16xf32, #tpu.memory_space<vmem_shared>>
    %dma_wait3A_146 = arith.constant 0 : i32
    %dma_wait3A_147 = tpu.memref_slice %arg34[%add3A_64, %dma_wait3A_146] : memref<10240x16xf32, #tpu.memory_space<vmem_shared>> -> memref<80x16xf32, #tpu.memory_space<vmem_shared>>
    tpu.wait_dma2 semaphore(%arg38 : memref<!tpu.dma_semaphore, #tpu.memory_space<semaphore_mem>>) src(%arg26 : memref<80x16xf32, #tpu.memory_space<vmem>>) dst(%dma_wait3A_147 : memref<80x16xf32, #tpu.memory_space<vmem_shared>>)
    %dma_wait3A_148 = arith.constant 0 : i32
    %dma_wait3A_149 = tpu.memref_slice %arg33[%add3A_76, %dma_wait3A_148] : memref<10240x64xf32, #tpu.memory_space<vmem_shared>> -> memref<80x64xf32, #tpu.memory_space<vmem_shared>>
    %dma_wait3A_150 = arith.constant 0 : i32
    %dma_wait3A_151 = tpu.memref_slice %arg33[%add3A_76, %dma_wait3A_150] : memref<10240x64xf32, #tpu.memory_space<vmem_shared>> -> memref<80x64xf32, #tpu.memory_space<vmem_shared>>
    tpu.wait_dma2 semaphore(%arg37 : memref<!tpu.dma_semaphore, #tpu.memory_space<semaphore_mem>>) src(%arg23 : memref<80x64xf32, #tpu.memory_space<vmem>>) dst(%dma_wait3A_151 : memref<80x64xf32, #tpu.memory_space<vmem_shared>>)
    %dma_wait3A_152 = arith.constant 0 : i32
    %dma_wait3A_153 = tpu.memref_slice %arg34[%add3A_76, %dma_wait3A_152] : memref<10240x16xf32, #tpu.memory_space<vmem_shared>> -> memref<80x16xf32, #tpu.memory_space<vmem_shared>>
    %dma_wait3A_154 = arith.constant 0 : i32
    %dma_wait3A_155 = tpu.memref_slice %arg34[%add3A_76, %dma_wait3A_154] : memref<10240x16xf32, #tpu.memory_space<vmem_shared>> -> memref<80x16xf32, #tpu.memory_space<vmem_shared>>
    tpu.wait_dma2 semaphore(%arg38 : memref<!tpu.dma_semaphore, #tpu.memory_space<semaphore_mem>>) src(%arg26 : memref<80x16xf32, #tpu.memory_space<vmem>>) dst(%dma_wait3A_155 : memref<80x16xf32, #tpu.memory_space<vmem_shared>>)
    %dma_wait3A_156 = arith.constant 0 : i32
    %dma_wait3A_157 = tpu.memref_slice %arg33[%add3A_88, %dma_wait3A_156] : memref<10240x64xf32, #tpu.memory_space<vmem_shared>> -> memref<80x64xf32, #tpu.memory_space<vmem_shared>>
    %dma_wait3A_158 = arith.constant 0 : i32
    %dma_wait3A_159 = tpu.memref_slice %arg33[%add3A_88, %dma_wait3A_158] : memref<10240x64xf32, #tpu.memory_space<vmem_shared>> -> memref<80x64xf32, #tpu.memory_space<vmem_shared>>
    tpu.wait_dma2 semaphore(%arg37 : memref<!tpu.dma_semaphore, #tpu.memory_space<semaphore_mem>>) src(%arg23 : memref<80x64xf32, #tpu.memory_space<vmem>>) dst(%dma_wait3A_159 : memref<80x64xf32, #tpu.memory_space<vmem_shared>>)
    %dma_wait3A_160 = arith.constant 0 : i32
    %dma_wait3A_161 = tpu.memref_slice %arg34[%add3A_88, %dma_wait3A_160] : memref<10240x16xf32, #tpu.memory_space<vmem_shared>> -> memref<80x16xf32, #tpu.memory_space<vmem_shared>>
    %dma_wait3A_162 = arith.constant 0 : i32
    %dma_wait3A_163 = tpu.memref_slice %arg34[%add3A_88, %dma_wait3A_162] : memref<10240x16xf32, #tpu.memory_space<vmem_shared>> -> memref<80x16xf32, #tpu.memory_space<vmem_shared>>
    tpu.wait_dma2 semaphore(%arg38 : memref<!tpu.dma_semaphore, #tpu.memory_space<semaphore_mem>>) src(%arg26 : memref<80x16xf32, #tpu.memory_space<vmem>>) dst(%dma_wait3A_163 : memref<80x16xf32, #tpu.memory_space<vmem_shared>>)
    %dma_wait3A_164 = arith.constant 0 : i32
    %dma_wait3A_165 = tpu.memref_slice %arg33[%add3A_100, %dma_wait3A_164] : memref<10240x64xf32, #tpu.memory_space<vmem_shared>> -> memref<80x64xf32, #tpu.memory_space<vmem_shared>>
    %dma_wait3A_166 = arith.constant 0 : i32
    %dma_wait3A_167 = tpu.memref_slice %arg33[%add3A_100, %dma_wait3A_166] : memref<10240x64xf32, #tpu.memory_space<vmem_shared>> -> memref<80x64xf32, #tpu.memory_space<vmem_shared>>
    tpu.wait_dma2 semaphore(%arg37 : memref<!tpu.dma_semaphore, #tpu.memory_space<semaphore_mem>>) src(%arg23 : memref<80x64xf32, #tpu.memory_space<vmem>>) dst(%dma_wait3A_167 : memref<80x64xf32, #tpu.memory_space<vmem_shared>>)
    %dma_wait3A_168 = arith.constant 0 : i32
    %dma_wait3A_169 = tpu.memref_slice %arg34[%add3A_100, %dma_wait3A_168] : memref<10240x16xf32, #tpu.memory_space<vmem_shared>> -> memref<80x16xf32, #tpu.memory_space<vmem_shared>>
    %dma_wait3A_170 = arith.constant 0 : i32
    %dma_wait3A_171 = tpu.memref_slice %arg34[%add3A_100, %dma_wait3A_170] : memref<10240x16xf32, #tpu.memory_space<vmem_shared>> -> memref<80x16xf32, #tpu.memory_space<vmem_shared>>
    tpu.wait_dma2 semaphore(%arg38 : memref<!tpu.dma_semaphore, #tpu.memory_space<semaphore_mem>>) src(%arg26 : memref<80x16xf32, #tpu.memory_space<vmem>>) dst(%dma_wait3A_171 : memref<80x16xf32, #tpu.memory_space<vmem_shared>>)
    tpu.wait_dma2 semaphore(%arg36 : memref<!tpu.dma_semaphore, #tpu.memory_space<semaphore_mem>>) src(%arg2 : memref<10000xf32, #tpu.memory_space<hbm>>) dst(%arg19 : memref<10000xf32, #tpu.memory_space<vmem>>)
    tpu.wait_dma2 semaphore(%arg36 : memref<!tpu.dma_semaphore, #tpu.memory_space<semaphore_mem>>) src(%arg3 : memref<10000xf32, #tpu.memory_space<hbm>>) dst(%arg20 : memref<10000xf32, #tpu.memory_space<vmem>>)
    tpu.wait_dma2 semaphore(%arg36 : memref<!tpu.dma_semaphore, #tpu.memory_space<semaphore_mem>>) src(%arg4 : memref<200xf32, #tpu.memory_space<hbm>>) dst(%arg21 : memref<200xf32, #tpu.memory_space<vmem>>)
    tpu.wait_dma2 semaphore(%arg36 : memref<!tpu.dma_semaphore, #tpu.memory_space<semaphore_mem>>) src(%arg5 : memref<366xf32, #tpu.memory_space<hbm>>) dst(%arg22 : memref<366xf32, #tpu.memory_space<vmem>>)
    %barrier3A = arith.constant 0 : index
    tpu.barrier barrier_id(%barrier3A)
    %scan3A_172 = arith.constant 0 : i32
    %scan3A_173 = arith.constant 25 : i32
    %scan3A_174 = arith.addi %scan3A_172, %scan3A_173 : i32
    %scan3A_175 = arith.constant 1 : i32
    scf.for %scan3A_182 = %scan3A_172 to %scan3A_174 step %scan3A_175  : i32 {
      %mul3A_183 = arith.constant 1 : i32
      %mul3A_184 = arith.muli %scan3A_182, %mul3A_183 : i32
      %add3A_185 = arith.constant 0 : i32
      %add3A_186 = arith.addi %add3A_185, %mul3A_184 : i32
      %dma_start3A_187 = arith.constant 0 : i32
      %dma_start3A_188 = arith.constant 0 : i32
      %dma_start3A_189 = tpu.memref_slice %arg6[%arg1, %add3A_186, %dma_start3A_187, %dma_start3A_188] : memref<16x25x10x80xi32, #tpu.memory_space<hbm>> -> memref<1x1x10x80xi32, #tpu.memory_space<hbm>>
      %dma_start3A_190 = tpu.memref_squeeze %dma_start3A_189 : memref<1x1x10x80xi32, #tpu.memory_space<hbm>> -> memref<10x80xi32, #tpu.memory_space<hbm>>
      %dma_start3A_191 = arith.constant 0 : i32
      %dma_start3A_192 = arith.constant 0 : i32
      %dma_start3A_193 = tpu.memref_slice %arg6[%arg1, %add3A_186, %dma_start3A_191, %dma_start3A_192] : memref<16x25x10x80xi32, #tpu.memory_space<hbm>> -> memref<1x1x10x80xi32, #tpu.memory_space<hbm>>
      %dma_start3A_194 = tpu.memref_squeeze %dma_start3A_193 : memref<1x1x10x80xi32, #tpu.memory_space<hbm>> -> memref<10x80xi32, #tpu.memory_space<hbm>>
      tpu.enqueue_dma source(%dma_start3A_194 : memref<10x80xi32, #tpu.memory_space<hbm>>) target(%arg15 : memref<10x80xi32, #tpu.memory_space<vmem>>) target_semaphore(%arg35 : memref<!tpu.dma_semaphore, #tpu.memory_space<semaphore_mem>>)
      %dma_start3A_195 = arith.constant 0 : i32
      %dma_start3A_196 = arith.constant 0 : i32
      %dma_start3A_197 = tpu.memref_slice %arg7[%arg1, %add3A_186, %dma_start3A_195, %dma_start3A_196] : memref<16x25x10x80xi32, #tpu.memory_space<hbm>> -> memref<1x1x10x80xi32, #tpu.memory_space<hbm>>
      %dma_start3A_198 = tpu.memref_squeeze %dma_start3A_197 : memref<1x1x10x80xi32, #tpu.memory_space<hbm>> -> memref<10x80xi32, #tpu.memory_space<hbm>>
      %dma_start3A_199 = arith.constant 0 : i32
      %dma_start3A_200 = arith.constant 0 : i32
      %dma_start3A_201 = tpu.memref_slice %arg7[%arg1, %add3A_186, %dma_start3A_199, %dma_start3A_200] : memref<16x25x10x80xi32, #tpu.memory_space<hbm>> -> memref<1x1x10x80xi32, #tpu.memory_space<hbm>>
      %dma_start3A_202 = tpu.memref_squeeze %dma_start3A_201 : memref<1x1x10x80xi32, #tpu.memory_space<hbm>> -> memref<10x80xi32, #tpu.memory_space<hbm>>
      tpu.enqueue_dma source(%dma_start3A_202 : memref<10x80xi32, #tpu.memory_space<hbm>>) target(%arg16 : memref<10x80xi32, #tpu.memory_space<vmem>>) target_semaphore(%arg35 : memref<!tpu.dma_semaphore, #tpu.memory_space<semaphore_mem>>)
      %dma_start3A_203 = arith.constant 0 : i32
      %dma_start3A_204 = arith.constant 0 : i32
      %dma_start3A_205 = tpu.memref_slice %arg8[%arg1, %add3A_186, %dma_start3A_203, %dma_start3A_204] : memref<16x25x10x80xi32, #tpu.memory_space<hbm>> -> memref<1x1x10x80xi32, #tpu.memory_space<hbm>>
      %dma_start3A_206 = tpu.memref_squeeze %dma_start3A_205 : memref<1x1x10x80xi32, #tpu.memory_space<hbm>> -> memref<10x80xi32, #tpu.memory_space<hbm>>
      %dma_start3A_207 = arith.constant 0 : i32
      %dma_start3A_208 = arith.constant 0 : i32
      %dma_start3A_209 = tpu.memref_slice %arg8[%arg1, %add3A_186, %dma_start3A_207, %dma_start3A_208] : memref<16x25x10x80xi32, #tpu.memory_space<hbm>> -> memref<1x1x10x80xi32, #tpu.memory_space<hbm>>
      %dma_start3A_210 = tpu.memref_squeeze %dma_start3A_209 : memref<1x1x10x80xi32, #tpu.memory_space<hbm>> -> memref<10x80xi32, #tpu.memory_space<hbm>>
      tpu.enqueue_dma source(%dma_start3A_210 : memref<10x80xi32, #tpu.memory_space<hbm>>) target(%arg17 : memref<10x80xi32, #tpu.memory_space<vmem>>) target_semaphore(%arg35 : memref<!tpu.dma_semaphore, #tpu.memory_space<semaphore_mem>>)
      %dma_start3A_211 = arith.constant 0 : i32
      %dma_start3A_212 = arith.constant 0 : i32
      %dma_start3A_213 = tpu.memref_slice %arg9[%arg1, %add3A_186, %dma_start3A_211, %dma_start3A_212] : memref<16x25x10x80xi32, #tpu.memory_space<hbm>> -> memref<1x1x10x80xi32, #tpu.memory_space<hbm>>
      %dma_start3A_214 = tpu.memref_squeeze %dma_start3A_213 : memref<1x1x10x80xi32, #tpu.memory_space<hbm>> -> memref<10x80xi32, #tpu.memory_space<hbm>>
      %dma_start3A_215 = arith.constant 0 : i32
      %dma_start3A_216 = arith.constant 0 : i32
      %dma_start3A_217 = tpu.memref_slice %arg9[%arg1, %add3A_186, %dma_start3A_215, %dma_start3A_216] : memref<16x25x10x80xi32, #tpu.memory_space<hbm>> -> memref<1x1x10x80xi32, #tpu.memory_space<hbm>>
      %dma_start3A_218 = tpu.memref_squeeze %dma_start3A_217 : memref<1x1x10x80xi32, #tpu.memory_space<hbm>> -> memref<10x80xi32, #tpu.memory_space<hbm>>
      tpu.enqueue_dma source(%dma_start3A_218 : memref<10x80xi32, #tpu.memory_space<hbm>>) target(%arg18 : memref<10x80xi32, #tpu.memory_space<vmem>>) target_semaphore(%arg35 : memref<!tpu.dma_semaphore, #tpu.memory_space<semaphore_mem>>)
      %dma_wait3A_219 = arith.constant 0 : i32
      %dma_wait3A_220 = arith.constant 0 : i32
      %dma_wait3A_221 = tpu.memref_slice %arg6[%arg1, %add3A_186, %dma_wait3A_219, %dma_wait3A_220] : memref<16x25x10x80xi32, #tpu.memory_space<hbm>> -> memref<1x1x10x80xi32, #tpu.memory_space<hbm>>
      %dma_wait3A_222 = tpu.memref_squeeze %dma_wait3A_221 : memref<1x1x10x80xi32, #tpu.memory_space<hbm>> -> memref<10x80xi32, #tpu.memory_space<hbm>>
      %dma_wait3A_223 = arith.constant 0 : i32
      %dma_wait3A_224 = arith.constant 0 : i32
      %dma_wait3A_225 = tpu.memref_slice %arg6[%arg1, %add3A_186, %dma_wait3A_223, %dma_wait3A_224] : memref<16x25x10x80xi32, #tpu.memory_space<hbm>> -> memref<1x1x10x80xi32, #tpu.memory_space<hbm>>
      %dma_wait3A_226 = tpu.memref_squeeze %dma_wait3A_225 : memref<1x1x10x80xi32, #tpu.memory_space<hbm>> -> memref<10x80xi32, #tpu.memory_space<hbm>>
      tpu.wait_dma2 semaphore(%arg35 : memref<!tpu.dma_semaphore, #tpu.memory_space<semaphore_mem>>) src(%dma_wait3A_226 : memref<10x80xi32, #tpu.memory_space<hbm>>) dst(%arg15 : memref<10x80xi32, #tpu.memory_space<vmem>>)
      %dma_wait3A_227 = arith.constant 0 : i32
      %dma_wait3A_228 = arith.constant 0 : i32
      %dma_wait3A_229 = tpu.memref_slice %arg7[%arg1, %add3A_186, %dma_wait3A_227, %dma_wait3A_228] : memref<16x25x10x80xi32, #tpu.memory_space<hbm>> -> memref<1x1x10x80xi32, #tpu.memory_space<hbm>>
      %dma_wait3A_230 = tpu.memref_squeeze %dma_wait3A_229 : memref<1x1x10x80xi32, #tpu.memory_space<hbm>> -> memref<10x80xi32, #tpu.memory_space<hbm>>
      %dma_wait3A_231 = arith.constant 0 : i32
      %dma_wait3A_232 = arith.constant 0 : i32
      %dma_wait3A_233 = tpu.memref_slice %arg7[%arg1, %add3A_186, %dma_wait3A_231, %dma_wait3A_232] : memref<16x25x10x80xi32, #tpu.memory_space<hbm>> -> memref<1x1x10x80xi32, #tpu.memory_space<hbm>>
      %dma_wait3A_234 = tpu.memref_squeeze %dma_wait3A_233 : memref<1x1x10x80xi32, #tpu.memory_space<hbm>> -> memref<10x80xi32, #tpu.memory_space<hbm>>
      tpu.wait_dma2 semaphore(%arg35 : memref<!tpu.dma_semaphore, #tpu.memory_space<semaphore_mem>>) src(%dma_wait3A_234 : memref<10x80xi32, #tpu.memory_space<hbm>>) dst(%arg16 : memref<10x80xi32, #tpu.memory_space<vmem>>)
      %dma_wait3A_235 = arith.constant 0 : i32
      %dma_wait3A_236 = arith.constant 0 : i32
      %dma_wait3A_237 = tpu.memref_slice %arg8[%arg1, %add3A_186, %dma_wait3A_235, %dma_wait3A_236] : memref<16x25x10x80xi32, #tpu.memory_space<hbm>> -> memref<1x1x10x80xi32, #tpu.memory_space<hbm>>
      %dma_wait3A_238 = tpu.memref_squeeze %dma_wait3A_237 : memref<1x1x10x80xi32, #tpu.memory_space<hbm>> -> memref<10x80xi32, #tpu.memory_space<hbm>>
      %dma_wait3A_239 = arith.constant 0 : i32
      %dma_wait3A_240 = arith.constant 0 : i32
      %dma_wait3A_241 = tpu.memref_slice %arg8[%arg1, %add3A_186, %dma_wait3A_239, %dma_wait3A_240] : memref<16x25x10x80xi32, #tpu.memory_space<hbm>> -> memref<1x1x10x80xi32, #tpu.memory_space<hbm>>
      %dma_wait3A_242 = tpu.memref_squeeze %dma_wait3A_241 : memref<1x1x10x80xi32, #tpu.memory_space<hbm>> -> memref<10x80xi32, #tpu.memory_space<hbm>>
      tpu.wait_dma2 semaphore(%arg35 : memref<!tpu.dma_semaphore, #tpu.memory_space<semaphore_mem>>) src(%dma_wait3A_242 : memref<10x80xi32, #tpu.memory_space<hbm>>) dst(%arg17 : memref<10x80xi32, #tpu.memory_space<vmem>>)
      %dma_wait3A_243 = arith.constant 0 : i32
      %dma_wait3A_244 = arith.constant 0 : i32
      %dma_wait3A_245 = tpu.memref_slice %arg9[%arg1, %add3A_186, %dma_wait3A_243, %dma_wait3A_244] : memref<16x25x10x80xi32, #tpu.memory_space<hbm>> -> memref<1x1x10x80xi32, #tpu.memory_space<hbm>>
      %dma_wait3A_246 = tpu.memref_squeeze %dma_wait3A_245 : memref<1x1x10x80xi32, #tpu.memory_space<hbm>> -> memref<10x80xi32, #tpu.memory_space<hbm>>
      %dma_wait3A_247 = arith.constant 0 : i32
      %dma_wait3A_248 = arith.constant 0 : i32
      %dma_wait3A_249 = tpu.memref_slice %arg9[%arg1, %add3A_186, %dma_wait3A_247, %dma_wait3A_248] : memref<16x25x10x80xi32, #tpu.memory_space<hbm>> -> memref<1x1x10x80xi32, #tpu.memory_space<hbm>>
      %dma_wait3A_250 = tpu.memref_squeeze %dma_wait3A_249 : memref<1x1x10x80xi32, #tpu.memory_space<hbm>> -> memref<10x80xi32, #tpu.memory_space<hbm>>
      tpu.wait_dma2 semaphore(%arg35 : memref<!tpu.dma_semaphore, #tpu.memory_space<semaphore_mem>>) src(%dma_wait3A_250 : memref<10x80xi32, #tpu.memory_space<hbm>>) dst(%arg18 : memref<10x80xi32, #tpu.memory_space<vmem>>)
      %scan3A_251 = arith.constant 0 : i32
      %scan3A_252 = arith.constant 10 : i32
      %scan3A_253 = arith.addi %scan3A_251, %scan3A_252 : i32
      %scan3A_254 = arith.constant 1 : i32
      scf.for %scan3A_306 = %scan3A_251 to %scan3A_253 step %scan3A_254  : i32 {
        %mul3A_307 = arith.constant 1 : i32
        %mul3A_308 = arith.muli %scan3A_306, %mul3A_307 : i32
        %add3A_309 = arith.constant 0 : i32
        %add3A_310 = arith.addi %add3A_309, %mul3A_308 : i32
        %get3A = arith.index_cast %add3A_310 : i32 to index
        %get3A_311 = arith.constant 0 : index
        %get3A_312 = tpu.vector_load %arg15[%get3A, %get3A_311] {strides = array<i32>} : memref<10x80xi32, #tpu.memory_space<vmem>>, vector<16xi32>,
        %add3A_313 = arith.addi %get3A_312, %broadcast_in_dim3A_4 : vector<16xi32>
        %swap3A = arith.index_cast %add3A_310 : i32 to index
        %swap3A_314 = arith.constant 0 : index
        %swap3A_315 = tpu.vector_load %arg15[%swap3A, %swap3A_314] {strides = array<i32>} : memref<10x80xi32, #tpu.memory_space<vmem>>, vector<16xi32>,
        tpu.vector_store %arg15[%swap3A, %swap3A_314], %add3A_313 {strides = array<i32>} : memref<10x80xi32, #tpu.memory_space<vmem>>, vector<16xi32>,
        %get3A_316 = arith.index_cast %add3A_310 : i32 to index
        %get3A_317 = arith.constant 0 : index
        %get3A_318 = tpu.vector_load %arg17[%get3A_316, %get3A_317] {strides = array<i32>} : memref<10x80xi32, #tpu.memory_space<vmem>>, vector<16xi32>,
        %add3A_319 = arith.addi %get3A_318, %broadcast_in_dim3A_7 : vector<16xi32>
        %swap3A_320 = arith.index_cast %add3A_310 : i32 to index
        %swap3A_321 = arith.constant 0 : index
        %swap3A_322 = tpu.vector_load %arg17[%swap3A_320, %swap3A_321] {strides = array<i32>} : memref<10x80xi32, #tpu.memory_space<vmem>>, vector<16xi32>,
        tpu.vector_store %arg17[%swap3A_320, %swap3A_321], %add3A_319 {strides = array<i32>} : memref<10x80xi32, #tpu.memory_space<vmem>>, vector<16xi32>,
        %get3A_323 = arith.index_cast %add3A_310 : i32 to index
        %get3A_324 = arith.constant 0 : index
        %get3A_325 = tpu.vector_load %arg18[%get3A_323, %get3A_324] {strides = array<i32>} : memref<10x80xi32, #tpu.memory_space<vmem>>, vector<16xi32>,
        %add3A_326 = arith.addi %get3A_325, %broadcast_in_dim3A_10 : vector<16xi32>
        %swap3A_327 = arith.index_cast %add3A_310 : i32 to index
        %swap3A_328 = arith.constant 0 : index
        %swap3A_329 = tpu.vector_load %arg18[%swap3A_327, %swap3A_328] {strides = array<i32>} : memref<10x80xi32, #tpu.memory_space<vmem>>, vector<16xi32>,
        tpu.vector_store %arg18[%swap3A_327, %swap3A_328], %add3A_326 {strides = array<i32>} : memref<10x80xi32, #tpu.memory_space<vmem>>, vector<16xi32>,
        %get3A_330 = arith.index_cast %add3A_310 : i32 to index
        %get3A_331 = arith.constant 16 : index
        %get3A_332 = tpu.vector_load %arg15[%get3A_330, %get3A_331] {strides = array<i32>} : memref<10x80xi32, #tpu.memory_space<vmem>>, vector<16xi32>,
        %add3A_333 = arith.addi %get3A_332, %broadcast_in_dim3A_4 : vector<16xi32>
        %swap3A_334 = arith.index_cast %add3A_310 : i32 to index
        %swap3A_335 = arith.constant 16 : index
        %swap3A_336 = tpu.vector_load %arg15[%swap3A_334, %swap3A_335] {strides = array<i32>} : memref<10x80xi32, #tpu.memory_space<vmem>>, vector<16xi32>,
        tpu.vector_store %arg15[%swap3A_334, %swap3A_335], %add3A_333 {strides = array<i32>} : memref<10x80xi32, #tpu.memory_space<vmem>>, vector<16xi32>,
        %get3A_337 = arith.index_cast %add3A_310 : i32 to index
        %get3A_338 = arith.constant 16 : index
        %get3A_339 = tpu.vector_load %arg17[%get3A_337, %get3A_338] {strides = array<i32>} : memref<10x80xi32, #tpu.memory_space<vmem>>, vector<16xi32>,
        %add3A_340 = arith.addi %get3A_339, %broadcast_in_dim3A_7 : vector<16xi32>
        %swap3A_341 = arith.index_cast %add3A_310 : i32 to index
        %swap3A_342 = arith.constant 16 : index
        %swap3A_343 = tpu.vector_load %arg17[%swap3A_341, %swap3A_342] {strides = array<i32>} : memref<10x80xi32, #tpu.memory_space<vmem>>, vector<16xi32>,
        tpu.vector_store %arg17[%swap3A_341, %swap3A_342], %add3A_340 {strides = array<i32>} : memref<10x80xi32, #tpu.memory_space<vmem>>, vector<16xi32>,
        %get3A_344 = arith.index_cast %add3A_310 : i32 to index
        %get3A_345 = arith.constant 16 : index
        %get3A_346 = tpu.vector_load %arg18[%get3A_344, %get3A_345] {strides = array<i32>} : memref<10x80xi32, #tpu.memory_space<vmem>>, vector<16xi32>,
        %add3A_347 = arith.addi %get3A_346, %broadcast_in_dim3A_10 : vector<16xi32>
        %swap3A_348 = arith.index_cast %add3A_310 : i32 to index
        %swap3A_349 = arith.constant 16 : index
        %swap3A_350 = tpu.vector_load %arg18[%swap3A_348, %swap3A_349] {strides = array<i32>} : memref<10x80xi32, #tpu.memory_space<vmem>>, vector<16xi32>,
        tpu.vector_store %arg18[%swap3A_348, %swap3A_349], %add3A_347 {strides = array<i32>} : memref<10x80xi32, #tpu.memory_space<vmem>>, vector<16xi32>,
        %get3A_351 = arith.index_cast %add3A_310 : i32 to index
        %get3A_352 = arith.constant 32 : index
        %get3A_353 = tpu.vector_load %arg15[%get3A_351, %get3A_352] {strides = array<i32>} : memref<10x80xi32, #tpu.memory_space<vmem>>, vector<16xi32>,
        %add3A_354 = arith.addi %get3A_353, %broadcast_in_dim3A_4 : vector<16xi32>
        %swap3A_355 = arith.index_cast %add3A_310 : i32 to index
        %swap3A_356 = arith.constant 32 : index
        %swap3A_357 = tpu.vector_load %arg15[%swap3A_355, %swap3A_356] {strides = array<i32>} : memref<10x80xi32, #tpu.memory_space<vmem>>, vector<16xi32>,
        tpu.vector_store %arg15[%swap3A_355, %swap3A_356], %add3A_354 {strides = array<i32>} : memref<10x80xi32, #tpu.memory_space<vmem>>, vector<16xi32>,
        %get3A_358 = arith.index_cast %add3A_310 : i32 to index
        %get3A_359 = arith.constant 32 : index
        %get3A_360 = tpu.vector_load %arg17[%get3A_358, %get3A_359] {strides = array<i32>} : memref<10x80xi32, #tpu.memory_space<vmem>>, vector<16xi32>,
        %add3A_361 = arith.addi %get3A_360, %broadcast_in_dim3A_7 : vector<16xi32>
        %swap3A_362 = arith.index_cast %add3A_310 : i32 to index
        %swap3A_363 = arith.constant 32 : index
        %swap3A_364 = tpu.vector_load %arg17[%swap3A_362, %swap3A_363] {strides = array<i32>} : memref<10x80xi32, #tpu.memory_space<vmem>>, vector<16xi32>,
        tpu.vector_store %arg17[%swap3A_362, %swap3A_363], %add3A_361 {strides = array<i32>} : memref<10x80xi32, #tpu.memory_space<vmem>>, vector<16xi32>,
        %get3A_365 = arith.index_cast %add3A_310 : i32 to index
        %get3A_366 = arith.constant 32 : index
        %get3A_367 = tpu.vector_load %arg18[%get3A_365, %get3A_366] {strides = array<i32>} : memref<10x80xi32, #tpu.memory_space<vmem>>, vector<16xi32>,
        %add3A_368 = arith.addi %get3A_367, %broadcast_in_dim3A_10 : vector<16xi32>
        %swap3A_369 = arith.index_cast %add3A_310 : i32 to index
        %swap3A_370 = arith.constant 32 : index
        %swap3A_371 = tpu.vector_load %arg18[%swap3A_369, %swap3A_370] {strides = array<i32>} : memref<10x80xi32, #tpu.memory_space<vmem>>, vector<16xi32>,
        tpu.vector_store %arg18[%swap3A_369, %swap3A_370], %add3A_368 {strides = array<i32>} : memref<10x80xi32, #tpu.memory_space<vmem>>, vector<16xi32>,
        %get3A_372 = arith.index_cast %add3A_310 : i32 to index
        %get3A_373 = arith.constant 48 : index
        %get3A_374 = tpu.vector_load %arg15[%get3A_372, %get3A_373] {strides = array<i32>} : memref<10x80xi32, #tpu.memory_space<vmem>>, vector<16xi32>,
        %add3A_375 = arith.addi %get3A_374, %broadcast_in_dim3A_4 : vector<16xi32>
        %swap3A_376 = arith.index_cast %add3A_310 : i32 to index
        %swap3A_377 = arith.constant 48 : index
        %swap3A_378 = tpu.vector_load %arg15[%swap3A_376, %swap3A_377] {strides = array<i32>} : memref<10x80xi32, #tpu.memory_space<vmem>>, vector<16xi32>,
        tpu.vector_store %arg15[%swap3A_376, %swap3A_377], %add3A_375 {strides = array<i32>} : memref<10x80xi32, #tpu.memory_space<vmem>>, vector<16xi32>,
        %get3A_379 = arith.index_cast %add3A_310 : i32 to index
        %get3A_380 = arith.constant 48 : index
        %get3A_381 = tpu.vector_load %arg17[%get3A_379, %get3A_380] {strides = array<i32>} : memref<10x80xi32, #tpu.memory_space<vmem>>, vector<16xi32>,
        %add3A_382 = arith.addi %get3A_381, %broadcast_in_dim3A_7 : vector<16xi32>
        %swap3A_383 = arith.index_cast %add3A_310 : i32 to index
        %swap3A_384 = arith.constant 48 : index
        %swap3A_385 = tpu.vector_load %arg17[%swap3A_383, %swap3A_384] {strides = array<i32>} : memref<10x80xi32, #tpu.memory_space<vmem>>, vector<16xi32>,
        tpu.vector_store %arg17[%swap3A_383, %swap3A_384], %add3A_382 {strides = array<i32>} : memref<10x80xi32, #tpu.memory_space<vmem>>, vector<16xi32>,
        %get3A_386 = arith.index_cast %add3A_310 : i32 to index
        %get3A_387 = arith.constant 48 : index
        %get3A_388 = tpu.vector_load %arg18[%get3A_386, %get3A_387] {strides = array<i32>} : memref<10x80xi32, #tpu.memory_space<vmem>>, vector<16xi32>,
        %add3A_389 = arith.addi %get3A_388, %broadcast_in_dim3A_10 : vector<16xi32>
        %swap3A_390 = arith.index_cast %add3A_310 : i32 to index
        %swap3A_391 = arith.constant 48 : index
        %swap3A_392 = tpu.vector_load %arg18[%swap3A_390, %swap3A_391] {strides = array<i32>} : memref<10x80xi32, #tpu.memory_space<vmem>>, vector<16xi32>,
        tpu.vector_store %arg18[%swap3A_390, %swap3A_391], %add3A_389 {strides = array<i32>} : memref<10x80xi32, #tpu.memory_space<vmem>>, vector<16xi32>,
        %get3A_393 = arith.index_cast %add3A_310 : i32 to index
        %get3A_394 = arith.constant 64 : index
        %get3A_395 = tpu.vector_load %arg15[%get3A_393, %get3A_394] {strides = array<i32>} : memref<10x80xi32, #tpu.memory_space<vmem>>, vector<16xi32>,
        %add3A_396 = arith.addi %get3A_395, %broadcast_in_dim3A_4 : vector<16xi32>
        %swap3A_397 = arith.index_cast %add3A_310 : i32 to index
        %swap3A_398 = arith.constant 64 : index
        %swap3A_399 = tpu.vector_load %arg15[%swap3A_397, %swap3A_398] {strides = array<i32>} : memref<10x80xi32, #tpu.memory_space<vmem>>, vector<16xi32>,
        tpu.vector_store %arg15[%swap3A_397, %swap3A_398], %add3A_396 {strides = array<i32>} : memref<10x80xi32, #tpu.memory_space<vmem>>, vector<16xi32>,
        %get3A_400 = arith.index_cast %add3A_310 : i32 to index
        %get3A_401 = arith.constant 64 : index
        %get3A_402 = tpu.vector_load %arg17[%get3A_400, %get3A_401] {strides = array<i32>} : memref<10x80xi32, #tpu.memory_space<vmem>>, vector<16xi32>,
        %add3A_403 = arith.addi %get3A_402, %broadcast_in_dim3A_7 : vector<16xi32>
        %swap3A_404 = arith.index_cast %add3A_310 : i32 to index
        %swap3A_405 = arith.constant 64 : index
        %swap3A_406 = tpu.vector_load %arg17[%swap3A_404, %swap3A_405] {strides = array<i32>} : memref<10x80xi32, #tpu.memory_space<vmem>>, vector<16xi32>,
        tpu.vector_store %arg17[%swap3A_404, %swap3A_405], %add3A_403 {strides = array<i32>} : memref<10x80xi32, #tpu.memory_space<vmem>>, vector<16xi32>,
        %get3A_407 = arith.index_cast %add3A_310 : i32 to index
        %get3A_408 = arith.constant 64 : index
        %get3A_409 = tpu.vector_load %arg18[%get3A_407, %get3A_408] {strides = array<i32>} : memref<10x80xi32, #tpu.memory_space<vmem>>, vector<16xi32>,
        %add3A_410 = arith.addi %get3A_409, %broadcast_in_dim3A_10 : vector<16xi32>
        %swap3A_411 = arith.index_cast %add3A_310 : i32 to index
        %swap3A_412 = arith.constant 64 : index
        %swap3A_413 = tpu.vector_load %arg18[%swap3A_411, %swap3A_412] {strides = array<i32>} : memref<10x80xi32, #tpu.memory_space<vmem>>, vector<16xi32>,
        tpu.vector_store %arg18[%swap3A_411, %swap3A_412], %add3A_410 {strides = array<i32>} : memref<10x80xi32, #tpu.memory_space<vmem>>, vector<16xi32>,
      }
      %scan3A_255 = arith.constant 10 : i32
      %dma_start3A_256 = arith.constant 0 : i32
      %dma_start3A_257 = arith.constant 0 : i32
      %dma_start3A_258 = tpu.memref_slice %arg15[%dma_start3A_256, %dma_start3A_257] : memref<10x80xi32, #tpu.memory_space<vmem>> -> memref<1x80xi32, #tpu.memory_space<vmem>>
      %dma_start3A_259 = tpu.memref_squeeze %dma_start3A_258 : memref<1x80xi32, #tpu.memory_space<vmem>> -> memref<80xi32, #tpu.memory_space<vmem>>
      %dma_start3A_260 = arith.constant 0 : i32
      %dma_start3A_261 = arith.constant 0 : i32
      %dma_start3A_262 = tpu.memref_slice %arg10[%dma_start3A_260, %dma_start3A_261] : memref<20000x64xf32, #tpu.memory_space<hbm>> -> memref<20000x64xf32, #tpu.memory_space<hbm>>
      tpu.enqueue_indirect_dma source(%dma_start3A_262 : memref<20000x64xf32, #tpu.memory_space<hbm>>) target(%arg23 : memref<80x64xf32, #tpu.memory_space<vmem>>) offsets(%dma_start3A_259 : memref<80xi32, #tpu.memory_space<vmem>>) semaphore(%arg35 : memref<!tpu.dma_semaphore, #tpu.memory_space<semaphore_mem>>)
      %dma_start3A_263 = arith.constant 0 : i32
      %dma_start3A_264 = arith.constant 0 : i32
      %dma_start3A_265 = tpu.memref_slice %arg17[%dma_start3A_263, %dma_start3A_264] : memref<10x80xi32, #tpu.memory_space<vmem>> -> memref<1x80xi32, #tpu.memory_space<vmem>>
      %dma_start3A_266 = tpu.memref_squeeze %dma_start3A_265 : memref<1x80xi32, #tpu.memory_space<vmem>> -> memref<80xi32, #tpu.memory_space<vmem>>
      %dma_start3A_267 = arith.constant 0 : i32
      %dma_start3A_268 = arith.constant 0 : i32
      %dma_start3A_269 = tpu.memref_slice %arg11[%dma_start3A_267, %dma_start3A_268] : memref<400x64xf32, #tpu.memory_space<hbm>> -> memref<400x64xf32, #tpu.memory_space<hbm>>
      tpu.enqueue_indirect_dma source(%dma_start3A_269 : memref<400x64xf32, #tpu.memory_space<hbm>>) target(%arg24 : memref<80x64xf32, #tpu.memory_space<vmem>>) offsets(%dma_start3A_266 : memref<80xi32, #tpu.memory_space<vmem>>) semaphore(%arg35 : memref<!tpu.dma_semaphore, #tpu.memory_space<semaphore_mem>>)
      %dma_start3A_270 = arith.constant 0 : i32
      %dma_start3A_271 = arith.constant 0 : i32
      %dma_start3A_272 = tpu.memref_slice %arg18[%dma_start3A_270, %dma_start3A_271] : memref<10x80xi32, #tpu.memory_space<vmem>> -> memref<1x80xi32, #tpu.memory_space<vmem>>
      %dma_start3A_273 = tpu.memref_squeeze %dma_start3A_272 : memref<1x80xi32, #tpu.memory_space<vmem>> -> memref<80xi32, #tpu.memory_space<vmem>>
      %dma_start3A_274 = arith.constant 0 : i32
      %dma_start3A_275 = arith.constant 0 : i32
      %dma_start3A_276 = tpu.memref_slice %arg12[%dma_start3A_274, %dma_start3A_275] : memref<732x64xf32, #tpu.memory_space<hbm>> -> memref<732x64xf32, #tpu.memory_space<hbm>>
      tpu.enqueue_indirect_dma source(%dma_start3A_276 : memref<732x64xf32, #tpu.memory_space<hbm>>) target(%arg25 : memref<80x64xf32, #tpu.memory_space<vmem>>) offsets(%dma_start3A_273 : memref<80xi32, #tpu.memory_space<vmem>>) semaphore(%arg35 : memref<!tpu.dma_semaphore, #tpu.memory_space<semaphore_mem>>)
      %scan3A_277 = arith.constant 0 : i32
      %scan3A_278 = arith.constant 5 : i32
      %scan3A_279 = arith.addi %scan3A_277, %scan3A_278 : i32
      %scan3A_280 = arith.constant 1 : i32
      scf.for %scan3A_306 = %scan3A_277 to %scan3A_279 step %scan3A_280  : i32 {
        %mul3A_307 = arith.constant 2 : i32
        %mul3A_308 = arith.muli %scan3A_306, %mul3A_307 : i32
        %add3A_309 = arith.constant 0 : i32
        %add3A_310 = arith.addi %add3A_309, %mul3A_308 : i32
        %gt3A = arith.constant 0 : i32
        %gt3A_311 = arith.cmpi sgt, %add3A_310, %gt3A : i32
        %convert_element_type3A_312 = arith.extui %gt3A_311 : i1 to i32
        %cond3A_313 = arith.constant 0 : i32
        %cond3A_314 = arith.cmpi ne, %convert_element_type3A_312, %cond3A_313 : i32
        scf.if %cond3A_314 {
          %sub3A = arith.constant 2 : i32
          %sub3A_420 = arith.subi %add3A_310, %sub3A : i32
          %dma_wait3A_421 = arith.constant 0 : i32
          %dma_wait3A_422 = tpu.memref_slice %arg16[%sub3A_420, %dma_wait3A_421] : memref<10x80xi32, #tpu.memory_space<vmem>> -> memref<1x80xi32, #tpu.memory_space<vmem>>
          %dma_wait3A_423 = tpu.memref_squeeze %dma_wait3A_422 : memref<1x80xi32, #tpu.memory_space<vmem>> -> memref<80xi32, #tpu.memory_space<vmem>>
          %dma_wait3A_424 = arith.constant 0 : i32
          %dma_wait3A_425 = arith.constant 0 : i32
          %dma_wait3A_426 = tpu.memref_slice %arg33[%dma_wait3A_424, %dma_wait3A_425] : memref<10240x64xf32, #tpu.memory_space<vmem_shared>> -> memref<10240x64xf32, #tpu.memory_space<vmem_shared>>
          tpu.wait_indirect_dma semaphore(%arg37 : memref<!tpu.dma_semaphore, #tpu.memory_space<semaphore_mem>>) src(%arg27 : memref<80x64xf32, #tpu.memory_space<vmem>>) dst(%dma_wait3A_426 : memref<10240x64xf32, #tpu.memory_space<vmem_shared>>)
          %eq3A_427 = arith.constant 0 : i32
          %eq3A_428 = arith.cmpi eq, %arg0, %eq3A_427 : i32
          %convert_element_type3A_429 = arith.extui %eq3A_428 : i1 to i32
          %cond3A_430 = arith.constant 0 : i32
          %cond3A_431 = arith.cmpi ne, %convert_element_type3A_429, %cond3A_430 : i32
          scf.if %cond3A_431 {
            %dma_wait3A_432 = arith.constant 0 : i32
            %dma_wait3A_433 = tpu.memref_slice %arg16[%sub3A_420, %dma_wait3A_432] : memref<10x80xi32, #tpu.memory_space<vmem>> -> memref<1x80xi32, #tpu.memory_space<vmem>>
            %dma_wait3A_434 = tpu.memref_squeeze %dma_wait3A_433 : memref<1x80xi32, #tpu.memory_space<vmem>> -> memref<80xi32, #tpu.memory_space<vmem>>
            %dma_wait3A_435 = arith.constant 0 : i32
            %dma_wait3A_436 = arith.constant 0 : i32
            %dma_wait3A_437 = tpu.memref_slice %arg34[%dma_wait3A_435, %dma_wait3A_436] : memref<10240x16xf32, #tpu.memory_space<vmem_shared>> -> memref<10240x16xf32, #tpu.memory_space<vmem_shared>>
            tpu.wait_indirect_dma semaphore(%arg37 : memref<!tpu.dma_semaphore, #tpu.memory_space<semaphore_mem>>) src(%arg26 : memref<80x16xf32, #tpu.memory_space<vmem>>) dst(%dma_wait3A_437 : memref<10240x16xf32, #tpu.memory_space<vmem_shared>>)
          } else {
          }
        } else {
        }
        %add3A_315 = arith.constant 1 : i32
        %add3A_316 = arith.addi %add3A_310, %add3A_315 : i32
        %dma_start3A_317 = arith.constant 0 : i32
        %dma_start3A_318 = tpu.memref_slice %arg15[%add3A_316, %dma_start3A_317] : memref<10x80xi32, #tpu.memory_space<vmem>> -> memref<1x80xi32, #tpu.memory_space<vmem>>
        %dma_start3A_319 = tpu.memref_squeeze %dma_start3A_318 : memref<1x80xi32, #tpu.memory_space<vmem>> -> memref<80xi32, #tpu.memory_space<vmem>>
        %dma_start3A_320 = arith.constant 0 : i32
        %dma_start3A_321 = arith.constant 0 : i32
        %dma_start3A_322 = tpu.memref_slice %arg10[%dma_start3A_320, %dma_start3A_321] : memref<20000x64xf32, #tpu.memory_space<hbm>> -> memref<20000x64xf32, #tpu.memory_space<hbm>>
        tpu.enqueue_indirect_dma source(%dma_start3A_322 : memref<20000x64xf32, #tpu.memory_space<hbm>>) target(%arg28 : memref<80x64xf32, #tpu.memory_space<vmem>>) offsets(%dma_start3A_319 : memref<80xi32, #tpu.memory_space<vmem>>) semaphore(%arg36 : memref<!tpu.dma_semaphore, #tpu.memory_space<semaphore_mem>>)
        %dma_start3A_323 = arith.constant 0 : i32
        %dma_start3A_324 = tpu.memref_slice %arg17[%add3A_316, %dma_start3A_323] : memref<10x80xi32, #tpu.memory_space<vmem>> -> memref<1x80xi32, #tpu.memory_space<vmem>>
        %dma_start3A_325 = tpu.memref_squeeze %dma_start3A_324 : memref<1x80xi32, #tpu.memory_space<vmem>> -> memref<80xi32, #tpu.memory_space<vmem>>
        %dma_start3A_326 = arith.constant 0 : i32
        %dma_start3A_327 = arith.constant 0 : i32
        %dma_start3A_328 = tpu.memref_slice %arg11[%dma_start3A_326, %dma_start3A_327] : memref<400x64xf32, #tpu.memory_space<hbm>> -> memref<400x64xf32, #tpu.memory_space<hbm>>
        tpu.enqueue_indirect_dma source(%dma_start3A_328 : memref<400x64xf32, #tpu.memory_space<hbm>>) target(%arg29 : memref<80x64xf32, #tpu.memory_space<vmem>>) offsets(%dma_start3A_325 : memref<80xi32, #tpu.memory_space<vmem>>) semaphore(%arg36 : memref<!tpu.dma_semaphore, #tpu.memory_space<semaphore_mem>>)
        %dma_start3A_329 = arith.constant 0 : i32
        %dma_start3A_330 = tpu.memref_slice %arg18[%add3A_316, %dma_start3A_329] : memref<10x80xi32, #tpu.memory_space<vmem>> -> memref<1x80xi32, #tpu.memory_space<vmem>>
        %dma_start3A_331 = tpu.memref_squeeze %dma_start3A_330 : memref<1x80xi32, #tpu.memory_space<vmem>> -> memref<80xi32, #tpu.memory_space<vmem>>
        %dma_start3A_332 = arith.constant 0 : i32
        %dma_start3A_333 = arith.constant 0 : i32
        %dma_start3A_334 = tpu.memref_slice %arg12[%dma_start3A_332, %dma_start3A_333] : memref<732x64xf32, #tpu.memory_space<hbm>> -> memref<732x64xf32, #tpu.memory_space<hbm>>
        tpu.enqueue_indirect_dma source(%dma_start3A_334 : memref<732x64xf32, #tpu.memory_space<hbm>>) target(%arg30 : memref<80x64xf32, #tpu.memory_space<vmem>>) offsets(%dma_start3A_331 : memref<80xi32, #tpu.memory_space<vmem>>) semaphore(%arg36 : memref<!tpu.dma_semaphore, #tpu.memory_space<semaphore_mem>>)
        %dma_wait3A_335 = arith.constant 0 : i32
        %dma_wait3A_336 = tpu.memref_slice %arg15[%add3A_310, %dma_wait3A_335] : memref<10x80xi32, #tpu.memory_space<vmem>> -> memref<1x80xi32, #tpu.memory_space<vmem>>
        %dma_wait3A_337 = tpu.memref_squeeze %dma_wait3A_336 : memref<1x80xi32, #tpu.memory_space<vmem>> -> memref<80xi32, #tpu.memory_space<vmem>>
        %dma_wait3A_338 = arith.constant 0 : i32
        %dma_wait3A_339 = arith.constant 0 : i32
        %dma_wait3A_340 = tpu.memref_slice %arg10[%dma_wait3A_338, %dma_wait3A_339] : memref<20000x64xf32, #tpu.memory_space<hbm>> -> memref<20000x64xf32, #tpu.memory_space<hbm>>
        tpu.wait_indirect_dma semaphore(%arg35 : memref<!tpu.dma_semaphore, #tpu.memory_space<semaphore_mem>>) src(%dma_wait3A_340 : memref<20000x64xf32, #tpu.memory_space<hbm>>) dst(%arg23 : memref<80x64xf32, #tpu.memory_space<vmem>>)
        %dma_wait3A_341 = arith.constant 0 : i32
        %dma_wait3A_342 = tpu.memref_slice %arg17[%add3A_310, %dma_wait3A_341] : memref<10x80xi32, #tpu.memory_space<vmem>> -> memref<1x80xi32, #tpu.memory_space<vmem>>
        %dma_wait3A_343 = tpu.memref_squeeze %dma_wait3A_342 : memref<1x80xi32, #tpu.memory_space<vmem>> -> memref<80xi32, #tpu.memory_space<vmem>>
        %dma_wait3A_344 = arith.constant 0 : i32
        %dma_wait3A_345 = arith.constant 0 : i32
        %dma_wait3A_346 = tpu.memref_slice %arg11[%dma_wait3A_344, %dma_wait3A_345] : memref<400x64xf32, #tpu.memory_space<hbm>> -> memref<400x64xf32, #tpu.memory_space<hbm>>
        tpu.wait_indirect_dma semaphore(%arg35 : memref<!tpu.dma_semaphore, #tpu.memory_space<semaphore_mem>>) src(%dma_wait3A_346 : memref<400x64xf32, #tpu.memory_space<hbm>>) dst(%arg24 : memref<80x64xf32, #tpu.memory_space<vmem>>)
        %dma_wait3A_347 = arith.constant 0 : i32
        %dma_wait3A_348 = tpu.memref_slice %arg18[%add3A_310, %dma_wait3A_347] : memref<10x80xi32, #tpu.memory_space<vmem>> -> memref<1x80xi32, #tpu.memory_space<vmem>>
        %dma_wait3A_349 = tpu.memref_squeeze %dma_wait3A_348 : memref<1x80xi32, #tpu.memory_space<vmem>> -> memref<80xi32, #tpu.memory_space<vmem>>
        %dma_wait3A_350 = arith.constant 0 : i32
        %dma_wait3A_351 = arith.constant 0 : i32
        %dma_wait3A_352 = tpu.memref_slice %arg12[%dma_wait3A_350, %dma_wait3A_351] : memref<732x64xf32, #tpu.memory_space<hbm>> -> memref<732x64xf32, #tpu.memory_space<hbm>>
        tpu.wait_indirect_dma semaphore(%arg35 : memref<!tpu.dma_semaphore, #tpu.memory_space<semaphore_mem>>) src(%dma_wait3A_352 : memref<732x64xf32, #tpu.memory_space<hbm>>) dst(%arg25 : memref<80x64xf32, #tpu.memory_space<vmem>>)
        %scan3A_353 = arith.constant 0 : i32
        %scan3A_354 = arith.constant 5 : i32
        %scan3A_355 = arith.addi %scan3A_353, %scan3A_354 : i32
        %scan3A_356 = arith.constant 1 : i32
        scf.for %scan3A_420 = %scan3A_353 to %scan3A_355 step %scan3A_356  : i32 {
          %mul3A_421 = arith.constant 1 : i32
          %mul3A_422 = arith.muli %scan3A_420, %mul3A_421 : i32
          %add3A_423 = arith.constant 0 : i32
          %add3A_424 = arith.addi %add3A_423, %mul3A_422 : i32
          %mul3A_425 = arith.constant 16 : i32
          %mul3A_426 = arith.muli %add3A_424, %mul3A_425 : i32
          %get3A = arith.index_cast %add3A_310 : i32 to index
          %get3A_427 = arith.index_cast %mul3A_426 : i32 to index
          %get3A_428 = tpu.vector_load %arg15[%get3A, %get3A_427] {strides = array<i32>} : memref<10x80xi32, #tpu.memory_space<vmem>>, vector<16xi32>,
          %sub3A = arith.subi %get3A_428, %broadcast_in_dim3A_4 : vector<16xi32>
          %gather3A = tpu.vector_load_idx %arg19[%sub3A] : memref<10000xf32, #tpu.memory_space<vmem>>[vector<16xi32>], vector<16xf32>,
          %get3A_429 = arith.index_cast %add3A_310 : i32 to index
          %get3A_430 = arith.index_cast %mul3A_426 : i32 to index
          %get3A_431 = tpu.vector_load %arg16[%get3A_429, %get3A_430] {strides = array<i32>} : memref<10x80xi32, #tpu.memory_space<vmem>>, vector<16xi32>,
          %gather3A_432 = tpu.vector_load_idx %arg20[%get3A_431] : memref<10000xf32, #tpu.memory_space<vmem>>[vector<16xi32>], vector<16xf32>,
          %get3A_433 = arith.index_cast %add3A_310 : i32 to index
          %get3A_434 = arith.index_cast %mul3A_426 : i32 to index
          %get3A_435 = tpu.vector_load %arg17[%get3A_433, %get3A_434] {strides = array<i32>} : memref<10x80xi32, #tpu.memory_space<vmem>>, vector<16xi32>,
          %sub3A_436 = arith.subi %get3A_435, %broadcast_in_dim3A_7 : vector<16xi32>
          %gather3A_437 = tpu.vector_load_idx %arg21[%sub3A_436] : memref<200xf32, #tpu.memory_space<vmem>>[vector<16xi32>], vector<16xf32>,
          %get3A_438 = arith.index_cast %add3A_310 : i32 to index
          %get3A_439 = arith.index_cast %mul3A_426 : i32 to index
          %get3A_440 = tpu.vector_load %arg18[%get3A_438, %get3A_439] {strides = array<i32>} : memref<10x80xi32, #tpu.memory_space<vmem>>, vector<16xi32>,
          %sub3A_441 = arith.subi %get3A_440, %broadcast_in_dim3A_10 : vector<16xi32>
          %gather3A_442 = tpu.vector_load_idx %arg22[%sub3A_441] : memref<366xf32, #tpu.memory_space<vmem>>[vector<16xi32>], vector<16xf32>,
          %sub3A_443 = arith.subf %gather3A, %gather3A_432 : vector<16xf32>
          %add3A_444 = arith.addf %sub3A_443, %gather3A_437 : vector<16xf32>
          %add3A_445 = arith.addf %add3A_444, %gather3A_442 : vector<16xf32>
          %gt3A_446 = arith.constant 0.000000e+00 : f32
          %gt3A_447 = vector.broadcast %gt3A_446 : f32 to vector<16xf32>
          %gt3A_448 = arith.cmpf ogt, %add3A_445, %gt3A_447 : vector<16xf32>
          %mul3A_449 = arith.constant 1.000000e-01 : f32
          %mul3A_450 = vector.broadcast %mul3A_449 : f32 to vector<16xf32>
          %mul3A_451 = arith.mulf %mul3A_450, %add3A_445 : vector<16xf32>
          %select_n3A = arith.select %gt3A_448, %add3A_445, %mul3A_451 : vector<16xi1>, vector<16xf32>
          %exp3A = math.exp %select_n3A : vector<16xf32>
          %iota3A = tpu.iota {dimensions = array<i32: 0>} : vector<16xi32>
          %add3A_452 = vector.broadcast %mul3A_426 : i32 to vector<16xi32>
          %add3A_453 = arith.addi %add3A_452, %iota3A : vector<16xi32>
          tpu.vector_store_idx %arg26[%add3A_453, %broadcast_in_dim3A_2], %exp3A : memref<80x16xf32, #tpu.memory_space<vmem>>[vector<16xi32>, vector<16xi32>], vector<16xf32>,
          %add3A_454 = arith.constant 0 : i32
          %add3A_455 = arith.addi %mul3A_426, %add3A_454 : i32
          %broadcast_in_dim3A_456 = arith.constant 0 : i32
          %broadcast_in_dim3A_457 = vector.broadcast %broadcast_in_dim3A_456 : i32 to vector<16x1xi32>
          %gather3A_458 = vector.shape_cast %broadcast_in_dim3A_457 : vector<16x1xi32> to vector<16xi32>
          %gather3A_459 = tpu.dynamic_gather %exp3A[%gather3A_458] in [0] : vector<16xf32>, vector<16xi32> -> vector<16xf32>
          %get3A_460 = arith.index_cast %add3A_455 : i32 to index
          %get3A_461 = arith.constant 0 : index
          %get3A_462 = tpu.vector_load %arg25[%get3A_460, %get3A_461] {strides = array<i32>} : memref<80x64xf32, #tpu.memory_space<vmem>>, vector<16xf32>,
          %get3A_463 = arith.index_cast %add3A_455 : i32 to index
          %get3A_464 = arith.constant 0 : index
          %get3A_465 = tpu.vector_load %arg23[%get3A_463, %get3A_464] {strides = array<i32>} : memref<80x64xf32, #tpu.memory_space<vmem>>, vector<16xf32>,
          %add3A_466 = arith.addf %get3A_465, %get3A_462 : vector<16xf32>
          %get3A_467 = arith.index_cast %add3A_455 : i32 to index
          %get3A_468 = arith.constant 0 : index
          %get3A_469 = tpu.vector_load %arg24[%get3A_467, %get3A_468] {strides = array<i32>} : memref<80x64xf32, #tpu.memory_space<vmem>>, vector<16xf32>,
          %add3A_470 = arith.addf %get3A_469, %get3A_462 : vector<16xf32>
          %mul3A_471 = arith.mulf %add3A_466, %add3A_470 : vector<16xf32>
          %mul3A_472 = arith.mulf %mul3A_471, %gather3A_459 : vector<16xf32>
          %swap3A = arith.index_cast %add3A_455 : i32 to index
          %swap3A_473 = arith.constant 0 : index
          %swap3A_474 = tpu.vector_load %arg27[%swap3A, %swap3A_473] {strides = array<i32>} : memref<80x64xf32, #tpu.memory_space<vmem>>, vector<16xf32>,
          tpu.vector_store %arg27[%swap3A, %swap3A_473], %mul3A_472 {strides = array<i32>} : memref<80x64xf32, #tpu.memory_space<vmem>>, vector<16xf32>,
          %get3A_475 = arith.index_cast %add3A_455 : i32 to index
          %get3A_476 = arith.constant 16 : index
          %get3A_477 = tpu.vector_load %arg25[%get3A_475, %get3A_476] {strides = array<i32>} : memref<80x64xf32, #tpu.memory_space<vmem>>, vector<16xf32>,
          %get3A_478 = arith.index_cast %add3A_455 : i32 to index
          %get3A_479 = arith.constant 16 : index
          %get3A_480 = tpu.vector_load %arg23[%get3A_478, %get3A_479] {strides = array<i32>} : memref<80x64xf32, #tpu.memory_space<vmem>>, vector<16xf32>,
          %add3A_481 = arith.addf %get3A_480, %get3A_477 : vector<16xf32>
          %get3A_482 = arith.index_cast %add3A_455 : i32 to index
          %get3A_483 = arith.constant 16 : index
          %get3A_484 = tpu.vector_load %arg24[%get3A_482, %get3A_483] {strides = array<i32>} : memref<80x64xf32, #tpu.memory_space<vmem>>, vector<16xf32>,
          %add3A_485 = arith.addf %get3A_484, %get3A_477 : vector<16xf32>
          %mul3A_486 = arith.mulf %add3A_481, %add3A_485 : vector<16xf32>
          %mul3A_487 = arith.mulf %mul3A_486, %gather3A_459 : vector<16xf32>
          %swap3A_488 = arith.index_cast %add3A_455 : i32 to index
          %swap3A_489 = arith.constant 16 : index
          %swap3A_490 = tpu.vector_load %arg27[%swap3A_488, %swap3A_489] {strides = array<i32>} : memref<80x64xf32, #tpu.memory_space<vmem>>, vector<16xf32>,
          tpu.vector_store %arg27[%swap3A_488, %swap3A_489], %mul3A_487 {strides = array<i32>} : memref<80x64xf32, #tpu.memory_space<vmem>>, vector<16xf32>,
          %get3A_491 = arith.index_cast %add3A_455 : i32 to index
          %get3A_492 = arith.constant 32 : index
          %get3A_493 = tpu.vector_load %arg25[%get3A_491, %get3A_492] {strides = array<i32>} : memref<80x64xf32, #tpu.memory_space<vmem>>, vector<16xf32>,
          %get3A_494 = arith.index_cast %add3A_455 : i32 to index
          %get3A_495 = arith.constant 32 : index
          %get3A_496 = tpu.vector_load %arg23[%get3A_494, %get3A_495] {strides = array<i32>} : memref<80x64xf32, #tpu.memory_space<vmem>>, vector<16xf32>,
          %add3A_497 = arith.addf %get3A_496, %get3A_493 : vector<16xf32>
          %get3A_498 = arith.index_cast %add3A_455 : i32 to index
          %get3A_499 = arith.constant 32 : index
          %get3A_500 = tpu.vector_load %arg24[%get3A_498, %get3A_499] {strides = array<i32>} : memref<80x64xf32, #tpu.memory_space<vmem>>, vector<16xf32>,
          %add3A_501 = arith.addf %get3A_500, %get3A_493 : vector<16xf32>
          %mul3A_502 = arith.mulf %add3A_497, %add3A_501 : vector<16xf32>
          %mul3A_503 = arith.mulf %mul3A_502, %gather3A_459 : vector<16xf32>
          %swap3A_504 = arith.index_cast %add3A_455 : i32 to index
          %swap3A_505 = arith.constant 32 : index
          %swap3A_506 = tpu.vector_load %arg27[%swap3A_504, %swap3A_505] {strides = array<i32>} : memref<80x64xf32, #tpu.memory_space<vmem>>, vector<16xf32>,
          tpu.vector_store %arg27[%swap3A_504, %swap3A_505], %mul3A_503 {strides = array<i32>} : memref<80x64xf32, #tpu.memory_space<vmem>>, vector<16xf32>,
          %get3A_507 = arith.index_cast %add3A_455 : i32 to index
          %get3A_508 = arith.constant 48 : index
          %get3A_509 = tpu.vector_load %arg25[%get3A_507, %get3A_508] {strides = array<i32>} : memref<80x64xf32, #tpu.memory_space<vmem>>, vector<16xf32>,
          %get3A_510 = arith.index_cast %add3A_455 : i32 to index
          %get3A_511 = arith.constant 48 : index
          %get3A_512 = tpu.vector_load %arg23[%get3A_510, %get3A_511] {strides = array<i32>} : memref<80x64xf32, #tpu.memory_space<vmem>>, vector<16xf32>,
          %add3A_513 = arith.addf %get3A_512, %get3A_509 : vector<16xf32>
          %get3A_514 = arith.index_cast %add3A_455 : i32 to index
          %get3A_515 = arith.constant 48 : index
          %get3A_516 = tpu.vector_load %arg24[%get3A_514, %get3A_515] {strides = array<i32>} : memref<80x64xf32, #tpu.memory_space<vmem>>, vector<16xf32>,
          %add3A_517 = arith.addf %get3A_516, %get3A_509 : vector<16xf32>
          %mul3A_518 = arith.mulf %add3A_513, %add3A_517 : vector<16xf32>
          %mul3A_519 = arith.mulf %mul3A_518, %gather3A_459 : vector<16xf32>
          %swap3A_520 = arith.index_cast %add3A_455 : i32 to index
          %swap3A_521 = arith.constant 48 : index
          %swap3A_522 = tpu.vector_load %arg27[%swap3A_520, %swap3A_521] {strides = array<i32>} : memref<80x64xf32, #tpu.memory_space<vmem>>, vector<16xf32>,
          tpu.vector_store %arg27[%swap3A_520, %swap3A_521], %mul3A_519 {strides = array<i32>} : memref<80x64xf32, #tpu.memory_space<vmem>>, vector<16xf32>,
          %add3A_523 = arith.constant 1 : i32
          %add3A_524 = arith.addi %mul3A_426, %add3A_523 : i32
          %broadcast_in_dim3A_525 = arith.constant 1 : i32
          %broadcast_in_dim3A_526 = vector.broadcast %broadcast_in_dim3A_525 : i32 to vector<16x1xi32>
          %gather3A_527 = vector.shape_cast %broadcast_in_dim3A_526 : vector<16x1xi32> to vector<16xi32>
          %gather3A_528 = tpu.dynamic_gather %exp3A[%gather3A_527] in [0] : vector<16xf32>, vector<16xi32> -> vector<16xf32>
          %get3A_529 = arith.index_cast %add3A_524 : i32 to index
          %get3A_530 = arith.constant 0 : index
          %get3A_531 = tpu.vector_load %arg25[%get3A_529, %get3A_530] {strides = array<i32>} : memref<80x64xf32, #tpu.memory_space<vmem>>, vector<16xf32>,
          %get3A_532 = arith.index_cast %add3A_524 : i32 to index
          %get3A_533 = arith.constant 0 : index
          %get3A_534 = tpu.vector_load %arg23[%get3A_532, %get3A_533] {strides = array<i32>} : memref<80x64xf32, #tpu.memory_space<vmem>>, vector<16xf32>,
          %add3A_535 = arith.addf %get3A_534, %get3A_531 : vector<16xf32>
          %get3A_536 = arith.index_cast %add3A_524 : i32 to index
          %get3A_537 = arith.constant 0 : index
          %get3A_538 = tpu.vector_load %arg24[%get3A_536, %get3A_537] {strides = array<i32>} : memref<80x64xf32, #tpu.memory_space<vmem>>, vector<16xf32>,
          %add3A_539 = arith.addf %get3A_538, %get3A_531 : vector<16xf32>
          %mul3A_540 = arith.mulf %add3A_535, %add3A_539 : vector<16xf32>
          %mul3A_541 = arith.mulf %mul3A_540, %gather3A_528 : vector<16xf32>
          %swap3A_542 = arith.index_cast %add3A_524 : i32 to index
          %swap3A_543 = arith.constant 0 : index
          %swap3A_544 = tpu.vector_load %arg27[%swap3A_542, %swap3A_543] {strides = array<i32>} : memref<80x64xf32, #tpu.memory_space<vmem>>, vector<16xf32>,
          tpu.vector_store %arg27[%swap3A_542, %swap3A_543], %mul3A_541 {strides = array<i32>} : memref<80x64xf32, #tpu.memory_space<vmem>>, vector<16xf32>,
          %get3A_545 = arith.index_cast %add3A_524 : i32 to index
          %get3A_546 = arith.constant 16 : index
          %get3A_547 = tpu.vector_load %arg25[%get3A_545, %get3A_546] {strides = array<i32>} : memref<80x64xf32, #tpu.memory_space<vmem>>, vector<16xf32>,
          %get3A_548 = arith.index_cast %add3A_524 : i32 to index
          %get3A_549 = arith.constant 16 : index
          %get3A_550 = tpu.vector_load %arg23[%get3A_548, %get3A_549] {strides = array<i32>} : memref<80x64xf32, #tpu.memory_space<vmem>>, vector<16xf32>,
          %add3A_551 = arith.addf %get3A_550, %get3A_547 : vector<16xf32>
          %get3A_552 = arith.index_cast %add3A_524 : i32 to index
          %get3A_553 = arith.constant 16 : index
          %get3A_554 = tpu.vector_load %arg24[%get3A_552, %get3A_553] {strides = array<i32>} : memref<80x64xf32, #tpu.memory_space<vmem>>, vector<16xf32>,
          %add3A_555 = arith.addf %get3A_554, %get3A_547 : vector<16xf32>
          %mul3A_556 = arith.mulf %add3A_551, %add3A_555 : vector<16xf32>
          %mul3A_557 = arith.mulf %mul3A_556, %gather3A_528 : vector<16xf32>
          %swap3A_558 = arith.index_cast %add3A_524 : i32 to index
          %swap3A_559 = arith.constant 16 : index
          %swap3A_560 = tpu.vector_load %arg27[%swap3A_558, %swap3A_559] {strides = array<i32>} : memref<80x64xf32, #tpu.memory_space<vmem>>, vector<16xf32>,
          tpu.vector_store %arg27[%swap3A_558, %swap3A_559], %mul3A_557 {strides = array<i32>} : memref<80x64xf32, #tpu.memory_space<vmem>>, vector<16xf32>,
          %get3A_561 = arith.index_cast %add3A_524 : i32 to index
          %get3A_562 = arith.constant 32 : index
          %get3A_563 = tpu.vector_load %arg25[%get3A_561, %get3A_562] {strides = array<i32>} : memref<80x64xf32, #tpu.memory_space<vmem>>, vector<16xf32>,
          %get3A_564 = arith.index_cast %add3A_524 : i32 to index
          %get3A_565 = arith.constant 32 : index
          %get3A_566 = tpu.vector_load %arg23[%get3A_564, %get3A_565] {strides = array<i32>} : memref<80x64xf32, #tpu.memory_space<vmem>>, vector<16xf32>,
          %add3A_567 = arith.addf %get3A_566, %get3A_563 : vector<16xf32>
          %get3A_568 = arith.index_cast %add3A_524 : i32 to index
          %get3A_569 = arith.constant 32 : index
          %get3A_570 = tpu.vector_load %arg24[%get3A_568, %get3A_569] {strides = array<i32>} : memref<80x64xf32, #tpu.memory_space<vmem>>, vector<16xf32>,
          %add3A_571 = arith.addf %get3A_570, %get3A_563 : vector<16xf32>
          %mul3A_572 = arith.mulf %add3A_567, %add3A_571 : vector<16xf32>
          %mul3A_573 = arith.mulf %mul3A_572, %gather3A_528 : vector<16xf32>
          %swap3A_574 = arith.index_cast %add3A_524 : i32 to index
          %swap3A_575 = arith.constant 32 : index
          %swap3A_576 = tpu.vector_load %arg27[%swap3A_574, %swap3A_575] {strides = array<i32>} : memref<80x64xf32, #tpu.memory_space<vmem>>, vector<16xf32>,
          tpu.vector_store %arg27[%swap3A_574, %swap3A_575], %mul3A_573 {strides = array<i32>} : memref<80x64xf32, #tpu.memory_space<vmem>>, vector<16xf32>,
          %get3A_577 = arith.index_cast %add3A_524 : i32 to index
          %get3A_578 = arith.constant 48 : index
          %get3A_579 = tpu.vector_load %arg25[%get3A_577, %get3A_578] {strides = array<i32>} : memref<80x64xf32, #tpu.memory_space<vmem>>, vector<16xf32>,
          %get3A_580 = arith.index_cast %add3A_524 : i32 to index
          %get3A_581 = arith.constant 48 : index
          %get3A_582 = tpu.vector_load %arg23[%get3A_580, %get3A_581] {strides = array<i32>} : memref<80x64xf32, #tpu.memory_space<vmem>>, vector<16xf32>,
          %add3A_583 = arith.addf %get3A_582, %get3A_579 : vector<16xf32>
          %get3A_584 = arith.index_cast %add3A_524 : i32 to index
          %get3A_585 = arith.constant 48 : index
          %get3A_586 = tpu.vector_load %arg24[%get3A_584, %get3A_585] {strides = array<i32>} : memref<80x64xf32, #tpu.memory_space<vmem>>, vector<16xf32>,
          %add3A_587 = arith.addf %get3A_586, %get3A_579 : vector<16xf32>
          %mul3A_588 = arith.mulf %add3A_583, %add3A_587 : vector<16xf32>
          %mul3A_589 = arith.mulf %mul3A_588, %gather3A_528 : vector<16xf32>
          %swap3A_590 = arith.index_cast %add3A_524 : i32 to index
          %swap3A_591 = arith.constant 48 : index
          %swap3A_592 = tpu.vector_load %arg27[%swap3A_590, %swap3A_591] {strides = array<i32>} : memref<80x64xf32, #tpu.memory_space<vmem>>, vector<16xf32>,
          tpu.vector_store %arg27[%swap3A_590, %swap3A_591], %mul3A_589 {strides = array<i32>} : memref<80x64xf32, #tpu.memory_space<vmem>>, vector<16xf32>,
          %add3A_593 = arith.constant 2 : i32
          %add3A_594 = arith.addi %mul3A_426, %add3A_593 : i32
          %broadcast_in_dim3A_595 = arith.constant 2 : i32
          %broadcast_in_dim3A_596 = vector.broadcast %broadcast_in_dim3A_595 : i32 to vector<16x1xi32>
          %gather3A_597 = vector.shape_cast %broadcast_in_dim3A_596 : vector<16x1xi32> to vector<16xi32>
          %gather3A_598 = tpu.dynamic_gather %exp3A[%gather3A_597] in [0] : vector<16xf32>, vector<16xi32> -> vector<16xf32>
          %get3A_599 = arith.index_cast %add3A_594 : i32 to index
          %get3A_600 = arith.constant 0 : index
          %get3A_601 = tpu.vector_load %arg25[%get3A_599, %get3A_600] {strides = array<i32>} : memref<80x64xf32, #tpu.memory_space<vmem>>, vector<16xf32>,
          %get3A_602 = arith.index_cast %add3A_594 : i32 to index
          %get3A_603 = arith.constant 0 : index
          %get3A_604 = tpu.vector_load %arg23[%get3A_602, %get3A_603] {strides = array<i32>} : memref<80x64xf32, #tpu.memory_space<vmem>>, vector<16xf32>,
          %add3A_605 = arith.addf %get3A_604, %get3A_601 : vector<16xf32>
          %get3A_606 = arith.index_cast %add3A_594 : i32 to index
          %get3A_607 = arith.constant 0 : index
          %get3A_608 = tpu.vector_load %arg24[%get3A_606, %get3A_607] {strides = array<i32>} : memref<80x64xf32, #tpu.memory_space<vmem>>, vector<16xf32>,
          %add3A_609 = arith.addf %get3A_608, %get3A_601 : vector<16xf32>
          %mul3A_610 = arith.mulf %add3A_605, %add3A_609 : vector<16xf32>
          %mul3A_611 = arith.mulf %mul3A_610, %gather3A_598 : vector<16xf32>
          %swap3A_612 = arith.index_cast %add3A_594 : i32 to index
          %swap3A_613 = arith.constant 0 : index
          %swap3A_614 = tpu.vector_load %arg27[%swap3A_612, %swap3A_613] {strides = array<i32>} : memref<80x64xf32, #tpu.memory_space<vmem>>, vector<16xf32>,
          tpu.vector_store %arg27[%swap3A_612, %swap3A_613], %mul3A_611 {strides = array<i32>} : memref<80x64xf32, #tpu.memory_space<vmem>>, vector<16xf32>,
          %get3A_615 = arith.index_cast %add3A_594 : i32 to index
          %get3A_616 = arith.constant 16 : index
          %get3A_617 = tpu.vector_load %arg25[%get3A_615, %get3A_616] {strides = array<i32>} : memref<80x64xf32, #tpu.memory_space<vmem>>, vector<16xf32>,
          %get3A_618 = arith.index_cast %add3A_594 : i32 to index
          %get3A_619 = arith.constant 16 : index
          %get3A_620 = tpu.vector_load %arg23[%get3A_618, %get3A_619] {strides = array<i32>} : memref<80x64xf32, #tpu.memory_space<vmem>>, vector<16xf32>,
          %add3A_621 = arith.addf %get3A_620, %get3A_617 : vector<16xf32>
          %get3A_622 = arith.index_cast %add3A_594 : i32 to index
          %get3A_623 = arith.constant 16 : index
          %get3A_624 = tpu.vector_load %arg24[%get3A_622, %get3A_623] {strides = array<i32>} : memref<80x64xf32, #tpu.memory_space<vmem>>, vector<16xf32>,
          %add3A_625 = arith.addf %get3A_624, %get3A_617 : vector<16xf32>
          %mul3A_626 = arith.mulf %add3A_621, %add3A_625 : vector<16xf32>
          %mul3A_627 = arith.mulf %mul3A_626, %gather3A_598 : vector<16xf32>
          %swap3A_628 = arith.index_cast %add3A_594 : i32 to index
          %swap3A_629 = arith.constant 16 : index
          %swap3A_630 = tpu.vector_load %arg27[%swap3A_628, %swap3A_629] {strides = array<i32>} : memref<80x64xf32, #tpu.memory_space<vmem>>, vector<16xf32>,
          tpu.vector_store %arg27[%swap3A_628, %swap3A_629], %mul3A_627 {strides = array<i32>} : memref<80x64xf32, #tpu.memory_space<vmem>>, vector<16xf32>,
          %get3A_631 = arith.index_cast %add3A_594 : i32 to index
          %get3A_632 = arith.constant 32 : index
          %get3A_633 = tpu.vector_load %arg25[%get3A_631, %get3A_632] {strides = array<i32>} : memref<80x64xf32, #tpu.memory_space<vmem>>, vector<16xf32>,
          %get3A_634 = arith.index_cast %add3A_594 : i32 to index
          %get3A_635 = arith.constant 32 : index
          %get3A_636 = tpu.vector_load %arg23[%get3A_634, %get3A_635] {strides = array<i32>} : memref<80x64xf32, #tpu.memory_space<vmem>>, vector<16xf32>,
          %add3A_637 = arith.addf %get3A_636, %get3A_633 : vector<16xf32>
          %get3A_638 = arith.index_cast %add3A_594 : i32 to index
          %get3A_639 = arith.constant 32 : index
          %get3A_640 = tpu.vector_load %arg24[%get3A_638, %get3A_639] {strides = array<i32>} : memref<80x64xf32, #tpu.memory_space<vmem>>, vector<16xf32>,
          %add3A_641 = arith.addf %get3A_640, %get3A_633 : vector<16xf32>
          %mul3A_642 = arith.mulf %add3A_637, %add3A_641 : vector<16xf32>
          %mul3A_643 = arith.mulf %mul3A_642, %gather3A_598 : vector<16xf32>
          %swap3A_644 = arith.index_cast %add3A_594 : i32 to index
          %swap3A_645 = arith.constant 32 : index
          %swap3A_646 = tpu.vector_load %arg27[%swap3A_644, %swap3A_645] {strides = array<i32>} : memref<80x64xf32, #tpu.memory_space<vmem>>, vector<16xf32>,
          tpu.vector_store %arg27[%swap3A_644, %swap3A_645], %mul3A_643 {strides = array<i32>} : memref<80x64xf32, #tpu.memory_space<vmem>>, vector<16xf32>,
          %get3A_647 = arith.index_cast %add3A_594 : i32 to index
          %get3A_648 = arith.constant 48 : index
          %get3A_649 = tpu.vector_load %arg25[%get3A_647, %get3A_648] {strides = array<i32>} : memref<80x64xf32, #tpu.memory_space<vmem>>, vector<16xf32>,
          %get3A_650 = arith.index_cast %add3A_594 : i32 to index
          %get3A_651 = arith.constant 48 : index
          %get3A_652 = tpu.vector_load %arg23[%get3A_650, %get3A_651] {strides = array<i32>} : memref<80x64xf32, #tpu.memory_space<vmem>>, vector<16xf32>,
          %add3A_653 = arith.addf %get3A_652, %get3A_649 : vector<16xf32>
          %get3A_654 = arith.index_cast %add3A_594 : i32 to index
          %get3A_655 = arith.constant 48 : index
          %get3A_656 = tpu.vector_load %arg24[%get3A_654, %get3A_655] {strides = array<i32>} : memref<80x64xf32, #tpu.memory_space<vmem>>, vector<16xf32>,
          %add3A_657 = arith.addf %get3A_656, %get3A_649 : vector<16xf32>
          %mul3A_658 = arith.mulf %add3A_653, %add3A_657 : vector<16xf32>
          %mul3A_659 = arith.mulf %mul3A_658, %gather3A_598 : vector<16xf32>
          %swap3A_660 = arith.index_cast %add3A_594 : i32 to index
          %swap3A_661 = arith.constant 48 : index
          %swap3A_662 = tpu.vector_load %arg27[%swap3A_660, %swap3A_661] {strides = array<i32>} : memref<80x64xf32, #tpu.memory_space<vmem>>, vector<16xf32>,
          tpu.vector_store %arg27[%swap3A_660, %swap3A_661], %mul3A_659 {strides = array<i32>} : memref<80x64xf32, #tpu.memory_space<vmem>>, vector<16xf32>,
          %add3A_663 = arith.constant 3 : i32
          %add3A_664 = arith.addi %mul3A_426, %add3A_663 : i32
          %broadcast_in_dim3A_665 = arith.constant 3 : i32
          %broadcast_in_dim3A_666 = vector.broadcast %broadcast_in_dim3A_665 : i32 to vector<16x1xi32>
          %gather3A_667 = vector.shape_cast %broadcast_in_dim3A_666 : vector<16x1xi32> to vector<16xi32>
          %gather3A_668 = tpu.dynamic_gather %exp3A[%gather3A_667] in [0] : vector<16xf32>, vector<16xi32> -> vector<16xf32>
          %get3A_669 = arith.index_cast %add3A_664 : i32 to index
          %get3A_670 = arith.constant 0 : index
          %get3A_671 = tpu.vector_load %arg25[%get3A_669, %get3A_670] {strides = array<i32>} : memref<80x64xf32, #tpu.memory_space<vmem>>, vector<16xf32>,
          %get3A_672 = arith.index_cast %add3A_664 : i32 to index
          %get3A_673 = arith.constant 0 : index
          %get3A_674 = tpu.vector_load %arg23[%get3A_672, %get3A_673] {strides = array<i32>} : memref<80x64xf32, #tpu.memory_space<vmem>>, vector<16xf32>,
          %add3A_675 = arith.addf %get3A_674, %get3A_671 : vector<16xf32>
          %get3A_676 = arith.index_cast %add3A_664 : i32 to index
          %get3A_677 = arith.constant 0 : index
          %get3A_678 = tpu.vector_load %arg24[%get3A_676, %get3A_677] {strides = array<i32>} : memref<80x64xf32, #tpu.memory_space<vmem>>, vector<16xf32>,
          %add3A_679 = arith.addf %get3A_678, %get3A_671 : vector<16xf32>
          %mul3A_680 = arith.mulf %add3A_675, %add3A_679 : vector<16xf32>
          %mul3A_681 = arith.mulf %mul3A_680, %gather3A_668 : vector<16xf32>
          %swap3A_682 = arith.index_cast %add3A_664 : i32 to index
          %swap3A_683 = arith.constant 0 : index
          %swap3A_684 = tpu.vector_load %arg27[%swap3A_682, %swap3A_683] {strides = array<i32>} : memref<80x64xf32, #tpu.memory_space<vmem>>, vector<16xf32>,
          tpu.vector_store %arg27[%swap3A_682, %swap3A_683], %mul3A_681 {strides = array<i32>} : memref<80x64xf32, #tpu.memory_space<vmem>>, vector<16xf32>,
          %get3A_685 = arith.index_cast %add3A_664 : i32 to index
          %get3A_686 = arith.constant 16 : index
          %get3A_687 = tpu.vector_load %arg25[%get3A_685, %get3A_686] {strides = array<i32>} : memref<80x64xf32, #tpu.memory_space<vmem>>, vector<16xf32>,
          %get3A_688 = arith.index_cast %add3A_664 : i32 to index
          %get3A_689 = arith.constant 16 : index
          %get3A_690 = tpu.vector_load %arg23[%get3A_688, %get3A_689] {strides = array<i32>} : memref<80x64xf32, #tpu.memory_space<vmem>>, vector<16xf32>,
          %add3A_691 = arith.addf %get3A_690, %get3A_687 : vector<16xf32>
          %get3A_692 = arith.index_cast %add3A_664 : i32 to index
          %get3A_693 = arith.constant 16 : index
          %get3A_694 = tpu.vector_load %arg24[%get3A_692, %get3A_693] {strides = array<i32>} : memref<80x64xf32, #tpu.memory_space<vmem>>, vector<16xf32>,
          %add3A_695 = arith.addf %get3A_694, %get3A_687 : vector<16xf32>
          %mul3A_696 = arith.mulf %add3A_691, %add3A_695 : vector<16xf32>
          %mul3A_697 = arith.mulf %mul3A_696, %gather3A_668 : vector<16xf32>
          %swap3A_698 = arith.index_cast %add3A_664 : i32 to index
          %swap3A_699 = arith.constant 16 : index
          %swap3A_700 = tpu.vector_load %arg27[%swap3A_698, %swap3A_699] {strides = array<i32>} : memref<80x64xf32, #tpu.memory_space<vmem>>, vector<16xf32>,
          tpu.vector_store %arg27[%swap3A_698, %swap3A_699], %mul3A_697 {strides = array<i32>} : memref<80x64xf32, #tpu.memory_space<vmem>>, vector<16xf32>,
          %get3A_701 = arith.index_cast %add3A_664 : i32 to index
          %get3A_702 = arith.constant 32 : index
          %get3A_703 = tpu.vector_load %arg25[%get3A_701, %get3A_702] {strides = array<i32>} : memref<80x64xf32, #tpu.memory_space<vmem>>, vector<16xf32>,
          %get3A_704 = arith.index_cast %add3A_664 : i32 to index
          %get3A_705 = arith.constant 32 : index
          %get3A_706 = tpu.vector_load %arg23[%get3A_704, %get3A_705] {strides = array<i32>} : memref<80x64xf32, #tpu.memory_space<vmem>>, vector<16xf32>,
          %add3A_707 = arith.addf %get3A_706, %get3A_703 : vector<16xf32>
          %get3A_708 = arith.index_cast %add3A_664 : i32 to index
          %get3A_709 = arith.constant 32 : index
          %get3A_710 = tpu.vector_load %arg24[%get3A_708, %get3A_709] {strides = array<i32>} : memref<80x64xf32, #tpu.memory_space<vmem>>, vector<16xf32>,
          %add3A_711 = arith.addf %get3A_710, %get3A_703 : vector<16xf32>
          %mul3A_712 = arith.mulf %add3A_707, %add3A_711 : vector<16xf32>
          %mul3A_713 = arith.mulf %mul3A_712, %gather3A_668 : vector<16xf32>
          %swap3A_714 = arith.index_cast %add3A_664 : i32 to index
          %swap3A_715 = arith.constant 32 : index
          %swap3A_716 = tpu.vector_load %arg27[%swap3A_714, %swap3A_715] {strides = array<i32>} : memref<80x64xf32, #tpu.memory_space<vmem>>, vector<16xf32>,
          tpu.vector_store %arg27[%swap3A_714, %swap3A_715], %mul3A_713 {strides = array<i32>} : memref<80x64xf32, #tpu.memory_space<vmem>>, vector<16xf32>,
          %get3A_717 = arith.index_cast %add3A_664 : i32 to index
          %get3A_718 = arith.constant 48 : index
          %get3A_719 = tpu.vector_load %arg25[%get3A_717, %get3A_718] {strides = array<i32>} : memref<80x64xf32, #tpu.memory_space<vmem>>, vector<16xf32>,
          %get3A_720 = arith.index_cast %add3A_664 : i32 to index
          %get3A_721 = arith.constant 48 : index
          %get3A_722 = tpu.vector_load %arg23[%get3A_720, %get3A_721] {strides = array<i32>} : memref<80x64xf32, #tpu.memory_space<vmem>>, vector<16xf32>,
          %add3A_723 = arith.addf %get3A_722, %get3A_719 : vector<16xf32>
          %get3A_724 = arith.index_cast %add3A_664 : i32 to index
          %get3A_725 = arith.constant 48 : index
          %get3A_726 = tpu.vector_load %arg24[%get3A_724, %get3A_725] {strides = array<i32>} : memref<80x64xf32, #tpu.memory_space<vmem>>, vector<16xf32>,
          %add3A_727 = arith.addf %get3A_726, %get3A_719 : vector<16xf32>
          %mul3A_728 = arith.mulf %add3A_723, %add3A_727 : vector<16xf32>
          %mul3A_729 = arith.mulf %mul3A_728, %gather3A_668 : vector<16xf32>
          %swap3A_730 = arith.index_cast %add3A_664 : i32 to index
          %swap3A_731 = arith.constant 48 : index
          %swap3A_732 = tpu.vector_load %arg27[%swap3A_730, %swap3A_731] {strides = array<i32>} : memref<80x64xf32, #tpu.memory_space<vmem>>, vector<16xf32>,
          tpu.vector_store %arg27[%swap3A_730, %swap3A_731], %mul3A_729 {strides = array<i32>} : memref<80x64xf32, #tpu.memory_space<vmem>>, vector<16xf32>,
          %add3A_733 = arith.constant 4 : i32
          %add3A_734 = arith.addi %mul3A_426, %add3A_733 : i32
          %broadcast_in_dim3A_735 = arith.constant 4 : i32
          %broadcast_in_dim3A_736 = vector.broadcast %broadcast_in_dim3A_735 : i32 to vector<16x1xi32>
          %gather3A_737 = vector.shape_cast %broadcast_in_dim3A_736 : vector<16x1xi32> to vector<16xi32>
          %gather3A_738 = tpu.dynamic_gather %exp3A[%gather3A_737] in [0] : vector<16xf32>, vector<16xi32> -> vector<16xf32>
          %get3A_739 = arith.index_cast %add3A_734 : i32 to index
          %get3A_740 = arith.constant 0 : index
          %get3A_741 = tpu.vector_load %arg25[%get3A_739, %get3A_740] {strides = array<i32>} : memref<80x64xf32, #tpu.memory_space<vmem>>, vector<16xf32>,
          %get3A_742 = arith.index_cast %add3A_734 : i32 to index
          %get3A_743 = arith.constant 0 : index
          %get3A_744 = tpu.vector_load %arg23[%get3A_742, %get3A_743] {strides = array<i32>} : memref<80x64xf32, #tpu.memory_space<vmem>>, vector<16xf32>,
          %add3A_745 = arith.addf %get3A_744, %get3A_741 : vector<16xf32>
          %get3A_746 = arith.index_cast %add3A_734 : i32 to index
          %get3A_747 = arith.constant 0 : index
          %get3A_748 = tpu.vector_load %arg24[%get3A_746, %get3A_747] {strides = array<i32>} : memref<80x64xf32, #tpu.memory_space<vmem>>, vector<16xf32>,
          %add3A_749 = arith.addf %get3A_748, %get3A_741 : vector<16xf32>
          %mul3A_750 = arith.mulf %add3A_745, %add3A_749 : vector<16xf32>
          %mul3A_751 = arith.mulf %mul3A_750, %gather3A_738 : vector<16xf32>
          %swap3A_752 = arith.index_cast %add3A_734 : i32 to index
          %swap3A_753 = arith.constant 0 : index
          %swap3A_754 = tpu.vector_load %arg27[%swap3A_752, %swap3A_753] {strides = array<i32>} : memref<80x64xf32, #tpu.memory_space<vmem>>, vector<16xf32>,
          tpu.vector_store %arg27[%swap3A_752, %swap3A_753], %mul3A_751 {strides = array<i32>} : memref<80x64xf32, #tpu.memory_space<vmem>>, vector<16xf32>,
          %get3A_755 = arith.index_cast %add3A_734 : i32 to index
          %get3A_756 = arith.constant 16 : index
          %get3A_757 = tpu.vector_load %arg25[%get3A_755, %get3A_756] {strides = array<i32>} : memref<80x64xf32, #tpu.memory_space<vmem>>, vector<16xf32>,
          %get3A_758 = arith.index_cast %add3A_734 : i32 to index
          %get3A_759 = arith.constant 16 : index
          %get3A_760 = tpu.vector_load %arg23[%get3A_758, %get3A_759] {strides = array<i32>} : memref<80x64xf32, #tpu.memory_space<vmem>>, vector<16xf32>,
          %add3A_761 = arith.addf %get3A_760, %get3A_757 : vector<16xf32>
          %get3A_762 = arith.index_cast %add3A_734 : i32 to index
          %get3A_763 = arith.constant 16 : index
          %get3A_764 = tpu.vector_load %arg24[%get3A_762, %get3A_763] {strides = array<i32>} : memref<80x64xf32, #tpu.memory_space<vmem>>, vector<16xf32>,
          %add3A_765 = arith.addf %get3A_764, %get3A_757 : vector<16xf32>
          %mul3A_766 = arith.mulf %add3A_761, %add3A_765 : vector<16xf32>
          %mul3A_767 = arith.mulf %mul3A_766, %gather3A_738 : vector<16xf32>
          %swap3A_768 = arith.index_cast %add3A_734 : i32 to index
          %swap3A_769 = arith.constant 16 : index
          %swap3A_770 = tpu.vector_load %arg27[%swap3A_768, %swap3A_769] {strides = array<i32>} : memref<80x64xf32, #tpu.memory_space<vmem>>, vector<16xf32>,
          tpu.vector_store %arg27[%swap3A_768, %swap3A_769], %mul3A_767 {strides = array<i32>} : memref<80x64xf32, #tpu.memory_space<vmem>>, vector<16xf32>,
          %get3A_771 = arith.index_cast %add3A_734 : i32 to index
          %get3A_772 = arith.constant 32 : index
          %get3A_773 = tpu.vector_load %arg25[%get3A_771, %get3A_772] {strides = array<i32>} : memref<80x64xf32, #tpu.memory_space<vmem>>, vector<16xf32>,
          %get3A_774 = arith.index_cast %add3A_734 : i32 to index
          %get3A_775 = arith.constant 32 : index
          %get3A_776 = tpu.vector_load %arg23[%get3A_774, %get3A_775] {strides = array<i32>} : memref<80x64xf32, #tpu.memory_space<vmem>>, vector<16xf32>,
          %add3A_777 = arith.addf %get3A_776, %get3A_773 : vector<16xf32>
          %get3A_778 = arith.index_cast %add3A_734 : i32 to index
          %get3A_779 = arith.constant 32 : index
          %get3A_780 = tpu.vector_load %arg24[%get3A_778, %get3A_779] {strides = array<i32>} : memref<80x64xf32, #tpu.memory_space<vmem>>, vector<16xf32>,
          %add3A_781 = arith.addf %get3A_780, %get3A_773 : vector<16xf32>
          %mul3A_782 = arith.mulf %add3A_777, %add3A_781 : vector<16xf32>
          %mul3A_783 = arith.mulf %mul3A_782, %gather3A_738 : vector<16xf32>
          %swap3A_784 = arith.index_cast %add3A_734 : i32 to index
          %swap3A_785 = arith.constant 32 : index
          %swap3A_786 = tpu.vector_load %arg27[%swap3A_784, %swap3A_785] {strides = array<i32>} : memref<80x64xf32, #tpu.memory_space<vmem>>, vector<16xf32>,
          tpu.vector_store %arg27[%swap3A_784, %swap3A_785], %mul3A_783 {strides = array<i32>} : memref<80x64xf32, #tpu.memory_space<vmem>>, vector<16xf32>,
          %get3A_787 = arith.index_cast %add3A_734 : i32 to index
          %get3A_788 = arith.constant 48 : index
          %get3A_789 = tpu.vector_load %arg25[%get3A_787, %get3A_788] {strides = array<i32>} : memref<80x64xf32, #tpu.memory_space<vmem>>, vector<16xf32>,
          %get3A_790 = arith.index_cast %add3A_734 : i32 to index
          %get3A_791 = arith.constant 48 : index
          %get3A_792 = tpu.vector_load %arg23[%get3A_790, %get3A_791] {strides = array<i32>} : memref<80x64xf32, #tpu.memory_space<vmem>>, vector<16xf32>,
          %add3A_793 = arith.addf %get3A_792, %get3A_789 : vector<16xf32>
          %get3A_794 = arith.index_cast %add3A_734 : i32 to index
          %get3A_795 = arith.constant 48 : index
          %get3A_796 = tpu.vector_load %arg24[%get3A_794, %get3A_795] {strides = array<i32>} : memref<80x64xf32, #tpu.memory_space<vmem>>, vector<16xf32>,
          %add3A_797 = arith.addf %get3A_796, %get3A_789 : vector<16xf32>
          %mul3A_798 = arith.mulf %add3A_793, %add3A_797 : vector<16xf32>
          %mul3A_799 = arith.mulf %mul3A_798, %gather3A_738 : vector<16xf32>
          %swap3A_800 = arith.index_cast %add3A_734 : i32 to index
          %swap3A_801 = arith.constant 48 : index
          %swap3A_802 = tpu.vector_load %arg27[%swap3A_800, %swap3A_801] {strides = array<i32>} : memref<80x64xf32, #tpu.memory_space<vmem>>, vector<16xf32>,
          tpu.vector_store %arg27[%swap3A_800, %swap3A_801], %mul3A_799 {strides = array<i32>} : memref<80x64xf32, #tpu.memory_space<vmem>>, vector<16xf32>,
          %add3A_803 = arith.constant 5 : i32
          %add3A_804 = arith.addi %mul3A_426, %add3A_803 : i32
          %broadcast_in_dim3A_805 = arith.constant 5 : i32
          %broadcast_in_dim3A_806 = vector.broadcast %broadcast_in_dim3A_805 : i32 to vector<16x1xi32>
          %gather3A_807 = vector.shape_cast %broadcast_in_dim3A_806 : vector<16x1xi32> to vector<16xi32>
          %gather3A_808 = tpu.dynamic_gather %exp3A[%gather3A_807] in [0] : vector<16xf32>, vector<16xi32> -> vector<16xf32>
          %get3A_809 = arith.index_cast %add3A_804 : i32 to index
          %get3A_810 = arith.constant 0 : index
          %get3A_811 = tpu.vector_load %arg25[%get3A_809, %get3A_810] {strides = array<i32>} : memref<80x64xf32, #tpu.memory_space<vmem>>, vector<16xf32>,
          %get3A_812 = arith.index_cast %add3A_804 : i32 to index
          %get3A_813 = arith.constant 0 : index
          %get3A_814 = tpu.vector_load %arg23[%get3A_812, %get3A_813] {strides = array<i32>} : memref<80x64xf32, #tpu.memory_space<vmem>>, vector<16xf32>,
          %add3A_815 = arith.addf %get3A_814, %get3A_811 : vector<16xf32>
          %get3A_816 = arith.index_cast %add3A_804 : i32 to index
          %get3A_817 = arith.constant 0 : index
          %get3A_818 = tpu.vector_load %arg24[%get3A_816, %get3A_817] {strides = array<i32>} : memref<80x64xf32, #tpu.memory_space<vmem>>, vector<16xf32>,
          %add3A_819 = arith.addf %get3A_818, %get3A_811 : vector<16xf32>
          %mul3A_820 = arith.mulf %add3A_815, %add3A_819 : vector<16xf32>
          %mul3A_821 = arith.mulf %mul3A_820, %gather3A_808 : vector<16xf32>
          %swap3A_822 = arith.index_cast %add3A_804 : i32 to index
          %swap3A_823 = arith.constant 0 : index
          %swap3A_824 = tpu.vector_load %arg27[%swap3A_822, %swap3A_823] {strides = array<i32>} : memref<80x64xf32, #tpu.memory_space<vmem>>, vector<16xf32>,
          tpu.vector_store %arg27[%swap3A_822, %swap3A_823], %mul3A_821 {strides = array<i32>} : memref<80x64xf32, #tpu.memory_space<vmem>>, vector<16xf32>,
          %get3A_825 = arith.index_cast %add3A_804 : i32 to index
          %get3A_826 = arith.constant 16 : index
          %get3A_827 = tpu.vector_load %arg25[%get3A_825, %get3A_826] {strides = array<i32>} : memref<80x64xf32, #tpu.memory_space<vmem>>, vector<16xf32>,
          %get3A_828 = arith.index_cast %add3A_804 : i32 to index
          %get3A_829 = arith.constant 16 : index
          %get3A_830 = tpu.vector_load %arg23[%get3A_828, %get3A_829] {strides = array<i32>} : memref<80x64xf32, #tpu.memory_space<vmem>>, vector<16xf32>,
          %add3A_831 = arith.addf %get3A_830, %get3A_827 : vector<16xf32>
          %get3A_832 = arith.index_cast %add3A_804 : i32 to index
          %get3A_833 = arith.constant 16 : index
          %get3A_834 = tpu.vector_load %arg24[%get3A_832, %get3A_833] {strides = array<i32>} : memref<80x64xf32, #tpu.memory_space<vmem>>, vector<16xf32>,
          %add3A_835 = arith.addf %get3A_834, %get3A_827 : vector<16xf32>
          %mul3A_836 = arith.mulf %add3A_831, %add3A_835 : vector<16xf32>
          %mul3A_837 = arith.mulf %mul3A_836, %gather3A_808 : vector<16xf32>
          %swap3A_838 = arith.index_cast %add3A_804 : i32 to index
          %swap3A_839 = arith.constant 16 : index
          %swap3A_840 = tpu.vector_load %arg27[%swap3A_838, %swap3A_839] {strides = array<i32>} : memref<80x64xf32, #tpu.memory_space<vmem>>, vector<16xf32>,
          tpu.vector_store %arg27[%swap3A_838, %swap3A_839], %mul3A_837 {strides = array<i32>} : memref<80x64xf32, #tpu.memory_space<vmem>>, vector<16xf32>,
          %get3A_841 = arith.index_cast %add3A_804 : i32 to index
          %get3A_842 = arith.constant 32 : index
          %get3A_843 = tpu.vector_load %arg25[%get3A_841, %get3A_842] {strides = array<i32>} : memref<80x64xf32, #tpu.memory_space<vmem>>, vector<16xf32>,
          %get3A_844 = arith.index_cast %add3A_804 : i32 to index
          %get3A_845 = arith.constant 32 : index
          %get3A_846 = tpu.vector_load %arg23[%get3A_844, %get3A_845] {strides = array<i32>} : memref<80x64xf32, #tpu.memory_space<vmem>>, vector<16xf32>,
          %add3A_847 = arith.addf %get3A_846, %get3A_843 : vector<16xf32>
          %get3A_848 = arith.index_cast %add3A_804 : i32 to index
          %get3A_849 = arith.constant 32 : index
          %get3A_850 = tpu.vector_load %arg24[%get3A_848, %get3A_849] {strides = array<i32>} : memref<80x64xf32, #tpu.memory_space<vmem>>, vector<16xf32>,
          %add3A_851 = arith.addf %get3A_850, %get3A_843 : vector<16xf32>
          %mul3A_852 = arith.mulf %add3A_847, %add3A_851 : vector<16xf32>
          %mul3A_853 = arith.mulf %mul3A_852, %gather3A_808 : vector<16xf32>
          %swap3A_854 = arith.index_cast %add3A_804 : i32 to index
          %swap3A_855 = arith.constant 32 : index
          %swap3A_856 = tpu.vector_load %arg27[%swap3A_854, %swap3A_855] {strides = array<i32>} : memref<80x64xf32, #tpu.memory_space<vmem>>, vector<16xf32>,
          tpu.vector_store %arg27[%swap3A_854, %swap3A_855], %mul3A_853 {strides = array<i32>} : memref<80x64xf32, #tpu.memory_space<vmem>>, vector<16xf32>,
          %get3A_857 = arith.index_cast %add3A_804 : i32 to index
          %get3A_858 = arith.constant 48 : index
          %get3A_859 = tpu.vector_load %arg25[%get3A_857, %get3A_858] {strides = array<i32>} : memref<80x64xf32, #tpu.memory_space<vmem>>, vector<16xf32>,
          %get3A_860 = arith.index_cast %add3A_804 : i32 to index
          %get3A_861 = arith.constant 48 : index
          %get3A_862 = tpu.vector_load %arg23[%get3A_860, %get3A_861] {strides = array<i32>} : memref<80x64xf32, #tpu.memory_space<vmem>>, vector<16xf32>,
          %add3A_863 = arith.addf %get3A_862, %get3A_859 : vector<16xf32>
          %get3A_864 = arith.index_cast %add3A_804 : i32 to index
          %get3A_865 = arith.constant 48 : index
          %get3A_866 = tpu.vector_load %arg24[%get3A_864, %get3A_865] {strides = array<i32>} : memref<80x64xf32, #tpu.memory_space<vmem>>, vector<16xf32>,
          %add3A_867 = arith.addf %get3A_866, %get3A_859 : vector<16xf32>
          %mul3A_868 = arith.mulf %add3A_863, %add3A_867 : vector<16xf32>
          %mul3A_869 = arith.mulf %mul3A_868, %gather3A_808 : vector<16xf32>
          %swap3A_870 = arith.index_cast %add3A_804 : i32 to index
          %swap3A_871 = arith.constant 48 : index
          %swap3A_872 = tpu.vector_load %arg27[%swap3A_870, %swap3A_871] {strides = array<i32>} : memref<80x64xf32, #tpu.memory_space<vmem>>, vector<16xf32>,
          tpu.vector_store %arg27[%swap3A_870, %swap3A_871], %mul3A_869 {strides = array<i32>} : memref<80x64xf32, #tpu.memory_space<vmem>>, vector<16xf32>,
          %add3A_873 = arith.constant 6 : i32
          %add3A_874 = arith.addi %mul3A_426, %add3A_873 : i32
          %broadcast_in_dim3A_875 = arith.constant 6 : i32
          %broadcast_in_dim3A_876 = vector.broadcast %broadcast_in_dim3A_875 : i32 to vector<16x1xi32>
          %gather3A_877 = vector.shape_cast %broadcast_in_dim3A_876 : vector<16x1xi32> to vector<16xi32>
          %gather3A_878 = tpu.dynamic_gather %exp3A[%gather3A_877] in [0] : vector<16xf32>, vector<16xi32> -> vector<16xf32>
          %get3A_879 = arith.index_cast %add3A_874 : i32 to index
          %get3A_880 = arith.constant 0 : index
          %get3A_881 = tpu.vector_load %arg25[%get3A_879, %get3A_880] {strides = array<i32>} : memref<80x64xf32, #tpu.memory_space<vmem>>, vector<16xf32>,
          %get3A_882 = arith.index_cast %add3A_874 : i32 to index
          %get3A_883 = arith.constant 0 : index
          %get3A_884 = tpu.vector_load %arg23[%get3A_882, %get3A_883] {strides = array<i32>} : memref<80x64xf32, #tpu.memory_space<vmem>>, vector<16xf32>,
          %add3A_885 = arith.addf %get3A_884, %get3A_881 : vector<16xf32>
          %get3A_886 = arith.index_cast %add3A_874 : i32 to index
          %get3A_887 = arith.constant 0 : index
          %get3A_888 = tpu.vector_load %arg24[%get3A_886, %get3A_887] {strides = array<i32>} : memref<80x64xf32, #tpu.memory_space<vmem>>, vector<16xf32>,
          %add3A_889 = arith.addf %get3A_888, %get3A_881 : vector<16xf32>
          %mul3A_890 = arith.mulf %add3A_885, %add3A_889 : vector<16xf32>
          %mul3A_891 = arith.mulf %mul3A_890, %gather3A_878 : vector<16xf32>
          %swap3A_892 = arith.index_cast %add3A_874 : i32 to index
          %swap3A_893 = arith.constant 0 : index
          %swap3A_894 = tpu.vector_load %arg27[%swap3A_892, %swap3A_893] {strides = array<i32>} : memref<80x64xf32, #tpu.memory_space<vmem>>, vector<16xf32>,
          tpu.vector_store %arg27[%swap3A_892, %swap3A_893], %mul3A_891 {strides = array<i32>} : memref<80x64xf32, #tpu.memory_space<vmem>>, vector<16xf32>,
          %get3A_895 = arith.index_cast %add3A_874 : i32 to index
          %get3A_896 = arith.constant 16 : index
          %get3A_897 = tpu.vector_load %arg25[%get3A_895, %get3A_896] {strides = array<i32>} : memref<80x64xf32, #tpu.memory_space<vmem>>, vector<16xf32>,
          %get3A_898 = arith.index_cast %add3A_874 : i32 to index
          %get3A_899 = arith.constant 16 : index
          %get3A_900 = tpu.vector_load %arg23[%get3A_898, %get3A_899] {strides = array<i32>} : memref<80x64xf32, #tpu.memory_space<vmem>>, vector<16xf32>,
          %add3A_901 = arith.addf %get3A_900, %get3A_897 : vector<16xf32>
          %get3A_902 = arith.index_cast %add3A_874 : i32 to index
          %get3A_903 = arith.constant 16 : index
          %get3A_904 = tpu.vector_load %arg24[%get3A_902, %get3A_903] {strides = array<i32>} : memref<80x64xf32, #tpu.memory_space<vmem>>, vector<16xf32>,
          %add3A_905 = arith.addf %get3A_904, %get3A_897 : vector<16xf32>
          %mul3A_906 = arith.mulf %add3A_901, %add3A_905 : vector<16xf32>
          %mul3A_907 = arith.mulf %mul3A_906, %gather3A_878 : vector<16xf32>
          %swap3A_908 = arith.index_cast %add3A_874 : i32 to index
          %swap3A_909 = arith.constant 16 : index
          %swap3A_910 = tpu.vector_load %arg27[%swap3A_908, %swap3A_909] {strides = array<i32>} : memref<80x64xf32, #tpu.memory_space<vmem>>, vector<16xf32>,
          tpu.vector_store %arg27[%swap3A_908, %swap3A_909], %mul3A_907 {strides = array<i32>} : memref<80x64xf32, #tpu.memory_space<vmem>>, vector<16xf32>,
          %get3A_911 = arith.index_cast %add3A_874 : i32 to index
          %get3A_912 = arith.constant 32 : index
          %get3A_913 = tpu.vector_load %arg25[%get3A_911, %get3A_912] {strides = array<i32>} : memref<80x64xf32, #tpu.memory_space<vmem>>, vector<16xf32>,
          %get3A_914 = arith.index_cast %add3A_874 : i32 to index
          %get3A_915 = arith.constant 32 : index
          %get3A_916 = tpu.vector_load %arg23[%get3A_914, %get3A_915] {strides = array<i32>} : memref<80x64xf32, #tpu.memory_space<vmem>>, vector<16xf32>,
          %add3A_917 = arith.addf %get3A_916, %get3A_913 : vector<16xf32>
          %get3A_918 = arith.index_cast %add3A_874 : i32 to index
          %get3A_919 = arith.constant 32 : index
          %get3A_920 = tpu.vector_load %arg24[%get3A_918, %get3A_919] {strides = array<i32>} : memref<80x64xf32, #tpu.memory_space<vmem>>, vector<16xf32>,
          %add3A_921 = arith.addf %get3A_920, %get3A_913 : vector<16xf32>
          %mul3A_922 = arith.mulf %add3A_917, %add3A_921 : vector<16xf32>
          %mul3A_923 = arith.mulf %mul3A_922, %gather3A_878 : vector<16xf32>
          %swap3A_924 = arith.index_cast %add3A_874 : i32 to index
          %swap3A_925 = arith.constant 32 : index
          %swap3A_926 = tpu.vector_load %arg27[%swap3A_924, %swap3A_925] {strides = array<i32>} : memref<80x64xf32, #tpu.memory_space<vmem>>, vector<16xf32>,
          tpu.vector_store %arg27[%swap3A_924, %swap3A_925], %mul3A_923 {strides = array<i32>} : memref<80x64xf32, #tpu.memory_space<vmem>>, vector<16xf32>,
          %get3A_927 = arith.index_cast %add3A_874 : i32 to index
          %get3A_928 = arith.constant 48 : index
          %get3A_929 = tpu.vector_load %arg25[%get3A_927, %get3A_928] {strides = array<i32>} : memref<80x64xf32, #tpu.memory_space<vmem>>, vector<16xf32>,
          %get3A_930 = arith.index_cast %add3A_874 : i32 to index
          %get3A_931 = arith.constant 48 : index
          %get3A_932 = tpu.vector_load %arg23[%get3A_930, %get3A_931] {strides = array<i32>} : memref<80x64xf32, #tpu.memory_space<vmem>>, vector<16xf32>,
          %add3A_933 = arith.addf %get3A_932, %get3A_929 : vector<16xf32>
          %get3A_934 = arith.index_cast %add3A_874 : i32 to index
          %get3A_935 = arith.constant 48 : index
          %get3A_936 = tpu.vector_load %arg24[%get3A_934, %get3A_935] {strides = array<i32>} : memref<80x64xf32, #tpu.memory_space<vmem>>, vector<16xf32>,
          %add3A_937 = arith.addf %get3A_936, %get3A_929 : vector<16xf32>
          %mul3A_938 = arith.mulf %add3A_933, %add3A_937 : vector<16xf32>
          %mul3A_939 = arith.mulf %mul3A_938, %gather3A_878 : vector<16xf32>
          %swap3A_940 = arith.index_cast %add3A_874 : i32 to index
          %swap3A_941 = arith.constant 48 : index
          %swap3A_942 = tpu.vector_load %arg27[%swap3A_940, %swap3A_941] {strides = array<i32>} : memref<80x64xf32, #tpu.memory_space<vmem>>, vector<16xf32>,
          tpu.vector_store %arg27[%swap3A_940, %swap3A_941], %mul3A_939 {strides = array<i32>} : memref<80x64xf32, #tpu.memory_space<vmem>>, vector<16xf32>,
          %add3A_943 = arith.constant 7 : i32
          %add3A_944 = arith.addi %mul3A_426, %add3A_943 : i32
          %broadcast_in_dim3A_945 = arith.constant 7 : i32
          %broadcast_in_dim3A_946 = vector.broadcast %broadcast_in_dim3A_945 : i32 to vector<16x1xi32>
          %gather3A_947 = vector.shape_cast %broadcast_in_dim3A_946 : vector<16x1xi32> to vector<16xi32>
          %gather3A_948 = tpu.dynamic_gather %exp3A[%gather3A_947] in [0] : vector<16xf32>, vector<16xi32> -> vector<16xf32>
          %get3A_949 = arith.index_cast %add3A_944 : i32 to index
          %get3A_950 = arith.constant 0 : index
          %get3A_951 = tpu.vector_load %arg25[%get3A_949, %get3A_950] {strides = array<i32>} : memref<80x64xf32, #tpu.memory_space<vmem>>, vector<16xf32>,
          %get3A_952 = arith.index_cast %add3A_944 : i32 to index
          %get3A_953 = arith.constant 0 : index
          %get3A_954 = tpu.vector_load %arg23[%get3A_952, %get3A_953] {strides = array<i32>} : memref<80x64xf32, #tpu.memory_space<vmem>>, vector<16xf32>,
          %add3A_955 = arith.addf %get3A_954, %get3A_951 : vector<16xf32>
          %get3A_956 = arith.index_cast %add3A_944 : i32 to index
          %get3A_957 = arith.constant 0 : index
          %get3A_958 = tpu.vector_load %arg24[%get3A_956, %get3A_957] {strides = array<i32>} : memref<80x64xf32, #tpu.memory_space<vmem>>, vector<16xf32>,
          %add3A_959 = arith.addf %get3A_958, %get3A_951 : vector<16xf32>
          %mul3A_960 = arith.mulf %add3A_955, %add3A_959 : vector<16xf32>
          %mul3A_961 = arith.mulf %mul3A_960, %gather3A_948 : vector<16xf32>
          %swap3A_962 = arith.index_cast %add3A_944 : i32 to index
          %swap3A_963 = arith.constant 0 : index
          %swap3A_964 = tpu.vector_load %arg27[%swap3A_962, %swap3A_963] {strides = array<i32>} : memref<80x64xf32, #tpu.memory_space<vmem>>, vector<16xf32>,
          tpu.vector_store %arg27[%swap3A_962, %swap3A_963], %mul3A_961 {strides = array<i32>} : memref<80x64xf32, #tpu.memory_space<vmem>>, vector<16xf32>,
          %get3A_965 = arith.index_cast %add3A_944 : i32 to index
          %get3A_966 = arith.constant 16 : index
          %get3A_967 = tpu.vector_load %arg25[%get3A_965, %get3A_966] {strides = array<i32>} : memref<80x64xf32, #tpu.memory_space<vmem>>, vector<16xf32>,
          %get3A_968 = arith.index_cast %add3A_944 : i32 to index
          %get3A_969 = arith.constant 16 : index
          %get3A_970 = tpu.vector_load %arg23[%get3A_968, %get3A_969] {strides = array<i32>} : memref<80x64xf32, #tpu.memory_space<vmem>>, vector<16xf32>,
          %add3A_971 = arith.addf %get3A_970, %get3A_967 : vector<16xf32>
          %get3A_972 = arith.index_cast %add3A_944 : i32 to index
          %get3A_973 = arith.constant 16 : index
          %get3A_974 = tpu.vector_load %arg24[%get3A_972, %get3A_973] {strides = array<i32>} : memref<80x64xf32, #tpu.memory_space<vmem>>, vector<16xf32>,
          %add3A_975 = arith.addf %get3A_974, %get3A_967 : vector<16xf32>
          %mul3A_976 = arith.mulf %add3A_971, %add3A_975 : vector<16xf32>
          %mul3A_977 = arith.mulf %mul3A_976, %gather3A_948 : vector<16xf32>
          %swap3A_978 = arith.index_cast %add3A_944 : i32 to index
          %swap3A_979 = arith.constant 16 : index
          %swap3A_980 = tpu.vector_load %arg27[%swap3A_978, %swap3A_979] {strides = array<i32>} : memref<80x64xf32, #tpu.memory_space<vmem>>, vector<16xf32>,
          tpu.vector_store %arg27[%swap3A_978, %swap3A_979], %mul3A_977 {strides = array<i32>} : memref<80x64xf32, #tpu.memory_space<vmem>>, vector<16xf32>,
          %get3A_981 = arith.index_cast %add3A_944 : i32 to index
          %get3A_982 = arith.constant 32 : index
          %get3A_983 = tpu.vector_load %arg25[%get3A_981, %get3A_982] {strides = array<i32>} : memref<80x64xf32, #tpu.memory_space<vmem>>, vector<16xf32>,
          %get3A_984 = arith.index_cast %add3A_944 : i32 to index
          %get3A_985 = arith.constant 32 : index
          %get3A_986 = tpu.vector_load %arg23[%get3A_984, %get3A_985] {strides = array<i32>} : memref<80x64xf32, #tpu.memory_space<vmem>>, vector<16xf32>,
          %add3A_987 = arith.addf %get3A_986, %get3A_983 : vector<16xf32>
          %get3A_988 = arith.index_cast %add3A_944 : i32 to index
          %get3A_989 = arith.constant 32 : index
          %get3A_990 = tpu.vector_load %arg24[%get3A_988, %get3A_989] {strides = array<i32>} : memref<80x64xf32, #tpu.memory_space<vmem>>, vector<16xf32>,
          %add3A_991 = arith.addf %get3A_990, %get3A_983 : vector<16xf32>
          %mul3A_992 = arith.mulf %add3A_987, %add3A_991 : vector<16xf32>
          %mul3A_993 = arith.mulf %mul3A_992, %gather3A_948 : vector<16xf32>
          %swap3A_994 = arith.index_cast %add3A_944 : i32 to index
          %swap3A_995 = arith.constant 32 : index
          %swap3A_996 = tpu.vector_load %arg27[%swap3A_994, %swap3A_995] {strides = array<i32>} : memref<80x64xf32, #tpu.memory_space<vmem>>, vector<16xf32>,
          tpu.vector_store %arg27[%swap3A_994, %swap3A_995], %mul3A_993 {strides = array<i32>} : memref<80x64xf32, #tpu.memory_space<vmem>>, vector<16xf32>,
          %get3A_997 = arith.index_cast %add3A_944 : i32 to index
          %get3A_998 = arith.constant 48 : index
          %get3A_999 = tpu.vector_load %arg25[%get3A_997, %get3A_998] {strides = array<i32>} : memref<80x64xf32, #tpu.memory_space<vmem>>, vector<16xf32>,
          %get3A_1000 = arith.index_cast %add3A_944 : i32 to index
          %get3A_1001 = arith.constant 48 : index
          %get3A_1002 = tpu.vector_load %arg23[%get3A_1000, %get3A_1001] {strides = array<i32>} : memref<80x64xf32, #tpu.memory_space<vmem>>, vector<16xf32>,
          %add3A_1003 = arith.addf %get3A_1002, %get3A_999 : vector<16xf32>
          %get3A_1004 = arith.index_cast %add3A_944 : i32 to index
          %get3A_1005 = arith.constant 48 : index
          %get3A_1006 = tpu.vector_load %arg24[%get3A_1004, %get3A_1005] {strides = array<i32>} : memref<80x64xf32, #tpu.memory_space<vmem>>, vector<16xf32>,
          %add3A_1007 = arith.addf %get3A_1006, %get3A_999 : vector<16xf32>
          %mul3A_1008 = arith.mulf %add3A_1003, %add3A_1007 : vector<16xf32>
          %mul3A_1009 = arith.mulf %mul3A_1008, %gather3A_948 : vector<16xf32>
          %swap3A_1010 = arith.index_cast %add3A_944 : i32 to index
          %swap3A_1011 = arith.constant 48 : index
          %swap3A_1012 = tpu.vector_load %arg27[%swap3A_1010, %swap3A_1011] {strides = array<i32>} : memref<80x64xf32, #tpu.memory_space<vmem>>, vector<16xf32>,
          tpu.vector_store %arg27[%swap3A_1010, %swap3A_1011], %mul3A_1009 {strides = array<i32>} : memref<80x64xf32, #tpu.memory_space<vmem>>, vector<16xf32>,
          %add3A_1013 = arith.constant 8 : i32
          %add3A_1014 = arith.addi %mul3A_426, %add3A_1013 : i32
          %broadcast_in_dim3A_1015 = arith.constant 8 : i32
          %broadcast_in_dim3A_1016 = vector.broadcast %broadcast_in_dim3A_1015 : i32 to vector<16x1xi32>
          %gather3A_1017 = vector.shape_cast %broadcast_in_dim3A_1016 : vector<16x1xi32> to vector<16xi32>
          %gather3A_1018 = tpu.dynamic_gather %exp3A[%gather3A_1017] in [0] : vector<16xf32>, vector<16xi32> -> vector<16xf32>
          %get3A_1019 = arith.index_cast %add3A_1014 : i32 to index
          %get3A_1020 = arith.constant 0 : index
          %get3A_1021 = tpu.vector_load %arg25[%get3A_1019, %get3A_1020] {strides = array<i32>} : memref<80x64xf32, #tpu.memory_space<vmem>>, vector<16xf32>,
          %get3A_1022 = arith.index_cast %add3A_1014 : i32 to index
          %get3A_1023 = arith.constant 0 : index
          %get3A_1024 = tpu.vector_load %arg23[%get3A_1022, %get3A_1023] {strides = array<i32>} : memref<80x64xf32, #tpu.memory_space<vmem>>, vector<16xf32>,
          %add3A_1025 = arith.addf %get3A_1024, %get3A_1021 : vector<16xf32>
          %get3A_1026 = arith.index_cast %add3A_1014 : i32 to index
          %get3A_1027 = arith.constant 0 : index
          %get3A_1028 = tpu.vector_load %arg24[%get3A_1026, %get3A_1027] {strides = array<i32>} : memref<80x64xf32, #tpu.memory_space<vmem>>, vector<16xf32>,
          %add3A_1029 = arith.addf %get3A_1028, %get3A_1021 : vector<16xf32>
          %mul3A_1030 = arith.mulf %add3A_1025, %add3A_1029 : vector<16xf32>
          %mul3A_1031 = arith.mulf %mul3A_1030, %gather3A_1018 : vector<16xf32>
          %swap3A_1032 = arith.index_cast %add3A_1014 : i32 to index
          %swap3A_1033 = arith.constant 0 : index
          %swap3A_1034 = tpu.vector_load %arg27[%swap3A_1032, %swap3A_1033] {strides = array<i32>} : memref<80x64xf32, #tpu.memory_space<vmem>>, vector<16xf32>,
          tpu.vector_store %arg27[%swap3A_1032, %swap3A_1033], %mul3A_1031 {strides = array<i32>} : memref<80x64xf32, #tpu.memory_space<vmem>>, vector<16xf32>,
          %get3A_1035 = arith.index_cast %add3A_1014 : i32 to index
          %get3A_1036 = arith.constant 16 : index
          %get3A_1037 = tpu.vector_load %arg25[%get3A_1035, %get3A_1036] {strides = array<i32>} : memref<80x64xf32, #tpu.memory_space<vmem>>, vector<16xf32>,
          %get3A_1038 = arith.index_cast %add3A_1014 : i32 to index
          %get3A_1039 = arith.constant 16 : index
          %get3A_1040 = tpu.vector_load %arg23[%get3A_1038, %get3A_1039] {strides = array<i32>} : memref<80x64xf32, #tpu.memory_space<vmem>>, vector<16xf32>,
          %add3A_1041 = arith.addf %get3A_1040, %get3A_1037 : vector<16xf32>
          %get3A_1042 = arith.index_cast %add3A_1014 : i32 to index
          %get3A_1043 = arith.constant 16 : index
          %get3A_1044 = tpu.vector_load %arg24[%get3A_1042, %get3A_1043] {strides = array<i32>} : memref<80x64xf32, #tpu.memory_space<vmem>>, vector<16xf32>,
          %add3A_1045 = arith.addf %get3A_1044, %get3A_1037 : vector<16xf32>
          %mul3A_1046 = arith.mulf %add3A_1041, %add3A_1045 : vector<16xf32>
          %mul3A_1047 = arith.mulf %mul3A_1046, %gather3A_1018 : vector<16xf32>
          %swap3A_1048 = arith.index_cast %add3A_1014 : i32 to index
          %swap3A_1049 = arith.constant 16 : index
          %swap3A_1050 = tpu.vector_load %arg27[%swap3A_1048, %swap3A_1049] {strides = array<i32>} : memref<80x64xf32, #tpu.memory_space<vmem>>, vector<16xf32>,
          tpu.vector_store %arg27[%swap3A_1048, %swap3A_1049], %mul3A_1047 {strides = array<i32>} : memref<80x64xf32, #tpu.memory_space<vmem>>, vector<16xf32>,
          %get3A_1051 = arith.index_cast %add3A_1014 : i32 to index
          %get3A_1052 = arith.constant 32 : index
          %get3A_1053 = tpu.vector_load %arg25[%get3A_1051, %get3A_1052] {strides = array<i32>} : memref<80x64xf32, #tpu.memory_space<vmem>>, vector<16xf32>,
          %get3A_1054 = arith.index_cast %add3A_1014 : i32 to index
          %get3A_1055 = arith.constant 32 : index
          %get3A_1056 = tpu.vector_load %arg23[%get3A_1054, %get3A_1055] {strides = array<i32>} : memref<80x64xf32, #tpu.memory_space<vmem>>, vector<16xf32>,
          %add3A_1057 = arith.addf %get3A_1056, %get3A_1053 : vector<16xf32>
          %get3A_1058 = arith.index_cast %add3A_1014 : i32 to index
          %get3A_1059 = arith.constant 32 : index
          %get3A_1060 = tpu.vector_load %arg24[%get3A_1058, %get3A_1059] {strides = array<i32>} : memref<80x64xf32, #tpu.memory_space<vmem>>, vector<16xf32>,
          %add3A_1061 = arith.addf %get3A_1060, %get3A_1053 : vector<16xf32>
          %mul3A_1062 = arith.mulf %add3A_1057, %add3A_1061 : vector<16xf32>
          %mul3A_1063 = arith.mulf %mul3A_1062, %gather3A_1018 : vector<16xf32>
          %swap3A_1064 = arith.index_cast %add3A_1014 : i32 to index
          %swap3A_1065 = arith.constant 32 : index
          %swap3A_1066 = tpu.vector_load %arg27[%swap3A_1064, %swap3A_1065] {strides = array<i32>} : memref<80x64xf32, #tpu.memory_space<vmem>>, vector<16xf32>,
          tpu.vector_store %arg27[%swap3A_1064, %swap3A_1065], %mul3A_1063 {strides = array<i32>} : memref<80x64xf32, #tpu.memory_space<vmem>>, vector<16xf32>,
          %get3A_1067 = arith.index_cast %add3A_1014 : i32 to index
          %get3A_1068 = arith.constant 48 : index
          %get3A_1069 = tpu.vector_load %arg25[%get3A_1067, %get3A_1068] {strides = array<i32>} : memref<80x64xf32, #tpu.memory_space<vmem>>, vector<16xf32>,
          %get3A_1070 = arith.index_cast %add3A_1014 : i32 to index
          %get3A_1071 = arith.constant 48 : index
          %get3A_1072 = tpu.vector_load %arg23[%get3A_1070, %get3A_1071] {strides = array<i32>} : memref<80x64xf32, #tpu.memory_space<vmem>>, vector<16xf32>,
          %add3A_1073 = arith.addf %get3A_1072, %get3A_1069 : vector<16xf32>
          %get3A_1074 = arith.index_cast %add3A_1014 : i32 to index
          %get3A_1075 = arith.constant 48 : index
          %get3A_1076 = tpu.vector_load %arg24[%get3A_1074, %get3A_1075] {strides = array<i32>} : memref<80x64xf32, #tpu.memory_space<vmem>>, vector<16xf32>,
          %add3A_1077 = arith.addf %get3A_1076, %get3A_1069 : vector<16xf32>
          %mul3A_1078 = arith.mulf %add3A_1073, %add3A_1077 : vector<16xf32>
          %mul3A_1079 = arith.mulf %mul3A_1078, %gather3A_1018 : vector<16xf32>
          %swap3A_1080 = arith.index_cast %add3A_1014 : i32 to index
          %swap3A_1081 = arith.constant 48 : index
          %swap3A_1082 = tpu.vector_load %arg27[%swap3A_1080, %swap3A_1081] {strides = array<i32>} : memref<80x64xf32, #tpu.memory_space<vmem>>, vector<16xf32>,
          tpu.vector_store %arg27[%swap3A_1080, %swap3A_1081], %mul3A_1079 {strides = array<i32>} : memref<80x64xf32, #tpu.memory_space<vmem>>, vector<16xf32>,
          %add3A_1083 = arith.constant 9 : i32
          %add3A_1084 = arith.addi %mul3A_426, %add3A_1083 : i32
          %broadcast_in_dim3A_1085 = arith.constant 9 : i32
          %broadcast_in_dim3A_1086 = vector.broadcast %broadcast_in_dim3A_1085 : i32 to vector<16x1xi32>
          %gather3A_1087 = vector.shape_cast %broadcast_in_dim3A_1086 : vector<16x1xi32> to vector<16xi32>
          %gather3A_1088 = tpu.dynamic_gather %exp3A[%gather3A_1087] in [0] : vector<16xf32>, vector<16xi32> -> vector<16xf32>
          %get3A_1089 = arith.index_cast %add3A_1084 : i32 to index
          %get3A_1090 = arith.constant 0 : index
          %get3A_1091 = tpu.vector_load %arg25[%get3A_1089, %get3A_1090] {strides = array<i32>} : memref<80x64xf32, #tpu.memory_space<vmem>>, vector<16xf32>,
          %get3A_1092 = arith.index_cast %add3A_1084 : i32 to index
          %get3A_1093 = arith.constant 0 : index
          %get3A_1094 = tpu.vector_load %arg23[%get3A_1092, %get3A_1093] {strides = array<i32>} : memref<80x64xf32, #tpu.memory_space<vmem>>, vector<16xf32>,
          %add3A_1095 = arith.addf %get3A_1094, %get3A_1091 : vector<16xf32>
          %get3A_1096 = arith.index_cast %add3A_1084 : i32 to index
          %get3A_1097 = arith.constant 0 : index
          %get3A_1098 = tpu.vector_load %arg24[%get3A_1096, %get3A_1097] {strides = array<i32>} : memref<80x64xf32, #tpu.memory_space<vmem>>, vector<16xf32>,
          %add3A_1099 = arith.addf %get3A_1098, %get3A_1091 : vector<16xf32>
          %mul3A_1100 = arith.mulf %add3A_1095, %add3A_1099 : vector<16xf32>
          %mul3A_1101 = arith.mulf %mul3A_1100, %gather3A_1088 : vector<16xf32>
          %swap3A_1102 = arith.index_cast %add3A_1084 : i32 to index
          %swap3A_1103 = arith.constant 0 : index
          %swap3A_1104 = tpu.vector_load %arg27[%swap3A_1102, %swap3A_1103] {strides = array<i32>} : memref<80x64xf32, #tpu.memory_space<vmem>>, vector<16xf32>,
          tpu.vector_store %arg27[%swap3A_1102, %swap3A_1103], %mul3A_1101 {strides = array<i32>} : memref<80x64xf32, #tpu.memory_space<vmem>>, vector<16xf32>,
          %get3A_1105 = arith.index_cast %add3A_1084 : i32 to index
          %get3A_1106 = arith.constant 16 : index
          %get3A_1107 = tpu.vector_load %arg25[%get3A_1105, %get3A_1106] {strides = array<i32>} : memref<80x64xf32, #tpu.memory_space<vmem>>, vector<16xf32>,
          %get3A_1108 = arith.index_cast %add3A_1084 : i32 to index
          %get3A_1109 = arith.constant 16 : index
          %get3A_1110 = tpu.vector_load %arg23[%get3A_1108, %get3A_1109] {strides = array<i32>} : memref<80x64xf32, #tpu.memory_space<vmem>>, vector<16xf32>,
          %add3A_1111 = arith.addf %get3A_1110, %get3A_1107 : vector<16xf32>
          %get3A_1112 = arith.index_cast %add3A_1084 : i32 to index
          %get3A_1113 = arith.constant 16 : index
          %get3A_1114 = tpu.vector_load %arg24[%get3A_1112, %get3A_1113] {strides = array<i32>} : memref<80x64xf32, #tpu.memory_space<vmem>>, vector<16xf32>,
          %add3A_1115 = arith.addf %get3A_1114, %get3A_1107 : vector<16xf32>
          %mul3A_1116 = arith.mulf %add3A_1111, %add3A_1115 : vector<16xf32>
          %mul3A_1117 = arith.mulf %mul3A_1116, %gather3A_1088 : vector<16xf32>
          %swap3A_1118 = arith.index_cast %add3A_1084 : i32 to index
          %swap3A_1119 = arith.constant 16 : index
          %swap3A_1120 = tpu.vector_load %arg27[%swap3A_1118, %swap3A_1119] {strides = array<i32>} : memref<80x64xf32, #tpu.memory_space<vmem>>, vector<16xf32>,
          tpu.vector_store %arg27[%swap3A_1118, %swap3A_1119], %mul3A_1117 {strides = array<i32>} : memref<80x64xf32, #tpu.memory_space<vmem>>, vector<16xf32>,
          %get3A_1121 = arith.index_cast %add3A_1084 : i32 to index
          %get3A_1122 = arith.constant 32 : index
          %get3A_1123 = tpu.vector_load %arg25[%get3A_1121, %get3A_1122] {strides = array<i32>} : memref<80x64xf32, #tpu.memory_space<vmem>>, vector<16xf32>,
          %get3A_1124 = arith.index_cast %add3A_1084 : i32 to index
          %get3A_1125 = arith.constant 32 : index
          %get3A_1126 = tpu.vector_load %arg23[%get3A_1124, %get3A_1125] {strides = array<i32>} : memref<80x64xf32, #tpu.memory_space<vmem>>, vector<16xf32>,
          %add3A_1127 = arith.addf %get3A_1126, %get3A_1123 : vector<16xf32>
          %get3A_1128 = arith.index_cast %add3A_1084 : i32 to index
          %get3A_1129 = arith.constant 32 : index
          %get3A_1130 = tpu.vector_load %arg24[%get3A_1128, %get3A_1129] {strides = array<i32>} : memref<80x64xf32, #tpu.memory_space<vmem>>, vector<16xf32>,
          %add3A_1131 = arith.addf %get3A_1130, %get3A_1123 : vector<16xf32>
          %mul3A_1132 = arith.mulf %add3A_1127, %add3A_1131 : vector<16xf32>
          %mul3A_1133 = arith.mulf %mul3A_1132, %gather3A_1088 : vector<16xf32>
          %swap3A_1134 = arith.index_cast %add3A_1084 : i32 to index
          %swap3A_1135 = arith.constant 32 : index
          %swap3A_1136 = tpu.vector_load %arg27[%swap3A_1134, %swap3A_1135] {strides = array<i32>} : memref<80x64xf32, #tpu.memory_space<vmem>>, vector<16xf32>,
          tpu.vector_store %arg27[%swap3A_1134, %swap3A_1135], %mul3A_1133 {strides = array<i32>} : memref<80x64xf32, #tpu.memory_space<vmem>>, vector<16xf32>,
          %get3A_1137 = arith.index_cast %add3A_1084 : i32 to index
          %get3A_1138 = arith.constant 48 : index
          %get3A_1139 = tpu.vector_load %arg25[%get3A_1137, %get3A_1138] {strides = array<i32>} : memref<80x64xf32, #tpu.memory_space<vmem>>, vector<16xf32>,
          %get3A_1140 = arith.index_cast %add3A_1084 : i32 to index
          %get3A_1141 = arith.constant 48 : index
          %get3A_1142 = tpu.vector_load %arg23[%get3A_1140, %get3A_1141] {strides = array<i32>} : memref<80x64xf32, #tpu.memory_space<vmem>>, vector<16xf32>,
          %add3A_1143 = arith.addf %get3A_1142, %get3A_1139 : vector<16xf32>
          %get3A_1144 = arith.index_cast %add3A_1084 : i32 to index
          %get3A_1145 = arith.constant 48 : index
          %get3A_1146 = tpu.vector_load %arg24[%get3A_1144, %get3A_1145] {strides = array<i32>} : memref<80x64xf32, #tpu.memory_space<vmem>>, vector<16xf32>,
          %add3A_1147 = arith.addf %get3A_1146, %get3A_1139 : vector<16xf32>
          %mul3A_1148 = arith.mulf %add3A_1143, %add3A_1147 : vector<16xf32>
          %mul3A_1149 = arith.mulf %mul3A_1148, %gather3A_1088 : vector<16xf32>
          %swap3A_1150 = arith.index_cast %add3A_1084 : i32 to index
          %swap3A_1151 = arith.constant 48 : index
          %swap3A_1152 = tpu.vector_load %arg27[%swap3A_1150, %swap3A_1151] {strides = array<i32>} : memref<80x64xf32, #tpu.memory_space<vmem>>, vector<16xf32>,
          tpu.vector_store %arg27[%swap3A_1150, %swap3A_1151], %mul3A_1149 {strides = array<i32>} : memref<80x64xf32, #tpu.memory_space<vmem>>, vector<16xf32>,
          %add3A_1153 = arith.constant 10 : i32
          %add3A_1154 = arith.addi %mul3A_426, %add3A_1153 : i32
          %broadcast_in_dim3A_1155 = arith.constant 10 : i32
          %broadcast_in_dim3A_1156 = vector.broadcast %broadcast_in_dim3A_1155 : i32 to vector<16x1xi32>
          %gather3A_1157 = vector.shape_cast %broadcast_in_dim3A_1156 : vector<16x1xi32> to vector<16xi32>
          %gather3A_1158 = tpu.dynamic_gather %exp3A[%gather3A_1157] in [0] : vector<16xf32>, vector<16xi32> -> vector<16xf32>
          %get3A_1159 = arith.index_cast %add3A_1154 : i32 to index
          %get3A_1160 = arith.constant 0 : index
          %get3A_1161 = tpu.vector_load %arg25[%get3A_1159, %get3A_1160] {strides = array<i32>} : memref<80x64xf32, #tpu.memory_space<vmem>>, vector<16xf32>,
          %get3A_1162 = arith.index_cast %add3A_1154 : i32 to index
          %get3A_1163 = arith.constant 0 : index
          %get3A_1164 = tpu.vector_load %arg23[%get3A_1162, %get3A_1163] {strides = array<i32>} : memref<80x64xf32, #tpu.memory_space<vmem>>, vector<16xf32>,
          %add3A_1165 = arith.addf %get3A_1164, %get3A_1161 : vector<16xf32>
          %get3A_1166 = arith.index_cast %add3A_1154 : i32 to index
          %get3A_1167 = arith.constant 0 : index
          %get3A_1168 = tpu.vector_load %arg24[%get3A_1166, %get3A_1167] {strides = array<i32>} : memref<80x64xf32, #tpu.memory_space<vmem>>, vector<16xf32>,
          %add3A_1169 = arith.addf %get3A_1168, %get3A_1161 : vector<16xf32>
          %mul3A_1170 = arith.mulf %add3A_1165, %add3A_1169 : vector<16xf32>
          %mul3A_1171 = arith.mulf %mul3A_1170, %gather3A_1158 : vector<16xf32>
          %swap3A_1172 = arith.index_cast %add3A_1154 : i32 to index
          %swap3A_1173 = arith.constant 0 : index
          %swap3A_1174 = tpu.vector_load %arg27[%swap3A_1172, %swap3A_1173] {strides = array<i32>} : memref<80x64xf32, #tpu.memory_space<vmem>>, vector<16xf32>,
          tpu.vector_store %arg27[%swap3A_1172, %swap3A_1173], %mul3A_1171 {strides = array<i32>} : memref<80x64xf32, #tpu.memory_space<vmem>>, vector<16xf32>,
          %get3A_1175 = arith.index_cast %add3A_1154 : i32 to index
          %get3A_1176 = arith.constant 16 : index
          %get3A_1177 = tpu.vector_load %arg25[%get3A_1175, %get3A_1176] {strides = array<i32>} : memref<80x64xf32, #tpu.memory_space<vmem>>, vector<16xf32>,
          %get3A_1178 = arith.index_cast %add3A_1154 : i32 to index
          %get3A_1179 = arith.constant 16 : index
          %get3A_1180 = tpu.vector_load %arg23[%get3A_1178, %get3A_1179] {strides = array<i32>} : memref<80x64xf32, #tpu.memory_space<vmem>>, vector<16xf32>,
          %add3A_1181 = arith.addf %get3A_1180, %get3A_1177 : vector<16xf32>
          %get3A_1182 = arith.index_cast %add3A_1154 : i32 to index
          %get3A_1183 = arith.constant 16 : index
          %get3A_1184 = tpu.vector_load %arg24[%get3A_1182, %get3A_1183] {strides = array<i32>} : memref<80x64xf32, #tpu.memory_space<vmem>>, vector<16xf32>,
          %add3A_1185 = arith.addf %get3A_1184, %get3A_1177 : vector<16xf32>
          %mul3A_1186 = arith.mulf %add3A_1181, %add3A_1185 : vector<16xf32>
          %mul3A_1187 = arith.mulf %mul3A_1186, %gather3A_1158 : vector<16xf32>
          %swap3A_1188 = arith.index_cast %add3A_1154 : i32 to index
          %swap3A_1189 = arith.constant 16 : index
          %swap3A_1190 = tpu.vector_load %arg27[%swap3A_1188, %swap3A_1189] {strides = array<i32>} : memref<80x64xf32, #tpu.memory_space<vmem>>, vector<16xf32>,
          tpu.vector_store %arg27[%swap3A_1188, %swap3A_1189], %mul3A_1187 {strides = array<i32>} : memref<80x64xf32, #tpu.memory_space<vmem>>, vector<16xf32>,
          %get3A_1191 = arith.index_cast %add3A_1154 : i32 to index
          %get3A_1192 = arith.constant 32 : index
          %get3A_1193 = tpu.vector_load %arg25[%get3A_1191, %get3A_1192] {strides = array<i32>} : memref<80x64xf32, #tpu.memory_space<vmem>>, vector<16xf32>,
          %get3A_1194 = arith.index_cast %add3A_1154 : i32 to index
          %get3A_1195 = arith.constant 32 : index
          %get3A_1196 = tpu.vector_load %arg23[%get3A_1194, %get3A_1195] {strides = array<i32>} : memref<80x64xf32, #tpu.memory_space<vmem>>, vector<16xf32>,
          %add3A_1197 = arith.addf %get3A_1196, %get3A_1193 : vector<16xf32>
          %get3A_1198 = arith.index_cast %add3A_1154 : i32 to index
          %get3A_1199 = arith.constant 32 : index
          %get3A_1200 = tpu.vector_load %arg24[%get3A_1198, %get3A_1199] {strides = array<i32>} : memref<80x64xf32, #tpu.memory_space<vmem>>, vector<16xf32>,
          %add3A_1201 = arith.addf %get3A_1200, %get3A_1193 : vector<16xf32>
          %mul3A_1202 = arith.mulf %add3A_1197, %add3A_1201 : vector<16xf32>
          %mul3A_1203 = arith.mulf %mul3A_1202, %gather3A_1158 : vector<16xf32>
          %swap3A_1204 = arith.index_cast %add3A_1154 : i32 to index
          %swap3A_1205 = arith.constant 32 : index
          %swap3A_1206 = tpu.vector_load %arg27[%swap3A_1204, %swap3A_1205] {strides = array<i32>} : memref<80x64xf32, #tpu.memory_space<vmem>>, vector<16xf32>,
          tpu.vector_store %arg27[%swap3A_1204, %swap3A_1205], %mul3A_1203 {strides = array<i32>} : memref<80x64xf32, #tpu.memory_space<vmem>>, vector<16xf32>,
          %get3A_1207 = arith.index_cast %add3A_1154 : i32 to index
          %get3A_1208 = arith.constant 48 : index
          %get3A_1209 = tpu.vector_load %arg25[%get3A_1207, %get3A_1208] {strides = array<i32>} : memref<80x64xf32, #tpu.memory_space<vmem>>, vector<16xf32>,
          %get3A_1210 = arith.index_cast %add3A_1154 : i32 to index
          %get3A_1211 = arith.constant 48 : index
          %get3A_1212 = tpu.vector_load %arg23[%get3A_1210, %get3A_1211] {strides = array<i32>} : memref<80x64xf32, #tpu.memory_space<vmem>>, vector<16xf32>,
          %add3A_1213 = arith.addf %get3A_1212, %get3A_1209 : vector<16xf32>
          %get3A_1214 = arith.index_cast %add3A_1154 : i32 to index
          %get3A_1215 = arith.constant 48 : index
          %get3A_1216 = tpu.vector_load %arg24[%get3A_1214, %get3A_1215] {strides = array<i32>} : memref<80x64xf32, #tpu.memory_space<vmem>>, vector<16xf32>,
          %add3A_1217 = arith.addf %get3A_1216, %get3A_1209 : vector<16xf32>
          %mul3A_1218 = arith.mulf %add3A_1213, %add3A_1217 : vector<16xf32>
          %mul3A_1219 = arith.mulf %mul3A_1218, %gather3A_1158 : vector<16xf32>
          %swap3A_1220 = arith.index_cast %add3A_1154 : i32 to index
          %swap3A_1221 = arith.constant 48 : index
          %swap3A_1222 = tpu.vector_load %arg27[%swap3A_1220, %swap3A_1221] {strides = array<i32>} : memref<80x64xf32, #tpu.memory_space<vmem>>, vector<16xf32>,
          tpu.vector_store %arg27[%swap3A_1220, %swap3A_1221], %mul3A_1219 {strides = array<i32>} : memref<80x64xf32, #tpu.memory_space<vmem>>, vector<16xf32>,
          %add3A_1223 = arith.constant 11 : i32
          %add3A_1224 = arith.addi %mul3A_426, %add3A_1223 : i32
          %broadcast_in_dim3A_1225 = arith.constant 11 : i32
          %broadcast_in_dim3A_1226 = vector.broadcast %broadcast_in_dim3A_1225 : i32 to vector<16x1xi32>
          %gather3A_1227 = vector.shape_cast %broadcast_in_dim3A_1226 : vector<16x1xi32> to vector<16xi32>
          %gather3A_1228 = tpu.dynamic_gather %exp3A[%gather3A_1227] in [0] : vector<16xf32>, vector<16xi32> -> vector<16xf32>
          %get3A_1229 = arith.index_cast %add3A_1224 : i32 to index
          %get3A_1230 = arith.constant 0 : index
          %get3A_1231 = tpu.vector_load %arg25[%get3A_1229, %get3A_1230] {strides = array<i32>} : memref<80x64xf32, #tpu.memory_space<vmem>>, vector<16xf32>,
          %get3A_1232 = arith.index_cast %add3A_1224 : i32 to index
          %get3A_1233 = arith.constant 0 : index
          %get3A_1234 = tpu.vector_load %arg23[%get3A_1232, %get3A_1233] {strides = array<i32>} : memref<80x64xf32, #tpu.memory_space<vmem>>, vector<16xf32>,
          %add3A_1235 = arith.addf %get3A_1234, %get3A_1231 : vector<16xf32>
          %get3A_1236 = arith.index_cast %add3A_1224 : i32 to index
          %get3A_1237 = arith.constant 0 : index
          %get3A_1238 = tpu.vector_load %arg24[%get3A_1236, %get3A_1237] {strides = array<i32>} : memref<80x64xf32, #tpu.memory_space<vmem>>, vector<16xf32>,
          %add3A_1239 = arith.addf %get3A_1238, %get3A_1231 : vector<16xf32>
          %mul3A_1240 = arith.mulf %add3A_1235, %add3A_1239 : vector<16xf32>
          %mul3A_1241 = arith.mulf %mul3A_1240, %gather3A_1228 : vector<16xf32>
          %swap3A_1242 = arith.index_cast %add3A_1224 : i32 to index
          %swap3A_1243 = arith.constant 0 : index
          %swap3A_1244 = tpu.vector_load %arg27[%swap3A_1242, %swap3A_1243] {strides = array<i32>} : memref<80x64xf32, #tpu.memory_space<vmem>>, vector<16xf32>,
          tpu.vector_store %arg27[%swap3A_1242, %swap3A_1243], %mul3A_1241 {strides = array<i32>} : memref<80x64xf32, #tpu.memory_space<vmem>>, vector<16xf32>,
          %get3A_1245 = arith.index_cast %add3A_1224 : i32 to index
          %get3A_1246 = arith.constant 16 : index
          %get3A_1247 = tpu.vector_load %arg25[%get3A_1245, %get3A_1246] {strides = array<i32>} : memref<80x64xf32, #tpu.memory_space<vmem>>, vector<16xf32>,
          %get3A_1248 = arith.index_cast %add3A_1224 : i32 to index
          %get3A_1249 = arith.constant 16 : index
          %get3A_1250 = tpu.vector_load %arg23[%get3A_1248, %get3A_1249] {strides = array<i32>} : memref<80x64xf32, #tpu.memory_space<vmem>>, vector<16xf32>,
          %add3A_1251 = arith.addf %get3A_1250, %get3A_1247 : vector<16xf32>
          %get3A_1252 = arith.index_cast %add3A_1224 : i32 to index
          %get3A_1253 = arith.constant 16 : index
          %get3A_1254 = tpu.vector_load %arg24[%get3A_1252, %get3A_1253] {strides = array<i32>} : memref<80x64xf32, #tpu.memory_space<vmem>>, vector<16xf32>,
          %add3A_1255 = arith.addf %get3A_1254, %get3A_1247 : vector<16xf32>
          %mul3A_1256 = arith.mulf %add3A_1251, %add3A_1255 : vector<16xf32>
          %mul3A_1257 = arith.mulf %mul3A_1256, %gather3A_1228 : vector<16xf32>
          %swap3A_1258 = arith.index_cast %add3A_1224 : i32 to index
          %swap3A_1259 = arith.constant 16 : index
          %swap3A_1260 = tpu.vector_load %arg27[%swap3A_1258, %swap3A_1259] {strides = array<i32>} : memref<80x64xf32, #tpu.memory_space<vmem>>, vector<16xf32>,
          tpu.vector_store %arg27[%swap3A_1258, %swap3A_1259], %mul3A_1257 {strides = array<i32>} : memref<80x64xf32, #tpu.memory_space<vmem>>, vector<16xf32>,
          %get3A_1261 = arith.index_cast %add3A_1224 : i32 to index
          %get3A_1262 = arith.constant 32 : index
          %get3A_1263 = tpu.vector_load %arg25[%get3A_1261, %get3A_1262] {strides = array<i32>} : memref<80x64xf32, #tpu.memory_space<vmem>>, vector<16xf32>,
          %get3A_1264 = arith.index_cast %add3A_1224 : i32 to index
          %get3A_1265 = arith.constant 32 : index
          %get3A_1266 = tpu.vector_load %arg23[%get3A_1264, %get3A_1265] {strides = array<i32>} : memref<80x64xf32, #tpu.memory_space<vmem>>, vector<16xf32>,
          %add3A_1267 = arith.addf %get3A_1266, %get3A_1263 : vector<16xf32>
          %get3A_1268 = arith.index_cast %add3A_1224 : i32 to index
          %get3A_1269 = arith.constant 32 : index
          %get3A_1270 = tpu.vector_load %arg24[%get3A_1268, %get3A_1269] {strides = array<i32>} : memref<80x64xf32, #tpu.memory_space<vmem>>, vector<16xf32>,
          %add3A_1271 = arith.addf %get3A_1270, %get3A_1263 : vector<16xf32>
          %mul3A_1272 = arith.mulf %add3A_1267, %add3A_1271 : vector<16xf32>
          %mul3A_1273 = arith.mulf %mul3A_1272, %gather3A_1228 : vector<16xf32>
          %swap3A_1274 = arith.index_cast %add3A_1224 : i32 to index
          %swap3A_1275 = arith.constant 32 : index
          %swap3A_1276 = tpu.vector_load %arg27[%swap3A_1274, %swap3A_1275] {strides = array<i32>} : memref<80x64xf32, #tpu.memory_space<vmem>>, vector<16xf32>,
          tpu.vector_store %arg27[%swap3A_1274, %swap3A_1275], %mul3A_1273 {strides = array<i32>} : memref<80x64xf32, #tpu.memory_space<vmem>>, vector<16xf32>,
          %get3A_1277 = arith.index_cast %add3A_1224 : i32 to index
          %get3A_1278 = arith.constant 48 : index
          %get3A_1279 = tpu.vector_load %arg25[%get3A_1277, %get3A_1278] {strides = array<i32>} : memref<80x64xf32, #tpu.memory_space<vmem>>, vector<16xf32>,
          %get3A_1280 = arith.index_cast %add3A_1224 : i32 to index
          %get3A_1281 = arith.constant 48 : index
          %get3A_1282 = tpu.vector_load %arg23[%get3A_1280, %get3A_1281] {strides = array<i32>} : memref<80x64xf32, #tpu.memory_space<vmem>>, vector<16xf32>,
          %add3A_1283 = arith.addf %get3A_1282, %get3A_1279 : vector<16xf32>
          %get3A_1284 = arith.index_cast %add3A_1224 : i32 to index
          %get3A_1285 = arith.constant 48 : index
          %get3A_1286 = tpu.vector_load %arg24[%get3A_1284, %get3A_1285] {strides = array<i32>} : memref<80x64xf32, #tpu.memory_space<vmem>>, vector<16xf32>,
          %add3A_1287 = arith.addf %get3A_1286, %get3A_1279 : vector<16xf32>
          %mul3A_1288 = arith.mulf %add3A_1283, %add3A_1287 : vector<16xf32>
          %mul3A_1289 = arith.mulf %mul3A_1288, %gather3A_1228 : vector<16xf32>
          %swap3A_1290 = arith.index_cast %add3A_1224 : i32 to index
          %swap3A_1291 = arith.constant 48 : index
          %swap3A_1292 = tpu.vector_load %arg27[%swap3A_1290, %swap3A_1291] {strides = array<i32>} : memref<80x64xf32, #tpu.memory_space<vmem>>, vector<16xf32>,
          tpu.vector_store %arg27[%swap3A_1290, %swap3A_1291], %mul3A_1289 {strides = array<i32>} : memref<80x64xf32, #tpu.memory_space<vmem>>, vector<16xf32>,
          %add3A_1293 = arith.constant 12 : i32
          %add3A_1294 = arith.addi %mul3A_426, %add3A_1293 : i32
          %broadcast_in_dim3A_1295 = arith.constant 12 : i32
          %broadcast_in_dim3A_1296 = vector.broadcast %broadcast_in_dim3A_1295 : i32 to vector<16x1xi32>
          %gather3A_1297 = vector.shape_cast %broadcast_in_dim3A_1296 : vector<16x1xi32> to vector<16xi32>
          %gather3A_1298 = tpu.dynamic_gather %exp3A[%gather3A_1297] in [0] : vector<16xf32>, vector<16xi32> -> vector<16xf32>
          %get3A_1299 = arith.index_cast %add3A_1294 : i32 to index
          %get3A_1300 = arith.constant 0 : index
          %get3A_1301 = tpu.vector_load %arg25[%get3A_1299, %get3A_1300] {strides = array<i32>} : memref<80x64xf32, #tpu.memory_space<vmem>>, vector<16xf32>,
          %get3A_1302 = arith.index_cast %add3A_1294 : i32 to index
          %get3A_1303 = arith.constant 0 : index
          %get3A_1304 = tpu.vector_load %arg23[%get3A_1302, %get3A_1303] {strides = array<i32>} : memref<80x64xf32, #tpu.memory_space<vmem>>, vector<16xf32>,
          %add3A_1305 = arith.addf %get3A_1304, %get3A_1301 : vector<16xf32>
          %get3A_1306 = arith.index_cast %add3A_1294 : i32 to index
          %get3A_1307 = arith.constant 0 : index
          %get3A_1308 = tpu.vector_load %arg24[%get3A_1306, %get3A_1307] {strides = array<i32>} : memref<80x64xf32, #tpu.memory_space<vmem>>, vector<16xf32>,
          %add3A_1309 = arith.addf %get3A_1308, %get3A_1301 : vector<16xf32>
          %mul3A_1310 = arith.mulf %add3A_1305, %add3A_1309 : vector<16xf32>
          %mul3A_1311 = arith.mulf %mul3A_1310, %gather3A_1298 : vector<16xf32>
          %swap3A_1312 = arith.index_cast %add3A_1294 : i32 to index
          %swap3A_1313 = arith.constant 0 : index
          %swap3A_1314 = tpu.vector_load %arg27[%swap3A_1312, %swap3A_1313] {strides = array<i32>} : memref<80x64xf32, #tpu.memory_space<vmem>>, vector<16xf32>,
          tpu.vector_store %arg27[%swap3A_1312, %swap3A_1313], %mul3A_1311 {strides = array<i32>} : memref<80x64xf32, #tpu.memory_space<vmem>>, vector<16xf32>,
          %get3A_1315 = arith.index_cast %add3A_1294 : i32 to index
          %get3A_1316 = arith.constant 16 : index
          %get3A_1317 = tpu.vector_load %arg25[%get3A_1315, %get3A_1316] {strides = array<i32>} : memref<80x64xf32, #tpu.memory_space<vmem>>, vector<16xf32>,
          %get3A_1318 = arith.index_cast %add3A_1294 : i32 to index
          %get3A_1319 = arith.constant 16 : index
          %get3A_1320 = tpu.vector_load %arg23[%get3A_1318, %get3A_1319] {strides = array<i32>} : memref<80x64xf32, #tpu.memory_space<vmem>>, vector<16xf32>,
          %add3A_1321 = arith.addf %get3A_1320, %get3A_1317 : vector<16xf32>
          %get3A_1322 = arith.index_cast %add3A_1294 : i32 to index
          %get3A_1323 = arith.constant 16 : index
          %get3A_1324 = tpu.vector_load %arg24[%get3A_1322, %get3A_1323] {strides = array<i32>} : memref<80x64xf32, #tpu.memory_space<vmem>>, vector<16xf32>,
          %add3A_1325 = arith.addf %get3A_1324, %get3A_1317 : vector<16xf32>
          %mul3A_1326 = arith.mulf %add3A_1321, %add3A_1325 : vector<16xf32>
          %mul3A_1327 = arith.mulf %mul3A_1326, %gather3A_1298 : vector<16xf32>
          %swap3A_1328 = arith.index_cast %add3A_1294 : i32 to index
          %swap3A_1329 = arith.constant 16 : index
          %swap3A_1330 = tpu.vector_load %arg27[%swap3A_1328, %swap3A_1329] {strides = array<i32>} : memref<80x64xf32, #tpu.memory_space<vmem>>, vector<16xf32>,
          tpu.vector_store %arg27[%swap3A_1328, %swap3A_1329], %mul3A_1327 {strides = array<i32>} : memref<80x64xf32, #tpu.memory_space<vmem>>, vector<16xf32>,
          %get3A_1331 = arith.index_cast %add3A_1294 : i32 to index
          %get3A_1332 = arith.constant 32 : index
          %get3A_1333 = tpu.vector_load %arg25[%get3A_1331, %get3A_1332] {strides = array<i32>} : memref<80x64xf32, #tpu.memory_space<vmem>>, vector<16xf32>,
          %get3A_1334 = arith.index_cast %add3A_1294 : i32 to index
          %get3A_1335 = arith.constant 32 : index
          %get3A_1336 = tpu.vector_load %arg23[%get3A_1334, %get3A_1335] {strides = array<i32>} : memref<80x64xf32, #tpu.memory_space<vmem>>, vector<16xf32>,
          %add3A_1337 = arith.addf %get3A_1336, %get3A_1333 : vector<16xf32>
          %get3A_1338 = arith.index_cast %add3A_1294 : i32 to index
          %get3A_1339 = arith.constant 32 : index
          %get3A_1340 = tpu.vector_load %arg24[%get3A_1338, %get3A_1339] {strides = array<i32>} : memref<80x64xf32, #tpu.memory_space<vmem>>, vector<16xf32>,
          %add3A_1341 = arith.addf %get3A_1340, %get3A_1333 : vector<16xf32>
          %mul3A_1342 = arith.mulf %add3A_1337, %add3A_1341 : vector<16xf32>
          %mul3A_1343 = arith.mulf %mul3A_1342, %gather3A_1298 : vector<16xf32>
          %swap3A_1344 = arith.index_cast %add3A_1294 : i32 to index
          %swap3A_1345 = arith.constant 32 : index
          %swap3A_1346 = tpu.vector_load %arg27[%swap3A_1344, %swap3A_1345] {strides = array<i32>} : memref<80x64xf32, #tpu.memory_space<vmem>>, vector<16xf32>,
          tpu.vector_store %arg27[%swap3A_1344, %swap3A_1345], %mul3A_1343 {strides = array<i32>} : memref<80x64xf32, #tpu.memory_space<vmem>>, vector<16xf32>,
          %get3A_1347 = arith.index_cast %add3A_1294 : i32 to index
          %get3A_1348 = arith.constant 48 : index
          %get3A_1349 = tpu.vector_load %arg25[%get3A_1347, %get3A_1348] {strides = array<i32>} : memref<80x64xf32, #tpu.memory_space<vmem>>, vector<16xf32>,
          %get3A_1350 = arith.index_cast %add3A_1294 : i32 to index
          %get3A_1351 = arith.constant 48 : index
          %get3A_1352 = tpu.vector_load %arg23[%get3A_1350, %get3A_1351] {strides = array<i32>} : memref<80x64xf32, #tpu.memory_space<vmem>>, vector<16xf32>,
          %add3A_1353 = arith.addf %get3A_1352, %get3A_1349 : vector<16xf32>
          %get3A_1354 = arith.index_cast %add3A_1294 : i32 to index
          %get3A_1355 = arith.constant 48 : index
          %get3A_1356 = tpu.vector_load %arg24[%get3A_1354, %get3A_1355] {strides = array<i32>} : memref<80x64xf32, #tpu.memory_space<vmem>>, vector<16xf32>,
          %add3A_1357 = arith.addf %get3A_1356, %get3A_1349 : vector<16xf32>
          %mul3A_1358 = arith.mulf %add3A_1353, %add3A_1357 : vector<16xf32>
          %mul3A_1359 = arith.mulf %mul3A_1358, %gather3A_1298 : vector<16xf32>
          %swap3A_1360 = arith.index_cast %add3A_1294 : i32 to index
          %swap3A_1361 = arith.constant 48 : index
          %swap3A_1362 = tpu.vector_load %arg27[%swap3A_1360, %swap3A_1361] {strides = array<i32>} : memref<80x64xf32, #tpu.memory_space<vmem>>, vector<16xf32>,
          tpu.vector_store %arg27[%swap3A_1360, %swap3A_1361], %mul3A_1359 {strides = array<i32>} : memref<80x64xf32, #tpu.memory_space<vmem>>, vector<16xf32>,
          %add3A_1363 = arith.constant 13 : i32
          %add3A_1364 = arith.addi %mul3A_426, %add3A_1363 : i32
          %broadcast_in_dim3A_1365 = arith.constant 13 : i32
          %broadcast_in_dim3A_1366 = vector.broadcast %broadcast_in_dim3A_1365 : i32 to vector<16x1xi32>
          %gather3A_1367 = vector.shape_cast %broadcast_in_dim3A_1366 : vector<16x1xi32> to vector<16xi32>
          %gather3A_1368 = tpu.dynamic_gather %exp3A[%gather3A_1367] in [0] : vector<16xf32>, vector<16xi32> -> vector<16xf32>
          %get3A_1369 = arith.index_cast %add3A_1364 : i32 to index
          %get3A_1370 = arith.constant 0 : index
          %get3A_1371 = tpu.vector_load %arg25[%get3A_1369, %get3A_1370] {strides = array<i32>} : memref<80x64xf32, #tpu.memory_space<vmem>>, vector<16xf32>,
          %get3A_1372 = arith.index_cast %add3A_1364 : i32 to index
          %get3A_1373 = arith.constant 0 : index
          %get3A_1374 = tpu.vector_load %arg23[%get3A_1372, %get3A_1373] {strides = array<i32>} : memref<80x64xf32, #tpu.memory_space<vmem>>, vector<16xf32>,
          %add3A_1375 = arith.addf %get3A_1374, %get3A_1371 : vector<16xf32>
          %get3A_1376 = arith.index_cast %add3A_1364 : i32 to index
          %get3A_1377 = arith.constant 0 : index
          %get3A_1378 = tpu.vector_load %arg24[%get3A_1376, %get3A_1377] {strides = array<i32>} : memref<80x64xf32, #tpu.memory_space<vmem>>, vector<16xf32>,
          %add3A_1379 = arith.addf %get3A_1378, %get3A_1371 : vector<16xf32>
          %mul3A_1380 = arith.mulf %add3A_1375, %add3A_1379 : vector<16xf32>
          %mul3A_1381 = arith.mulf %mul3A_1380, %gather3A_1368 : vector<16xf32>
          %swap3A_1382 = arith.index_cast %add3A_1364 : i32 to index
          %swap3A_1383 = arith.constant 0 : index
          %swap3A_1384 = tpu.vector_load %arg27[%swap3A_1382, %swap3A_1383] {strides = array<i32>} : memref<80x64xf32, #tpu.memory_space<vmem>>, vector<16xf32>,
          tpu.vector_store %arg27[%swap3A_1382, %swap3A_1383], %mul3A_1381 {strides = array<i32>} : memref<80x64xf32, #tpu.memory_space<vmem>>, vector<16xf32>,
          %get3A_1385 = arith.index_cast %add3A_1364 : i32 to index
          %get3A_1386 = arith.constant 16 : index
          %get3A_1387 = tpu.vector_load %arg25[%get3A_1385, %get3A_1386] {strides = array<i32>} : memref<80x64xf32, #tpu.memory_space<vmem>>, vector<16xf32>,
          %get3A_1388 = arith.index_cast %add3A_1364 : i32 to index
          %get3A_1389 = arith.constant 16 : index
          %get3A_1390 = tpu.vector_load %arg23[%get3A_1388, %get3A_1389] {strides = array<i32>} : memref<80x64xf32, #tpu.memory_space<vmem>>, vector<16xf32>,
          %add3A_1391 = arith.addf %get3A_1390, %get3A_1387 : vector<16xf32>
          %get3A_1392 = arith.index_cast %add3A_1364 : i32 to index
          %get3A_1393 = arith.constant 16 : index
          %get3A_1394 = tpu.vector_load %arg24[%get3A_1392, %get3A_1393] {strides = array<i32>} : memref<80x64xf32, #tpu.memory_space<vmem>>, vector<16xf32>,
          %add3A_1395 = arith.addf %get3A_1394, %get3A_1387 : vector<16xf32>
          %mul3A_1396 = arith.mulf %add3A_1391, %add3A_1395 : vector<16xf32>
          %mul3A_1397 = arith.mulf %mul3A_1396, %gather3A_1368 : vector<16xf32>
          %swap3A_1398 = arith.index_cast %add3A_1364 : i32 to index
          %swap3A_1399 = arith.constant 16 : index
          %swap3A_1400 = tpu.vector_load %arg27[%swap3A_1398, %swap3A_1399] {strides = array<i32>} : memref<80x64xf32, #tpu.memory_space<vmem>>, vector<16xf32>,
          tpu.vector_store %arg27[%swap3A_1398, %swap3A_1399], %mul3A_1397 {strides = array<i32>} : memref<80x64xf32, #tpu.memory_space<vmem>>, vector<16xf32>,
          %get3A_1401 = arith.index_cast %add3A_1364 : i32 to index
          %get3A_1402 = arith.constant 32 : index
          %get3A_1403 = tpu.vector_load %arg25[%get3A_1401, %get3A_1402] {strides = array<i32>} : memref<80x64xf32, #tpu.memory_space<vmem>>, vector<16xf32>,
          %get3A_1404 = arith.index_cast %add3A_1364 : i32 to index
          %get3A_1405 = arith.constant 32 : index
          %get3A_1406 = tpu.vector_load %arg23[%get3A_1404, %get3A_1405] {strides = array<i32>} : memref<80x64xf32, #tpu.memory_space<vmem>>, vector<16xf32>,
          %add3A_1407 = arith.addf %get3A_1406, %get3A_1403 : vector<16xf32>
          %get3A_1408 = arith.index_cast %add3A_1364 : i32 to index
          %get3A_1409 = arith.constant 32 : index
          %get3A_1410 = tpu.vector_load %arg24[%get3A_1408, %get3A_1409] {strides = array<i32>} : memref<80x64xf32, #tpu.memory_space<vmem>>, vector<16xf32>,
          %add3A_1411 = arith.addf %get3A_1410, %get3A_1403 : vector<16xf32>
          %mul3A_1412 = arith.mulf %add3A_1407, %add3A_1411 : vector<16xf32>
          %mul3A_1413 = arith.mulf %mul3A_1412, %gather3A_1368 : vector<16xf32>
          %swap3A_1414 = arith.index_cast %add3A_1364 : i32 to index
          %swap3A_1415 = arith.constant 32 : index
          %swap3A_1416 = tpu.vector_load %arg27[%swap3A_1414, %swap3A_1415] {strides = array<i32>} : memref<80x64xf32, #tpu.memory_space<vmem>>, vector<16xf32>,
          tpu.vector_store %arg27[%swap3A_1414, %swap3A_1415], %mul3A_1413 {strides = array<i32>} : memref<80x64xf32, #tpu.memory_space<vmem>>, vector<16xf32>,
          %get3A_1417 = arith.index_cast %add3A_1364 : i32 to index
          %get3A_1418 = arith.constant 48 : index
          %get3A_1419 = tpu.vector_load %arg25[%get3A_1417, %get3A_1418] {strides = array<i32>} : memref<80x64xf32, #tpu.memory_space<vmem>>, vector<16xf32>,
          %get3A_1420 = arith.index_cast %add3A_1364 : i32 to index
          %get3A_1421 = arith.constant 48 : index
          %get3A_1422 = tpu.vector_load %arg23[%get3A_1420, %get3A_1421] {strides = array<i32>} : memref<80x64xf32, #tpu.memory_space<vmem>>, vector<16xf32>,
          %add3A_1423 = arith.addf %get3A_1422, %get3A_1419 : vector<16xf32>
          %get3A_1424 = arith.index_cast %add3A_1364 : i32 to index
          %get3A_1425 = arith.constant 48 : index
          %get3A_1426 = tpu.vector_load %arg24[%get3A_1424, %get3A_1425] {strides = array<i32>} : memref<80x64xf32, #tpu.memory_space<vmem>>, vector<16xf32>,
          %add3A_1427 = arith.addf %get3A_1426, %get3A_1419 : vector<16xf32>
          %mul3A_1428 = arith.mulf %add3A_1423, %add3A_1427 : vector<16xf32>
          %mul3A_1429 = arith.mulf %mul3A_1428, %gather3A_1368 : vector<16xf32>
          %swap3A_1430 = arith.index_cast %add3A_1364 : i32 to index
          %swap3A_1431 = arith.constant 48 : index
          %swap3A_1432 = tpu.vector_load %arg27[%swap3A_1430, %swap3A_1431] {strides = array<i32>} : memref<80x64xf32, #tpu.memory_space<vmem>>, vector<16xf32>,
          tpu.vector_store %arg27[%swap3A_1430, %swap3A_1431], %mul3A_1429 {strides = array<i32>} : memref<80x64xf32, #tpu.memory_space<vmem>>, vector<16xf32>,
          %add3A_1433 = arith.constant 14 : i32
          %add3A_1434 = arith.addi %mul3A_426, %add3A_1433 : i32
          %broadcast_in_dim3A_1435 = arith.constant 14 : i32
          %broadcast_in_dim3A_1436 = vector.broadcast %broadcast_in_dim3A_1435 : i32 to vector<16x1xi32>
          %gather3A_1437 = vector.shape_cast %broadcast_in_dim3A_1436 : vector<16x1xi32> to vector<16xi32>
          %gather3A_1438 = tpu.dynamic_gather %exp3A[%gather3A_1437] in [0] : vector<16xf32>, vector<16xi32> -> vector<16xf32>
          %get3A_1439 = arith.index_cast %add3A_1434 : i32 to index
          %get3A_1440 = arith.constant 0 : index
          %get3A_1441 = tpu.vector_load %arg25[%get3A_1439, %get3A_1440] {strides = array<i32>} : memref<80x64xf32, #tpu.memory_space<vmem>>, vector<16xf32>,
          %get3A_1442 = arith.index_cast %add3A_1434 : i32 to index
          %get3A_1443 = arith.constant 0 : index
          %get3A_1444 = tpu.vector_load %arg23[%get3A_1442, %get3A_1443] {strides = array<i32>} : memref<80x64xf32, #tpu.memory_space<vmem>>, vector<16xf32>,
          %add3A_1445 = arith.addf %get3A_1444, %get3A_1441 : vector<16xf32>
          %get3A_1446 = arith.index_cast %add3A_1434 : i32 to index
          %get3A_1447 = arith.constant 0 : index
          %get3A_1448 = tpu.vector_load %arg24[%get3A_1446, %get3A_1447] {strides = array<i32>} : memref<80x64xf32, #tpu.memory_space<vmem>>, vector<16xf32>,
          %add3A_1449 = arith.addf %get3A_1448, %get3A_1441 : vector<16xf32>
          %mul3A_1450 = arith.mulf %add3A_1445, %add3A_1449 : vector<16xf32>
          %mul3A_1451 = arith.mulf %mul3A_1450, %gather3A_1438 : vector<16xf32>
          %swap3A_1452 = arith.index_cast %add3A_1434 : i32 to index
          %swap3A_1453 = arith.constant 0 : index
          %swap3A_1454 = tpu.vector_load %arg27[%swap3A_1452, %swap3A_1453] {strides = array<i32>} : memref<80x64xf32, #tpu.memory_space<vmem>>, vector<16xf32>,
          tpu.vector_store %arg27[%swap3A_1452, %swap3A_1453], %mul3A_1451 {strides = array<i32>} : memref<80x64xf32, #tpu.memory_space<vmem>>, vector<16xf32>,
          %get3A_1455 = arith.index_cast %add3A_1434 : i32 to index
          %get3A_1456 = arith.constant 16 : index
          %get3A_1457 = tpu.vector_load %arg25[%get3A_1455, %get3A_1456] {strides = array<i32>} : memref<80x64xf32, #tpu.memory_space<vmem>>, vector<16xf32>,
          %get3A_1458 = arith.index_cast %add3A_1434 : i32 to index
          %get3A_1459 = arith.constant 16 : index
          %get3A_1460 = tpu.vector_load %arg23[%get3A_1458, %get3A_1459] {strides = array<i32>} : memref<80x64xf32, #tpu.memory_space<vmem>>, vector<16xf32>,
          %add3A_1461 = arith.addf %get3A_1460, %get3A_1457 : vector<16xf32>
          %get3A_1462 = arith.index_cast %add3A_1434 : i32 to index
          %get3A_1463 = arith.constant 16 : index
          %get3A_1464 = tpu.vector_load %arg24[%get3A_1462, %get3A_1463] {strides = array<i32>} : memref<80x64xf32, #tpu.memory_space<vmem>>, vector<16xf32>,
          %add3A_1465 = arith.addf %get3A_1464, %get3A_1457 : vector<16xf32>
          %mul3A_1466 = arith.mulf %add3A_1461, %add3A_1465 : vector<16xf32>
          %mul3A_1467 = arith.mulf %mul3A_1466, %gather3A_1438 : vector<16xf32>
          %swap3A_1468 = arith.index_cast %add3A_1434 : i32 to index
          %swap3A_1469 = arith.constant 16 : index
          %swap3A_1470 = tpu.vector_load %arg27[%swap3A_1468, %swap3A_1469] {strides = array<i32>} : memref<80x64xf32, #tpu.memory_space<vmem>>, vector<16xf32>,
          tpu.vector_store %arg27[%swap3A_1468, %swap3A_1469], %mul3A_1467 {strides = array<i32>} : memref<80x64xf32, #tpu.memory_space<vmem>>, vector<16xf32>,
          %get3A_1471 = arith.index_cast %add3A_1434 : i32 to index
          %get3A_1472 = arith.constant 32 : index
          %get3A_1473 = tpu.vector_load %arg25[%get3A_1471, %get3A_1472] {strides = array<i32>} : memref<80x64xf32, #tpu.memory_space<vmem>>, vector<16xf32>,
          %get3A_1474 = arith.index_cast %add3A_1434 : i32 to index
          %get3A_1475 = arith.constant 32 : index
          %get3A_1476 = tpu.vector_load %arg23[%get3A_1474, %get3A_1475] {strides = array<i32>} : memref<80x64xf32, #tpu.memory_space<vmem>>, vector<16xf32>,
          %add3A_1477 = arith.addf %get3A_1476, %get3A_1473 : vector<16xf32>
          %get3A_1478 = arith.index_cast %add3A_1434 : i32 to index
          %get3A_1479 = arith.constant 32 : index
          %get3A_1480 = tpu.vector_load %arg24[%get3A_1478, %get3A_1479] {strides = array<i32>} : memref<80x64xf32, #tpu.memory_space<vmem>>, vector<16xf32>,
          %add3A_1481 = arith.addf %get3A_1480, %get3A_1473 : vector<16xf32>
          %mul3A_1482 = arith.mulf %add3A_1477, %add3A_1481 : vector<16xf32>
          %mul3A_1483 = arith.mulf %mul3A_1482, %gather3A_1438 : vector<16xf32>
          %swap3A_1484 = arith.index_cast %add3A_1434 : i32 to index
          %swap3A_1485 = arith.constant 32 : index
          %swap3A_1486 = tpu.vector_load %arg27[%swap3A_1484, %swap3A_1485] {strides = array<i32>} : memref<80x64xf32, #tpu.memory_space<vmem>>, vector<16xf32>,
          tpu.vector_store %arg27[%swap3A_1484, %swap3A_1485], %mul3A_1483 {strides = array<i32>} : memref<80x64xf32, #tpu.memory_space<vmem>>, vector<16xf32>,
          %get3A_1487 = arith.index_cast %add3A_1434 : i32 to index
          %get3A_1488 = arith.constant 48 : index
          %get3A_1489 = tpu.vector_load %arg25[%get3A_1487, %get3A_1488] {strides = array<i32>} : memref<80x64xf32, #tpu.memory_space<vmem>>, vector<16xf32>,
          %get3A_1490 = arith.index_cast %add3A_1434 : i32 to index
          %get3A_1491 = arith.constant 48 : index
          %get3A_1492 = tpu.vector_load %arg23[%get3A_1490, %get3A_1491] {strides = array<i32>} : memref<80x64xf32, #tpu.memory_space<vmem>>, vector<16xf32>,
          %add3A_1493 = arith.addf %get3A_1492, %get3A_1489 : vector<16xf32>
          %get3A_1494 = arith.index_cast %add3A_1434 : i32 to index
          %get3A_1495 = arith.constant 48 : index
          %get3A_1496 = tpu.vector_load %arg24[%get3A_1494, %get3A_1495] {strides = array<i32>} : memref<80x64xf32, #tpu.memory_space<vmem>>, vector<16xf32>,
          %add3A_1497 = arith.addf %get3A_1496, %get3A_1489 : vector<16xf32>
          %mul3A_1498 = arith.mulf %add3A_1493, %add3A_1497 : vector<16xf32>
          %mul3A_1499 = arith.mulf %mul3A_1498, %gather3A_1438 : vector<16xf32>
          %swap3A_1500 = arith.index_cast %add3A_1434 : i32 to index
          %swap3A_1501 = arith.constant 48 : index
          %swap3A_1502 = tpu.vector_load %arg27[%swap3A_1500, %swap3A_1501] {strides = array<i32>} : memref<80x64xf32, #tpu.memory_space<vmem>>, vector<16xf32>,
          tpu.vector_store %arg27[%swap3A_1500, %swap3A_1501], %mul3A_1499 {strides = array<i32>} : memref<80x64xf32, #tpu.memory_space<vmem>>, vector<16xf32>,
          %add3A_1503 = arith.constant 15 : i32
          %add3A_1504 = arith.addi %mul3A_426, %add3A_1503 : i32
          %broadcast_in_dim3A_1505 = arith.constant 15 : i32
          %broadcast_in_dim3A_1506 = vector.broadcast %broadcast_in_dim3A_1505 : i32 to vector<16x1xi32>
          %gather3A_1507 = vector.shape_cast %broadcast_in_dim3A_1506 : vector<16x1xi32> to vector<16xi32>
          %gather3A_1508 = tpu.dynamic_gather %exp3A[%gather3A_1507] in [0] : vector<16xf32>, vector<16xi32> -> vector<16xf32>
          %get3A_1509 = arith.index_cast %add3A_1504 : i32 to index
          %get3A_1510 = arith.constant 0 : index
          %get3A_1511 = tpu.vector_load %arg25[%get3A_1509, %get3A_1510] {strides = array<i32>} : memref<80x64xf32, #tpu.memory_space<vmem>>, vector<16xf32>,
          %get3A_1512 = arith.index_cast %add3A_1504 : i32 to index
          %get3A_1513 = arith.constant 0 : index
          %get3A_1514 = tpu.vector_load %arg23[%get3A_1512, %get3A_1513] {strides = array<i32>} : memref<80x64xf32, #tpu.memory_space<vmem>>, vector<16xf32>,
          %add3A_1515 = arith.addf %get3A_1514, %get3A_1511 : vector<16xf32>
          %get3A_1516 = arith.index_cast %add3A_1504 : i32 to index
          %get3A_1517 = arith.constant 0 : index
          %get3A_1518 = tpu.vector_load %arg24[%get3A_1516, %get3A_1517] {strides = array<i32>} : memref<80x64xf32, #tpu.memory_space<vmem>>, vector<16xf32>,
          %add3A_1519 = arith.addf %get3A_1518, %get3A_1511 : vector<16xf32>
          %mul3A_1520 = arith.mulf %add3A_1515, %add3A_1519 : vector<16xf32>
          %mul3A_1521 = arith.mulf %mul3A_1520, %gather3A_1508 : vector<16xf32>
          %swap3A_1522 = arith.index_cast %add3A_1504 : i32 to index
          %swap3A_1523 = arith.constant 0 : index
          %swap3A_1524 = tpu.vector_load %arg27[%swap3A_1522, %swap3A_1523] {strides = array<i32>} : memref<80x64xf32, #tpu.memory_space<vmem>>, vector<16xf32>,
          tpu.vector_store %arg27[%swap3A_1522, %swap3A_1523], %mul3A_1521 {strides = array<i32>} : memref<80x64xf32, #tpu.memory_space<vmem>>, vector<16xf32>,
          %get3A_1525 = arith.index_cast %add3A_1504 : i32 to index
          %get3A_1526 = arith.constant 16 : index
          %get3A_1527 = tpu.vector_load %arg25[%get3A_1525, %get3A_1526] {strides = array<i32>} : memref<80x64xf32, #tpu.memory_space<vmem>>, vector<16xf32>,
          %get3A_1528 = arith.index_cast %add3A_1504 : i32 to index
          %get3A_1529 = arith.constant 16 : index
          %get3A_1530 = tpu.vector_load %arg23[%get3A_1528, %get3A_1529] {strides = array<i32>} : memref<80x64xf32, #tpu.memory_space<vmem>>, vector<16xf32>,
          %add3A_1531 = arith.addf %get3A_1530, %get3A_1527 : vector<16xf32>
          %get3A_1532 = arith.index_cast %add3A_1504 : i32 to index
          %get3A_1533 = arith.constant 16 : index
          %get3A_1534 = tpu.vector_load %arg24[%get3A_1532, %get3A_1533] {strides = array<i32>} : memref<80x64xf32, #tpu.memory_space<vmem>>, vector<16xf32>,
          %add3A_1535 = arith.addf %get3A_1534, %get3A_1527 : vector<16xf32>
          %mul3A_1536 = arith.mulf %add3A_1531, %add3A_1535 : vector<16xf32>
          %mul3A_1537 = arith.mulf %mul3A_1536, %gather3A_1508 : vector<16xf32>
          %swap3A_1538 = arith.index_cast %add3A_1504 : i32 to index
          %swap3A_1539 = arith.constant 16 : index
          %swap3A_1540 = tpu.vector_load %arg27[%swap3A_1538, %swap3A_1539] {strides = array<i32>} : memref<80x64xf32, #tpu.memory_space<vmem>>, vector<16xf32>,
          tpu.vector_store %arg27[%swap3A_1538, %swap3A_1539], %mul3A_1537 {strides = array<i32>} : memref<80x64xf32, #tpu.memory_space<vmem>>, vector<16xf32>,
          %get3A_1541 = arith.index_cast %add3A_1504 : i32 to index
          %get3A_1542 = arith.constant 32 : index
          %get3A_1543 = tpu.vector_load %arg25[%get3A_1541, %get3A_1542] {strides = array<i32>} : memref<80x64xf32, #tpu.memory_space<vmem>>, vector<16xf32>,
          %get3A_1544 = arith.index_cast %add3A_1504 : i32 to index
          %get3A_1545 = arith.constant 32 : index
          %get3A_1546 = tpu.vector_load %arg23[%get3A_1544, %get3A_1545] {strides = array<i32>} : memref<80x64xf32, #tpu.memory_space<vmem>>, vector<16xf32>,
          %add3A_1547 = arith.addf %get3A_1546, %get3A_1543 : vector<16xf32>
          %get3A_1548 = arith.index_cast %add3A_1504 : i32 to index
          %get3A_1549 = arith.constant 32 : index
          %get3A_1550 = tpu.vector_load %arg24[%get3A_1548, %get3A_1549] {strides = array<i32>} : memref<80x64xf32, #tpu.memory_space<vmem>>, vector<16xf32>,
          %add3A_1551 = arith.addf %get3A_1550, %get3A_1543 : vector<16xf32>
          %mul3A_1552 = arith.mulf %add3A_1547, %add3A_1551 : vector<16xf32>
          %mul3A_1553 = arith.mulf %mul3A_1552, %gather3A_1508 : vector<16xf32>
          %swap3A_1554 = arith.index_cast %add3A_1504 : i32 to index
          %swap3A_1555 = arith.constant 32 : index
          %swap3A_1556 = tpu.vector_load %arg27[%swap3A_1554, %swap3A_1555] {strides = array<i32>} : memref<80x64xf32, #tpu.memory_space<vmem>>, vector<16xf32>,
          tpu.vector_store %arg27[%swap3A_1554, %swap3A_1555], %mul3A_1553 {strides = array<i32>} : memref<80x64xf32, #tpu.memory_space<vmem>>, vector<16xf32>,
          %get3A_1557 = arith.index_cast %add3A_1504 : i32 to index
          %get3A_1558 = arith.constant 48 : index
          %get3A_1559 = tpu.vector_load %arg25[%get3A_1557, %get3A_1558] {strides = array<i32>} : memref<80x64xf32, #tpu.memory_space<vmem>>, vector<16xf32>,
          %get3A_1560 = arith.index_cast %add3A_1504 : i32 to index
          %get3A_1561 = arith.constant 48 : index
          %get3A_1562 = tpu.vector_load %arg23[%get3A_1560, %get3A_1561] {strides = array<i32>} : memref<80x64xf32, #tpu.memory_space<vmem>>, vector<16xf32>,
          %add3A_1563 = arith.addf %get3A_1562, %get3A_1559 : vector<16xf32>
          %get3A_1564 = arith.index_cast %add3A_1504 : i32 to index
          %get3A_1565 = arith.constant 48 : index
          %get3A_1566 = tpu.vector_load %arg24[%get3A_1564, %get3A_1565] {strides = array<i32>} : memref<80x64xf32, #tpu.memory_space<vmem>>, vector<16xf32>,
          %add3A_1567 = arith.addf %get3A_1566, %get3A_1559 : vector<16xf32>
          %mul3A_1568 = arith.mulf %add3A_1563, %add3A_1567 : vector<16xf32>
          %mul3A_1569 = arith.mulf %mul3A_1568, %gather3A_1508 : vector<16xf32>
          %swap3A_1570 = arith.index_cast %add3A_1504 : i32 to index
          %swap3A_1571 = arith.constant 48 : index
          %swap3A_1572 = tpu.vector_load %arg27[%swap3A_1570, %swap3A_1571] {strides = array<i32>} : memref<80x64xf32, #tpu.memory_space<vmem>>, vector<16xf32>,
          tpu.vector_store %arg27[%swap3A_1570, %swap3A_1571], %mul3A_1569 {strides = array<i32>} : memref<80x64xf32, #tpu.memory_space<vmem>>, vector<16xf32>,
        }
        %scan3A_357 = arith.constant 5 : i32
        %dma_start3A_358 = arith.constant 0 : i32
        %dma_start3A_359 = tpu.memref_slice %arg16[%add3A_310, %dma_start3A_358] : memref<10x80xi32, #tpu.memory_space<vmem>> -> memref<1x80xi32, #tpu.memory_space<vmem>>
        %dma_start3A_360 = tpu.memref_squeeze %dma_start3A_359 : memref<1x80xi32, #tpu.memory_space<vmem>> -> memref<80xi32, #tpu.memory_space<vmem>>
        %dma_start3A_361 = arith.constant 0 : i32
        %dma_start3A_362 = arith.constant 0 : i32
        %dma_start3A_363 = tpu.memref_slice %arg33[%dma_start3A_361, %dma_start3A_362] : memref<10240x64xf32, #tpu.memory_space<vmem_shared>> -> memref<10240x64xf32, #tpu.memory_space<vmem_shared>>
        tpu.enqueue_indirect_dma source(%arg27 : memref<80x64xf32, #tpu.memory_space<vmem>>) target(%dma_start3A_363 : memref<10240x64xf32, #tpu.memory_space<vmem_shared>>) offsets(%dma_start3A_360 : memref<80xi32, #tpu.memory_space<vmem>>) semaphore(%arg37 : memref<!tpu.dma_semaphore, #tpu.memory_space<semaphore_mem>>) {add = true}
        %eq3A_364 = arith.constant 0 : i32
        %eq3A_365 = arith.cmpi eq, %arg0, %eq3A_364 : i32
        %convert_element_type3A_366 = arith.extui %eq3A_365 : i1 to i32
        %cond3A_367 = arith.constant 0 : i32
        %cond3A_368 = arith.cmpi ne, %convert_element_type3A_366, %cond3A_367 : i32
        scf.if %cond3A_368 {
          %dma_start3A_420 = arith.constant 0 : i32
          %dma_start3A_421 = tpu.memref_slice %arg16[%add3A_310, %dma_start3A_420] : memref<10x80xi32, #tpu.memory_space<vmem>> -> memref<1x80xi32, #tpu.memory_space<vmem>>
          %dma_start3A_422 = tpu.memref_squeeze %dma_start3A_421 : memref<1x80xi32, #tpu.memory_space<vmem>> -> memref<80xi32, #tpu.memory_space<vmem>>
          %dma_start3A_423 = arith.constant 0 : i32
          %dma_start3A_424 = arith.constant 0 : i32
          %dma_start3A_425 = tpu.memref_slice %arg34[%dma_start3A_423, %dma_start3A_424] : memref<10240x16xf32, #tpu.memory_space<vmem_shared>> -> memref<10240x16xf32, #tpu.memory_space<vmem_shared>>
          tpu.enqueue_indirect_dma source(%arg26 : memref<80x16xf32, #tpu.memory_space<vmem>>) target(%dma_start3A_425 : memref<10240x16xf32, #tpu.memory_space<vmem_shared>>) offsets(%dma_start3A_422 : memref<80xi32, #tpu.memory_space<vmem>>) semaphore(%arg37 : memref<!tpu.dma_semaphore, #tpu.memory_space<semaphore_mem>>) {add = true}
        } else {
        }
        %gt3A_369 = arith.constant 0 : i32
        %gt3A_370 = arith.cmpi sgt, %add3A_310, %gt3A_369 : i32
        %convert_element_type3A_371 = arith.extui %gt3A_370 : i1 to i32
        %cond3A_372 = arith.constant 0 : i32
        %cond3A_373 = arith.cmpi ne, %convert_element_type3A_371, %cond3A_372 : i32
        scf.if %cond3A_373 {
          %sub3A = arith.constant 1 : i32
          %sub3A_420 = arith.subi %add3A_310, %sub3A : i32
          %dma_wait3A_421 = arith.constant 0 : i32
          %dma_wait3A_422 = tpu.memref_slice %arg16[%sub3A_420, %dma_wait3A_421] : memref<10x80xi32, #tpu.memory_space<vmem>> -> memref<1x80xi32, #tpu.memory_space<vmem>>
          %dma_wait3A_423 = tpu.memref_squeeze %dma_wait3A_422 : memref<1x80xi32, #tpu.memory_space<vmem>> -> memref<80xi32, #tpu.memory_space<vmem>>
          %dma_wait3A_424 = arith.constant 0 : i32
          %dma_wait3A_425 = arith.constant 0 : i32
          %dma_wait3A_426 = tpu.memref_slice %arg33[%dma_wait3A_424, %dma_wait3A_425] : memref<10240x64xf32, #tpu.memory_space<vmem_shared>> -> memref<10240x64xf32, #tpu.memory_space<vmem_shared>>
          tpu.wait_indirect_dma semaphore(%arg38 : memref<!tpu.dma_semaphore, #tpu.memory_space<semaphore_mem>>) src(%arg32 : memref<80x64xf32, #tpu.memory_space<vmem>>) dst(%dma_wait3A_426 : memref<10240x64xf32, #tpu.memory_space<vmem_shared>>)
          %eq3A_427 = arith.constant 0 : i32
          %eq3A_428 = arith.cmpi eq, %arg0, %eq3A_427 : i32
          %convert_element_type3A_429 = arith.extui %eq3A_428 : i1 to i32
          %cond3A_430 = arith.constant 0 : i32
          %cond3A_431 = arith.cmpi ne, %convert_element_type3A_429, %cond3A_430 : i32
          scf.if %cond3A_431 {
            %dma_wait3A_432 = arith.constant 0 : i32
            %dma_wait3A_433 = tpu.memref_slice %arg16[%sub3A_420, %dma_wait3A_432] : memref<10x80xi32, #tpu.memory_space<vmem>> -> memref<1x80xi32, #tpu.memory_space<vmem>>
            %dma_wait3A_434 = tpu.memref_squeeze %dma_wait3A_433 : memref<1x80xi32, #tpu.memory_space<vmem>> -> memref<80xi32, #tpu.memory_space<vmem>>
            %dma_wait3A_435 = arith.constant 0 : i32
            %dma_wait3A_436 = arith.constant 0 : i32
            %dma_wait3A_437 = tpu.memref_slice %arg34[%dma_wait3A_435, %dma_wait3A_436] : memref<10240x16xf32, #tpu.memory_space<vmem_shared>> -> memref<10240x16xf32, #tpu.memory_space<vmem_shared>>
            tpu.wait_indirect_dma semaphore(%arg38 : memref<!tpu.dma_semaphore, #tpu.memory_space<semaphore_mem>>) src(%arg31 : memref<80x16xf32, #tpu.memory_space<vmem>>) dst(%dma_wait3A_437 : memref<10240x16xf32, #tpu.memory_space<vmem_shared>>)
          } else {
          }
        } else {
        }
        %add3A_374 = arith.constant 2 : i32
        %add3A_375 = arith.addi %add3A_310, %add3A_374 : i32
        %lt3A = arith.constant 10 : i32
        %lt3A_376 = arith.cmpi slt, %add3A_375, %lt3A : i32
        %convert_element_type3A_377 = arith.extui %lt3A_376 : i1 to i32
        %cond3A_378 = arith.constant 0 : i32
        %cond3A_379 = arith.cmpi ne, %convert_element_type3A_377, %cond3A_378 : i32
        scf.if %cond3A_379 {
          %add3A_420 = arith.constant 2 : i32
          %add3A_421 = arith.addi %add3A_310, %add3A_420 : i32
          %dma_start3A_422 = arith.constant 0 : i32
          %dma_start3A_423 = tpu.memref_slice %arg15[%add3A_421, %dma_start3A_422] : memref<10x80xi32, #tpu.memory_space<vmem>> -> memref<1x80xi32, #tpu.memory_space<vmem>>
          %dma_start3A_424 = tpu.memref_squeeze %dma_start3A_423 : memref<1x80xi32, #tpu.memory_space<vmem>> -> memref<80xi32, #tpu.memory_space<vmem>>
          %dma_start3A_425 = arith.constant 0 : i32
          %dma_start3A_426 = arith.constant 0 : i32
          %dma_start3A_427 = tpu.memref_slice %arg10[%dma_start3A_425, %dma_start3A_426] : memref<20000x64xf32, #tpu.memory_space<hbm>> -> memref<20000x64xf32, #tpu.memory_space<hbm>>
          tpu.enqueue_indirect_dma source(%dma_start3A_427 : memref<20000x64xf32, #tpu.memory_space<hbm>>) target(%arg23 : memref<80x64xf32, #tpu.memory_space<vmem>>) offsets(%dma_start3A_424 : memref<80xi32, #tpu.memory_space<vmem>>) semaphore(%arg35 : memref<!tpu.dma_semaphore, #tpu.memory_space<semaphore_mem>>)
          %dma_start3A_428 = arith.constant 0 : i32
          %dma_start3A_429 = tpu.memref_slice %arg17[%add3A_421, %dma_start3A_428] : memref<10x80xi32, #tpu.memory_space<vmem>> -> memref<1x80xi32, #tpu.memory_space<vmem>>
          %dma_start3A_430 = tpu.memref_squeeze %dma_start3A_429 : memref<1x80xi32, #tpu.memory_space<vmem>> -> memref<80xi32, #tpu.memory_space<vmem>>
          %dma_start3A_431 = arith.constant 0 : i32
          %dma_start3A_432 = arith.constant 0 : i32
          %dma_start3A_433 = tpu.memref_slice %arg11[%dma_start3A_431, %dma_start3A_432] : memref<400x64xf32, #tpu.memory_space<hbm>> -> memref<400x64xf32, #tpu.memory_space<hbm>>
          tpu.enqueue_indirect_dma source(%dma_start3A_433 : memref<400x64xf32, #tpu.memory_space<hbm>>) target(%arg24 : memref<80x64xf32, #tpu.memory_space<vmem>>) offsets(%dma_start3A_430 : memref<80xi32, #tpu.memory_space<vmem>>) semaphore(%arg35 : memref<!tpu.dma_semaphore, #tpu.memory_space<semaphore_mem>>)
          %dma_start3A_434 = arith.constant 0 : i32
          %dma_start3A_435 = tpu.memref_slice %arg18[%add3A_421, %dma_start3A_434] : memref<10x80xi32, #tpu.memory_space<vmem>> -> memref<1x80xi32, #tpu.memory_space<vmem>>
          %dma_start3A_436 = tpu.memref_squeeze %dma_start3A_435 : memref<1x80xi32, #tpu.memory_space<vmem>> -> memref<80xi32, #tpu.memory_space<vmem>>
          %dma_start3A_437 = arith.constant 0 : i32
          %dma_start3A_438 = arith.constant 0 : i32
          %dma_start3A_439 = tpu.memref_slice %arg12[%dma_start3A_437, %dma_start3A_438] : memref<732x64xf32, #tpu.memory_space<hbm>> -> memref<732x64xf32, #tpu.memory_space<hbm>>
          tpu.enqueue_indirect_dma source(%dma_start3A_439 : memref<732x64xf32, #tpu.memory_space<hbm>>) target(%arg25 : memref<80x64xf32, #tpu.memory_space<vmem>>) offsets(%dma_start3A_436 : memref<80xi32, #tpu.memory_space<vmem>>) semaphore(%arg35 : memref<!tpu.dma_semaphore, #tpu.memory_space<semaphore_mem>>)
        } else {
        }
        %add3A_380 = arith.constant 1 : i32
        %add3A_381 = arith.addi %add3A_310, %add3A_380 : i32
        %dma_wait3A_382 = arith.constant 0 : i32
        %dma_wait3A_383 = tpu.memref_slice %arg15[%add3A_381, %dma_wait3A_382] : memref<10x80xi32, #tpu.memory_space<vmem>> -> memref<1x80xi32, #tpu.memory_space<vmem>>
        %dma_wait3A_384 = tpu.memref_squeeze %dma_wait3A_383 : memref<1x80xi32, #tpu.memory_space<vmem>> -> memref<80xi32, #tpu.memory_space<vmem>>
        %dma_wait3A_385 = arith.constant 0 : i32
        %dma_wait3A_386 = arith.constant 0 : i32
        %dma_wait3A_387 = tpu.memref_slice %arg10[%dma_wait3A_385, %dma_wait3A_386] : memref<20000x64xf32, #tpu.memory_space<hbm>> -> memref<20000x64xf32, #tpu.memory_space<hbm>>
        tpu.wait_indirect_dma semaphore(%arg36 : memref<!tpu.dma_semaphore, #tpu.memory_space<semaphore_mem>>) src(%dma_wait3A_387 : memref<20000x64xf32, #tpu.memory_space<hbm>>) dst(%arg28 : memref<80x64xf32, #tpu.memory_space<vmem>>)
        %dma_wait3A_388 = arith.constant 0 : i32
        %dma_wait3A_389 = tpu.memref_slice %arg17[%add3A_381, %dma_wait3A_388] : memref<10x80xi32, #tpu.memory_space<vmem>> -> memref<1x80xi32, #tpu.memory_space<vmem>>
        %dma_wait3A_390 = tpu.memref_squeeze %dma_wait3A_389 : memref<1x80xi32, #tpu.memory_space<vmem>> -> memref<80xi32, #tpu.memory_space<vmem>>
        %dma_wait3A_391 = arith.constant 0 : i32
        %dma_wait3A_392 = arith.constant 0 : i32
        %dma_wait3A_393 = tpu.memref_slice %arg11[%dma_wait3A_391, %dma_wait3A_392] : memref<400x64xf32, #tpu.memory_space<hbm>> -> memref<400x64xf32, #tpu.memory_space<hbm>>
        tpu.wait_indirect_dma semaphore(%arg36 : memref<!tpu.dma_semaphore, #tpu.memory_space<semaphore_mem>>) src(%dma_wait3A_393 : memref<400x64xf32, #tpu.memory_space<hbm>>) dst(%arg29 : memref<80x64xf32, #tpu.memory_space<vmem>>)
        %dma_wait3A_394 = arith.constant 0 : i32
        %dma_wait3A_395 = tpu.memref_slice %arg18[%add3A_381, %dma_wait3A_394] : memref<10x80xi32, #tpu.memory_space<vmem>> -> memref<1x80xi32, #tpu.memory_space<vmem>>
        %dma_wait3A_396 = tpu.memref_squeeze %dma_wait3A_395 : memref<1x80xi32, #tpu.memory_space<vmem>> -> memref<80xi32, #tpu.memory_space<vmem>>
        %dma_wait3A_397 = arith.constant 0 : i32
        %dma_wait3A_398 = arith.constant 0 : i32
        %dma_wait3A_399 = tpu.memref_slice %arg12[%dma_wait3A_397, %dma_wait3A_398] : memref<732x64xf32, #tpu.memory_space<hbm>> -> memref<732x64xf32, #tpu.memory_space<hbm>>
        tpu.wait_indirect_dma semaphore(%arg36 : memref<!tpu.dma_semaphore, #tpu.memory_space<semaphore_mem>>) src(%dma_wait3A_399 : memref<732x64xf32, #tpu.memory_space<hbm>>) dst(%arg30 : memref<80x64xf32, #tpu.memory_space<vmem>>)
        %add3A_400 = arith.constant 1 : i32
        %add3A_401 = arith.addi %add3A_310, %add3A_400 : i32
        %scan3A_402 = arith.constant 0 : i32
        %scan3A_403 = arith.constant 5 : i32
        %scan3A_404 = arith.addi %scan3A_402, %scan3A_403 : i32
        %scan3A_405 = arith.constant 1 : i32
        scf.for %scan3A_420 = %scan3A_402 to %scan3A_404 step %scan3A_405  : i32 {
          %mul3A_421 = arith.constant 1 : i32
          %mul3A_422 = arith.muli %scan3A_420, %mul3A_421 : i32
          %add3A_423 = arith.constant 0 : i32
          %add3A_424 = arith.addi %add3A_423, %mul3A_422 : i32
          %mul3A_425 = arith.constant 16 : i32
          %mul3A_426 = arith.muli %add3A_424, %mul3A_425 : i32
          %get3A = arith.index_cast %add3A_401 : i32 to index
          %get3A_427 = arith.index_cast %mul3A_426 : i32 to index
          %get3A_428 = tpu.vector_load %arg15[%get3A, %get3A_427] {strides = array<i32>} : memref<10x80xi32, #tpu.memory_space<vmem>>, vector<16xi32>,
          %sub3A = arith.subi %get3A_428, %broadcast_in_dim3A_4 : vector<16xi32>
          %gather3A = tpu.vector_load_idx %arg19[%sub3A] : memref<10000xf32, #tpu.memory_space<vmem>>[vector<16xi32>], vector<16xf32>,
          %get3A_429 = arith.index_cast %add3A_401 : i32 to index
          %get3A_430 = arith.index_cast %mul3A_426 : i32 to index
          %get3A_431 = tpu.vector_load %arg16[%get3A_429, %get3A_430] {strides = array<i32>} : memref<10x80xi32, #tpu.memory_space<vmem>>, vector<16xi32>,
          %gather3A_432 = tpu.vector_load_idx %arg20[%get3A_431] : memref<10000xf32, #tpu.memory_space<vmem>>[vector<16xi32>], vector<16xf32>,
          %get3A_433 = arith.index_cast %add3A_401 : i32 to index
          %get3A_434 = arith.index_cast %mul3A_426 : i32 to index
          %get3A_435 = tpu.vector_load %arg17[%get3A_433, %get3A_434] {strides = array<i32>} : memref<10x80xi32, #tpu.memory_space<vmem>>, vector<16xi32>,
          %sub3A_436 = arith.subi %get3A_435, %broadcast_in_dim3A_7 : vector<16xi32>
          %gather3A_437 = tpu.vector_load_idx %arg21[%sub3A_436] : memref<200xf32, #tpu.memory_space<vmem>>[vector<16xi32>], vector<16xf32>,
          %get3A_438 = arith.index_cast %add3A_401 : i32 to index
          %get3A_439 = arith.index_cast %mul3A_426 : i32 to index
          %get3A_440 = tpu.vector_load %arg18[%get3A_438, %get3A_439] {strides = array<i32>} : memref<10x80xi32, #tpu.memory_space<vmem>>, vector<16xi32>,
          %sub3A_441 = arith.subi %get3A_440, %broadcast_in_dim3A_10 : vector<16xi32>
          %gather3A_442 = tpu.vector_load_idx %arg22[%sub3A_441] : memref<366xf32, #tpu.memory_space<vmem>>[vector<16xi32>], vector<16xf32>,
          %sub3A_443 = arith.subf %gather3A, %gather3A_432 : vector<16xf32>
          %add3A_444 = arith.addf %sub3A_443, %gather3A_437 : vector<16xf32>
          %add3A_445 = arith.addf %add3A_444, %gather3A_442 : vector<16xf32>
          %gt3A_446 = arith.constant 0.000000e+00 : f32
          %gt3A_447 = vector.broadcast %gt3A_446 : f32 to vector<16xf32>
          %gt3A_448 = arith.cmpf ogt, %add3A_445, %gt3A_447 : vector<16xf32>
          %mul3A_449 = arith.constant 1.000000e-01 : f32
          %mul3A_450 = vector.broadcast %mul3A_449 : f32 to vector<16xf32>
          %mul3A_451 = arith.mulf %mul3A_450, %add3A_445 : vector<16xf32>
          %select_n3A = arith.select %gt3A_448, %add3A_445, %mul3A_451 : vector<16xi1>, vector<16xf32>
          %exp3A = math.exp %select_n3A : vector<16xf32>
          %iota3A = tpu.iota {dimensions = array<i32: 0>} : vector<16xi32>
          %add3A_452 = vector.broadcast %mul3A_426 : i32 to vector<16xi32>
          %add3A_453 = arith.addi %add3A_452, %iota3A : vector<16xi32>
          tpu.vector_store_idx %arg31[%add3A_453, %broadcast_in_dim3A_2], %exp3A : memref<80x16xf32, #tpu.memory_space<vmem>>[vector<16xi32>, vector<16xi32>], vector<16xf32>,
          %add3A_454 = arith.constant 0 : i32
          %add3A_455 = arith.addi %mul3A_426, %add3A_454 : i32
          %broadcast_in_dim3A_456 = arith.constant 0 : i32
          %broadcast_in_dim3A_457 = vector.broadcast %broadcast_in_dim3A_456 : i32 to vector<16x1xi32>
          %gather3A_458 = vector.shape_cast %broadcast_in_dim3A_457 : vector<16x1xi32> to vector<16xi32>
          %gather3A_459 = tpu.dynamic_gather %exp3A[%gather3A_458] in [0] : vector<16xf32>, vector<16xi32> -> vector<16xf32>
          %get3A_460 = arith.index_cast %add3A_455 : i32 to index
          %get3A_461 = arith.constant 0 : index
          %get3A_462 = tpu.vector_load %arg30[%get3A_460, %get3A_461] {strides = array<i32>} : memref<80x64xf32, #tpu.memory_space<vmem>>, vector<16xf32>,
          %get3A_463 = arith.index_cast %add3A_455 : i32 to index
          %get3A_464 = arith.constant 0 : index
          %get3A_465 = tpu.vector_load %arg28[%get3A_463, %get3A_464] {strides = array<i32>} : memref<80x64xf32, #tpu.memory_space<vmem>>, vector<16xf32>,
          %add3A_466 = arith.addf %get3A_465, %get3A_462 : vector<16xf32>
          %get3A_467 = arith.index_cast %add3A_455 : i32 to index
          %get3A_468 = arith.constant 0 : index
          %get3A_469 = tpu.vector_load %arg29[%get3A_467, %get3A_468] {strides = array<i32>} : memref<80x64xf32, #tpu.memory_space<vmem>>, vector<16xf32>,
          %add3A_470 = arith.addf %get3A_469, %get3A_462 : vector<16xf32>
          %mul3A_471 = arith.mulf %add3A_466, %add3A_470 : vector<16xf32>
          %mul3A_472 = arith.mulf %mul3A_471, %gather3A_459 : vector<16xf32>
          %swap3A = arith.index_cast %add3A_455 : i32 to index
          %swap3A_473 = arith.constant 0 : index
          %swap3A_474 = tpu.vector_load %arg32[%swap3A, %swap3A_473] {strides = array<i32>} : memref<80x64xf32, #tpu.memory_space<vmem>>, vector<16xf32>,
          tpu.vector_store %arg32[%swap3A, %swap3A_473], %mul3A_472 {strides = array<i32>} : memref<80x64xf32, #tpu.memory_space<vmem>>, vector<16xf32>,
          %get3A_475 = arith.index_cast %add3A_455 : i32 to index
          %get3A_476 = arith.constant 16 : index
          %get3A_477 = tpu.vector_load %arg30[%get3A_475, %get3A_476] {strides = array<i32>} : memref<80x64xf32, #tpu.memory_space<vmem>>, vector<16xf32>,
          %get3A_478 = arith.index_cast %add3A_455 : i32 to index
          %get3A_479 = arith.constant 16 : index
          %get3A_480 = tpu.vector_load %arg28[%get3A_478, %get3A_479] {strides = array<i32>} : memref<80x64xf32, #tpu.memory_space<vmem>>, vector<16xf32>,
          %add3A_481 = arith.addf %get3A_480, %get3A_477 : vector<16xf32>
          %get3A_482 = arith.index_cast %add3A_455 : i32 to index
          %get3A_483 = arith.constant 16 : index
          %get3A_484 = tpu.vector_load %arg29[%get3A_482, %get3A_483] {strides = array<i32>} : memref<80x64xf32, #tpu.memory_space<vmem>>, vector<16xf32>,
          %add3A_485 = arith.addf %get3A_484, %get3A_477 : vector<16xf32>
          %mul3A_486 = arith.mulf %add3A_481, %add3A_485 : vector<16xf32>
          %mul3A_487 = arith.mulf %mul3A_486, %gather3A_459 : vector<16xf32>
          %swap3A_488 = arith.index_cast %add3A_455 : i32 to index
          %swap3A_489 = arith.constant 16 : index
          %swap3A_490 = tpu.vector_load %arg32[%swap3A_488, %swap3A_489] {strides = array<i32>} : memref<80x64xf32, #tpu.memory_space<vmem>>, vector<16xf32>,
          tpu.vector_store %arg32[%swap3A_488, %swap3A_489], %mul3A_487 {strides = array<i32>} : memref<80x64xf32, #tpu.memory_space<vmem>>, vector<16xf32>,
          %get3A_491 = arith.index_cast %add3A_455 : i32 to index
          %get3A_492 = arith.constant 32 : index
          %get3A_493 = tpu.vector_load %arg30[%get3A_491, %get3A_492] {strides = array<i32>} : memref<80x64xf32, #tpu.memory_space<vmem>>, vector<16xf32>,
          %get3A_494 = arith.index_cast %add3A_455 : i32 to index
          %get3A_495 = arith.constant 32 : index
          %get3A_496 = tpu.vector_load %arg28[%get3A_494, %get3A_495] {strides = array<i32>} : memref<80x64xf32, #tpu.memory_space<vmem>>, vector<16xf32>,
          %add3A_497 = arith.addf %get3A_496, %get3A_493 : vector<16xf32>
          %get3A_498 = arith.index_cast %add3A_455 : i32 to index
          %get3A_499 = arith.constant 32 : index
          %get3A_500 = tpu.vector_load %arg29[%get3A_498, %get3A_499] {strides = array<i32>} : memref<80x64xf32, #tpu.memory_space<vmem>>, vector<16xf32>,
          %add3A_501 = arith.addf %get3A_500, %get3A_493 : vector<16xf32>
          %mul3A_502 = arith.mulf %add3A_497, %add3A_501 : vector<16xf32>
          %mul3A_503 = arith.mulf %mul3A_502, %gather3A_459 : vector<16xf32>
          %swap3A_504 = arith.index_cast %add3A_455 : i32 to index
          %swap3A_505 = arith.constant 32 : index
          %swap3A_506 = tpu.vector_load %arg32[%swap3A_504, %swap3A_505] {strides = array<i32>} : memref<80x64xf32, #tpu.memory_space<vmem>>, vector<16xf32>,
          tpu.vector_store %arg32[%swap3A_504, %swap3A_505], %mul3A_503 {strides = array<i32>} : memref<80x64xf32, #tpu.memory_space<vmem>>, vector<16xf32>,
          %get3A_507 = arith.index_cast %add3A_455 : i32 to index
          %get3A_508 = arith.constant 48 : index
          %get3A_509 = tpu.vector_load %arg30[%get3A_507, %get3A_508] {strides = array<i32>} : memref<80x64xf32, #tpu.memory_space<vmem>>, vector<16xf32>,
          %get3A_510 = arith.index_cast %add3A_455 : i32 to index
          %get3A_511 = arith.constant 48 : index
          %get3A_512 = tpu.vector_load %arg28[%get3A_510, %get3A_511] {strides = array<i32>} : memref<80x64xf32, #tpu.memory_space<vmem>>, vector<16xf32>,
          %add3A_513 = arith.addf %get3A_512, %get3A_509 : vector<16xf32>
          %get3A_514 = arith.index_cast %add3A_455 : i32 to index
          %get3A_515 = arith.constant 48 : index
          %get3A_516 = tpu.vector_load %arg29[%get3A_514, %get3A_515] {strides = array<i32>} : memref<80x64xf32, #tpu.memory_space<vmem>>, vector<16xf32>,
          %add3A_517 = arith.addf %get3A_516, %get3A_509 : vector<16xf32>
          %mul3A_518 = arith.mulf %add3A_513, %add3A_517 : vector<16xf32>
          %mul3A_519 = arith.mulf %mul3A_518, %gather3A_459 : vector<16xf32>
          %swap3A_520 = arith.index_cast %add3A_455 : i32 to index
          %swap3A_521 = arith.constant 48 : index
          %swap3A_522 = tpu.vector_load %arg32[%swap3A_520, %swap3A_521] {strides = array<i32>} : memref<80x64xf32, #tpu.memory_space<vmem>>, vector<16xf32>,
          tpu.vector_store %arg32[%swap3A_520, %swap3A_521], %mul3A_519 {strides = array<i32>} : memref<80x64xf32, #tpu.memory_space<vmem>>, vector<16xf32>,
          %add3A_523 = arith.constant 1 : i32
          %add3A_524 = arith.addi %mul3A_426, %add3A_523 : i32
          %broadcast_in_dim3A_525 = arith.constant 1 : i32
          %broadcast_in_dim3A_526 = vector.broadcast %broadcast_in_dim3A_525 : i32 to vector<16x1xi32>
          %gather3A_527 = vector.shape_cast %broadcast_in_dim3A_526 : vector<16x1xi32> to vector<16xi32>
          %gather3A_528 = tpu.dynamic_gather %exp3A[%gather3A_527] in [0] : vector<16xf32>, vector<16xi32> -> vector<16xf32>
          %get3A_529 = arith.index_cast %add3A_524 : i32 to index
          %get3A_530 = arith.constant 0 : index
          %get3A_531 = tpu.vector_load %arg30[%get3A_529, %get3A_530] {strides = array<i32>} : memref<80x64xf32, #tpu.memory_space<vmem>>, vector<16xf32>,
          %get3A_532 = arith.index_cast %add3A_524 : i32 to index
          %get3A_533 = arith.constant 0 : index
          %get3A_534 = tpu.vector_load %arg28[%get3A_532, %get3A_533] {strides = array<i32>} : memref<80x64xf32, #tpu.memory_space<vmem>>, vector<16xf32>,
          %add3A_535 = arith.addf %get3A_534, %get3A_531 : vector<16xf32>
          %get3A_536 = arith.index_cast %add3A_524 : i32 to index
          %get3A_537 = arith.constant 0 : index
          %get3A_538 = tpu.vector_load %arg29[%get3A_536, %get3A_537] {strides = array<i32>} : memref<80x64xf32, #tpu.memory_space<vmem>>, vector<16xf32>,
          %add3A_539 = arith.addf %get3A_538, %get3A_531 : vector<16xf32>
          %mul3A_540 = arith.mulf %add3A_535, %add3A_539 : vector<16xf32>
          %mul3A_541 = arith.mulf %mul3A_540, %gather3A_528 : vector<16xf32>
          %swap3A_542 = arith.index_cast %add3A_524 : i32 to index
          %swap3A_543 = arith.constant 0 : index
          %swap3A_544 = tpu.vector_load %arg32[%swap3A_542, %swap3A_543] {strides = array<i32>} : memref<80x64xf32, #tpu.memory_space<vmem>>, vector<16xf32>,
          tpu.vector_store %arg32[%swap3A_542, %swap3A_543], %mul3A_541 {strides = array<i32>} : memref<80x64xf32, #tpu.memory_space<vmem>>, vector<16xf32>,
          %get3A_545 = arith.index_cast %add3A_524 : i32 to index
          %get3A_546 = arith.constant 16 : index
          %get3A_547 = tpu.vector_load %arg30[%get3A_545, %get3A_546] {strides = array<i32>} : memref<80x64xf32, #tpu.memory_space<vmem>>, vector<16xf32>,
          %get3A_548 = arith.index_cast %add3A_524 : i32 to index
          %get3A_549 = arith.constant 16 : index
          %get3A_550 = tpu.vector_load %arg28[%get3A_548, %get3A_549] {strides = array<i32>} : memref<80x64xf32, #tpu.memory_space<vmem>>, vector<16xf32>,
          %add3A_551 = arith.addf %get3A_550, %get3A_547 : vector<16xf32>
          %get3A_552 = arith.index_cast %add3A_524 : i32 to index
          %get3A_553 = arith.constant 16 : index
          %get3A_554 = tpu.vector_load %arg29[%get3A_552, %get3A_553] {strides = array<i32>} : memref<80x64xf32, #tpu.memory_space<vmem>>, vector<16xf32>,
          %add3A_555 = arith.addf %get3A_554, %get3A_547 : vector<16xf32>
          %mul3A_556 = arith.mulf %add3A_551, %add3A_555 : vector<16xf32>
          %mul3A_557 = arith.mulf %mul3A_556, %gather3A_528 : vector<16xf32>
          %swap3A_558 = arith.index_cast %add3A_524 : i32 to index
          %swap3A_559 = arith.constant 16 : index
          %swap3A_560 = tpu.vector_load %arg32[%swap3A_558, %swap3A_559] {strides = array<i32>} : memref<80x64xf32, #tpu.memory_space<vmem>>, vector<16xf32>,
          tpu.vector_store %arg32[%swap3A_558, %swap3A_559], %mul3A_557 {strides = array<i32>} : memref<80x64xf32, #tpu.memory_space<vmem>>, vector<16xf32>,
          %get3A_561 = arith.index_cast %add3A_524 : i32 to index
          %get3A_562 = arith.constant 32 : index
          %get3A_563 = tpu.vector_load %arg30[%get3A_561, %get3A_562] {strides = array<i32>} : memref<80x64xf32, #tpu.memory_space<vmem>>, vector<16xf32>,
          %get3A_564 = arith.index_cast %add3A_524 : i32 to index
          %get3A_565 = arith.constant 32 : index
          %get3A_566 = tpu.vector_load %arg28[%get3A_564, %get3A_565] {strides = array<i32>} : memref<80x64xf32, #tpu.memory_space<vmem>>, vector<16xf32>,
          %add3A_567 = arith.addf %get3A_566, %get3A_563 : vector<16xf32>
          %get3A_568 = arith.index_cast %add3A_524 : i32 to index
          %get3A_569 = arith.constant 32 : index
          %get3A_570 = tpu.vector_load %arg29[%get3A_568, %get3A_569] {strides = array<i32>} : memref<80x64xf32, #tpu.memory_space<vmem>>, vector<16xf32>,
          %add3A_571 = arith.addf %get3A_570, %get3A_563 : vector<16xf32>
          %mul3A_572 = arith.mulf %add3A_567, %add3A_571 : vector<16xf32>
          %mul3A_573 = arith.mulf %mul3A_572, %gather3A_528 : vector<16xf32>
          %swap3A_574 = arith.index_cast %add3A_524 : i32 to index
          %swap3A_575 = arith.constant 32 : index
          %swap3A_576 = tpu.vector_load %arg32[%swap3A_574, %swap3A_575] {strides = array<i32>} : memref<80x64xf32, #tpu.memory_space<vmem>>, vector<16xf32>,
          tpu.vector_store %arg32[%swap3A_574, %swap3A_575], %mul3A_573 {strides = array<i32>} : memref<80x64xf32, #tpu.memory_space<vmem>>, vector<16xf32>,
          %get3A_577 = arith.index_cast %add3A_524 : i32 to index
          %get3A_578 = arith.constant 48 : index
          %get3A_579 = tpu.vector_load %arg30[%get3A_577, %get3A_578] {strides = array<i32>} : memref<80x64xf32, #tpu.memory_space<vmem>>, vector<16xf32>,
          %get3A_580 = arith.index_cast %add3A_524 : i32 to index
          %get3A_581 = arith.constant 48 : index
          %get3A_582 = tpu.vector_load %arg28[%get3A_580, %get3A_581] {strides = array<i32>} : memref<80x64xf32, #tpu.memory_space<vmem>>, vector<16xf32>,
          %add3A_583 = arith.addf %get3A_582, %get3A_579 : vector<16xf32>
          %get3A_584 = arith.index_cast %add3A_524 : i32 to index
          %get3A_585 = arith.constant 48 : index
          %get3A_586 = tpu.vector_load %arg29[%get3A_584, %get3A_585] {strides = array<i32>} : memref<80x64xf32, #tpu.memory_space<vmem>>, vector<16xf32>,
          %add3A_587 = arith.addf %get3A_586, %get3A_579 : vector<16xf32>
          %mul3A_588 = arith.mulf %add3A_583, %add3A_587 : vector<16xf32>
          %mul3A_589 = arith.mulf %mul3A_588, %gather3A_528 : vector<16xf32>
          %swap3A_590 = arith.index_cast %add3A_524 : i32 to index
          %swap3A_591 = arith.constant 48 : index
          %swap3A_592 = tpu.vector_load %arg32[%swap3A_590, %swap3A_591] {strides = array<i32>} : memref<80x64xf32, #tpu.memory_space<vmem>>, vector<16xf32>,
          tpu.vector_store %arg32[%swap3A_590, %swap3A_591], %mul3A_589 {strides = array<i32>} : memref<80x64xf32, #tpu.memory_space<vmem>>, vector<16xf32>,
          %add3A_593 = arith.constant 2 : i32
          %add3A_594 = arith.addi %mul3A_426, %add3A_593 : i32
          %broadcast_in_dim3A_595 = arith.constant 2 : i32
          %broadcast_in_dim3A_596 = vector.broadcast %broadcast_in_dim3A_595 : i32 to vector<16x1xi32>
          %gather3A_597 = vector.shape_cast %broadcast_in_dim3A_596 : vector<16x1xi32> to vector<16xi32>
          %gather3A_598 = tpu.dynamic_gather %exp3A[%gather3A_597] in [0] : vector<16xf32>, vector<16xi32> -> vector<16xf32>
          %get3A_599 = arith.index_cast %add3A_594 : i32 to index
          %get3A_600 = arith.constant 0 : index
          %get3A_601 = tpu.vector_load %arg30[%get3A_599, %get3A_600] {strides = array<i32>} : memref<80x64xf32, #tpu.memory_space<vmem>>, vector<16xf32>,
          %get3A_602 = arith.index_cast %add3A_594 : i32 to index
          %get3A_603 = arith.constant 0 : index
          %get3A_604 = tpu.vector_load %arg28[%get3A_602, %get3A_603] {strides = array<i32>} : memref<80x64xf32, #tpu.memory_space<vmem>>, vector<16xf32>,
          %add3A_605 = arith.addf %get3A_604, %get3A_601 : vector<16xf32>
          %get3A_606 = arith.index_cast %add3A_594 : i32 to index
          %get3A_607 = arith.constant 0 : index
          %get3A_608 = tpu.vector_load %arg29[%get3A_606, %get3A_607] {strides = array<i32>} : memref<80x64xf32, #tpu.memory_space<vmem>>, vector<16xf32>,
          %add3A_609 = arith.addf %get3A_608, %get3A_601 : vector<16xf32>
          %mul3A_610 = arith.mulf %add3A_605, %add3A_609 : vector<16xf32>
          %mul3A_611 = arith.mulf %mul3A_610, %gather3A_598 : vector<16xf32>
          %swap3A_612 = arith.index_cast %add3A_594 : i32 to index
          %swap3A_613 = arith.constant 0 : index
          %swap3A_614 = tpu.vector_load %arg32[%swap3A_612, %swap3A_613] {strides = array<i32>} : memref<80x64xf32, #tpu.memory_space<vmem>>, vector<16xf32>,
          tpu.vector_store %arg32[%swap3A_612, %swap3A_613], %mul3A_611 {strides = array<i32>} : memref<80x64xf32, #tpu.memory_space<vmem>>, vector<16xf32>,
          %get3A_615 = arith.index_cast %add3A_594 : i32 to index
          %get3A_616 = arith.constant 16 : index
          %get3A_617 = tpu.vector_load %arg30[%get3A_615, %get3A_616] {strides = array<i32>} : memref<80x64xf32, #tpu.memory_space<vmem>>, vector<16xf32>,
          %get3A_618 = arith.index_cast %add3A_594 : i32 to index
          %get3A_619 = arith.constant 16 : index
          %get3A_620 = tpu.vector_load %arg28[%get3A_618, %get3A_619] {strides = array<i32>} : memref<80x64xf32, #tpu.memory_space<vmem>>, vector<16xf32>,
          %add3A_621 = arith.addf %get3A_620, %get3A_617 : vector<16xf32>
          %get3A_622 = arith.index_cast %add3A_594 : i32 to index
          %get3A_623 = arith.constant 16 : index
          %get3A_624 = tpu.vector_load %arg29[%get3A_622, %get3A_623] {strides = array<i32>} : memref<80x64xf32, #tpu.memory_space<vmem>>, vector<16xf32>,
          %add3A_625 = arith.addf %get3A_624, %get3A_617 : vector<16xf32>
          %mul3A_626 = arith.mulf %add3A_621, %add3A_625 : vector<16xf32>
          %mul3A_627 = arith.mulf %mul3A_626, %gather3A_598 : vector<16xf32>
          %swap3A_628 = arith.index_cast %add3A_594 : i32 to index
          %swap3A_629 = arith.constant 16 : index
          %swap3A_630 = tpu.vector_load %arg32[%swap3A_628, %swap3A_629] {strides = array<i32>} : memref<80x64xf32, #tpu.memory_space<vmem>>, vector<16xf32>,
          tpu.vector_store %arg32[%swap3A_628, %swap3A_629], %mul3A_627 {strides = array<i32>} : memref<80x64xf32, #tpu.memory_space<vmem>>, vector<16xf32>,
          %get3A_631 = arith.index_cast %add3A_594 : i32 to index
          %get3A_632 = arith.constant 32 : index
          %get3A_633 = tpu.vector_load %arg30[%get3A_631, %get3A_632] {strides = array<i32>} : memref<80x64xf32, #tpu.memory_space<vmem>>, vector<16xf32>,
          %get3A_634 = arith.index_cast %add3A_594 : i32 to index
          %get3A_635 = arith.constant 32 : index
          %get3A_636 = tpu.vector_load %arg28[%get3A_634, %get3A_635] {strides = array<i32>} : memref<80x64xf32, #tpu.memory_space<vmem>>, vector<16xf32>,
          %add3A_637 = arith.addf %get3A_636, %get3A_633 : vector<16xf32>
          %get3A_638 = arith.index_cast %add3A_594 : i32 to index
          %get3A_639 = arith.constant 32 : index
          %get3A_640 = tpu.vector_load %arg29[%get3A_638, %get3A_639] {strides = array<i32>} : memref<80x64xf32, #tpu.memory_space<vmem>>, vector<16xf32>,
          %add3A_641 = arith.addf %get3A_640, %get3A_633 : vector<16xf32>
          %mul3A_642 = arith.mulf %add3A_637, %add3A_641 : vector<16xf32>
          %mul3A_643 = arith.mulf %mul3A_642, %gather3A_598 : vector<16xf32>
          %swap3A_644 = arith.index_cast %add3A_594 : i32 to index
          %swap3A_645 = arith.constant 32 : index
          %swap3A_646 = tpu.vector_load %arg32[%swap3A_644, %swap3A_645] {strides = array<i32>} : memref<80x64xf32, #tpu.memory_space<vmem>>, vector<16xf32>,
          tpu.vector_store %arg32[%swap3A_644, %swap3A_645], %mul3A_643 {strides = array<i32>} : memref<80x64xf32, #tpu.memory_space<vmem>>, vector<16xf32>,
          %get3A_647 = arith.index_cast %add3A_594 : i32 to index
          %get3A_648 = arith.constant 48 : index
          %get3A_649 = tpu.vector_load %arg30[%get3A_647, %get3A_648] {strides = array<i32>} : memref<80x64xf32, #tpu.memory_space<vmem>>, vector<16xf32>,
          %get3A_650 = arith.index_cast %add3A_594 : i32 to index
          %get3A_651 = arith.constant 48 : index
          %get3A_652 = tpu.vector_load %arg28[%get3A_650, %get3A_651] {strides = array<i32>} : memref<80x64xf32, #tpu.memory_space<vmem>>, vector<16xf32>,
          %add3A_653 = arith.addf %get3A_652, %get3A_649 : vector<16xf32>
          %get3A_654 = arith.index_cast %add3A_594 : i32 to index
          %get3A_655 = arith.constant 48 : index
          %get3A_656 = tpu.vector_load %arg29[%get3A_654, %get3A_655] {strides = array<i32>} : memref<80x64xf32, #tpu.memory_space<vmem>>, vector<16xf32>,
          %add3A_657 = arith.addf %get3A_656, %get3A_649 : vector<16xf32>
          %mul3A_658 = arith.mulf %add3A_653, %add3A_657 : vector<16xf32>
          %mul3A_659 = arith.mulf %mul3A_658, %gather3A_598 : vector<16xf32>
          %swap3A_660 = arith.index_cast %add3A_594 : i32 to index
          %swap3A_661 = arith.constant 48 : index
          %swap3A_662 = tpu.vector_load %arg32[%swap3A_660, %swap3A_661] {strides = array<i32>} : memref<80x64xf32, #tpu.memory_space<vmem>>, vector<16xf32>,
          tpu.vector_store %arg32[%swap3A_660, %swap3A_661], %mul3A_659 {strides = array<i32>} : memref<80x64xf32, #tpu.memory_space<vmem>>, vector<16xf32>,
          %add3A_663 = arith.constant 3 : i32
          %add3A_664 = arith.addi %mul3A_426, %add3A_663 : i32
          %broadcast_in_dim3A_665 = arith.constant 3 : i32
          %broadcast_in_dim3A_666 = vector.broadcast %broadcast_in_dim3A_665 : i32 to vector<16x1xi32>
          %gather3A_667 = vector.shape_cast %broadcast_in_dim3A_666 : vector<16x1xi32> to vector<16xi32>
          %gather3A_668 = tpu.dynamic_gather %exp3A[%gather3A_667] in [0] : vector<16xf32>, vector<16xi32> -> vector<16xf32>
          %get3A_669 = arith.index_cast %add3A_664 : i32 to index
          %get3A_670 = arith.constant 0 : index
          %get3A_671 = tpu.vector_load %arg30[%get3A_669, %get3A_670] {strides = array<i32>} : memref<80x64xf32, #tpu.memory_space<vmem>>, vector<16xf32>,
          %get3A_672 = arith.index_cast %add3A_664 : i32 to index
          %get3A_673 = arith.constant 0 : index
          %get3A_674 = tpu.vector_load %arg28[%get3A_672, %get3A_673] {strides = array<i32>} : memref<80x64xf32, #tpu.memory_space<vmem>>, vector<16xf32>,
          %add3A_675 = arith.addf %get3A_674, %get3A_671 : vector<16xf32>
          %get3A_676 = arith.index_cast %add3A_664 : i32 to index
          %get3A_677 = arith.constant 0 : index
          %get3A_678 = tpu.vector_load %arg29[%get3A_676, %get3A_677] {strides = array<i32>} : memref<80x64xf32, #tpu.memory_space<vmem>>, vector<16xf32>,
          %add3A_679 = arith.addf %get3A_678, %get3A_671 : vector<16xf32>
          %mul3A_680 = arith.mulf %add3A_675, %add3A_679 : vector<16xf32>
          %mul3A_681 = arith.mulf %mul3A_680, %gather3A_668 : vector<16xf32>
          %swap3A_682 = arith.index_cast %add3A_664 : i32 to index
          %swap3A_683 = arith.constant 0 : index
          %swap3A_684 = tpu.vector_load %arg32[%swap3A_682, %swap3A_683] {strides = array<i32>} : memref<80x64xf32, #tpu.memory_space<vmem>>, vector<16xf32>,
          tpu.vector_store %arg32[%swap3A_682, %swap3A_683], %mul3A_681 {strides = array<i32>} : memref<80x64xf32, #tpu.memory_space<vmem>>, vector<16xf32>,
          %get3A_685 = arith.index_cast %add3A_664 : i32 to index
          %get3A_686 = arith.constant 16 : index
          %get3A_687 = tpu.vector_load %arg30[%get3A_685, %get3A_686] {strides = array<i32>} : memref<80x64xf32, #tpu.memory_space<vmem>>, vector<16xf32>,
          %get3A_688 = arith.index_cast %add3A_664 : i32 to index
          %get3A_689 = arith.constant 16 : index
          %get3A_690 = tpu.vector_load %arg28[%get3A_688, %get3A_689] {strides = array<i32>} : memref<80x64xf32, #tpu.memory_space<vmem>>, vector<16xf32>,
          %add3A_691 = arith.addf %get3A_690, %get3A_687 : vector<16xf32>
          %get3A_692 = arith.index_cast %add3A_664 : i32 to index
          %get3A_693 = arith.constant 16 : index
          %get3A_694 = tpu.vector_load %arg29[%get3A_692, %get3A_693] {strides = array<i32>} : memref<80x64xf32, #tpu.memory_space<vmem>>, vector<16xf32>,
          %add3A_695 = arith.addf %get3A_694, %get3A_687 : vector<16xf32>
          %mul3A_696 = arith.mulf %add3A_691, %add3A_695 : vector<16xf32>
          %mul3A_697 = arith.mulf %mul3A_696, %gather3A_668 : vector<16xf32>
          %swap3A_698 = arith.index_cast %add3A_664 : i32 to index
          %swap3A_699 = arith.constant 16 : index
          %swap3A_700 = tpu.vector_load %arg32[%swap3A_698, %swap3A_699] {strides = array<i32>} : memref<80x64xf32, #tpu.memory_space<vmem>>, vector<16xf32>,
          tpu.vector_store %arg32[%swap3A_698, %swap3A_699], %mul3A_697 {strides = array<i32>} : memref<80x64xf32, #tpu.memory_space<vmem>>, vector<16xf32>,
          %get3A_701 = arith.index_cast %add3A_664 : i32 to index
          %get3A_702 = arith.constant 32 : index
          %get3A_703 = tpu.vector_load %arg30[%get3A_701, %get3A_702] {strides = array<i32>} : memref<80x64xf32, #tpu.memory_space<vmem>>, vector<16xf32>,
          %get3A_704 = arith.index_cast %add3A_664 : i32 to index
          %get3A_705 = arith.constant 32 : index
          %get3A_706 = tpu.vector_load %arg28[%get3A_704, %get3A_705] {strides = array<i32>} : memref<80x64xf32, #tpu.memory_space<vmem>>, vector<16xf32>,
          %add3A_707 = arith.addf %get3A_706, %get3A_703 : vector<16xf32>
          %get3A_708 = arith.index_cast %add3A_664 : i32 to index
          %get3A_709 = arith.constant 32 : index
          %get3A_710 = tpu.vector_load %arg29[%get3A_708, %get3A_709] {strides = array<i32>} : memref<80x64xf32, #tpu.memory_space<vmem>>, vector<16xf32>,
          %add3A_711 = arith.addf %get3A_710, %get3A_703 : vector<16xf32>
          %mul3A_712 = arith.mulf %add3A_707, %add3A_711 : vector<16xf32>
          %mul3A_713 = arith.mulf %mul3A_712, %gather3A_668 : vector<16xf32>
          %swap3A_714 = arith.index_cast %add3A_664 : i32 to index
          %swap3A_715 = arith.constant 32 : index
          %swap3A_716 = tpu.vector_load %arg32[%swap3A_714, %swap3A_715] {strides = array<i32>} : memref<80x64xf32, #tpu.memory_space<vmem>>, vector<16xf32>,
          tpu.vector_store %arg32[%swap3A_714, %swap3A_715], %mul3A_713 {strides = array<i32>} : memref<80x64xf32, #tpu.memory_space<vmem>>, vector<16xf32>,
          %get3A_717 = arith.index_cast %add3A_664 : i32 to index
          %get3A_718 = arith.constant 48 : index
          %get3A_719 = tpu.vector_load %arg30[%get3A_717, %get3A_718] {strides = array<i32>} : memref<80x64xf32, #tpu.memory_space<vmem>>, vector<16xf32>,
          %get3A_720 = arith.index_cast %add3A_664 : i32 to index
          %get3A_721 = arith.constant 48 : index
          %get3A_722 = tpu.vector_load %arg28[%get3A_720, %get3A_721] {strides = array<i32>} : memref<80x64xf32, #tpu.memory_space<vmem>>, vector<16xf32>,
          %add3A_723 = arith.addf %get3A_722, %get3A_719 : vector<16xf32>
          %get3A_724 = arith.index_cast %add3A_664 : i32 to index
          %get3A_725 = arith.constant 48 : index
          %get3A_726 = tpu.vector_load %arg29[%get3A_724, %get3A_725] {strides = array<i32>} : memref<80x64xf32, #tpu.memory_space<vmem>>, vector<16xf32>,
          %add3A_727 = arith.addf %get3A_726, %get3A_719 : vector<16xf32>
          %mul3A_728 = arith.mulf %add3A_723, %add3A_727 : vector<16xf32>
          %mul3A_729 = arith.mulf %mul3A_728, %gather3A_668 : vector<16xf32>
          %swap3A_730 = arith.index_cast %add3A_664 : i32 to index
          %swap3A_731 = arith.constant 48 : index
          %swap3A_732 = tpu.vector_load %arg32[%swap3A_730, %swap3A_731] {strides = array<i32>} : memref<80x64xf32, #tpu.memory_space<vmem>>, vector<16xf32>,
          tpu.vector_store %arg32[%swap3A_730, %swap3A_731], %mul3A_729 {strides = array<i32>} : memref<80x64xf32, #tpu.memory_space<vmem>>, vector<16xf32>,
          %add3A_733 = arith.constant 4 : i32
          %add3A_734 = arith.addi %mul3A_426, %add3A_733 : i32
          %broadcast_in_dim3A_735 = arith.constant 4 : i32
          %broadcast_in_dim3A_736 = vector.broadcast %broadcast_in_dim3A_735 : i32 to vector<16x1xi32>
          %gather3A_737 = vector.shape_cast %broadcast_in_dim3A_736 : vector<16x1xi32> to vector<16xi32>
          %gather3A_738 = tpu.dynamic_gather %exp3A[%gather3A_737] in [0] : vector<16xf32>, vector<16xi32> -> vector<16xf32>
          %get3A_739 = arith.index_cast %add3A_734 : i32 to index
          %get3A_740 = arith.constant 0 : index
          %get3A_741 = tpu.vector_load %arg30[%get3A_739, %get3A_740] {strides = array<i32>} : memref<80x64xf32, #tpu.memory_space<vmem>>, vector<16xf32>,
          %get3A_742 = arith.index_cast %add3A_734 : i32 to index
          %get3A_743 = arith.constant 0 : index
          %get3A_744 = tpu.vector_load %arg28[%get3A_742, %get3A_743] {strides = array<i32>} : memref<80x64xf32, #tpu.memory_space<vmem>>, vector<16xf32>,
          %add3A_745 = arith.addf %get3A_744, %get3A_741 : vector<16xf32>
          %get3A_746 = arith.index_cast %add3A_734 : i32 to index
          %get3A_747 = arith.constant 0 : index
          %get3A_748 = tpu.vector_load %arg29[%get3A_746, %get3A_747] {strides = array<i32>} : memref<80x64xf32, #tpu.memory_space<vmem>>, vector<16xf32>,
          %add3A_749 = arith.addf %get3A_748, %get3A_741 : vector<16xf32>
          %mul3A_750 = arith.mulf %add3A_745, %add3A_749 : vector<16xf32>
          %mul3A_751 = arith.mulf %mul3A_750, %gather3A_738 : vector<16xf32>
          %swap3A_752 = arith.index_cast %add3A_734 : i32 to index
          %swap3A_753 = arith.constant 0 : index
          %swap3A_754 = tpu.vector_load %arg32[%swap3A_752, %swap3A_753] {strides = array<i32>} : memref<80x64xf32, #tpu.memory_space<vmem>>, vector<16xf32>,
          tpu.vector_store %arg32[%swap3A_752, %swap3A_753], %mul3A_751 {strides = array<i32>} : memref<80x64xf32, #tpu.memory_space<vmem>>, vector<16xf32>,
          %get3A_755 = arith.index_cast %add3A_734 : i32 to index
          %get3A_756 = arith.constant 16 : index
          %get3A_757 = tpu.vector_load %arg30[%get3A_755, %get3A_756] {strides = array<i32>} : memref<80x64xf32, #tpu.memory_space<vmem>>, vector<16xf32>,
          %get3A_758 = arith.index_cast %add3A_734 : i32 to index
          %get3A_759 = arith.constant 16 : index
          %get3A_760 = tpu.vector_load %arg28[%get3A_758, %get3A_759] {strides = array<i32>} : memref<80x64xf32, #tpu.memory_space<vmem>>, vector<16xf32>,
          %add3A_761 = arith.addf %get3A_760, %get3A_757 : vector<16xf32>
          %get3A_762 = arith.index_cast %add3A_734 : i32 to index
          %get3A_763 = arith.constant 16 : index
          %get3A_764 = tpu.vector_load %arg29[%get3A_762, %get3A_763] {strides = array<i32>} : memref<80x64xf32, #tpu.memory_space<vmem>>, vector<16xf32>,
          %add3A_765 = arith.addf %get3A_764, %get3A_757 : vector<16xf32>
          %mul3A_766 = arith.mulf %add3A_761, %add3A_765 : vector<16xf32>
          %mul3A_767 = arith.mulf %mul3A_766, %gather3A_738 : vector<16xf32>
          %swap3A_768 = arith.index_cast %add3A_734 : i32 to index
          %swap3A_769 = arith.constant 16 : index
          %swap3A_770 = tpu.vector_load %arg32[%swap3A_768, %swap3A_769] {strides = array<i32>} : memref<80x64xf32, #tpu.memory_space<vmem>>, vector<16xf32>,
          tpu.vector_store %arg32[%swap3A_768, %swap3A_769], %mul3A_767 {strides = array<i32>} : memref<80x64xf32, #tpu.memory_space<vmem>>, vector<16xf32>,
          %get3A_771 = arith.index_cast %add3A_734 : i32 to index
          %get3A_772 = arith.constant 32 : index
          %get3A_773 = tpu.vector_load %arg30[%get3A_771, %get3A_772] {strides = array<i32>} : memref<80x64xf32, #tpu.memory_space<vmem>>, vector<16xf32>,
          %get3A_774 = arith.index_cast %add3A_734 : i32 to index
          %get3A_775 = arith.constant 32 : index
          %get3A_776 = tpu.vector_load %arg28[%get3A_774, %get3A_775] {strides = array<i32>} : memref<80x64xf32, #tpu.memory_space<vmem>>, vector<16xf32>,
          %add3A_777 = arith.addf %get3A_776, %get3A_773 : vector<16xf32>
          %get3A_778 = arith.index_cast %add3A_734 : i32 to index
          %get3A_779 = arith.constant 32 : index
          %get3A_780 = tpu.vector_load %arg29[%get3A_778, %get3A_779] {strides = array<i32>} : memref<80x64xf32, #tpu.memory_space<vmem>>, vector<16xf32>,
          %add3A_781 = arith.addf %get3A_780, %get3A_773 : vector<16xf32>
          %mul3A_782 = arith.mulf %add3A_777, %add3A_781 : vector<16xf32>
          %mul3A_783 = arith.mulf %mul3A_782, %gather3A_738 : vector<16xf32>
          %swap3A_784 = arith.index_cast %add3A_734 : i32 to index
          %swap3A_785 = arith.constant 32 : index
          %swap3A_786 = tpu.vector_load %arg32[%swap3A_784, %swap3A_785] {strides = array<i32>} : memref<80x64xf32, #tpu.memory_space<vmem>>, vector<16xf32>,
          tpu.vector_store %arg32[%swap3A_784, %swap3A_785], %mul3A_783 {strides = array<i32>} : memref<80x64xf32, #tpu.memory_space<vmem>>, vector<16xf32>,
          %get3A_787 = arith.index_cast %add3A_734 : i32 to index
          %get3A_788 = arith.constant 48 : index
          %get3A_789 = tpu.vector_load %arg30[%get3A_787, %get3A_788] {strides = array<i32>} : memref<80x64xf32, #tpu.memory_space<vmem>>, vector<16xf32>,
          %get3A_790 = arith.index_cast %add3A_734 : i32 to index
          %get3A_791 = arith.constant 48 : index
          %get3A_792 = tpu.vector_load %arg28[%get3A_790, %get3A_791] {strides = array<i32>} : memref<80x64xf32, #tpu.memory_space<vmem>>, vector<16xf32>,
          %add3A_793 = arith.addf %get3A_792, %get3A_789 : vector<16xf32>
          %get3A_794 = arith.index_cast %add3A_734 : i32 to index
          %get3A_795 = arith.constant 48 : index
          %get3A_796 = tpu.vector_load %arg29[%get3A_794, %get3A_795] {strides = array<i32>} : memref<80x64xf32, #tpu.memory_space<vmem>>, vector<16xf32>,
          %add3A_797 = arith.addf %get3A_796, %get3A_789 : vector<16xf32>
          %mul3A_798 = arith.mulf %add3A_793, %add3A_797 : vector<16xf32>
          %mul3A_799 = arith.mulf %mul3A_798, %gather3A_738 : vector<16xf32>
          %swap3A_800 = arith.index_cast %add3A_734 : i32 to index
          %swap3A_801 = arith.constant 48 : index
          %swap3A_802 = tpu.vector_load %arg32[%swap3A_800, %swap3A_801] {strides = array<i32>} : memref<80x64xf32, #tpu.memory_space<vmem>>, vector<16xf32>,
          tpu.vector_store %arg32[%swap3A_800, %swap3A_801], %mul3A_799 {strides = array<i32>} : memref<80x64xf32, #tpu.memory_space<vmem>>, vector<16xf32>,
          %add3A_803 = arith.constant 5 : i32
          %add3A_804 = arith.addi %mul3A_426, %add3A_803 : i32
          %broadcast_in_dim3A_805 = arith.constant 5 : i32
          %broadcast_in_dim3A_806 = vector.broadcast %broadcast_in_dim3A_805 : i32 to vector<16x1xi32>
          %gather3A_807 = vector.shape_cast %broadcast_in_dim3A_806 : vector<16x1xi32> to vector<16xi32>
          %gather3A_808 = tpu.dynamic_gather %exp3A[%gather3A_807] in [0] : vector<16xf32>, vector<16xi32> -> vector<16xf32>
          %get3A_809 = arith.index_cast %add3A_804 : i32 to index
          %get3A_810 = arith.constant 0 : index
          %get3A_811 = tpu.vector_load %arg30[%get3A_809, %get3A_810] {strides = array<i32>} : memref<80x64xf32, #tpu.memory_space<vmem>>, vector<16xf32>,
          %get3A_812 = arith.index_cast %add3A_804 : i32 to index
          %get3A_813 = arith.constant 0 : index
          %get3A_814 = tpu.vector_load %arg28[%get3A_812, %get3A_813] {strides = array<i32>} : memref<80x64xf32, #tpu.memory_space<vmem>>, vector<16xf32>,
          %add3A_815 = arith.addf %get3A_814, %get3A_811 : vector<16xf32>
          %get3A_816 = arith.index_cast %add3A_804 : i32 to index
          %get3A_817 = arith.constant 0 : index
          %get3A_818 = tpu.vector_load %arg29[%get3A_816, %get3A_817] {strides = array<i32>} : memref<80x64xf32, #tpu.memory_space<vmem>>, vector<16xf32>,
          %add3A_819 = arith.addf %get3A_818, %get3A_811 : vector<16xf32>
          %mul3A_820 = arith.mulf %add3A_815, %add3A_819 : vector<16xf32>
          %mul3A_821 = arith.mulf %mul3A_820, %gather3A_808 : vector<16xf32>
          %swap3A_822 = arith.index_cast %add3A_804 : i32 to index
          %swap3A_823 = arith.constant 0 : index
          %swap3A_824 = tpu.vector_load %arg32[%swap3A_822, %swap3A_823] {strides = array<i32>} : memref<80x64xf32, #tpu.memory_space<vmem>>, vector<16xf32>,
          tpu.vector_store %arg32[%swap3A_822, %swap3A_823], %mul3A_821 {strides = array<i32>} : memref<80x64xf32, #tpu.memory_space<vmem>>, vector<16xf32>,
          %get3A_825 = arith.index_cast %add3A_804 : i32 to index
          %get3A_826 = arith.constant 16 : index
          %get3A_827 = tpu.vector_load %arg30[%get3A_825, %get3A_826] {strides = array<i32>} : memref<80x64xf32, #tpu.memory_space<vmem>>, vector<16xf32>,
          %get3A_828 = arith.index_cast %add3A_804 : i32 to index
          %get3A_829 = arith.constant 16 : index
          %get3A_830 = tpu.vector_load %arg28[%get3A_828, %get3A_829] {strides = array<i32>} : memref<80x64xf32, #tpu.memory_space<vmem>>, vector<16xf32>,
          %add3A_831 = arith.addf %get3A_830, %get3A_827 : vector<16xf32>
          %get3A_832 = arith.index_cast %add3A_804 : i32 to index
          %get3A_833 = arith.constant 16 : index
          %get3A_834 = tpu.vector_load %arg29[%get3A_832, %get3A_833] {strides = array<i32>} : memref<80x64xf32, #tpu.memory_space<vmem>>, vector<16xf32>,
          %add3A_835 = arith.addf %get3A_834, %get3A_827 : vector<16xf32>
          %mul3A_836 = arith.mulf %add3A_831, %add3A_835 : vector<16xf32>
          %mul3A_837 = arith.mulf %mul3A_836, %gather3A_808 : vector<16xf32>
          %swap3A_838 = arith.index_cast %add3A_804 : i32 to index
          %swap3A_839 = arith.constant 16 : index
          %swap3A_840 = tpu.vector_load %arg32[%swap3A_838, %swap3A_839] {strides = array<i32>} : memref<80x64xf32, #tpu.memory_space<vmem>>, vector<16xf32>,
          tpu.vector_store %arg32[%swap3A_838, %swap3A_839], %mul3A_837 {strides = array<i32>} : memref<80x64xf32, #tpu.memory_space<vmem>>, vector<16xf32>,
          %get3A_841 = arith.index_cast %add3A_804 : i32 to index
          %get3A_842 = arith.constant 32 : index
          %get3A_843 = tpu.vector_load %arg30[%get3A_841, %get3A_842] {strides = array<i32>} : memref<80x64xf32, #tpu.memory_space<vmem>>, vector<16xf32>,
          %get3A_844 = arith.index_cast %add3A_804 : i32 to index
          %get3A_845 = arith.constant 32 : index
          %get3A_846 = tpu.vector_load %arg28[%get3A_844, %get3A_845] {strides = array<i32>} : memref<80x64xf32, #tpu.memory_space<vmem>>, vector<16xf32>,
          %add3A_847 = arith.addf %get3A_846, %get3A_843 : vector<16xf32>
          %get3A_848 = arith.index_cast %add3A_804 : i32 to index
          %get3A_849 = arith.constant 32 : index
          %get3A_850 = tpu.vector_load %arg29[%get3A_848, %get3A_849] {strides = array<i32>} : memref<80x64xf32, #tpu.memory_space<vmem>>, vector<16xf32>,
          %add3A_851 = arith.addf %get3A_850, %get3A_843 : vector<16xf32>
          %mul3A_852 = arith.mulf %add3A_847, %add3A_851 : vector<16xf32>
          %mul3A_853 = arith.mulf %mul3A_852, %gather3A_808 : vector<16xf32>
          %swap3A_854 = arith.index_cast %add3A_804 : i32 to index
          %swap3A_855 = arith.constant 32 : index
          %swap3A_856 = tpu.vector_load %arg32[%swap3A_854, %swap3A_855] {strides = array<i32>} : memref<80x64xf32, #tpu.memory_space<vmem>>, vector<16xf32>,
          tpu.vector_store %arg32[%swap3A_854, %swap3A_855], %mul3A_853 {strides = array<i32>} : memref<80x64xf32, #tpu.memory_space<vmem>>, vector<16xf32>,
          %get3A_857 = arith.index_cast %add3A_804 : i32 to index
          %get3A_858 = arith.constant 48 : index
          %get3A_859 = tpu.vector_load %arg30[%get3A_857, %get3A_858] {strides = array<i32>} : memref<80x64xf32, #tpu.memory_space<vmem>>, vector<16xf32>,
          %get3A_860 = arith.index_cast %add3A_804 : i32 to index
          %get3A_861 = arith.constant 48 : index
          %get3A_862 = tpu.vector_load %arg28[%get3A_860, %get3A_861] {strides = array<i32>} : memref<80x64xf32, #tpu.memory_space<vmem>>, vector<16xf32>,
          %add3A_863 = arith.addf %get3A_862, %get3A_859 : vector<16xf32>
          %get3A_864 = arith.index_cast %add3A_804 : i32 to index
          %get3A_865 = arith.constant 48 : index
          %get3A_866 = tpu.vector_load %arg29[%get3A_864, %get3A_865] {strides = array<i32>} : memref<80x64xf32, #tpu.memory_space<vmem>>, vector<16xf32>,
          %add3A_867 = arith.addf %get3A_866, %get3A_859 : vector<16xf32>
          %mul3A_868 = arith.mulf %add3A_863, %add3A_867 : vector<16xf32>
          %mul3A_869 = arith.mulf %mul3A_868, %gather3A_808 : vector<16xf32>
          %swap3A_870 = arith.index_cast %add3A_804 : i32 to index
          %swap3A_871 = arith.constant 48 : index
          %swap3A_872 = tpu.vector_load %arg32[%swap3A_870, %swap3A_871] {strides = array<i32>} : memref<80x64xf32, #tpu.memory_space<vmem>>, vector<16xf32>,
          tpu.vector_store %arg32[%swap3A_870, %swap3A_871], %mul3A_869 {strides = array<i32>} : memref<80x64xf32, #tpu.memory_space<vmem>>, vector<16xf32>,
          %add3A_873 = arith.constant 6 : i32
          %add3A_874 = arith.addi %mul3A_426, %add3A_873 : i32
          %broadcast_in_dim3A_875 = arith.constant 6 : i32
          %broadcast_in_dim3A_876 = vector.broadcast %broadcast_in_dim3A_875 : i32 to vector<16x1xi32>
          %gather3A_877 = vector.shape_cast %broadcast_in_dim3A_876 : vector<16x1xi32> to vector<16xi32>
          %gather3A_878 = tpu.dynamic_gather %exp3A[%gather3A_877] in [0] : vector<16xf32>, vector<16xi32> -> vector<16xf32>
          %get3A_879 = arith.index_cast %add3A_874 : i32 to index
          %get3A_880 = arith.constant 0 : index
          %get3A_881 = tpu.vector_load %arg30[%get3A_879, %get3A_880] {strides = array<i32>} : memref<80x64xf32, #tpu.memory_space<vmem>>, vector<16xf32>,
          %get3A_882 = arith.index_cast %add3A_874 : i32 to index
          %get3A_883 = arith.constant 0 : index
          %get3A_884 = tpu.vector_load %arg28[%get3A_882, %get3A_883] {strides = array<i32>} : memref<80x64xf32, #tpu.memory_space<vmem>>, vector<16xf32>,
          %add3A_885 = arith.addf %get3A_884, %get3A_881 : vector<16xf32>
          %get3A_886 = arith.index_cast %add3A_874 : i32 to index
          %get3A_887 = arith.constant 0 : index
          %get3A_888 = tpu.vector_load %arg29[%get3A_886, %get3A_887] {strides = array<i32>} : memref<80x64xf32, #tpu.memory_space<vmem>>, vector<16xf32>,
          %add3A_889 = arith.addf %get3A_888, %get3A_881 : vector<16xf32>
          %mul3A_890 = arith.mulf %add3A_885, %add3A_889 : vector<16xf32>
          %mul3A_891 = arith.mulf %mul3A_890, %gather3A_878 : vector<16xf32>
          %swap3A_892 = arith.index_cast %add3A_874 : i32 to index
          %swap3A_893 = arith.constant 0 : index
          %swap3A_894 = tpu.vector_load %arg32[%swap3A_892, %swap3A_893] {strides = array<i32>} : memref<80x64xf32, #tpu.memory_space<vmem>>, vector<16xf32>,
          tpu.vector_store %arg32[%swap3A_892, %swap3A_893], %mul3A_891 {strides = array<i32>} : memref<80x64xf32, #tpu.memory_space<vmem>>, vector<16xf32>,
          %get3A_895 = arith.index_cast %add3A_874 : i32 to index
          %get3A_896 = arith.constant 16 : index
          %get3A_897 = tpu.vector_load %arg30[%get3A_895, %get3A_896] {strides = array<i32>} : memref<80x64xf32, #tpu.memory_space<vmem>>, vector<16xf32>,
          %get3A_898 = arith.index_cast %add3A_874 : i32 to index
          %get3A_899 = arith.constant 16 : index
          %get3A_900 = tpu.vector_load %arg28[%get3A_898, %get3A_899] {strides = array<i32>} : memref<80x64xf32, #tpu.memory_space<vmem>>, vector<16xf32>,
          %add3A_901 = arith.addf %get3A_900, %get3A_897 : vector<16xf32>
          %get3A_902 = arith.index_cast %add3A_874 : i32 to index
          %get3A_903 = arith.constant 16 : index
          %get3A_904 = tpu.vector_load %arg29[%get3A_902, %get3A_903] {strides = array<i32>} : memref<80x64xf32, #tpu.memory_space<vmem>>, vector<16xf32>,
          %add3A_905 = arith.addf %get3A_904, %get3A_897 : vector<16xf32>
          %mul3A_906 = arith.mulf %add3A_901, %add3A_905 : vector<16xf32>
          %mul3A_907 = arith.mulf %mul3A_906, %gather3A_878 : vector<16xf32>
          %swap3A_908 = arith.index_cast %add3A_874 : i32 to index
          %swap3A_909 = arith.constant 16 : index
          %swap3A_910 = tpu.vector_load %arg32[%swap3A_908, %swap3A_909] {strides = array<i32>} : memref<80x64xf32, #tpu.memory_space<vmem>>, vector<16xf32>,
          tpu.vector_store %arg32[%swap3A_908, %swap3A_909], %mul3A_907 {strides = array<i32>} : memref<80x64xf32, #tpu.memory_space<vmem>>, vector<16xf32>,
          %get3A_911 = arith.index_cast %add3A_874 : i32 to index
          %get3A_912 = arith.constant 32 : index
          %get3A_913 = tpu.vector_load %arg30[%get3A_911, %get3A_912] {strides = array<i32>} : memref<80x64xf32, #tpu.memory_space<vmem>>, vector<16xf32>,
          %get3A_914 = arith.index_cast %add3A_874 : i32 to index
          %get3A_915 = arith.constant 32 : index
          %get3A_916 = tpu.vector_load %arg28[%get3A_914, %get3A_915] {strides = array<i32>} : memref<80x64xf32, #tpu.memory_space<vmem>>, vector<16xf32>,
          %add3A_917 = arith.addf %get3A_916, %get3A_913 : vector<16xf32>
          %get3A_918 = arith.index_cast %add3A_874 : i32 to index
          %get3A_919 = arith.constant 32 : index
          %get3A_920 = tpu.vector_load %arg29[%get3A_918, %get3A_919] {strides = array<i32>} : memref<80x64xf32, #tpu.memory_space<vmem>>, vector<16xf32>,
          %add3A_921 = arith.addf %get3A_920, %get3A_913 : vector<16xf32>
          %mul3A_922 = arith.mulf %add3A_917, %add3A_921 : vector<16xf32>
          %mul3A_923 = arith.mulf %mul3A_922, %gather3A_878 : vector<16xf32>
          %swap3A_924 = arith.index_cast %add3A_874 : i32 to index
          %swap3A_925 = arith.constant 32 : index
          %swap3A_926 = tpu.vector_load %arg32[%swap3A_924, %swap3A_925] {strides = array<i32>} : memref<80x64xf32, #tpu.memory_space<vmem>>, vector<16xf32>,
          tpu.vector_store %arg32[%swap3A_924, %swap3A_925], %mul3A_923 {strides = array<i32>} : memref<80x64xf32, #tpu.memory_space<vmem>>, vector<16xf32>,
          %get3A_927 = arith.index_cast %add3A_874 : i32 to index
          %get3A_928 = arith.constant 48 : index
          %get3A_929 = tpu.vector_load %arg30[%get3A_927, %get3A_928] {strides = array<i32>} : memref<80x64xf32, #tpu.memory_space<vmem>>, vector<16xf32>,
          %get3A_930 = arith.index_cast %add3A_874 : i32 to index
          %get3A_931 = arith.constant 48 : index
          %get3A_932 = tpu.vector_load %arg28[%get3A_930, %get3A_931] {strides = array<i32>} : memref<80x64xf32, #tpu.memory_space<vmem>>, vector<16xf32>,
          %add3A_933 = arith.addf %get3A_932, %get3A_929 : vector<16xf32>
          %get3A_934 = arith.index_cast %add3A_874 : i32 to index
          %get3A_935 = arith.constant 48 : index
          %get3A_936 = tpu.vector_load %arg29[%get3A_934, %get3A_935] {strides = array<i32>} : memref<80x64xf32, #tpu.memory_space<vmem>>, vector<16xf32>,
          %add3A_937 = arith.addf %get3A_936, %get3A_929 : vector<16xf32>
          %mul3A_938 = arith.mulf %add3A_933, %add3A_937 : vector<16xf32>
          %mul3A_939 = arith.mulf %mul3A_938, %gather3A_878 : vector<16xf32>
          %swap3A_940 = arith.index_cast %add3A_874 : i32 to index
          %swap3A_941 = arith.constant 48 : index
          %swap3A_942 = tpu.vector_load %arg32[%swap3A_940, %swap3A_941] {strides = array<i32>} : memref<80x64xf32, #tpu.memory_space<vmem>>, vector<16xf32>,
          tpu.vector_store %arg32[%swap3A_940, %swap3A_941], %mul3A_939 {strides = array<i32>} : memref<80x64xf32, #tpu.memory_space<vmem>>, vector<16xf32>,
          %add3A_943 = arith.constant 7 : i32
          %add3A_944 = arith.addi %mul3A_426, %add3A_943 : i32
          %broadcast_in_dim3A_945 = arith.constant 7 : i32
          %broadcast_in_dim3A_946 = vector.broadcast %broadcast_in_dim3A_945 : i32 to vector<16x1xi32>
          %gather3A_947 = vector.shape_cast %broadcast_in_dim3A_946 : vector<16x1xi32> to vector<16xi32>
          %gather3A_948 = tpu.dynamic_gather %exp3A[%gather3A_947] in [0] : vector<16xf32>, vector<16xi32> -> vector<16xf32>
          %get3A_949 = arith.index_cast %add3A_944 : i32 to index
          %get3A_950 = arith.constant 0 : index
          %get3A_951 = tpu.vector_load %arg30[%get3A_949, %get3A_950] {strides = array<i32>} : memref<80x64xf32, #tpu.memory_space<vmem>>, vector<16xf32>,
          %get3A_952 = arith.index_cast %add3A_944 : i32 to index
          %get3A_953 = arith.constant 0 : index
          %get3A_954 = tpu.vector_load %arg28[%get3A_952, %get3A_953] {strides = array<i32>} : memref<80x64xf32, #tpu.memory_space<vmem>>, vector<16xf32>,
          %add3A_955 = arith.addf %get3A_954, %get3A_951 : vector<16xf32>
          %get3A_956 = arith.index_cast %add3A_944 : i32 to index
          %get3A_957 = arith.constant 0 : index
          %get3A_958 = tpu.vector_load %arg29[%get3A_956, %get3A_957] {strides = array<i32>} : memref<80x64xf32, #tpu.memory_space<vmem>>, vector<16xf32>,
          %add3A_959 = arith.addf %get3A_958, %get3A_951 : vector<16xf32>
          %mul3A_960 = arith.mulf %add3A_955, %add3A_959 : vector<16xf32>
          %mul3A_961 = arith.mulf %mul3A_960, %gather3A_948 : vector<16xf32>
          %swap3A_962 = arith.index_cast %add3A_944 : i32 to index
          %swap3A_963 = arith.constant 0 : index
          %swap3A_964 = tpu.vector_load %arg32[%swap3A_962, %swap3A_963] {strides = array<i32>} : memref<80x64xf32, #tpu.memory_space<vmem>>, vector<16xf32>,
          tpu.vector_store %arg32[%swap3A_962, %swap3A_963], %mul3A_961 {strides = array<i32>} : memref<80x64xf32, #tpu.memory_space<vmem>>, vector<16xf32>,
          %get3A_965 = arith.index_cast %add3A_944 : i32 to index
          %get3A_966 = arith.constant 16 : index
          %get3A_967 = tpu.vector_load %arg30[%get3A_965, %get3A_966] {strides = array<i32>} : memref<80x64xf32, #tpu.memory_space<vmem>>, vector<16xf32>,
          %get3A_968 = arith.index_cast %add3A_944 : i32 to index
          %get3A_969 = arith.constant 16 : index
          %get3A_970 = tpu.vector_load %arg28[%get3A_968, %get3A_969] {strides = array<i32>} : memref<80x64xf32, #tpu.memory_space<vmem>>, vector<16xf32>,
          %add3A_971 = arith.addf %get3A_970, %get3A_967 : vector<16xf32>
          %get3A_972 = arith.index_cast %add3A_944 : i32 to index
          %get3A_973 = arith.constant 16 : index
          %get3A_974 = tpu.vector_load %arg29[%get3A_972, %get3A_973] {strides = array<i32>} : memref<80x64xf32, #tpu.memory_space<vmem>>, vector<16xf32>,
          %add3A_975 = arith.addf %get3A_974, %get3A_967 : vector<16xf32>
          %mul3A_976 = arith.mulf %add3A_971, %add3A_975 : vector<16xf32>
          %mul3A_977 = arith.mulf %mul3A_976, %gather3A_948 : vector<16xf32>
          %swap3A_978 = arith.index_cast %add3A_944 : i32 to index
          %swap3A_979 = arith.constant 16 : index
          %swap3A_980 = tpu.vector_load %arg32[%swap3A_978, %swap3A_979] {strides = array<i32>} : memref<80x64xf32, #tpu.memory_space<vmem>>, vector<16xf32>,
          tpu.vector_store %arg32[%swap3A_978, %swap3A_979], %mul3A_977 {strides = array<i32>} : memref<80x64xf32, #tpu.memory_space<vmem>>, vector<16xf32>,
          %get3A_981 = arith.index_cast %add3A_944 : i32 to index
          %get3A_982 = arith.constant 32 : index
          %get3A_983 = tpu.vector_load %arg30[%get3A_981, %get3A_982] {strides = array<i32>} : memref<80x64xf32, #tpu.memory_space<vmem>>, vector<16xf32>,
          %get3A_984 = arith.index_cast %add3A_944 : i32 to index
          %get3A_985 = arith.constant 32 : index
          %get3A_986 = tpu.vector_load %arg28[%get3A_984, %get3A_985] {strides = array<i32>} : memref<80x64xf32, #tpu.memory_space<vmem>>, vector<16xf32>,
          %add3A_987 = arith.addf %get3A_986, %get3A_983 : vector<16xf32>
          %get3A_988 = arith.index_cast %add3A_944 : i32 to index
          %get3A_989 = arith.constant 32 : index
          %get3A_990 = tpu.vector_load %arg29[%get3A_988, %get3A_989] {strides = array<i32>} : memref<80x64xf32, #tpu.memory_space<vmem>>, vector<16xf32>,
          %add3A_991 = arith.addf %get3A_990, %get3A_983 : vector<16xf32>
          %mul3A_992 = arith.mulf %add3A_987, %add3A_991 : vector<16xf32>
          %mul3A_993 = arith.mulf %mul3A_992, %gather3A_948 : vector<16xf32>
          %swap3A_994 = arith.index_cast %add3A_944 : i32 to index
          %swap3A_995 = arith.constant 32 : index
          %swap3A_996 = tpu.vector_load %arg32[%swap3A_994, %swap3A_995] {strides = array<i32>} : memref<80x64xf32, #tpu.memory_space<vmem>>, vector<16xf32>,
          tpu.vector_store %arg32[%swap3A_994, %swap3A_995], %mul3A_993 {strides = array<i32>} : memref<80x64xf32, #tpu.memory_space<vmem>>, vector<16xf32>,
          %get3A_997 = arith.index_cast %add3A_944 : i32 to index
          %get3A_998 = arith.constant 48 : index
          %get3A_999 = tpu.vector_load %arg30[%get3A_997, %get3A_998] {strides = array<i32>} : memref<80x64xf32, #tpu.memory_space<vmem>>, vector<16xf32>,
          %get3A_1000 = arith.index_cast %add3A_944 : i32 to index
          %get3A_1001 = arith.constant 48 : index
          %get3A_1002 = tpu.vector_load %arg28[%get3A_1000, %get3A_1001] {strides = array<i32>} : memref<80x64xf32, #tpu.memory_space<vmem>>, vector<16xf32>,
          %add3A_1003 = arith.addf %get3A_1002, %get3A_999 : vector<16xf32>
          %get3A_1004 = arith.index_cast %add3A_944 : i32 to index
          %get3A_1005 = arith.constant 48 : index
          %get3A_1006 = tpu.vector_load %arg29[%get3A_1004, %get3A_1005] {strides = array<i32>} : memref<80x64xf32, #tpu.memory_space<vmem>>, vector<16xf32>,
          %add3A_1007 = arith.addf %get3A_1006, %get3A_999 : vector<16xf32>
          %mul3A_1008 = arith.mulf %add3A_1003, %add3A_1007 : vector<16xf32>
          %mul3A_1009 = arith.mulf %mul3A_1008, %gather3A_948 : vector<16xf32>
          %swap3A_1010 = arith.index_cast %add3A_944 : i32 to index
          %swap3A_1011 = arith.constant 48 : index
          %swap3A_1012 = tpu.vector_load %arg32[%swap3A_1010, %swap3A_1011] {strides = array<i32>} : memref<80x64xf32, #tpu.memory_space<vmem>>, vector<16xf32>,
          tpu.vector_store %arg32[%swap3A_1010, %swap3A_1011], %mul3A_1009 {strides = array<i32>} : memref<80x64xf32, #tpu.memory_space<vmem>>, vector<16xf32>,
          %add3A_1013 = arith.constant 8 : i32
          %add3A_1014 = arith.addi %mul3A_426, %add3A_1013 : i32
          %broadcast_in_dim3A_1015 = arith.constant 8 : i32
          %broadcast_in_dim3A_1016 = vector.broadcast %broadcast_in_dim3A_1015 : i32 to vector<16x1xi32>
          %gather3A_1017 = vector.shape_cast %broadcast_in_dim3A_1016 : vector<16x1xi32> to vector<16xi32>
          %gather3A_1018 = tpu.dynamic_gather %exp3A[%gather3A_1017] in [0] : vector<16xf32>, vector<16xi32> -> vector<16xf32>
          %get3A_1019 = arith.index_cast %add3A_1014 : i32 to index
          %get3A_1020 = arith.constant 0 : index
          %get3A_1021 = tpu.vector_load %arg30[%get3A_1019, %get3A_1020] {strides = array<i32>} : memref<80x64xf32, #tpu.memory_space<vmem>>, vector<16xf32>,
          %get3A_1022 = arith.index_cast %add3A_1014 : i32 to index
          %get3A_1023 = arith.constant 0 : index
          %get3A_1024 = tpu.vector_load %arg28[%get3A_1022, %get3A_1023] {strides = array<i32>} : memref<80x64xf32, #tpu.memory_space<vmem>>, vector<16xf32>,
          %add3A_1025 = arith.addf %get3A_1024, %get3A_1021 : vector<16xf32>
          %get3A_1026 = arith.index_cast %add3A_1014 : i32 to index
          %get3A_1027 = arith.constant 0 : index
          %get3A_1028 = tpu.vector_load %arg29[%get3A_1026, %get3A_1027] {strides = array<i32>} : memref<80x64xf32, #tpu.memory_space<vmem>>, vector<16xf32>,
          %add3A_1029 = arith.addf %get3A_1028, %get3A_1021 : vector<16xf32>
          %mul3A_1030 = arith.mulf %add3A_1025, %add3A_1029 : vector<16xf32>
          %mul3A_1031 = arith.mulf %mul3A_1030, %gather3A_1018 : vector<16xf32>
          %swap3A_1032 = arith.index_cast %add3A_1014 : i32 to index
          %swap3A_1033 = arith.constant 0 : index
          %swap3A_1034 = tpu.vector_load %arg32[%swap3A_1032, %swap3A_1033] {strides = array<i32>} : memref<80x64xf32, #tpu.memory_space<vmem>>, vector<16xf32>,
          tpu.vector_store %arg32[%swap3A_1032, %swap3A_1033], %mul3A_1031 {strides = array<i32>} : memref<80x64xf32, #tpu.memory_space<vmem>>, vector<16xf32>,
          %get3A_1035 = arith.index_cast %add3A_1014 : i32 to index
          %get3A_1036 = arith.constant 16 : index
          %get3A_1037 = tpu.vector_load %arg30[%get3A_1035, %get3A_1036] {strides = array<i32>} : memref<80x64xf32, #tpu.memory_space<vmem>>, vector<16xf32>,
          %get3A_1038 = arith.index_cast %add3A_1014 : i32 to index
          %get3A_1039 = arith.constant 16 : index
          %get3A_1040 = tpu.vector_load %arg28[%get3A_1038, %get3A_1039] {strides = array<i32>} : memref<80x64xf32, #tpu.memory_space<vmem>>, vector<16xf32>,
          %add3A_1041 = arith.addf %get3A_1040, %get3A_1037 : vector<16xf32>
          %get3A_1042 = arith.index_cast %add3A_1014 : i32 to index
          %get3A_1043 = arith.constant 16 : index
          %get3A_1044 = tpu.vector_load %arg29[%get3A_1042, %get3A_1043] {strides = array<i32>} : memref<80x64xf32, #tpu.memory_space<vmem>>, vector<16xf32>,
          %add3A_1045 = arith.addf %get3A_1044, %get3A_1037 : vector<16xf32>
          %mul3A_1046 = arith.mulf %add3A_1041, %add3A_1045 : vector<16xf32>
          %mul3A_1047 = arith.mulf %mul3A_1046, %gather3A_1018 : vector<16xf32>
          %swap3A_1048 = arith.index_cast %add3A_1014 : i32 to index
          %swap3A_1049 = arith.constant 16 : index
          %swap3A_1050 = tpu.vector_load %arg32[%swap3A_1048, %swap3A_1049] {strides = array<i32>} : memref<80x64xf32, #tpu.memory_space<vmem>>, vector<16xf32>,
          tpu.vector_store %arg32[%swap3A_1048, %swap3A_1049], %mul3A_1047 {strides = array<i32>} : memref<80x64xf32, #tpu.memory_space<vmem>>, vector<16xf32>,
          %get3A_1051 = arith.index_cast %add3A_1014 : i32 to index
          %get3A_1052 = arith.constant 32 : index
          %get3A_1053 = tpu.vector_load %arg30[%get3A_1051, %get3A_1052] {strides = array<i32>} : memref<80x64xf32, #tpu.memory_space<vmem>>, vector<16xf32>,
          %get3A_1054 = arith.index_cast %add3A_1014 : i32 to index
          %get3A_1055 = arith.constant 32 : index
          %get3A_1056 = tpu.vector_load %arg28[%get3A_1054, %get3A_1055] {strides = array<i32>} : memref<80x64xf32, #tpu.memory_space<vmem>>, vector<16xf32>,
          %add3A_1057 = arith.addf %get3A_1056, %get3A_1053 : vector<16xf32>
          %get3A_1058 = arith.index_cast %add3A_1014 : i32 to index
          %get3A_1059 = arith.constant 32 : index
          %get3A_1060 = tpu.vector_load %arg29[%get3A_1058, %get3A_1059] {strides = array<i32>} : memref<80x64xf32, #tpu.memory_space<vmem>>, vector<16xf32>,
          %add3A_1061 = arith.addf %get3A_1060, %get3A_1053 : vector<16xf32>
          %mul3A_1062 = arith.mulf %add3A_1057, %add3A_1061 : vector<16xf32>
          %mul3A_1063 = arith.mulf %mul3A_1062, %gather3A_1018 : vector<16xf32>
          %swap3A_1064 = arith.index_cast %add3A_1014 : i32 to index
          %swap3A_1065 = arith.constant 32 : index
          %swap3A_1066 = tpu.vector_load %arg32[%swap3A_1064, %swap3A_1065] {strides = array<i32>} : memref<80x64xf32, #tpu.memory_space<vmem>>, vector<16xf32>,
          tpu.vector_store %arg32[%swap3A_1064, %swap3A_1065], %mul3A_1063 {strides = array<i32>} : memref<80x64xf32, #tpu.memory_space<vmem>>, vector<16xf32>,
          %get3A_1067 = arith.index_cast %add3A_1014 : i32 to index
          %get3A_1068 = arith.constant 48 : index
          %get3A_1069 = tpu.vector_load %arg30[%get3A_1067, %get3A_1068] {strides = array<i32>} : memref<80x64xf32, #tpu.memory_space<vmem>>, vector<16xf32>,
          %get3A_1070 = arith.index_cast %add3A_1014 : i32 to index
          %get3A_1071 = arith.constant 48 : index
          %get3A_1072 = tpu.vector_load %arg28[%get3A_1070, %get3A_1071] {strides = array<i32>} : memref<80x64xf32, #tpu.memory_space<vmem>>, vector<16xf32>,
          %add3A_1073 = arith.addf %get3A_1072, %get3A_1069 : vector<16xf32>
          %get3A_1074 = arith.index_cast %add3A_1014 : i32 to index
          %get3A_1075 = arith.constant 48 : index
          %get3A_1076 = tpu.vector_load %arg29[%get3A_1074, %get3A_1075] {strides = array<i32>} : memref<80x64xf32, #tpu.memory_space<vmem>>, vector<16xf32>,
          %add3A_1077 = arith.addf %get3A_1076, %get3A_1069 : vector<16xf32>
          %mul3A_1078 = arith.mulf %add3A_1073, %add3A_1077 : vector<16xf32>
          %mul3A_1079 = arith.mulf %mul3A_1078, %gather3A_1018 : vector<16xf32>
          %swap3A_1080 = arith.index_cast %add3A_1014 : i32 to index
          %swap3A_1081 = arith.constant 48 : index
          %swap3A_1082 = tpu.vector_load %arg32[%swap3A_1080, %swap3A_1081] {strides = array<i32>} : memref<80x64xf32, #tpu.memory_space<vmem>>, vector<16xf32>,
          tpu.vector_store %arg32[%swap3A_1080, %swap3A_1081], %mul3A_1079 {strides = array<i32>} : memref<80x64xf32, #tpu.memory_space<vmem>>, vector<16xf32>,
          %add3A_1083 = arith.constant 9 : i32
          %add3A_1084 = arith.addi %mul3A_426, %add3A_1083 : i32
          %broadcast_in_dim3A_1085 = arith.constant 9 : i32
          %broadcast_in_dim3A_1086 = vector.broadcast %broadcast_in_dim3A_1085 : i32 to vector<16x1xi32>
          %gather3A_1087 = vector.shape_cast %broadcast_in_dim3A_1086 : vector<16x1xi32> to vector<16xi32>
          %gather3A_1088 = tpu.dynamic_gather %exp3A[%gather3A_1087] in [0] : vector<16xf32>, vector<16xi32> -> vector<16xf32>
          %get3A_1089 = arith.index_cast %add3A_1084 : i32 to index
          %get3A_1090 = arith.constant 0 : index
          %get3A_1091 = tpu.vector_load %arg30[%get3A_1089, %get3A_1090] {strides = array<i32>} : memref<80x64xf32, #tpu.memory_space<vmem>>, vector<16xf32>,
          %get3A_1092 = arith.index_cast %add3A_1084 : i32 to index
          %get3A_1093 = arith.constant 0 : index
          %get3A_1094 = tpu.vector_load %arg28[%get3A_1092, %get3A_1093] {strides = array<i32>} : memref<80x64xf32, #tpu.memory_space<vmem>>, vector<16xf32>,
          %add3A_1095 = arith.addf %get3A_1094, %get3A_1091 : vector<16xf32>
          %get3A_1096 = arith.index_cast %add3A_1084 : i32 to index
          %get3A_1097 = arith.constant 0 : index
          %get3A_1098 = tpu.vector_load %arg29[%get3A_1096, %get3A_1097] {strides = array<i32>} : memref<80x64xf32, #tpu.memory_space<vmem>>, vector<16xf32>,
          %add3A_1099 = arith.addf %get3A_1098, %get3A_1091 : vector<16xf32>
          %mul3A_1100 = arith.mulf %add3A_1095, %add3A_1099 : vector<16xf32>
          %mul3A_1101 = arith.mulf %mul3A_1100, %gather3A_1088 : vector<16xf32>
          %swap3A_1102 = arith.index_cast %add3A_1084 : i32 to index
          %swap3A_1103 = arith.constant 0 : index
          %swap3A_1104 = tpu.vector_load %arg32[%swap3A_1102, %swap3A_1103] {strides = array<i32>} : memref<80x64xf32, #tpu.memory_space<vmem>>, vector<16xf32>,
          tpu.vector_store %arg32[%swap3A_1102, %swap3A_1103], %mul3A_1101 {strides = array<i32>} : memref<80x64xf32, #tpu.memory_space<vmem>>, vector<16xf32>,
          %get3A_1105 = arith.index_cast %add3A_1084 : i32 to index
          %get3A_1106 = arith.constant 16 : index
          %get3A_1107 = tpu.vector_load %arg30[%get3A_1105, %get3A_1106] {strides = array<i32>} : memref<80x64xf32, #tpu.memory_space<vmem>>, vector<16xf32>,
          %get3A_1108 = arith.index_cast %add3A_1084 : i32 to index
          %get3A_1109 = arith.constant 16 : index
          %get3A_1110 = tpu.vector_load %arg28[%get3A_1108, %get3A_1109] {strides = array<i32>} : memref<80x64xf32, #tpu.memory_space<vmem>>, vector<16xf32>,
          %add3A_1111 = arith.addf %get3A_1110, %get3A_1107 : vector<16xf32>
          %get3A_1112 = arith.index_cast %add3A_1084 : i32 to index
          %get3A_1113 = arith.constant 16 : index
          %get3A_1114 = tpu.vector_load %arg29[%get3A_1112, %get3A_1113] {strides = array<i32>} : memref<80x64xf32, #tpu.memory_space<vmem>>, vector<16xf32>,
          %add3A_1115 = arith.addf %get3A_1114, %get3A_1107 : vector<16xf32>
          %mul3A_1116 = arith.mulf %add3A_1111, %add3A_1115 : vector<16xf32>
          %mul3A_1117 = arith.mulf %mul3A_1116, %gather3A_1088 : vector<16xf32>
          %swap3A_1118 = arith.index_cast %add3A_1084 : i32 to index
          %swap3A_1119 = arith.constant 16 : index
          %swap3A_1120 = tpu.vector_load %arg32[%swap3A_1118, %swap3A_1119] {strides = array<i32>} : memref<80x64xf32, #tpu.memory_space<vmem>>, vector<16xf32>,
          tpu.vector_store %arg32[%swap3A_1118, %swap3A_1119], %mul3A_1117 {strides = array<i32>} : memref<80x64xf32, #tpu.memory_space<vmem>>, vector<16xf32>,
          %get3A_1121 = arith.index_cast %add3A_1084 : i32 to index
          %get3A_1122 = arith.constant 32 : index
          %get3A_1123 = tpu.vector_load %arg30[%get3A_1121, %get3A_1122] {strides = array<i32>} : memref<80x64xf32, #tpu.memory_space<vmem>>, vector<16xf32>,
          %get3A_1124 = arith.index_cast %add3A_1084 : i32 to index
          %get3A_1125 = arith.constant 32 : index
          %get3A_1126 = tpu.vector_load %arg28[%get3A_1124, %get3A_1125] {strides = array<i32>} : memref<80x64xf32, #tpu.memory_space<vmem>>, vector<16xf32>,
          %add3A_1127 = arith.addf %get3A_1126, %get3A_1123 : vector<16xf32>
          %get3A_1128 = arith.index_cast %add3A_1084 : i32 to index
          %get3A_1129 = arith.constant 32 : index
          %get3A_1130 = tpu.vector_load %arg29[%get3A_1128, %get3A_1129] {strides = array<i32>} : memref<80x64xf32, #tpu.memory_space<vmem>>, vector<16xf32>,
          %add3A_1131 = arith.addf %get3A_1130, %get3A_1123 : vector<16xf32>
          %mul3A_1132 = arith.mulf %add3A_1127, %add3A_1131 : vector<16xf32>
          %mul3A_1133 = arith.mulf %mul3A_1132, %gather3A_1088 : vector<16xf32>
          %swap3A_1134 = arith.index_cast %add3A_1084 : i32 to index
          %swap3A_1135 = arith.constant 32 : index
          %swap3A_1136 = tpu.vector_load %arg32[%swap3A_1134, %swap3A_1135] {strides = array<i32>} : memref<80x64xf32, #tpu.memory_space<vmem>>, vector<16xf32>,
          tpu.vector_store %arg32[%swap3A_1134, %swap3A_1135], %mul3A_1133 {strides = array<i32>} : memref<80x64xf32, #tpu.memory_space<vmem>>, vector<16xf32>,
          %get3A_1137 = arith.index_cast %add3A_1084 : i32 to index
          %get3A_1138 = arith.constant 48 : index
          %get3A_1139 = tpu.vector_load %arg30[%get3A_1137, %get3A_1138] {strides = array<i32>} : memref<80x64xf32, #tpu.memory_space<vmem>>, vector<16xf32>,
          %get3A_1140 = arith.index_cast %add3A_1084 : i32 to index
          %get3A_1141 = arith.constant 48 : index
          %get3A_1142 = tpu.vector_load %arg28[%get3A_1140, %get3A_1141] {strides = array<i32>} : memref<80x64xf32, #tpu.memory_space<vmem>>, vector<16xf32>,
          %add3A_1143 = arith.addf %get3A_1142, %get3A_1139 : vector<16xf32>
          %get3A_1144 = arith.index_cast %add3A_1084 : i32 to index
          %get3A_1145 = arith.constant 48 : index
          %get3A_1146 = tpu.vector_load %arg29[%get3A_1144, %get3A_1145] {strides = array<i32>} : memref<80x64xf32, #tpu.memory_space<vmem>>, vector<16xf32>,
          %add3A_1147 = arith.addf %get3A_1146, %get3A_1139 : vector<16xf32>
          %mul3A_1148 = arith.mulf %add3A_1143, %add3A_1147 : vector<16xf32>
          %mul3A_1149 = arith.mulf %mul3A_1148, %gather3A_1088 : vector<16xf32>
          %swap3A_1150 = arith.index_cast %add3A_1084 : i32 to index
          %swap3A_1151 = arith.constant 48 : index
          %swap3A_1152 = tpu.vector_load %arg32[%swap3A_1150, %swap3A_1151] {strides = array<i32>} : memref<80x64xf32, #tpu.memory_space<vmem>>, vector<16xf32>,
          tpu.vector_store %arg32[%swap3A_1150, %swap3A_1151], %mul3A_1149 {strides = array<i32>} : memref<80x64xf32, #tpu.memory_space<vmem>>, vector<16xf32>,
          %add3A_1153 = arith.constant 10 : i32
          %add3A_1154 = arith.addi %mul3A_426, %add3A_1153 : i32
          %broadcast_in_dim3A_1155 = arith.constant 10 : i32
          %broadcast_in_dim3A_1156 = vector.broadcast %broadcast_in_dim3A_1155 : i32 to vector<16x1xi32>
          %gather3A_1157 = vector.shape_cast %broadcast_in_dim3A_1156 : vector<16x1xi32> to vector<16xi32>
          %gather3A_1158 = tpu.dynamic_gather %exp3A[%gather3A_1157] in [0] : vector<16xf32>, vector<16xi32> -> vector<16xf32>
          %get3A_1159 = arith.index_cast %add3A_1154 : i32 to index
          %get3A_1160 = arith.constant 0 : index
          %get3A_1161 = tpu.vector_load %arg30[%get3A_1159, %get3A_1160] {strides = array<i32>} : memref<80x64xf32, #tpu.memory_space<vmem>>, vector<16xf32>,
          %get3A_1162 = arith.index_cast %add3A_1154 : i32 to index
          %get3A_1163 = arith.constant 0 : index
          %get3A_1164 = tpu.vector_load %arg28[%get3A_1162, %get3A_1163] {strides = array<i32>} : memref<80x64xf32, #tpu.memory_space<vmem>>, vector<16xf32>,
          %add3A_1165 = arith.addf %get3A_1164, %get3A_1161 : vector<16xf32>
          %get3A_1166 = arith.index_cast %add3A_1154 : i32 to index
          %get3A_1167 = arith.constant 0 : index
          %get3A_1168 = tpu.vector_load %arg29[%get3A_1166, %get3A_1167] {strides = array<i32>} : memref<80x64xf32, #tpu.memory_space<vmem>>, vector<16xf32>,
          %add3A_1169 = arith.addf %get3A_1168, %get3A_1161 : vector<16xf32>
          %mul3A_1170 = arith.mulf %add3A_1165, %add3A_1169 : vector<16xf32>
          %mul3A_1171 = arith.mulf %mul3A_1170, %gather3A_1158 : vector<16xf32>
          %swap3A_1172 = arith.index_cast %add3A_1154 : i32 to index
          %swap3A_1173 = arith.constant 0 : index
          %swap3A_1174 = tpu.vector_load %arg32[%swap3A_1172, %swap3A_1173] {strides = array<i32>} : memref<80x64xf32, #tpu.memory_space<vmem>>, vector<16xf32>,
          tpu.vector_store %arg32[%swap3A_1172, %swap3A_1173], %mul3A_1171 {strides = array<i32>} : memref<80x64xf32, #tpu.memory_space<vmem>>, vector<16xf32>,
          %get3A_1175 = arith.index_cast %add3A_1154 : i32 to index
          %get3A_1176 = arith.constant 16 : index
          %get3A_1177 = tpu.vector_load %arg30[%get3A_1175, %get3A_1176] {strides = array<i32>} : memref<80x64xf32, #tpu.memory_space<vmem>>, vector<16xf32>,
          %get3A_1178 = arith.index_cast %add3A_1154 : i32 to index
          %get3A_1179 = arith.constant 16 : index
          %get3A_1180 = tpu.vector_load %arg28[%get3A_1178, %get3A_1179] {strides = array<i32>} : memref<80x64xf32, #tpu.memory_space<vmem>>, vector<16xf32>,
          %add3A_1181 = arith.addf %get3A_1180, %get3A_1177 : vector<16xf32>
          %get3A_1182 = arith.index_cast %add3A_1154 : i32 to index
          %get3A_1183 = arith.constant 16 : index
          %get3A_1184 = tpu.vector_load %arg29[%get3A_1182, %get3A_1183] {strides = array<i32>} : memref<80x64xf32, #tpu.memory_space<vmem>>, vector<16xf32>,
          %add3A_1185 = arith.addf %get3A_1184, %get3A_1177 : vector<16xf32>
          %mul3A_1186 = arith.mulf %add3A_1181, %add3A_1185 : vector<16xf32>
          %mul3A_1187 = arith.mulf %mul3A_1186, %gather3A_1158 : vector<16xf32>
          %swap3A_1188 = arith.index_cast %add3A_1154 : i32 to index
          %swap3A_1189 = arith.constant 16 : index
          %swap3A_1190 = tpu.vector_load %arg32[%swap3A_1188, %swap3A_1189] {strides = array<i32>} : memref<80x64xf32, #tpu.memory_space<vmem>>, vector<16xf32>,
          tpu.vector_store %arg32[%swap3A_1188, %swap3A_1189], %mul3A_1187 {strides = array<i32>} : memref<80x64xf32, #tpu.memory_space<vmem>>, vector<16xf32>,
          %get3A_1191 = arith.index_cast %add3A_1154 : i32 to index
          %get3A_1192 = arith.constant 32 : index
          %get3A_1193 = tpu.vector_load %arg30[%get3A_1191, %get3A_1192] {strides = array<i32>} : memref<80x64xf32, #tpu.memory_space<vmem>>, vector<16xf32>,
          %get3A_1194 = arith.index_cast %add3A_1154 : i32 to index
          %get3A_1195 = arith.constant 32 : index
          %get3A_1196 = tpu.vector_load %arg28[%get3A_1194, %get3A_1195] {strides = array<i32>} : memref<80x64xf32, #tpu.memory_space<vmem>>, vector<16xf32>,
          %add3A_1197 = arith.addf %get3A_1196, %get3A_1193 : vector<16xf32>
          %get3A_1198 = arith.index_cast %add3A_1154 : i32 to index
          %get3A_1199 = arith.constant 32 : index
          %get3A_1200 = tpu.vector_load %arg29[%get3A_1198, %get3A_1199] {strides = array<i32>} : memref<80x64xf32, #tpu.memory_space<vmem>>, vector<16xf32>,
          %add3A_1201 = arith.addf %get3A_1200, %get3A_1193 : vector<16xf32>
          %mul3A_1202 = arith.mulf %add3A_1197, %add3A_1201 : vector<16xf32>
          %mul3A_1203 = arith.mulf %mul3A_1202, %gather3A_1158 : vector<16xf32>
          %swap3A_1204 = arith.index_cast %add3A_1154 : i32 to index
          %swap3A_1205 = arith.constant 32 : index
          %swap3A_1206 = tpu.vector_load %arg32[%swap3A_1204, %swap3A_1205] {strides = array<i32>} : memref<80x64xf32, #tpu.memory_space<vmem>>, vector<16xf32>,
          tpu.vector_store %arg32[%swap3A_1204, %swap3A_1205], %mul3A_1203 {strides = array<i32>} : memref<80x64xf32, #tpu.memory_space<vmem>>, vector<16xf32>,
          %get3A_1207 = arith.index_cast %add3A_1154 : i32 to index
          %get3A_1208 = arith.constant 48 : index
          %get3A_1209 = tpu.vector_load %arg30[%get3A_1207, %get3A_1208] {strides = array<i32>} : memref<80x64xf32, #tpu.memory_space<vmem>>, vector<16xf32>,
          %get3A_1210 = arith.index_cast %add3A_1154 : i32 to index
          %get3A_1211 = arith.constant 48 : index
          %get3A_1212 = tpu.vector_load %arg28[%get3A_1210, %get3A_1211] {strides = array<i32>} : memref<80x64xf32, #tpu.memory_space<vmem>>, vector<16xf32>,
          %add3A_1213 = arith.addf %get3A_1212, %get3A_1209 : vector<16xf32>
          %get3A_1214 = arith.index_cast %add3A_1154 : i32 to index
          %get3A_1215 = arith.constant 48 : index
          %get3A_1216 = tpu.vector_load %arg29[%get3A_1214, %get3A_1215] {strides = array<i32>} : memref<80x64xf32, #tpu.memory_space<vmem>>, vector<16xf32>,
          %add3A_1217 = arith.addf %get3A_1216, %get3A_1209 : vector<16xf32>
          %mul3A_1218 = arith.mulf %add3A_1213, %add3A_1217 : vector<16xf32>
          %mul3A_1219 = arith.mulf %mul3A_1218, %gather3A_1158 : vector<16xf32>
          %swap3A_1220 = arith.index_cast %add3A_1154 : i32 to index
          %swap3A_1221 = arith.constant 48 : index
          %swap3A_1222 = tpu.vector_load %arg32[%swap3A_1220, %swap3A_1221] {strides = array<i32>} : memref<80x64xf32, #tpu.memory_space<vmem>>, vector<16xf32>,
          tpu.vector_store %arg32[%swap3A_1220, %swap3A_1221], %mul3A_1219 {strides = array<i32>} : memref<80x64xf32, #tpu.memory_space<vmem>>, vector<16xf32>,
          %add3A_1223 = arith.constant 11 : i32
          %add3A_1224 = arith.addi %mul3A_426, %add3A_1223 : i32
          %broadcast_in_dim3A_1225 = arith.constant 11 : i32
          %broadcast_in_dim3A_1226 = vector.broadcast %broadcast_in_dim3A_1225 : i32 to vector<16x1xi32>
          %gather3A_1227 = vector.shape_cast %broadcast_in_dim3A_1226 : vector<16x1xi32> to vector<16xi32>
          %gather3A_1228 = tpu.dynamic_gather %exp3A[%gather3A_1227] in [0] : vector<16xf32>, vector<16xi32> -> vector<16xf32>
          %get3A_1229 = arith.index_cast %add3A_1224 : i32 to index
          %get3A_1230 = arith.constant 0 : index
          %get3A_1231 = tpu.vector_load %arg30[%get3A_1229, %get3A_1230] {strides = array<i32>} : memref<80x64xf32, #tpu.memory_space<vmem>>, vector<16xf32>,
          %get3A_1232 = arith.index_cast %add3A_1224 : i32 to index
          %get3A_1233 = arith.constant 0 : index
          %get3A_1234 = tpu.vector_load %arg28[%get3A_1232, %get3A_1233] {strides = array<i32>} : memref<80x64xf32, #tpu.memory_space<vmem>>, vector<16xf32>,
          %add3A_1235 = arith.addf %get3A_1234, %get3A_1231 : vector<16xf32>
          %get3A_1236 = arith.index_cast %add3A_1224 : i32 to index
          %get3A_1237 = arith.constant 0 : index
          %get3A_1238 = tpu.vector_load %arg29[%get3A_1236, %get3A_1237] {strides = array<i32>} : memref<80x64xf32, #tpu.memory_space<vmem>>, vector<16xf32>,
          %add3A_1239 = arith.addf %get3A_1238, %get3A_1231 : vector<16xf32>
          %mul3A_1240 = arith.mulf %add3A_1235, %add3A_1239 : vector<16xf32>
          %mul3A_1241 = arith.mulf %mul3A_1240, %gather3A_1228 : vector<16xf32>
          %swap3A_1242 = arith.index_cast %add3A_1224 : i32 to index
          %swap3A_1243 = arith.constant 0 : index
          %swap3A_1244 = tpu.vector_load %arg32[%swap3A_1242, %swap3A_1243] {strides = array<i32>} : memref<80x64xf32, #tpu.memory_space<vmem>>, vector<16xf32>,
          tpu.vector_store %arg32[%swap3A_1242, %swap3A_1243], %mul3A_1241 {strides = array<i32>} : memref<80x64xf32, #tpu.memory_space<vmem>>, vector<16xf32>,
          %get3A_1245 = arith.index_cast %add3A_1224 : i32 to index
          %get3A_1246 = arith.constant 16 : index
          %get3A_1247 = tpu.vector_load %arg30[%get3A_1245, %get3A_1246] {strides = array<i32>} : memref<80x64xf32, #tpu.memory_space<vmem>>, vector<16xf32>,
          %get3A_1248 = arith.index_cast %add3A_1224 : i32 to index
          %get3A_1249 = arith.constant 16 : index
          %get3A_1250 = tpu.vector_load %arg28[%get3A_1248, %get3A_1249] {strides = array<i32>} : memref<80x64xf32, #tpu.memory_space<vmem>>, vector<16xf32>,
          %add3A_1251 = arith.addf %get3A_1250, %get3A_1247 : vector<16xf32>
          %get3A_1252 = arith.index_cast %add3A_1224 : i32 to index
          %get3A_1253 = arith.constant 16 : index
          %get3A_1254 = tpu.vector_load %arg29[%get3A_1252, %get3A_1253] {strides = array<i32>} : memref<80x64xf32, #tpu.memory_space<vmem>>, vector<16xf32>,
          %add3A_1255 = arith.addf %get3A_1254, %get3A_1247 : vector<16xf32>
          %mul3A_1256 = arith.mulf %add3A_1251, %add3A_1255 : vector<16xf32>
          %mul3A_1257 = arith.mulf %mul3A_1256, %gather3A_1228 : vector<16xf32>
          %swap3A_1258 = arith.index_cast %add3A_1224 : i32 to index
          %swap3A_1259 = arith.constant 16 : index
          %swap3A_1260 = tpu.vector_load %arg32[%swap3A_1258, %swap3A_1259] {strides = array<i32>} : memref<80x64xf32, #tpu.memory_space<vmem>>, vector<16xf32>,
          tpu.vector_store %arg32[%swap3A_1258, %swap3A_1259], %mul3A_1257 {strides = array<i32>} : memref<80x64xf32, #tpu.memory_space<vmem>>, vector<16xf32>,
          %get3A_1261 = arith.index_cast %add3A_1224 : i32 to index
          %get3A_1262 = arith.constant 32 : index
          %get3A_1263 = tpu.vector_load %arg30[%get3A_1261, %get3A_1262] {strides = array<i32>} : memref<80x64xf32, #tpu.memory_space<vmem>>, vector<16xf32>,
          %get3A_1264 = arith.index_cast %add3A_1224 : i32 to index
          %get3A_1265 = arith.constant 32 : index
          %get3A_1266 = tpu.vector_load %arg28[%get3A_1264, %get3A_1265] {strides = array<i32>} : memref<80x64xf32, #tpu.memory_space<vmem>>, vector<16xf32>,
          %add3A_1267 = arith.addf %get3A_1266, %get3A_1263 : vector<16xf32>
          %get3A_1268 = arith.index_cast %add3A_1224 : i32 to index
          %get3A_1269 = arith.constant 32 : index
          %get3A_1270 = tpu.vector_load %arg29[%get3A_1268, %get3A_1269] {strides = array<i32>} : memref<80x64xf32, #tpu.memory_space<vmem>>, vector<16xf32>,
          %add3A_1271 = arith.addf %get3A_1270, %get3A_1263 : vector<16xf32>
          %mul3A_1272 = arith.mulf %add3A_1267, %add3A_1271 : vector<16xf32>
          %mul3A_1273 = arith.mulf %mul3A_1272, %gather3A_1228 : vector<16xf32>
          %swap3A_1274 = arith.index_cast %add3A_1224 : i32 to index
          %swap3A_1275 = arith.constant 32 : index
          %swap3A_1276 = tpu.vector_load %arg32[%swap3A_1274, %swap3A_1275] {strides = array<i32>} : memref<80x64xf32, #tpu.memory_space<vmem>>, vector<16xf32>,
          tpu.vector_store %arg32[%swap3A_1274, %swap3A_1275], %mul3A_1273 {strides = array<i32>} : memref<80x64xf32, #tpu.memory_space<vmem>>, vector<16xf32>,
          %get3A_1277 = arith.index_cast %add3A_1224 : i32 to index
          %get3A_1278 = arith.constant 48 : index
          %get3A_1279 = tpu.vector_load %arg30[%get3A_1277, %get3A_1278] {strides = array<i32>} : memref<80x64xf32, #tpu.memory_space<vmem>>, vector<16xf32>,
          %get3A_1280 = arith.index_cast %add3A_1224 : i32 to index
          %get3A_1281 = arith.constant 48 : index
          %get3A_1282 = tpu.vector_load %arg28[%get3A_1280, %get3A_1281] {strides = array<i32>} : memref<80x64xf32, #tpu.memory_space<vmem>>, vector<16xf32>,
          %add3A_1283 = arith.addf %get3A_1282, %get3A_1279 : vector<16xf32>
          %get3A_1284 = arith.index_cast %add3A_1224 : i32 to index
          %get3A_1285 = arith.constant 48 : index
          %get3A_1286 = tpu.vector_load %arg29[%get3A_1284, %get3A_1285] {strides = array<i32>} : memref<80x64xf32, #tpu.memory_space<vmem>>, vector<16xf32>,
          %add3A_1287 = arith.addf %get3A_1286, %get3A_1279 : vector<16xf32>
          %mul3A_1288 = arith.mulf %add3A_1283, %add3A_1287 : vector<16xf32>
          %mul3A_1289 = arith.mulf %mul3A_1288, %gather3A_1228 : vector<16xf32>
          %swap3A_1290 = arith.index_cast %add3A_1224 : i32 to index
          %swap3A_1291 = arith.constant 48 : index
          %swap3A_1292 = tpu.vector_load %arg32[%swap3A_1290, %swap3A_1291] {strides = array<i32>} : memref<80x64xf32, #tpu.memory_space<vmem>>, vector<16xf32>,
          tpu.vector_store %arg32[%swap3A_1290, %swap3A_1291], %mul3A_1289 {strides = array<i32>} : memref<80x64xf32, #tpu.memory_space<vmem>>, vector<16xf32>,
          %add3A_1293 = arith.constant 12 : i32
          %add3A_1294 = arith.addi %mul3A_426, %add3A_1293 : i32
          %broadcast_in_dim3A_1295 = arith.constant 12 : i32
          %broadcast_in_dim3A_1296 = vector.broadcast %broadcast_in_dim3A_1295 : i32 to vector<16x1xi32>
          %gather3A_1297 = vector.shape_cast %broadcast_in_dim3A_1296 : vector<16x1xi32> to vector<16xi32>
          %gather3A_1298 = tpu.dynamic_gather %exp3A[%gather3A_1297] in [0] : vector<16xf32>, vector<16xi32> -> vector<16xf32>
          %get3A_1299 = arith.index_cast %add3A_1294 : i32 to index
          %get3A_1300 = arith.constant 0 : index
          %get3A_1301 = tpu.vector_load %arg30[%get3A_1299, %get3A_1300] {strides = array<i32>} : memref<80x64xf32, #tpu.memory_space<vmem>>, vector<16xf32>,
          %get3A_1302 = arith.index_cast %add3A_1294 : i32 to index
          %get3A_1303 = arith.constant 0 : index
          %get3A_1304 = tpu.vector_load %arg28[%get3A_1302, %get3A_1303] {strides = array<i32>} : memref<80x64xf32, #tpu.memory_space<vmem>>, vector<16xf32>,
          %add3A_1305 = arith.addf %get3A_1304, %get3A_1301 : vector<16xf32>
          %get3A_1306 = arith.index_cast %add3A_1294 : i32 to index
          %get3A_1307 = arith.constant 0 : index
          %get3A_1308 = tpu.vector_load %arg29[%get3A_1306, %get3A_1307] {strides = array<i32>} : memref<80x64xf32, #tpu.memory_space<vmem>>, vector<16xf32>,
          %add3A_1309 = arith.addf %get3A_1308, %get3A_1301 : vector<16xf32>
          %mul3A_1310 = arith.mulf %add3A_1305, %add3A_1309 : vector<16xf32>
          %mul3A_1311 = arith.mulf %mul3A_1310, %gather3A_1298 : vector<16xf32>
          %swap3A_1312 = arith.index_cast %add3A_1294 : i32 to index
          %swap3A_1313 = arith.constant 0 : index
          %swap3A_1314 = tpu.vector_load %arg32[%swap3A_1312, %swap3A_1313] {strides = array<i32>} : memref<80x64xf32, #tpu.memory_space<vmem>>, vector<16xf32>,
          tpu.vector_store %arg32[%swap3A_1312, %swap3A_1313], %mul3A_1311 {strides = array<i32>} : memref<80x64xf32, #tpu.memory_space<vmem>>, vector<16xf32>,
          %get3A_1315 = arith.index_cast %add3A_1294 : i32 to index
          %get3A_1316 = arith.constant 16 : index
          %get3A_1317 = tpu.vector_load %arg30[%get3A_1315, %get3A_1316] {strides = array<i32>} : memref<80x64xf32, #tpu.memory_space<vmem>>, vector<16xf32>,
          %get3A_1318 = arith.index_cast %add3A_1294 : i32 to index
          %get3A_1319 = arith.constant 16 : index
          %get3A_1320 = tpu.vector_load %arg28[%get3A_1318, %get3A_1319] {strides = array<i32>} : memref<80x64xf32, #tpu.memory_space<vmem>>, vector<16xf32>,
          %add3A_1321 = arith.addf %get3A_1320, %get3A_1317 : vector<16xf32>
          %get3A_1322 = arith.index_cast %add3A_1294 : i32 to index
          %get3A_1323 = arith.constant 16 : index
          %get3A_1324 = tpu.vector_load %arg29[%get3A_1322, %get3A_1323] {strides = array<i32>} : memref<80x64xf32, #tpu.memory_space<vmem>>, vector<16xf32>,
          %add3A_1325 = arith.addf %get3A_1324, %get3A_1317 : vector<16xf32>
          %mul3A_1326 = arith.mulf %add3A_1321, %add3A_1325 : vector<16xf32>
          %mul3A_1327 = arith.mulf %mul3A_1326, %gather3A_1298 : vector<16xf32>
          %swap3A_1328 = arith.index_cast %add3A_1294 : i32 to index
          %swap3A_1329 = arith.constant 16 : index
          %swap3A_1330 = tpu.vector_load %arg32[%swap3A_1328, %swap3A_1329] {strides = array<i32>} : memref<80x64xf32, #tpu.memory_space<vmem>>, vector<16xf32>,
          tpu.vector_store %arg32[%swap3A_1328, %swap3A_1329], %mul3A_1327 {strides = array<i32>} : memref<80x64xf32, #tpu.memory_space<vmem>>, vector<16xf32>,
          %get3A_1331 = arith.index_cast %add3A_1294 : i32 to index
          %get3A_1332 = arith.constant 32 : index
          %get3A_1333 = tpu.vector_load %arg30[%get3A_1331, %get3A_1332] {strides = array<i32>} : memref<80x64xf32, #tpu.memory_space<vmem>>, vector<16xf32>,
          %get3A_1334 = arith.index_cast %add3A_1294 : i32 to index
          %get3A_1335 = arith.constant 32 : index
          %get3A_1336 = tpu.vector_load %arg28[%get3A_1334, %get3A_1335] {strides = array<i32>} : memref<80x64xf32, #tpu.memory_space<vmem>>, vector<16xf32>,
          %add3A_1337 = arith.addf %get3A_1336, %get3A_1333 : vector<16xf32>
          %get3A_1338 = arith.index_cast %add3A_1294 : i32 to index
          %get3A_1339 = arith.constant 32 : index
          %get3A_1340 = tpu.vector_load %arg29[%get3A_1338, %get3A_1339] {strides = array<i32>} : memref<80x64xf32, #tpu.memory_space<vmem>>, vector<16xf32>,
          %add3A_1341 = arith.addf %get3A_1340, %get3A_1333 : vector<16xf32>
          %mul3A_1342 = arith.mulf %add3A_1337, %add3A_1341 : vector<16xf32>
          %mul3A_1343 = arith.mulf %mul3A_1342, %gather3A_1298 : vector<16xf32>
          %swap3A_1344 = arith.index_cast %add3A_1294 : i32 to index
          %swap3A_1345 = arith.constant 32 : index
          %swap3A_1346 = tpu.vector_load %arg32[%swap3A_1344, %swap3A_1345] {strides = array<i32>} : memref<80x64xf32, #tpu.memory_space<vmem>>, vector<16xf32>,
          tpu.vector_store %arg32[%swap3A_1344, %swap3A_1345], %mul3A_1343 {strides = array<i32>} : memref<80x64xf32, #tpu.memory_space<vmem>>, vector<16xf32>,
          %get3A_1347 = arith.index_cast %add3A_1294 : i32 to index
          %get3A_1348 = arith.constant 48 : index
          %get3A_1349 = tpu.vector_load %arg30[%get3A_1347, %get3A_1348] {strides = array<i32>} : memref<80x64xf32, #tpu.memory_space<vmem>>, vector<16xf32>,
          %get3A_1350 = arith.index_cast %add3A_1294 : i32 to index
          %get3A_1351 = arith.constant 48 : index
          %get3A_1352 = tpu.vector_load %arg28[%get3A_1350, %get3A_1351] {strides = array<i32>} : memref<80x64xf32, #tpu.memory_space<vmem>>, vector<16xf32>,
          %add3A_1353 = arith.addf %get3A_1352, %get3A_1349 : vector<16xf32>
          %get3A_1354 = arith.index_cast %add3A_1294 : i32 to index
          %get3A_1355 = arith.constant 48 : index
          %get3A_1356 = tpu.vector_load %arg29[%get3A_1354, %get3A_1355] {strides = array<i32>} : memref<80x64xf32, #tpu.memory_space<vmem>>, vector<16xf32>,
          %add3A_1357 = arith.addf %get3A_1356, %get3A_1349 : vector<16xf32>
          %mul3A_1358 = arith.mulf %add3A_1353, %add3A_1357 : vector<16xf32>
          %mul3A_1359 = arith.mulf %mul3A_1358, %gather3A_1298 : vector<16xf32>
          %swap3A_1360 = arith.index_cast %add3A_1294 : i32 to index
          %swap3A_1361 = arith.constant 48 : index
          %swap3A_1362 = tpu.vector_load %arg32[%swap3A_1360, %swap3A_1361] {strides = array<i32>} : memref<80x64xf32, #tpu.memory_space<vmem>>, vector<16xf32>,
          tpu.vector_store %arg32[%swap3A_1360, %swap3A_1361], %mul3A_1359 {strides = array<i32>} : memref<80x64xf32, #tpu.memory_space<vmem>>, vector<16xf32>,
          %add3A_1363 = arith.constant 13 : i32
          %add3A_1364 = arith.addi %mul3A_426, %add3A_1363 : i32
          %broadcast_in_dim3A_1365 = arith.constant 13 : i32
          %broadcast_in_dim3A_1366 = vector.broadcast %broadcast_in_dim3A_1365 : i32 to vector<16x1xi32>
          %gather3A_1367 = vector.shape_cast %broadcast_in_dim3A_1366 : vector<16x1xi32> to vector<16xi32>
          %gather3A_1368 = tpu.dynamic_gather %exp3A[%gather3A_1367] in [0] : vector<16xf32>, vector<16xi32> -> vector<16xf32>
          %get3A_1369 = arith.index_cast %add3A_1364 : i32 to index
          %get3A_1370 = arith.constant 0 : index
          %get3A_1371 = tpu.vector_load %arg30[%get3A_1369, %get3A_1370] {strides = array<i32>} : memref<80x64xf32, #tpu.memory_space<vmem>>, vector<16xf32>,
          %get3A_1372 = arith.index_cast %add3A_1364 : i32 to index
          %get3A_1373 = arith.constant 0 : index
          %get3A_1374 = tpu.vector_load %arg28[%get3A_1372, %get3A_1373] {strides = array<i32>} : memref<80x64xf32, #tpu.memory_space<vmem>>, vector<16xf32>,
          %add3A_1375 = arith.addf %get3A_1374, %get3A_1371 : vector<16xf32>
          %get3A_1376 = arith.index_cast %add3A_1364 : i32 to index
          %get3A_1377 = arith.constant 0 : index
          %get3A_1378 = tpu.vector_load %arg29[%get3A_1376, %get3A_1377] {strides = array<i32>} : memref<80x64xf32, #tpu.memory_space<vmem>>, vector<16xf32>,
          %add3A_1379 = arith.addf %get3A_1378, %get3A_1371 : vector<16xf32>
          %mul3A_1380 = arith.mulf %add3A_1375, %add3A_1379 : vector<16xf32>
          %mul3A_1381 = arith.mulf %mul3A_1380, %gather3A_1368 : vector<16xf32>
          %swap3A_1382 = arith.index_cast %add3A_1364 : i32 to index
          %swap3A_1383 = arith.constant 0 : index
          %swap3A_1384 = tpu.vector_load %arg32[%swap3A_1382, %swap3A_1383] {strides = array<i32>} : memref<80x64xf32, #tpu.memory_space<vmem>>, vector<16xf32>,
          tpu.vector_store %arg32[%swap3A_1382, %swap3A_1383], %mul3A_1381 {strides = array<i32>} : memref<80x64xf32, #tpu.memory_space<vmem>>, vector<16xf32>,
          %get3A_1385 = arith.index_cast %add3A_1364 : i32 to index
          %get3A_1386 = arith.constant 16 : index
          %get3A_1387 = tpu.vector_load %arg30[%get3A_1385, %get3A_1386] {strides = array<i32>} : memref<80x64xf32, #tpu.memory_space<vmem>>, vector<16xf32>,
          %get3A_1388 = arith.index_cast %add3A_1364 : i32 to index
          %get3A_1389 = arith.constant 16 : index
          %get3A_1390 = tpu.vector_load %arg28[%get3A_1388, %get3A_1389] {strides = array<i32>} : memref<80x64xf32, #tpu.memory_space<vmem>>, vector<16xf32>,
          %add3A_1391 = arith.addf %get3A_1390, %get3A_1387 : vector<16xf32>
          %get3A_1392 = arith.index_cast %add3A_1364 : i32 to index
          %get3A_1393 = arith.constant 16 : index
          %get3A_1394 = tpu.vector_load %arg29[%get3A_1392, %get3A_1393] {strides = array<i32>} : memref<80x64xf32, #tpu.memory_space<vmem>>, vector<16xf32>,
          %add3A_1395 = arith.addf %get3A_1394, %get3A_1387 : vector<16xf32>
          %mul3A_1396 = arith.mulf %add3A_1391, %add3A_1395 : vector<16xf32>
          %mul3A_1397 = arith.mulf %mul3A_1396, %gather3A_1368 : vector<16xf32>
          %swap3A_1398 = arith.index_cast %add3A_1364 : i32 to index
          %swap3A_1399 = arith.constant 16 : index
          %swap3A_1400 = tpu.vector_load %arg32[%swap3A_1398, %swap3A_1399] {strides = array<i32>} : memref<80x64xf32, #tpu.memory_space<vmem>>, vector<16xf32>,
          tpu.vector_store %arg32[%swap3A_1398, %swap3A_1399], %mul3A_1397 {strides = array<i32>} : memref<80x64xf32, #tpu.memory_space<vmem>>, vector<16xf32>,
          %get3A_1401 = arith.index_cast %add3A_1364 : i32 to index
          %get3A_1402 = arith.constant 32 : index
          %get3A_1403 = tpu.vector_load %arg30[%get3A_1401, %get3A_1402] {strides = array<i32>} : memref<80x64xf32, #tpu.memory_space<vmem>>, vector<16xf32>,
          %get3A_1404 = arith.index_cast %add3A_1364 : i32 to index
          %get3A_1405 = arith.constant 32 : index
          %get3A_1406 = tpu.vector_load %arg28[%get3A_1404, %get3A_1405] {strides = array<i32>} : memref<80x64xf32, #tpu.memory_space<vmem>>, vector<16xf32>,
          %add3A_1407 = arith.addf %get3A_1406, %get3A_1403 : vector<16xf32>
          %get3A_1408 = arith.index_cast %add3A_1364 : i32 to index
          %get3A_1409 = arith.constant 32 : index
          %get3A_1410 = tpu.vector_load %arg29[%get3A_1408, %get3A_1409] {strides = array<i32>} : memref<80x64xf32, #tpu.memory_space<vmem>>, vector<16xf32>,
          %add3A_1411 = arith.addf %get3A_1410, %get3A_1403 : vector<16xf32>
          %mul3A_1412 = arith.mulf %add3A_1407, %add3A_1411 : vector<16xf32>
          %mul3A_1413 = arith.mulf %mul3A_1412, %gather3A_1368 : vector<16xf32>
          %swap3A_1414 = arith.index_cast %add3A_1364 : i32 to index
          %swap3A_1415 = arith.constant 32 : index
          %swap3A_1416 = tpu.vector_load %arg32[%swap3A_1414, %swap3A_1415] {strides = array<i32>} : memref<80x64xf32, #tpu.memory_space<vmem>>, vector<16xf32>,
          tpu.vector_store %arg32[%swap3A_1414, %swap3A_1415], %mul3A_1413 {strides = array<i32>} : memref<80x64xf32, #tpu.memory_space<vmem>>, vector<16xf32>,
          %get3A_1417 = arith.index_cast %add3A_1364 : i32 to index
          %get3A_1418 = arith.constant 48 : index
          %get3A_1419 = tpu.vector_load %arg30[%get3A_1417, %get3A_1418] {strides = array<i32>} : memref<80x64xf32, #tpu.memory_space<vmem>>, vector<16xf32>,
          %get3A_1420 = arith.index_cast %add3A_1364 : i32 to index
          %get3A_1421 = arith.constant 48 : index
          %get3A_1422 = tpu.vector_load %arg28[%get3A_1420, %get3A_1421] {strides = array<i32>} : memref<80x64xf32, #tpu.memory_space<vmem>>, vector<16xf32>,
          %add3A_1423 = arith.addf %get3A_1422, %get3A_1419 : vector<16xf32>
          %get3A_1424 = arith.index_cast %add3A_1364 : i32 to index
          %get3A_1425 = arith.constant 48 : index
          %get3A_1426 = tpu.vector_load %arg29[%get3A_1424, %get3A_1425] {strides = array<i32>} : memref<80x64xf32, #tpu.memory_space<vmem>>, vector<16xf32>,
          %add3A_1427 = arith.addf %get3A_1426, %get3A_1419 : vector<16xf32>
          %mul3A_1428 = arith.mulf %add3A_1423, %add3A_1427 : vector<16xf32>
          %mul3A_1429 = arith.mulf %mul3A_1428, %gather3A_1368 : vector<16xf32>
          %swap3A_1430 = arith.index_cast %add3A_1364 : i32 to index
          %swap3A_1431 = arith.constant 48 : index
          %swap3A_1432 = tpu.vector_load %arg32[%swap3A_1430, %swap3A_1431] {strides = array<i32>} : memref<80x64xf32, #tpu.memory_space<vmem>>, vector<16xf32>,
          tpu.vector_store %arg32[%swap3A_1430, %swap3A_1431], %mul3A_1429 {strides = array<i32>} : memref<80x64xf32, #tpu.memory_space<vmem>>, vector<16xf32>,
          %add3A_1433 = arith.constant 14 : i32
          %add3A_1434 = arith.addi %mul3A_426, %add3A_1433 : i32
          %broadcast_in_dim3A_1435 = arith.constant 14 : i32
          %broadcast_in_dim3A_1436 = vector.broadcast %broadcast_in_dim3A_1435 : i32 to vector<16x1xi32>
          %gather3A_1437 = vector.shape_cast %broadcast_in_dim3A_1436 : vector<16x1xi32> to vector<16xi32>
          %gather3A_1438 = tpu.dynamic_gather %exp3A[%gather3A_1437] in [0] : vector<16xf32>, vector<16xi32> -> vector<16xf32>
          %get3A_1439 = arith.index_cast %add3A_1434 : i32 to index
          %get3A_1440 = arith.constant 0 : index
          %get3A_1441 = tpu.vector_load %arg30[%get3A_1439, %get3A_1440] {strides = array<i32>} : memref<80x64xf32, #tpu.memory_space<vmem>>, vector<16xf32>,
          %get3A_1442 = arith.index_cast %add3A_1434 : i32 to index
          %get3A_1443 = arith.constant 0 : index
          %get3A_1444 = tpu.vector_load %arg28[%get3A_1442, %get3A_1443] {strides = array<i32>} : memref<80x64xf32, #tpu.memory_space<vmem>>, vector<16xf32>,
          %add3A_1445 = arith.addf %get3A_1444, %get3A_1441 : vector<16xf32>
          %get3A_1446 = arith.index_cast %add3A_1434 : i32 to index
          %get3A_1447 = arith.constant 0 : index
          %get3A_1448 = tpu.vector_load %arg29[%get3A_1446, %get3A_1447] {strides = array<i32>} : memref<80x64xf32, #tpu.memory_space<vmem>>, vector<16xf32>,
          %add3A_1449 = arith.addf %get3A_1448, %get3A_1441 : vector<16xf32>
          %mul3A_1450 = arith.mulf %add3A_1445, %add3A_1449 : vector<16xf32>
          %mul3A_1451 = arith.mulf %mul3A_1450, %gather3A_1438 : vector<16xf32>
          %swap3A_1452 = arith.index_cast %add3A_1434 : i32 to index
          %swap3A_1453 = arith.constant 0 : index
          %swap3A_1454 = tpu.vector_load %arg32[%swap3A_1452, %swap3A_1453] {strides = array<i32>} : memref<80x64xf32, #tpu.memory_space<vmem>>, vector<16xf32>,
          tpu.vector_store %arg32[%swap3A_1452, %swap3A_1453], %mul3A_1451 {strides = array<i32>} : memref<80x64xf32, #tpu.memory_space<vmem>>, vector<16xf32>,
          %get3A_1455 = arith.index_cast %add3A_1434 : i32 to index
          %get3A_1456 = arith.constant 16 : index
          %get3A_1457 = tpu.vector_load %arg30[%get3A_1455, %get3A_1456] {strides = array<i32>} : memref<80x64xf32, #tpu.memory_space<vmem>>, vector<16xf32>,
          %get3A_1458 = arith.index_cast %add3A_1434 : i32 to index
          %get3A_1459 = arith.constant 16 : index
          %get3A_1460 = tpu.vector_load %arg28[%get3A_1458, %get3A_1459] {strides = array<i32>} : memref<80x64xf32, #tpu.memory_space<vmem>>, vector<16xf32>,
          %add3A_1461 = arith.addf %get3A_1460, %get3A_1457 : vector<16xf32>
          %get3A_1462 = arith.index_cast %add3A_1434 : i32 to index
          %get3A_1463 = arith.constant 16 : index
          %get3A_1464 = tpu.vector_load %arg29[%get3A_1462, %get3A_1463] {strides = array<i32>} : memref<80x64xf32, #tpu.memory_space<vmem>>, vector<16xf32>,
          %add3A_1465 = arith.addf %get3A_1464, %get3A_1457 : vector<16xf32>
          %mul3A_1466 = arith.mulf %add3A_1461, %add3A_1465 : vector<16xf32>
          %mul3A_1467 = arith.mulf %mul3A_1466, %gather3A_1438 : vector<16xf32>
          %swap3A_1468 = arith.index_cast %add3A_1434 : i32 to index
          %swap3A_1469 = arith.constant 16 : index
          %swap3A_1470 = tpu.vector_load %arg32[%swap3A_1468, %swap3A_1469] {strides = array<i32>} : memref<80x64xf32, #tpu.memory_space<vmem>>, vector<16xf32>,
          tpu.vector_store %arg32[%swap3A_1468, %swap3A_1469], %mul3A_1467 {strides = array<i32>} : memref<80x64xf32, #tpu.memory_space<vmem>>, vector<16xf32>,
          %get3A_1471 = arith.index_cast %add3A_1434 : i32 to index
          %get3A_1472 = arith.constant 32 : index
          %get3A_1473 = tpu.vector_load %arg30[%get3A_1471, %get3A_1472] {strides = array<i32>} : memref<80x64xf32, #tpu.memory_space<vmem>>, vector<16xf32>,
          %get3A_1474 = arith.index_cast %add3A_1434 : i32 to index
          %get3A_1475 = arith.constant 32 : index
          %get3A_1476 = tpu.vector_load %arg28[%get3A_1474, %get3A_1475] {strides = array<i32>} : memref<80x64xf32, #tpu.memory_space<vmem>>, vector<16xf32>,
          %add3A_1477 = arith.addf %get3A_1476, %get3A_1473 : vector<16xf32>
          %get3A_1478 = arith.index_cast %add3A_1434 : i32 to index
          %get3A_1479 = arith.constant 32 : index
          %get3A_1480 = tpu.vector_load %arg29[%get3A_1478, %get3A_1479] {strides = array<i32>} : memref<80x64xf32, #tpu.memory_space<vmem>>, vector<16xf32>,
          %add3A_1481 = arith.addf %get3A_1480, %get3A_1473 : vector<16xf32>
          %mul3A_1482 = arith.mulf %add3A_1477, %add3A_1481 : vector<16xf32>
          %mul3A_1483 = arith.mulf %mul3A_1482, %gather3A_1438 : vector<16xf32>
          %swap3A_1484 = arith.index_cast %add3A_1434 : i32 to index
          %swap3A_1485 = arith.constant 32 : index
          %swap3A_1486 = tpu.vector_load %arg32[%swap3A_1484, %swap3A_1485] {strides = array<i32>} : memref<80x64xf32, #tpu.memory_space<vmem>>, vector<16xf32>,
          tpu.vector_store %arg32[%swap3A_1484, %swap3A_1485], %mul3A_1483 {strides = array<i32>} : memref<80x64xf32, #tpu.memory_space<vmem>>, vector<16xf32>,
          %get3A_1487 = arith.index_cast %add3A_1434 : i32 to index
          %get3A_1488 = arith.constant 48 : index
          %get3A_1489 = tpu.vector_load %arg30[%get3A_1487, %get3A_1488] {strides = array<i32>} : memref<80x64xf32, #tpu.memory_space<vmem>>, vector<16xf32>,
          %get3A_1490 = arith.index_cast %add3A_1434 : i32 to index
          %get3A_1491 = arith.constant 48 : index
          %get3A_1492 = tpu.vector_load %arg28[%get3A_1490, %get3A_1491] {strides = array<i32>} : memref<80x64xf32, #tpu.memory_space<vmem>>, vector<16xf32>,
          %add3A_1493 = arith.addf %get3A_1492, %get3A_1489 : vector<16xf32>
          %get3A_1494 = arith.index_cast %add3A_1434 : i32 to index
          %get3A_1495 = arith.constant 48 : index
          %get3A_1496 = tpu.vector_load %arg29[%get3A_1494, %get3A_1495] {strides = array<i32>} : memref<80x64xf32, #tpu.memory_space<vmem>>, vector<16xf32>,
          %add3A_1497 = arith.addf %get3A_1496, %get3A_1489 : vector<16xf32>
          %mul3A_1498 = arith.mulf %add3A_1493, %add3A_1497 : vector<16xf32>
          %mul3A_1499 = arith.mulf %mul3A_1498, %gather3A_1438 : vector<16xf32>
          %swap3A_1500 = arith.index_cast %add3A_1434 : i32 to index
          %swap3A_1501 = arith.constant 48 : index
          %swap3A_1502 = tpu.vector_load %arg32[%swap3A_1500, %swap3A_1501] {strides = array<i32>} : memref<80x64xf32, #tpu.memory_space<vmem>>, vector<16xf32>,
          tpu.vector_store %arg32[%swap3A_1500, %swap3A_1501], %mul3A_1499 {strides = array<i32>} : memref<80x64xf32, #tpu.memory_space<vmem>>, vector<16xf32>,
          %add3A_1503 = arith.constant 15 : i32
          %add3A_1504 = arith.addi %mul3A_426, %add3A_1503 : i32
          %broadcast_in_dim3A_1505 = arith.constant 15 : i32
          %broadcast_in_dim3A_1506 = vector.broadcast %broadcast_in_dim3A_1505 : i32 to vector<16x1xi32>
          %gather3A_1507 = vector.shape_cast %broadcast_in_dim3A_1506 : vector<16x1xi32> to vector<16xi32>
          %gather3A_1508 = tpu.dynamic_gather %exp3A[%gather3A_1507] in [0] : vector<16xf32>, vector<16xi32> -> vector<16xf32>
          %get3A_1509 = arith.index_cast %add3A_1504 : i32 to index
          %get3A_1510 = arith.constant 0 : index
          %get3A_1511 = tpu.vector_load %arg30[%get3A_1509, %get3A_1510] {strides = array<i32>} : memref<80x64xf32, #tpu.memory_space<vmem>>, vector<16xf32>,
          %get3A_1512 = arith.index_cast %add3A_1504 : i32 to index
          %get3A_1513 = arith.constant 0 : index
          %get3A_1514 = tpu.vector_load %arg28[%get3A_1512, %get3A_1513] {strides = array<i32>} : memref<80x64xf32, #tpu.memory_space<vmem>>, vector<16xf32>,
          %add3A_1515 = arith.addf %get3A_1514, %get3A_1511 : vector<16xf32>
          %get3A_1516 = arith.index_cast %add3A_1504 : i32 to index
          %get3A_1517 = arith.constant 0 : index
          %get3A_1518 = tpu.vector_load %arg29[%get3A_1516, %get3A_1517] {strides = array<i32>} : memref<80x64xf32, #tpu.memory_space<vmem>>, vector<16xf32>,
          %add3A_1519 = arith.addf %get3A_1518, %get3A_1511 : vector<16xf32>
          %mul3A_1520 = arith.mulf %add3A_1515, %add3A_1519 : vector<16xf32>
          %mul3A_1521 = arith.mulf %mul3A_1520, %gather3A_1508 : vector<16xf32>
          %swap3A_1522 = arith.index_cast %add3A_1504 : i32 to index
          %swap3A_1523 = arith.constant 0 : index
          %swap3A_1524 = tpu.vector_load %arg32[%swap3A_1522, %swap3A_1523] {strides = array<i32>} : memref<80x64xf32, #tpu.memory_space<vmem>>, vector<16xf32>,
          tpu.vector_store %arg32[%swap3A_1522, %swap3A_1523], %mul3A_1521 {strides = array<i32>} : memref<80x64xf32, #tpu.memory_space<vmem>>, vector<16xf32>,
          %get3A_1525 = arith.index_cast %add3A_1504 : i32 to index
          %get3A_1526 = arith.constant 16 : index
          %get3A_1527 = tpu.vector_load %arg30[%get3A_1525, %get3A_1526] {strides = array<i32>} : memref<80x64xf32, #tpu.memory_space<vmem>>, vector<16xf32>,
          %get3A_1528 = arith.index_cast %add3A_1504 : i32 to index
          %get3A_1529 = arith.constant 16 : index
          %get3A_1530 = tpu.vector_load %arg28[%get3A_1528, %get3A_1529] {strides = array<i32>} : memref<80x64xf32, #tpu.memory_space<vmem>>, vector<16xf32>,
          %add3A_1531 = arith.addf %get3A_1530, %get3A_1527 : vector<16xf32>
          %get3A_1532 = arith.index_cast %add3A_1504 : i32 to index
          %get3A_1533 = arith.constant 16 : index
          %get3A_1534 = tpu.vector_load %arg29[%get3A_1532, %get3A_1533] {strides = array<i32>} : memref<80x64xf32, #tpu.memory_space<vmem>>, vector<16xf32>,
          %add3A_1535 = arith.addf %get3A_1534, %get3A_1527 : vector<16xf32>
          %mul3A_1536 = arith.mulf %add3A_1531, %add3A_1535 : vector<16xf32>
          %mul3A_1537 = arith.mulf %mul3A_1536, %gather3A_1508 : vector<16xf32>
          %swap3A_1538 = arith.index_cast %add3A_1504 : i32 to index
          %swap3A_1539 = arith.constant 16 : index
          %swap3A_1540 = tpu.vector_load %arg32[%swap3A_1538, %swap3A_1539] {strides = array<i32>} : memref<80x64xf32, #tpu.memory_space<vmem>>, vector<16xf32>,
          tpu.vector_store %arg32[%swap3A_1538, %swap3A_1539], %mul3A_1537 {strides = array<i32>} : memref<80x64xf32, #tpu.memory_space<vmem>>, vector<16xf32>,
          %get3A_1541 = arith.index_cast %add3A_1504 : i32 to index
          %get3A_1542 = arith.constant 32 : index
          %get3A_1543 = tpu.vector_load %arg30[%get3A_1541, %get3A_1542] {strides = array<i32>} : memref<80x64xf32, #tpu.memory_space<vmem>>, vector<16xf32>,
          %get3A_1544 = arith.index_cast %add3A_1504 : i32 to index
          %get3A_1545 = arith.constant 32 : index
          %get3A_1546 = tpu.vector_load %arg28[%get3A_1544, %get3A_1545] {strides = array<i32>} : memref<80x64xf32, #tpu.memory_space<vmem>>, vector<16xf32>,
          %add3A_1547 = arith.addf %get3A_1546, %get3A_1543 : vector<16xf32>
          %get3A_1548 = arith.index_cast %add3A_1504 : i32 to index
          %get3A_1549 = arith.constant 32 : index
          %get3A_1550 = tpu.vector_load %arg29[%get3A_1548, %get3A_1549] {strides = array<i32>} : memref<80x64xf32, #tpu.memory_space<vmem>>, vector<16xf32>,
          %add3A_1551 = arith.addf %get3A_1550, %get3A_1543 : vector<16xf32>
          %mul3A_1552 = arith.mulf %add3A_1547, %add3A_1551 : vector<16xf32>
          %mul3A_1553 = arith.mulf %mul3A_1552, %gather3A_1508 : vector<16xf32>
          %swap3A_1554 = arith.index_cast %add3A_1504 : i32 to index
          %swap3A_1555 = arith.constant 32 : index
          %swap3A_1556 = tpu.vector_load %arg32[%swap3A_1554, %swap3A_1555] {strides = array<i32>} : memref<80x64xf32, #tpu.memory_space<vmem>>, vector<16xf32>,
          tpu.vector_store %arg32[%swap3A_1554, %swap3A_1555], %mul3A_1553 {strides = array<i32>} : memref<80x64xf32, #tpu.memory_space<vmem>>, vector<16xf32>,
          %get3A_1557 = arith.index_cast %add3A_1504 : i32 to index
          %get3A_1558 = arith.constant 48 : index
          %get3A_1559 = tpu.vector_load %arg30[%get3A_1557, %get3A_1558] {strides = array<i32>} : memref<80x64xf32, #tpu.memory_space<vmem>>, vector<16xf32>,
          %get3A_1560 = arith.index_cast %add3A_1504 : i32 to index
          %get3A_1561 = arith.constant 48 : index
          %get3A_1562 = tpu.vector_load %arg28[%get3A_1560, %get3A_1561] {strides = array<i32>} : memref<80x64xf32, #tpu.memory_space<vmem>>, vector<16xf32>,
          %add3A_1563 = arith.addf %get3A_1562, %get3A_1559 : vector<16xf32>
          %get3A_1564 = arith.index_cast %add3A_1504 : i32 to index
          %get3A_1565 = arith.constant 48 : index
          %get3A_1566 = tpu.vector_load %arg29[%get3A_1564, %get3A_1565] {strides = array<i32>} : memref<80x64xf32, #tpu.memory_space<vmem>>, vector<16xf32>,
          %add3A_1567 = arith.addf %get3A_1566, %get3A_1559 : vector<16xf32>
          %mul3A_1568 = arith.mulf %add3A_1563, %add3A_1567 : vector<16xf32>
          %mul3A_1569 = arith.mulf %mul3A_1568, %gather3A_1508 : vector<16xf32>
          %swap3A_1570 = arith.index_cast %add3A_1504 : i32 to index
          %swap3A_1571 = arith.constant 48 : index
          %swap3A_1572 = tpu.vector_load %arg32[%swap3A_1570, %swap3A_1571] {strides = array<i32>} : memref<80x64xf32, #tpu.memory_space<vmem>>, vector<16xf32>,
          tpu.vector_store %arg32[%swap3A_1570, %swap3A_1571], %mul3A_1569 {strides = array<i32>} : memref<80x64xf32, #tpu.memory_space<vmem>>, vector<16xf32>,
        }
        %scan3A_406 = arith.constant 5 : i32
        %add3A_407 = arith.constant 1 : i32
        %add3A_408 = arith.addi %add3A_310, %add3A_407 : i32
        %dma_start3A_409 = arith.constant 0 : i32
        %dma_start3A_410 = tpu.memref_slice %arg16[%add3A_408, %dma_start3A_409] : memref<10x80xi32, #tpu.memory_space<vmem>> -> memref<1x80xi32, #tpu.memory_space<vmem>>
        %dma_start3A_411 = tpu.memref_squeeze %dma_start3A_410 : memref<1x80xi32, #tpu.memory_space<vmem>> -> memref<80xi32, #tpu.memory_space<vmem>>
        %dma_start3A_412 = arith.constant 0 : i32
        %dma_start3A_413 = arith.constant 0 : i32
        %dma_start3A_414 = tpu.memref_slice %arg33[%dma_start3A_412, %dma_start3A_413] : memref<10240x64xf32, #tpu.memory_space<vmem_shared>> -> memref<10240x64xf32, #tpu.memory_space<vmem_shared>>
        tpu.enqueue_indirect_dma source(%arg32 : memref<80x64xf32, #tpu.memory_space<vmem>>) target(%dma_start3A_414 : memref<10240x64xf32, #tpu.memory_space<vmem_shared>>) offsets(%dma_start3A_411 : memref<80xi32, #tpu.memory_space<vmem>>) semaphore(%arg38 : memref<!tpu.dma_semaphore, #tpu.memory_space<semaphore_mem>>) {add = true}
        %eq3A_415 = arith.constant 0 : i32
        %eq3A_416 = arith.cmpi eq, %arg0, %eq3A_415 : i32
        %convert_element_type3A_417 = arith.extui %eq3A_416 : i1 to i32
        %cond3A_418 = arith.constant 0 : i32
        %cond3A_419 = arith.cmpi ne, %convert_element_type3A_417, %cond3A_418 : i32
        scf.if %cond3A_419 {
          %dma_start3A_420 = arith.constant 0 : i32
          %dma_start3A_421 = tpu.memref_slice %arg16[%add3A_408, %dma_start3A_420] : memref<10x80xi32, #tpu.memory_space<vmem>> -> memref<1x80xi32, #tpu.memory_space<vmem>>
          %dma_start3A_422 = tpu.memref_squeeze %dma_start3A_421 : memref<1x80xi32, #tpu.memory_space<vmem>> -> memref<80xi32, #tpu.memory_space<vmem>>
          %dma_start3A_423 = arith.constant 0 : i32
          %dma_start3A_424 = arith.constant 0 : i32
          %dma_start3A_425 = tpu.memref_slice %arg34[%dma_start3A_423, %dma_start3A_424] : memref<10240x16xf32, #tpu.memory_space<vmem_shared>> -> memref<10240x16xf32, #tpu.memory_space<vmem_shared>>
          tpu.enqueue_indirect_dma source(%arg31 : memref<80x16xf32, #tpu.memory_space<vmem>>) target(%dma_start3A_425 : memref<10240x16xf32, #tpu.memory_space<vmem_shared>>) offsets(%dma_start3A_422 : memref<80xi32, #tpu.memory_space<vmem>>) semaphore(%arg38 : memref<!tpu.dma_semaphore, #tpu.memory_space<semaphore_mem>>) {add = true}
        } else {
        }
      }
      %scan3A_281 = arith.constant 5 : i32
      %dma_wait3A_282 = arith.constant 8 : i32
      %dma_wait3A_283 = arith.constant 0 : i32
      %dma_wait3A_284 = tpu.memref_slice %arg16[%dma_wait3A_282, %dma_wait3A_283] : memref<10x80xi32, #tpu.memory_space<vmem>> -> memref<1x80xi32, #tpu.memory_space<vmem>>
      %dma_wait3A_285 = tpu.memref_squeeze %dma_wait3A_284 : memref<1x80xi32, #tpu.memory_space<vmem>> -> memref<80xi32, #tpu.memory_space<vmem>>
      %dma_wait3A_286 = arith.constant 0 : i32
      %dma_wait3A_287 = arith.constant 0 : i32
      %dma_wait3A_288 = tpu.memref_slice %arg33[%dma_wait3A_286, %dma_wait3A_287] : memref<10240x64xf32, #tpu.memory_space<vmem_shared>> -> memref<10240x64xf32, #tpu.memory_space<vmem_shared>>
      tpu.wait_indirect_dma semaphore(%arg37 : memref<!tpu.dma_semaphore, #tpu.memory_space<semaphore_mem>>) src(%arg27 : memref<80x64xf32, #tpu.memory_space<vmem>>) dst(%dma_wait3A_288 : memref<10240x64xf32, #tpu.memory_space<vmem_shared>>)
      %eq3A_289 = arith.constant 0 : i32
      %eq3A_290 = arith.cmpi eq, %arg0, %eq3A_289 : i32
      %convert_element_type3A_291 = arith.extui %eq3A_290 : i1 to i32
      %cond3A_292 = arith.constant 0 : i32
      %cond3A_293 = arith.cmpi ne, %convert_element_type3A_291, %cond3A_292 : i32
      scf.if %cond3A_293 {
        %dma_wait3A_306 = arith.constant 8 : i32
        %dma_wait3A_307 = arith.constant 0 : i32
        %dma_wait3A_308 = tpu.memref_slice %arg16[%dma_wait3A_306, %dma_wait3A_307] : memref<10x80xi32, #tpu.memory_space<vmem>> -> memref<1x80xi32, #tpu.memory_space<vmem>>
        %dma_wait3A_309 = tpu.memref_squeeze %dma_wait3A_308 : memref<1x80xi32, #tpu.memory_space<vmem>> -> memref<80xi32, #tpu.memory_space<vmem>>
        %dma_wait3A_310 = arith.constant 0 : i32
        %dma_wait3A_311 = arith.constant 0 : i32
        %dma_wait3A_312 = tpu.memref_slice %arg34[%dma_wait3A_310, %dma_wait3A_311] : memref<10240x16xf32, #tpu.memory_space<vmem_shared>> -> memref<10240x16xf32, #tpu.memory_space<vmem_shared>>
        tpu.wait_indirect_dma semaphore(%arg37 : memref<!tpu.dma_semaphore, #tpu.memory_space<semaphore_mem>>) src(%arg26 : memref<80x16xf32, #tpu.memory_space<vmem>>) dst(%dma_wait3A_312 : memref<10240x16xf32, #tpu.memory_space<vmem_shared>>)
      } else {
      }
      %dma_wait3A_294 = arith.constant 9 : i32
      %dma_wait3A_295 = arith.constant 0 : i32
      %dma_wait3A_296 = tpu.memref_slice %arg16[%dma_wait3A_294, %dma_wait3A_295] : memref<10x80xi32, #tpu.memory_space<vmem>> -> memref<1x80xi32, #tpu.memory_space<vmem>>
      %dma_wait3A_297 = tpu.memref_squeeze %dma_wait3A_296 : memref<1x80xi32, #tpu.memory_space<vmem>> -> memref<80xi32, #tpu.memory_space<vmem>>
      %dma_wait3A_298 = arith.constant 0 : i32
      %dma_wait3A_299 = arith.constant 0 : i32
      %dma_wait3A_300 = tpu.memref_slice %arg33[%dma_wait3A_298, %dma_wait3A_299] : memref<10240x64xf32, #tpu.memory_space<vmem_shared>> -> memref<10240x64xf32, #tpu.memory_space<vmem_shared>>
      tpu.wait_indirect_dma semaphore(%arg38 : memref<!tpu.dma_semaphore, #tpu.memory_space<semaphore_mem>>) src(%arg32 : memref<80x64xf32, #tpu.memory_space<vmem>>) dst(%dma_wait3A_300 : memref<10240x64xf32, #tpu.memory_space<vmem_shared>>)
      %eq3A_301 = arith.constant 0 : i32
      %eq3A_302 = arith.cmpi eq, %arg0, %eq3A_301 : i32
      %convert_element_type3A_303 = arith.extui %eq3A_302 : i1 to i32
      %cond3A_304 = arith.constant 0 : i32
      %cond3A_305 = arith.cmpi ne, %convert_element_type3A_303, %cond3A_304 : i32
      scf.if %cond3A_305 {
        %dma_wait3A_306 = arith.constant 9 : i32
        %dma_wait3A_307 = arith.constant 0 : i32
        %dma_wait3A_308 = tpu.memref_slice %arg16[%dma_wait3A_306, %dma_wait3A_307] : memref<10x80xi32, #tpu.memory_space<vmem>> -> memref<1x80xi32, #tpu.memory_space<vmem>>
        %dma_wait3A_309 = tpu.memref_squeeze %dma_wait3A_308 : memref<1x80xi32, #tpu.memory_space<vmem>> -> memref<80xi32, #tpu.memory_space<vmem>>
        %dma_wait3A_310 = arith.constant 0 : i32
        %dma_wait3A_311 = arith.constant 0 : i32
        %dma_wait3A_312 = tpu.memref_slice %arg34[%dma_wait3A_310, %dma_wait3A_311] : memref<10240x16xf32, #tpu.memory_space<vmem_shared>> -> memref<10240x16xf32, #tpu.memory_space<vmem_shared>>
        tpu.wait_indirect_dma semaphore(%arg38 : memref<!tpu.dma_semaphore, #tpu.memory_space<semaphore_mem>>) src(%arg31 : memref<80x16xf32, #tpu.memory_space<vmem>>) dst(%dma_wait3A_312 : memref<10240x16xf32, #tpu.memory_space<vmem_shared>>)
      } else {
      }
    }
    %scan3A_176 = arith.constant 25 : i32
    %barrier3A_177 = arith.constant 0 : index
    tpu.barrier barrier_id(%barrier3A_177)
    %mul3A_178 = arith.constant 640 : i32
    %mul3A_179 = arith.muli %arg1, %mul3A_178 : i32
    "tpu.region"() ({
      %run_scoped3A = tpu.sem_alloc : memref<!tpu.dma_semaphore, #tpu.memory_space<semaphore_mem>>
      %dma_start3A_182 = arith.constant 0 : i32
      %dma_start3A_183 = tpu.memref_slice %arg13[%arg0, %mul3A_179, %dma_start3A_182] : memref<2x10240x64xf32, #tpu.memory_space<hbm>> -> memref<1x640x64xf32, #tpu.memory_space<hbm>>
      %dma_start3A_184 = tpu.memref_squeeze %dma_start3A_183 : memref<1x640x64xf32, #tpu.memory_space<hbm>> -> memref<640x64xf32, #tpu.memory_space<hbm>>
      %dma_start3A_185 = arith.constant 0 : i32
      %dma_start3A_186 = tpu.memref_slice %arg33[%mul3A_179, %dma_start3A_185] : memref<10240x64xf32, #tpu.memory_space<vmem_shared>> -> memref<640x64xf32, #tpu.memory_space<vmem_shared>>
      tpu.enqueue_dma source(%dma_start3A_186 : memref<640x64xf32, #tpu.memory_space<vmem_shared>>) target(%dma_start3A_184 : memref<640x64xf32, #tpu.memory_space<hbm>>) target_semaphore(%run_scoped3A : memref<!tpu.dma_semaphore, #tpu.memory_space<semaphore_mem>>)
      %dma_wait3A_187 = arith.constant 0 : i32
      %dma_wait3A_188 = tpu.memref_slice %arg13[%arg0, %mul3A_179, %dma_wait3A_187] : memref<2x10240x64xf32, #tpu.memory_space<hbm>> -> memref<1x640x64xf32, #tpu.memory_space<hbm>>
      %dma_wait3A_189 = tpu.memref_squeeze %dma_wait3A_188 : memref<1x640x64xf32, #tpu.memory_space<hbm>> -> memref<640x64xf32, #tpu.memory_space<hbm>>
      %dma_wait3A_190 = arith.constant 0 : i32
      %dma_wait3A_191 = tpu.memref_slice %arg33[%mul3A_179, %dma_wait3A_190] : memref<10240x64xf32, #tpu.memory_space<vmem_shared>> -> memref<640x64xf32, #tpu.memory_space<vmem_shared>>
      tpu.wait_dma2 semaphore(%run_scoped3A : memref<!tpu.dma_semaphore, #tpu.memory_space<semaphore_mem>>) src(%dma_wait3A_191 : memref<640x64xf32, #tpu.memory_space<vmem_shared>>) dst(%dma_wait3A_189 : memref<640x64xf32, #tpu.memory_space<hbm>>)
      tpu.yield
    }) : () -> ()
    %eq3A = arith.constant 0 : i32
    %eq3A_180 = arith.cmpi eq, %arg0, %eq3A : i32
    %convert_element_type3A = arith.extui %eq3A_180 : i1 to i32
    %cond3A = arith.constant 0 : i32
    %cond3A_181 = arith.cmpi ne, %convert_element_type3A, %cond3A : i32
    scf.if %cond3A_181 {
      "tpu.region"() ({
        %run_scoped3A = tpu.sem_alloc : memref<!tpu.dma_semaphore, #tpu.memory_space<semaphore_mem>>
        %dma_start3A_182 = arith.constant 0 : i32
        %dma_start3A_183 = tpu.memref_slice %arg14[%mul3A_179, %dma_start3A_182] : memref<10240x16xf32, #tpu.memory_space<hbm>> -> memref<640x16xf32, #tpu.memory_space<hbm>>
        %dma_start3A_184 = arith.constant 0 : i32
        %dma_start3A_185 = tpu.memref_slice %arg34[%mul3A_179, %dma_start3A_184] : memref<10240x16xf32, #tpu.memory_space<vmem_shared>> -> memref<640x16xf32, #tpu.memory_space<vmem_shared>>
        tpu.enqueue_dma source(%dma_start3A_185 : memref<640x16xf32, #tpu.memory_space<vmem_shared>>) target(%dma_start3A_183 : memref<640x16xf32, #tpu.memory_space<hbm>>) target_semaphore(%run_scoped3A : memref<!tpu.dma_semaphore, #tpu.memory_space<semaphore_mem>>)
        %dma_wait3A_186 = arith.constant 0 : i32
        %dma_wait3A_187 = tpu.memref_slice %arg14[%mul3A_179, %dma_wait3A_186] : memref<10240x16xf32, #tpu.memory_space<hbm>> -> memref<640x16xf32, #tpu.memory_space<hbm>>
        %dma_wait3A_188 = arith.constant 0 : i32
        %dma_wait3A_189 = tpu.memref_slice %arg34[%mul3A_179, %dma_wait3A_188] : memref<10240x16xf32, #tpu.memory_space<vmem_shared>> -> memref<640x16xf32, #tpu.memory_space<vmem_shared>>
        tpu.wait_dma2 semaphore(%run_scoped3A : memref<!tpu.dma_semaphore, #tpu.memory_space<semaphore_mem>>) src(%dma_wait3A_189 : memref<640x16xf32, #tpu.memory_space<vmem_shared>>) dst(%dma_wait3A_187 : memref<640x16xf32, #tpu.memory_space<hbm>>)
        tpu.yield
      }) : () -> ()
    } else {
    }
    return
  }
}

module attributes {stable_mosaic.version = 14 : i64} {
  func.func @_prep_body(%arg0: memref<10000x128xf32, #tpu.memory_space<vmem>>, %arg1: memref<200x128xf32, #tpu.memory_space<vmem>>, %arg2: memref<366x128xf32, #tpu.memory_space<vmem>>, %arg3: memref<1x128xf32, #tpu.memory_space<vmem>>, %arg4: memref<1x128xf32, #tpu.memory_space<vmem>>, %arg5: memref<1x128xf32, #tpu.memory_space<vmem>>, %arg6: memref<1x128xf32, #tpu.memory_space<vmem>>, %arg7: memref<128x128xf32, #tpu.memory_space<vmem>>, %arg8: memref<10000xf32, #tpu.memory_space<vmem>>, %arg9: memref<10000xf32, #tpu.memory_space<vmem>>, %arg10: memref<200xf32, #tpu.memory_space<vmem>>, %arg11: memref<366xf32, #tpu.memory_space<vmem>>, %arg12: memref<200x128xf32, #tpu.memory_space<vmem>>) attributes {dimension_semantics = [], scalar_prefetch = 0 : i64, scratch_operands = 0 : i64, tpu.core_type = #tpu.core_type<tc>} {
    %get3A = arith.constant 0 : index
    %get3A_0 = arith.constant 0 : index
    %get3A_1 = vector.load %arg0[%get3A, %get3A_0] : memref<10000x128xf32, #tpu.memory_space<vmem>>, vector<10000x128xf32>
    %get3A_2 = arith.constant 0 : index
    %get3A_3 = arith.constant 0 : index
    %get3A_4 = vector.load %arg3[%get3A_2, %get3A_3] : memref<1x128xf32, #tpu.memory_space<vmem>>, vector<1x128xf32>
    %mul3A = vector.broadcast %get3A_4 : vector<1x128xf32> to vector<10000x128xf32>
    %mul3A_5 = arith.mulf %get3A_1, %mul3A : vector<10000x128xf32>
    %reduce_sum3A = arith.constant dense<0.000000e+00> : vector<10000xf32>
    %reduce_sum3A_6 = vector.multi_reduction <add>, %mul3A_5, %reduce_sum3A [1] : vector<10000x128xf32> to vector<10000xf32>
    %swap3A = arith.constant 0 : index
    %swap3A_7 = vector.load %arg8[%swap3A] : memref<10000xf32, #tpu.memory_space<vmem>>, vector<10000xf32>
    tpu.vector_store %arg8[%swap3A], %reduce_sum3A_6 {strides = array<i32>} : memref<10000xf32, #tpu.memory_space<vmem>>, vector<10000xf32>,
    %get3A_8 = arith.constant 0 : index
    %get3A_9 = arith.constant 0 : index
    %get3A_10 = vector.load %arg4[%get3A_8, %get3A_9] : memref<1x128xf32, #tpu.memory_space<vmem>>, vector<1x128xf32>
    %mul3A_11 = vector.broadcast %get3A_10 : vector<1x128xf32> to vector<10000x128xf32>
    %mul3A_12 = arith.mulf %get3A_1, %mul3A_11 : vector<10000x128xf32>
    %reduce_sum3A_13 = arith.constant dense<0.000000e+00> : vector<10000xf32>
    %reduce_sum3A_14 = vector.multi_reduction <add>, %mul3A_12, %reduce_sum3A_13 [1] : vector<10000x128xf32> to vector<10000xf32>
    %swap3A_15 = arith.constant 0 : index
    %swap3A_16 = vector.load %arg9[%swap3A_15] : memref<10000xf32, #tpu.memory_space<vmem>>, vector<10000xf32>
    tpu.vector_store %arg9[%swap3A_15], %reduce_sum3A_14 {strides = array<i32>} : memref<10000xf32, #tpu.memory_space<vmem>>, vector<10000xf32>,
    %get3A_17 = arith.constant 0 : index
    %get3A_18 = arith.constant 0 : index
    %get3A_19 = vector.load %arg1[%get3A_17, %get3A_18] : memref<200x128xf32, #tpu.memory_space<vmem>>, vector<200x128xf32>
    %get3A_20 = arith.constant 0 : index
    %get3A_21 = arith.constant 0 : index
    %get3A_22 = vector.load %arg5[%get3A_20, %get3A_21] : memref<1x128xf32, #tpu.memory_space<vmem>>, vector<1x128xf32>
    %mul3A_23 = vector.broadcast %get3A_22 : vector<1x128xf32> to vector<200x128xf32>
    %mul3A_24 = arith.mulf %get3A_19, %mul3A_23 : vector<200x128xf32>
    %reduce_sum3A_25 = arith.constant dense<0.000000e+00> : vector<200xf32>
    %reduce_sum3A_26 = vector.multi_reduction <add>, %mul3A_24, %reduce_sum3A_25 [1] : vector<200x128xf32> to vector<200xf32>
    %swap3A_27 = arith.constant 0 : index
    %swap3A_28 = vector.load %arg10[%swap3A_27] : memref<200xf32, #tpu.memory_space<vmem>>, vector<200xf32>
    tpu.vector_store %arg10[%swap3A_27], %reduce_sum3A_26 {strides = array<i32>} : memref<200xf32, #tpu.memory_space<vmem>>, vector<200xf32>,
    %get3A_29 = arith.constant 0 : index
    %get3A_30 = arith.constant 0 : index
    %get3A_31 = vector.load %arg2[%get3A_29, %get3A_30] : memref<366x128xf32, #tpu.memory_space<vmem>>, vector<366x128xf32>
    %get3A_32 = arith.constant 0 : index
    %get3A_33 = arith.constant 0 : index
    %get3A_34 = vector.load %arg6[%get3A_32, %get3A_33] : memref<1x128xf32, #tpu.memory_space<vmem>>, vector<1x128xf32>
    %mul3A_35 = vector.broadcast %get3A_34 : vector<1x128xf32> to vector<366x128xf32>
    %mul3A_36 = arith.mulf %get3A_31, %mul3A_35 : vector<366x128xf32>
    %reduce_sum3A_37 = arith.constant dense<0.000000e+00> : vector<366xf32>
    %reduce_sum3A_38 = vector.multi_reduction <add>, %mul3A_36, %reduce_sum3A_37 [1] : vector<366x128xf32> to vector<366xf32>
    %swap3A_39 = arith.constant 0 : index
    %swap3A_40 = vector.load %arg11[%swap3A_39] : memref<366xf32, #tpu.memory_space<vmem>>, vector<366xf32>
    tpu.vector_store %arg11[%swap3A_39], %reduce_sum3A_38 {strides = array<i32>} : memref<366xf32, #tpu.memory_space<vmem>>, vector<366xf32>,
    %get3A_41 = arith.constant 0 : index
    %get3A_42 = arith.constant 0 : index
    %get3A_43 = vector.load %arg1[%get3A_41, %get3A_42] : memref<200x128xf32, #tpu.memory_space<vmem>>, vector<200x128xf32>
    %get3A_44 = arith.constant 0 : index
    %get3A_45 = arith.constant 0 : index
    %get3A_46 = vector.load %arg7[%get3A_44, %get3A_45] : memref<128x128xf32, #tpu.memory_space<vmem>>, vector<128x128xf32>
    %dot_general3A = arith.constant dense<0.000000e+00> : vector<200x128xf32>
    %dot_general3A_47 = tpu.matmul %get3A_43, %get3A_46, %dot_general3A {dimension_numbers = #tpu.dot_dimension_numbers<[1], [0], [0], [1], [0, 0, 1, 1], [], []>, transpose_lhs_hint = false} : vector<200x128xf32>, vector<128x128xf32>, vector<200x128xf32> -> vector<200x128xf32>
    %swap3A_48 = arith.constant 0 : index
    %swap3A_49 = arith.constant 0 : index
    %swap3A_50 = vector.load %arg12[%swap3A_48, %swap3A_49] : memref<200x128xf32, #tpu.memory_space<vmem>>, vector<200x128xf32>
    tpu.vector_store %arg12[%swap3A_48, %swap3A_49], %dot_general3A_47 {strides = array<i32>} : memref<200x128xf32, #tpu.memory_space<vmem>>, vector<200x128xf32>,
    return
  }
}

module attributes {stable_mosaic.version = 14 : i64} {
  func.func @_finish_body(%arg0: memref<2x10240x64xf32, #tpu.memory_space<vmem>>, %arg1: memref<10240x16xf32, #tpu.memory_space<vmem>>, %arg2: memref<10000x128xf32, #tpu.memory_space<vmem>>, %arg3: memref<128x128xf32, #tpu.memory_space<vmem>>, %arg4: memref<128x128xf32, #tpu.memory_space<vmem>>, %arg5: memref<10000x128xf32, #tpu.memory_space<vmem>>) attributes {dimension_semantics = [], scalar_prefetch = 0 : i64, scratch_operands = 0 : i64, tpu.core_type = #tpu.core_type<tc>} {
    %get3A = arith.constant 0 : index
    %get3A_0 = arith.constant 0 : index
    %get3A_1 = arith.constant 0 : index
    %get3A_2 = vector.load %arg0[%get3A, %get3A_0, %get3A_1] : memref<2x10240x64xf32, #tpu.memory_space<vmem>>, vector<1x10000x64xf32>
    %get3A_3 = vector.shape_cast %get3A_2 : vector<1x10000x64xf32> to vector<10000x64xf32>
    %get3A_4 = arith.constant 1 : index
    %get3A_5 = arith.constant 0 : index
    %get3A_6 = arith.constant 0 : index
    %get3A_7 = vector.load %arg0[%get3A_4, %get3A_5, %get3A_6] : memref<2x10240x64xf32, #tpu.memory_space<vmem>>, vector<1x10000x64xf32>
    %get3A_8 = vector.shape_cast %get3A_7 : vector<1x10000x64xf32> to vector<10000x64xf32>
    %concatenate3A = tpu.concatenate %get3A_3, %get3A_8 in 1 : vector<10000x64xf32>, vector<10000x64xf32> -> vector<10000x128xf32>
    %get3A_9 = arith.constant 0 : index
    %get3A_10 = arith.constant 0 : index
    %get3A_11 = vector.load %arg1[%get3A_9, %get3A_10] : memref<10240x16xf32, #tpu.memory_space<vmem>>, vector<10000x1xf32>
    %le3A = arith.constant 0.000000e+00 : f32
    %le3A_12 = vector.broadcast %le3A : f32 to vector<10000x1xf32>
    %le3A_13 = arith.cmpf ole, %get3A_11, %le3A_12 : vector<10000x1xf32>
    %jit3A = arith.constant 1.000000e+00 : f32
    %broadcast_in_dim3A = vector.broadcast %jit3A : f32 to vector<10000x1xf32>
    %select_n3A = arith.select %le3A_13, %broadcast_in_dim3A, %get3A_11 : vector<10000x1xi1>, vector<10000x1xf32>
    %div3A = vector.broadcast %select_n3A : vector<10000x1xf32> to vector<10000x128xf32>
    %div3A_14 = arith.divf %concatenate3A, %div3A : vector<10000x128xf32>
    %get3A_15 = arith.constant 0 : index
    %get3A_16 = arith.constant 0 : index
    %get3A_17 = vector.load %arg3[%get3A_15, %get3A_16] : memref<128x128xf32, #tpu.memory_space<vmem>>, vector<128x128xf32>
    %dot_general3A = arith.constant dense<0.000000e+00> : vector<10000x128xf32>
    %dot_general3A_18 = tpu.matmul %div3A_14, %get3A_17, %dot_general3A {dimension_numbers = #tpu.dot_dimension_numbers<[1], [0], [0], [1], [0, 0, 1, 1], [], []>, transpose_lhs_hint = false} : vector<10000x128xf32>, vector<128x128xf32>, vector<10000x128xf32> -> vector<10000x128xf32>
    %get3A_19 = arith.constant 0 : index
    %get3A_20 = arith.constant 0 : index
    %get3A_21 = vector.load %arg2[%get3A_19, %get3A_20] : memref<10000x128xf32, #tpu.memory_space<vmem>>, vector<10000x128xf32>
    %get3A_22 = arith.constant 0 : index
    %get3A_23 = arith.constant 0 : index
    %get3A_24 = vector.load %arg4[%get3A_22, %get3A_23] : memref<128x128xf32, #tpu.memory_space<vmem>>, vector<128x128xf32>
    %dot_general3A_25 = arith.constant dense<0.000000e+00> : vector<10000x128xf32>
    %dot_general3A_26 = tpu.matmul %get3A_21, %get3A_24, %dot_general3A_25 {dimension_numbers = #tpu.dot_dimension_numbers<[1], [0], [0], [1], [0, 0, 1, 1], [], []>, transpose_lhs_hint = false} : vector<10000x128xf32>, vector<128x128xf32>, vector<10000x128xf32> -> vector<10000x128xf32>
    %add3A = arith.addf %dot_general3A_18, %dot_general3A_26 : vector<10000x128xf32>
    %swap3A = arith.constant 0 : index
    %swap3A_27 = arith.constant 0 : index
    %swap3A_28 = vector.load %arg5[%swap3A, %swap3A_27] : memref<10000x128xf32, #tpu.memory_space<vmem>>, vector<10000x128xf32>
    tpu.vector_store %arg5[%swap3A, %swap3A_27], %add3A {strides = array<i32>} : memref<10000x128xf32, #tpu.memory_space<vmem>>, vector<10000x128xf32>,
    return
  }
}

</mosaic_0001>

<sc_bundles>
// kernel: kernel.5.cloned.1.call-start
scs
__scs_entry_jumppad:
0x0: {  	(pc) =	sbr.rel $0x88, $3  }
0x1: {  	(tag) =	ssettag $0x0;
	lr =	simm.s32 $0x1  }
0x2: {  	[smem:$0x3F94] =	sst lr;
	_ =	strace $0xD0000000  }
0x3: {  	_ = 	snop  }
0x4: {  	_ = 	snop  }
0x5: {  	_ = 	snop  }
0x6: {  	_ = 	snop  }
0x7: {  	_ = 	snop  }
__scs_overlays_trampoline_lowered:
0x8: {  	[smem:$0x3FA3] =	sst s0  }
0x9: {  	[smem:$0x3FA4] =	sst s1  }
0xa: {  	[smem:$0x3FA5] =	sst s2  }
0xb: {  	[smem:$0x3FA6] =	sst s3  }
0xc: {  	[smem:$0x3FA7] =	sst s4  }
0xd: {  	[smem:$0x3FA8] =	sst s5  }
0xe: {  	[smem:$0x3FA9] =	sst s6  }
0xf: {  	[smem:$0x3FAA] =	sst s7  }
0x10: {  	[smem:$0x3FAB] =	sst s8  }
0x11: {  	[smem:$0x3FAC] =	sst s9;
	s0 =	simm.s32 @!p0 $0x0  }
0x12: {  	s1 =	sld [smem:$0x3F92];
	s0 =	simm.s32 @p0 $0x1  }
0x13: {  	[smem:$0x3FAD] =	sst s0;
	s0 =	simm.s32 @!p1 $0x0  }
0x14: {  	s2 =	sld [smem:$0x3F91];
	s0 =	simm.s32 @p1 $0x1  }
0x15: {  	[smem:$0x3FAE] =	sst s0;
	s0 =	simm.s32 @!p2 $0x0  }
0x16: {  	s3 =	sld [smem:$0x3FDB];
	s0 =	simm.s32 @p2 $0x1  }
0x17: {  	s4 =	simm.s32 $0x1BF5;
	[smem:$0x3FB0] =	sst s0  }
0x18: {  	s0 =	sld [smem:$0x3F93];
	_ =	swait.ge [sflag:s4], $0x0  }
0x19: {  	s7 =	sld [smem:$0x3F94]  }
0x1a: {  	s8 =	sadd.s32 $0xFFFFE003, lr  }
0x1b: {  	s9 =	sadd.s32 $0xFFFFFEF7, lr;
	s5 =	simm.s32 $0xFFFFFFFF;
	p2 =	slt.u32 s8, $0xFFFFF086  }
0x1c: {  	p1 =	slt.u32 s9, $0xF7A;
	s5 =	simm.s32 @!p2 $0x0  }
0x1d: {  	s5 =	simm.s32 @p1 $0x1;
	p0 =	seq.s32 s7, s2  }
0x1e: {  	s7 =	smul.u32 @!p0 $0xF7A, s2;
	p2 =	seq.s32 @!p0 s5, $0x0  }
0x1f: {  	s9 =	smul.u32 $0xF7A, s1;
	s8 =	simm.s32 @!p0 $0x1BF5;
	p2 =	por !p2, p0  }
0x20: {  	[sflag:s8] =	ssyncset.s32 @!p0 $0xFFFFF086;
	s6 =	sadd.s32 @!p0 s3, s7;
	s7 =	simm.s32 @!p0 $0x108  }
0x21: {  	s3 =	sadd.s32 s3, s9;
	s6 =	sadd.s32 @!p0 $0x88, s6;
	s7 =	simm.s32 @p2 $0x1082  }
0x22: {  	[simem:s7], [sflag:s8] =	dma.local @!p0 [hbm:s6], $0xF7A  }
0x23: {  	s9 =	sor.u32 $0xD0000000, s2;
	s6 =	simm.s32 $0x108;
	_ =	swait.ge @!p0 [sflag:s8], $0x0  }
0x24: {  	s3 =	sadd.s32 $0x88, s3;
	s6 =	simm.s32 @!p1 $0x1082;
	[sflag:s4] =	ssyncset.s32 $0xFFFFF086  }
0x25: {  	[simem:s6], [sflag:s4] =	dma.local [hbm:s3], $0xF7A  }
0x26: {  	[smem:$0x3F94] =	sst s1;
	(tag) =	ssettag s2;
	_ =	strace s9  }
0x27: {  	s1 =	sld [smem:$0x3FA4]  }
0x28: {  	s2 =	sld [smem:$0x3FA5]  }
0x29: {  	s4 =	sld [smem:$0x3FA7]  }
0x2a: {  	p0 =	seq.s32 s5, $0x0;
	s5 =	sld [smem:$0x3FA8]  }
0x2b: {  	s6 =	sld [smem:$0x3FA9]  }
0x2c: {  	s7 =	sld [smem:$0x3FAA]  }
0x2d: {  	s3 =	simm.s32 $0x108;
	s8 =	sld [smem:$0x3FAB]  }
0x2e: {  	s3 =	simm.s32 @!p0 $0x1082;
	s9 =	sld [smem:$0x3FAC]  }
0x2f: {  	lr =	sadd.s32 s0, s3;
	s0 =	sld [smem:$0x3FA3]  }
0x30: {  	s3 =	sld [smem:$0x3FA6]  }
0x31: {  	[smem:$0x3FAF] =	sst s10  }
0x32: {  	s10 =	sld [smem:$0x3FAD];
	_ =	sdelay $0x3  }
0x33: {  	p0 =	seq.s32 s10, $0x1;
	s10 =	sld [smem:$0x3FAF];
	_ =	sdelay $0x3  }
0x34: {  	[smem:$0x3FAF] =	sst s10  }
0x35: {  	s10 =	sld [smem:$0x3FAE];
	_ =	sdelay $0x3  }
0x36: {  	p1 =	seq.s32 s10, $0x1;
	s10 =	sld [smem:$0x3FAF];
	_ =	sdelay $0x3  }
0x37: {  	[smem:$0x3FAF] =	sst s10  }
0x38: {  	s10 =	sld [smem:$0x3FB0]  }
0x39: {  	_ = 	snop;
	(pc) =	sbr.ind lr, $3  }
0x3a: {  	_ = 	snop  }
0x3b: {  	_ = 	snop  }
0x3c: {  	p2 =	seq.s32 s10, $0x1;
	s10 =	sld [smem:$0x3FAF]  }
0x3d: {  	_ =	shalt  }
0x3e: {  	_ =	shalt  }
0x3f: {  	_ =	shalt  }
0x40: {  	_ =	shalt  }
0x41: {  	_ =	shalt  }
0x42: {  	_ =	shalt  }
0x43: {  	_ =	shalt  }
0x44: {  	_ =	shalt  }
0x45: {  	_ =	shalt  }
0x46: {  	_ =	shalt  }
0x47: {  	_ =	shalt  }
0x48: {  	_ =	shalt  }
0x49: {  	_ =	shalt  }
0x4a: {  	_ =	shalt  }
0x4b: {  	_ =	shalt  }
0x4c: {  	_ =	shalt  }
0x4d: {  	_ =	shalt  }
0x4e: {  	_ =	shalt  }
0x4f: {  	_ =	shalt  }
0x50: {  	_ =	shalt  }
0x51: {  	_ =	shalt  }
0x52: {  	_ =	shalt  }
0x53: {  	_ =	shalt  }
0x54: {  	_ =	shalt  }
0x55: {  	_ =	shalt  }
0x56: {  	_ =	shalt  }
0x57: {  	_ =	shalt  }
0x58: {  	_ =	shalt  }
0x59: {  	_ =	shalt  }
0x5a: {  	_ =	shalt  }
0x5b: {  	_ =	shalt  }
0x5c: {  	_ =	shalt  }
0x5d: {  	_ =	shalt  }
0x5e: {  	_ =	shalt  }
0x5f: {  	_ =	shalt  }
0x60: {  	_ =	shalt  }
0x61: {  	_ =	shalt  }
0x62: {  	_ =	shalt  }
0x63: {  	_ =	shalt  }
0x64: {  	_ =	shalt  }
0x65: {  	_ =	shalt  }
0x66: {  	_ =	shalt  }
0x67: {  	_ =	shalt  }
0x68: {  	_ =	shalt  }
0x69: {  	_ =	shalt  }
0x6a: {  	_ =	shalt  }
0x6b: {  	_ =	shalt  }
0x6c: {  	_ =	shalt  }
0x6d: {  	_ =	shalt  }
0x6e: {  	_ =	shalt  }
0x6f: {  	_ =	shalt  }
0x70: {  	_ =	shalt  }
0x71: {  	_ =	shalt  }
0x72: {  	_ =	shalt  }
0x73: {  	_ =	shalt  }
0x74: {  	_ =	shalt  }
0x75: {  	_ =	shalt  }
0x76: {  	_ =	shalt  }
0x77: {  	_ =	shalt  }
0x78: {  	_ =	shalt  }
0x79: {  	_ =	shalt  }
0x7a: {  	_ =	shalt  }
0x7b: {  	_ =	shalt  }
0x7c: {  	_ =	shalt  }
0x7d: {  	_ =	shalt  }
0x7e: {  	_ =	shalt  }
0x7f: {  	_ =	shalt  }
0x80: {  	_ =	shalt  }
0x81: {  	_ =	shalt  }
0x82: {  	_ =	shalt  }
0x83: {  	_ =	shalt  }
0x84: {  	_ =	shalt  }
0x85: {  	_ =	shalt  }
0x86: {  	_ =	shalt  }
0x87: {  	_ =	shalt  }
.Lfunc_end0:
.L_simem_size_0:
called_computation_lowered:
.L_overlay_start_0:
0x88: {  	s2 =	sld [smem:$0x3FD9]  }
0x89: {  	s3 =	sld [smem:$0x3FFE];
	_ =	sdelay $0x1  }
0x8a: {  	s1 =	srdreg.scid  }
0x8b: {  	s0 =	sand.u32 $0x1, s1  }
0x8c: {  	s14 =	sshll.u32 s0, $0xA;
	s2 =	sadd.s32 s3, s2  }
0x8d: {  	s2 =	sadd.s32 s2, s14  }
0x8e: {  	[smem:$0x3FBB] =	sst s2  }
0x8f: {  	_ = 	snop  }
0x90: {  	s2 =	sld [smem:$0x3FD0];
	_ =	sdelay $0x1  }
0x91: {  	s15 =	sld [smem:$0x3FC7]  }
0x92: {  	s5 =	simm.s32 $0xA;
	s6 =	simm.s32 $0x10;
	s4 =	sld [smem:$0x3FC6]  }
0x93: {  	[smem:s6], [sflag:s5] =	dma.local [hbm:s2], $0x1  }
0x94: {  	_ =	swait.eq [sflag:s5], $0x1  }
0x95: {  	[sflag:s5] =	ssyncset.done $0x0  }
0x96: {  	[sflag:s5] =	ssyncadd.s32 $0xFFFFFFFF  }
0x97: {  	s16 =	sld [smem:$0x10];
	(tm) =	ssettm $0x1  }
0x98: {  	s17 =	sld [smem:$0x3FFB];
	_ =	sdelay $0x3  }
0x99: {  	_ =	strace s17  }
0x9a: {  	s5 =	sld [smem:$0x3FFC];
	_ =	sdelay $0x3  }
0x9b: {  	_ =	strace s5  }
0x9c: {  	s5 =	sld [smem:$0x3FFD];
	_ =	sdelay $0x3  }
0x9d: {  	_ =	strace s5  }
0x9e: {  	_ =	strace $0x8FFFFFFF  }
0x9f: {  	s18 =	sld [smem:$0x3FDB];
	_ =	sdelay $0x1  }
0xa0: {  	s19 =	simm.s32 $_scs_section_size  }
0xa1: {  	s7 =	simm.s32 $_size__tile_overlayer_lowered;
	s8 =	simm.s32 $_tile_overlayer_lowered  }
0xa2: {  	s22 =	simm.s32 $0x1BFF;
	s21 =	sshll.u32 s8, $0x1;
	s5 =	sadd.s32 s19, s18  }
0xa3: {  	s9 =	simm.s32 $0x0;
	s20 =	sshll.u32 s7, $0x1;
	s7 =	sadd.s32 s21, s5  }
0xa4: {  	[timem:s9], [sflag:s22] =	dma.local [hbm:s7], s20  }
0xa5: {  	_ =	swait.ge [sflag:s22], s20  }
0xa6: {  	s6 =	ssub.s32 $0x0, s20;
	[sflag:s22] =	ssyncset.done $0x0  }
0xa7: {  	[sflag:s22] =	ssyncadd.s32 s6;
	_ =	sdelay $0x1  }
0xa8: {  	s23 =	simm.s32 $0x1B8B  }
0xa9: {  	_ =	swait.ge [sflag:s23], $0x1  }
0xaa: {  	[sflag:s23] =	ssyncset.done $0x0  }
0xab: {  	s25 =	simm.s32 $0x1B8E;
	s24 =	sld [smem:$0x3FFE];
	[sflag:s23] =	ssyncadd.s32 $0xFFFFFFFF  }
0xac: {  	s26 =	simm.s32 $execute0_lowered;
	[smem:$0x3FD2] =	sst s25  }
0xad: {  	s7 =	sshll.u32 s26, $0x1;
	_ =	strace $0x80000046;
	[dreg:$0x1] =	wrdreg $0xFFFFFFFF  }
0xae: {  	s28 =	simm.s32 $_size_execute0_lowered;
	s5 =	sadd.s32 s5, s7;
	[dreg:$0x0] =	wrdreg $0x0  }
0xaf: {  	s7 =	sshll.u32 s28, $0x1;
	[dreg:$0x2] =	wrdreg s5  }
0xb0: {  	[dreg:$0x3] =	wrdreg s7  }
0xb1: {  	[dreg:$0x4] =	wrdreg $0xC0  }
0xb2: {  	_ =	task [dreg:s9], $0x5FFFF  }
0xb3: {  	[dreg:$0x1] =	wrdreg $0xFFFFFFFF  }
0xb4: {  	[dreg:$0x0] =	wrdreg $0x60  }
0xb5: {  	[dreg:$0x2] =	wrdreg s24  }
0xb6: {  	[dreg:$0x3] =	wrdreg s15  }
0xb7: {  	[dreg:$0x4] =	wrdreg s4  }
0xb8: {  	[dreg:$0x5] =	wrdreg s16  }
0xb9: {  	[dreg:$0x6] =	wrdreg $0x106D80  }
0xba: {  	[dreg:$0x7] =	wrdreg $0x1A6D80  }
0xbb: {  	[dreg:$0x8] =	wrdreg $0x9  }
0xbc: {  	_ =	task.clear_ibuf [dreg:s9], $0x9FFFF;
	_ =	strace $0x90000046  }
0xbd: {  	s29 =	simm.s32 $0x9;
	_ =	strace $0x80000048  }
0xbe: {  	_ =	swait.ge [sflag:s29], $0x1  }
0xbf: {  	[sflag:s29] =	ssyncadd.s32 $0xFFFFFFFF  }
0xc0: {  	_ =	strace $0x90000048  }
0xc1: {  	_ =	sfence  }
0xc2: {  	s30 =	sld [smem:$0x0];
	_ =	sdelay $0x2  }
0xc3: {  	s31 =	sshll.u32 s1, $0xD;
	s1 =	sshrl.u32 s1, $0x2  }
0xc4: {  	s3 =	sand.u32 $0x4000, s31;
	s1 =	sadd.s32 s1, s30  }
0xc5: {  	s0 =	sor.u32 s3, s0;
	s1 =	sshll.u32 s1, $0x11  }
0xc6: {  	s0 =	sor.u32 s1, s0  }
0xc7: {  	s0 =	sadd.s32 $0x8F2B, s0  }
0xc8: {  	[sflag:s0] =	ssyncadd.remote.s32 $0x1  }
0xc9: {  	_ =	sfence.sel $0xFFFF  }
0xca: {  	[dreg:$0x0] =	wrdreg $0xFFFFFFFF;
	(pc) =	sbr.abs _section_cstart, $3  }
0xcb: {  	[dreg:$0x1] =	wrdreg $0xFFFFFFFF  }
0xcc: {  	_ =	task.clear_ibuf [dreg:s9], $0x2FFFF;
	_ =	strace $0x9FFFFFFF  }
0xcd: {  	(tm) =	ssettm $0x7FFFFFFF  }
tec
execute0_lowered:
.L_overlay_start_1:
0x0: {  	(tag) =	ssettag $0x1  }
0x1: {  	s0 =	rddreg [dreg:$0x0]  }
0x2: {  	s3 =	rddreg [dreg:$0x3]  }
0x3: {  	s4 =	rddreg [dreg:$0x4]  }
0x4: {  	s5 =	rddreg [dreg:$0x5];
	s1 =	simm.s32 $0x0;
	s13 =	srdreg.scid  }
0x5: {  	s12 =	stileid.u32;
	[smem:$0x7FF] =	sst s1;
	s2 =	sadd.s32 $0x19000, s0  }
0x6: {  	s15 =	sadd.s32 $0x19600, s0;
	_ =	strace $0x80000047;
	[dreg:$0x7] =	wrdreg s2  }
0x7: {  	s9 =	sand.u32 $0x1, s13;
	s16 =	sadd.s32 $0x19E00, s0;
	[dreg:$0x8] =	wrdreg s15  }
0x8: {  	s14 =	smul.u32 $0xA000, s12;
	s6 =	sadd.s32 $0x19C00, s0;
	[dreg:$0x9] =	wrdreg s16  }
0x9: {  	s18 =	sadd.s32 $0xF200, s0;
	s20 =	smul.u32 $0x2800, s12;
	[dreg:$0xa] =	wrdreg s6  }
0xa: {  	s19 =	sadd.s32 $0x5400, s0;
	s11 =	smul.u32 $0x280, s12;
	[dreg:$0xb] =	wrdreg s18  }
0xb: {  	s28 =	simm.s32 $0x2;
	s17 =	smul.u32 $0xA0000, s9;
	[dreg:$0xc] =	wrdreg s19  }
0xc: {  	s15 =	sadd.s32 $0x4600, s0;
	s16 =	sadd.s32 $0x2E00, s0;
	s7 =	ssub.s32 $0x2, s9  }
0xd: {  	p0 =	sne.s32 s9, $0x0;
	s8 =	sshrl.u32 s20, $0x3;
	s10 =	sshrl.u32 s7, $0x1  }
0xe: {  	s29 =	sadd.s32 s14, s4;
	s30 =	sadd.s32 s20, s5;
	s21 =	sor.u32 $0x50, s11  }
0xf: {  	s23 =	sadd.s32 $0xA0, s11;
	s26 =	sadd.s32 $0xF0, s11;
	s13 =	sadd.s32 $0x190, s11  }
0x10: {  	s18 =	sadd.s32 $0x1E0, s11;
	s2 =	sadd.s32 s14, s17;
	s7 =	ssub.s32 s7, s10  }
0x11: {  	s22 =	sshll.u32 s21, $0x6;
	s1 =	sshll.u32 s21, $0x4;
	s24 =	sshll.u32 s23, $0x6  }
0x12: {  	s25 =	sshll.u32 s23, $0x4;
	s31 =	sshll.u32 s26, $0x6;
	s14 =	sshll.u32 s13, $0x6  }
0x13: {  	s17 =	sshll.u32 s13, $0x4;
	s19 =	sshll.u32 s18, $0x6;
	[dreg:$0xd] =	wrdreg s29  }
0x14: {  	s21 =	sadd.s32 $0x230, s11;
	s23 =	smul.u32 $0x2710, s9;
	[dreg:$0xe] =	wrdreg s30  }
0x15: {  	s2 =	sshrl.u32 s2, $0x3;
	s6 =	sadd.s32 s22, s4;
	s1 =	sadd.s32 s1, s5  }
0x16: {  	s22 =	sshll.u32 s21, $0x6;
	s2 =	sadd.s32 s2, s0;
	[dreg:$0xf] =	wrdreg s6  }
0x17: {  	s0 =	sadd.s32 s8, s0;
	[dreg:$0x10] =	wrdreg s1;
	s1 =	sadd.s32 s24, s4  }
0x18: {  	s6 =	sshll.u32 s26, $0x4;
	s8 =	sadd.s32 $0x140, s11;
	s24 =	smul.u32 $0xC8, s9  }
0x19: {  	s26 =	smax.u32 s7, $0x1;
	v9 =	vmov s23;
	s23 =	simm.s32 $0x5CD8;
	s11 =	simm.s32 $0xB1D8  }
0x1a: {  	s7 =	simm.s32 $0xC5D8;
	[dreg:$0x11] =	wrdreg s1;
	s1 =	sadd.s32 s25, s5  }
0x1b: {  	s6 =	sadd.s32 s6, s5;
	s10 =	sshll.u32 s8, $0x6;
	[dreg:$0x1f] =	wrdreg s26  }
0x1c: {  	s2 =	sadd.s32 $0x1A000, s2;
	s0 =	sadd.s32 $0x42000, s0;
	[dreg:$0x12] =	wrdreg s1  }
0x1d: {  	s25 =	smul.u32 $0x16E, s9;
	s26 =	simm.s32 $0x4;
	[dreg:$0x14] =	wrdreg s6  }
0x1e: {  	s1 =	sadd.s32 s31, s4;
	s6 =	sadd.s32 s10, s4;
	[dreg:$0x1d] =	wrdreg s2  }
0x1f: {  	[dreg:$0x1e] =	wrdreg s0;
	s31 =	smul.u32 $0x4E20, s12;
	v10 =	vmov s24;
	s24 =	simm.s32 $0x98D8  }
0x20: {  	s0 =	simm.s32 $0x1;
	s10 =	simm.s32 $0x84D8;
	[dreg:$0x13] =	wrdreg s1  }
0x21: {  	s2 =	simm.s32 $0xF2D8;
	s1 =	sshll.u32 s8, $0x4;
	[dreg:$0x15] =	wrdreg s6  }
0x22: {  	s6 =	sshll.u32 s18, $0x4;
	s1 =	sadd.s32 s1, s5;
	[smem:$0x7FD] =	sst s31  }
0x23: {  	s8 =	simm.s32 $0x70D8;
	s20 =	sadd.s32 s6, s5;
	[dreg:$0x16] =	wrdreg s1  }
0x24: {  	v0 =	vlaneseq.u32;
	s18 =	simm.s32 $0x9DD8;
	s6 =	sadd.s32 s22, s4;
	[dreg:$0x1a] =	wrdreg s20  }
0x25: {  	v12 =	vmul.u32 $0x10, v0;
	s22 =	simm.s32 $0x5B68;
	s1 =	sadd.s32 s14, s4;
	[dreg:$0x1b] =	wrdreg s6  }
0x26: {  	s20 =	simm.s32 $0x3390;
	[dreg:$0x17] =	wrdreg s1;
	s1 =	sadd.s32 s17, s5  }
0x27: {  	[tilespmem:$0x1FFF0] =	vst v12;
	s6 =	simm.s32 $0x50;
	[dreg:$0x18] =	wrdreg s1;
	s1 =	sadd.s32 s19, s4  }
0x28: {  	[tilespmem:$0x1FFC0] =	vst v9;
	s14 =	simm.s32 $0x0;
	[dreg:$0x19] =	wrdreg s1;
	s1 =	sshll.u32 s21, $0x4  }
0x29: {  	v11 =	vmov s25;
	[tilespmem:$0x1FFD0] =	vst v10;
	s17 =	simm.s32 $0xD9D8;
	s19 =	simm.s32 $0xC80;
	s1 =	sadd.s32 s1, s5  }
0x2a: {  	v1 =	vimm.f32 $0.0e+00;
	[tilespmem:$0x1FFE0] =	vst v11;
	s21 =	simm.s32 $0x5AA0;
	[dreg:$0x1c] =	wrdreg s1;
	s1 =	simm.s32 $0xEDD8  }
.LBB2_1:
0x2b: {  	[smem:$0x7FC] =	sst s14  }
0x2c: {  	s12 =	simm.s32 $0x0;
	s13 =	rddreg [dreg:$0x7]  }
0x2d: {  	[tilespmem:s19], [sflag:$0x2] =	stream.linear.gather [hbm4b:s13+s12], $0x2710, $0x38;
	[tilespmem:$0x1CED8] =	vst v63  }
0x2e: {  	s14 =	rddreg [dreg:$0x8]  }
0x2f: {  	[tilespmem:s20], [sflag:$0x2] =	stream.linear.gather [hbm4b:s14+s12], $0x2710, $0x38;
	[tilespmem:$0x1CED8] =	vst v63  }
0x30: {  	s25 =	rddreg [dreg:$0x9]  }
0x31: {  	[tilespmem:s21], [sflag:$0x2] =	stream.linear.gather [hbm4b:s25+s12], $0xC8, $0x38;
	[tilespmem:$0x1CED8] =	vst v63  }
0x32: {  	s31 =	rddreg [dreg:$0xa]  }
0x33: {  	[tilespmem:s22], [sflag:$0x2] =	stream.linear.gather [hbm4b:s31+s12], $0x170, $0x38;
	[tilespmem:$0x1CED8] =	vst v63  }
0x34: {  	s12 =	simm.s32 $0x5CF8  }
0x35: {  	[tilespmem:s12+$0xFFFFFFE0] =	vst v1  }
0x36: {  	[tilespmem:s12+$0x10] =	vst v1  }
0x37: {  	[tilespmem:s12+$0x0] =	vst v1  }
0x38: {  	s13 =	simm.s32 $0x40;
	s14 =	simm.s32 $0x0;
	[tilespmem:s12+$0xFFFFFFF0] =	vst v1  }
.LBB2_2:
0x39: {  	p1 =	sne.s32 s13, $0x13C0  }
0x3a: {  	[tilespmem:s14+$0x98D8] =	vst v1;
	s12 =	sadd.s32 $0x40, s12;
	s25 =	smov.u32 s13;
	s13 =	sadd.s32 $0x40, s13  }
.Ltmp0:
0x3b: {  	[tilespmem:s14+$0xEDD8] =	vst v1;
	(pc) =	sbr.rel @p1 .LBB2_2-.Ltmp0, $4  }
0x3c: {  	[tilespmem:s12+$0xFFFFFFE0] =	vst v1  }
0x3d: {  	[tilespmem:s12+$0x10] =	vst v1  }
0x3e: {  	[tilespmem:s12+$0x0] =	vst v1  }
0x3f: {  	s14 =	sshra.s32 s25, $0x2;
	[tilespmem:s12+$0xFFFFFFF0] =	vst v1  }
0x40: {  	[tilespmem:s14+$0x98D8] =	vst v1  }
0x41: {  	[tilespmem:s14+$0xEDD8] =	vst v1  }
0x42: {  	[spmem:s29] =	stream.linear.scatter [tilespmem:s23], [sflag:$0x3], $0x1400, $0x38;
	[tilespmem:$0x1CED8] =	vst v63  }
0x43: {  	_ = 	snop  }
0x44: {  	[spmem:s30] =	stream.linear.scatter [tilespmem:s24], [sflag:$0x4], $0x500, $0x38;
	[tilespmem:$0x1CED8] =	vst v63  }
0x45: {  	s12 =	rddreg [dreg:$0xf]  }
0x46: {  	[spmem:s12] =	stream.linear.scatter [tilespmem:s23], [sflag:$0x3], $0x1400, $0x38;
	[tilespmem:$0x1CED8] =	vst v63  }
0x47: {  	s14 =	rddreg [dreg:$0x10]  }
0x48: {  	[spmem:s14] =	stream.linear.scatter [tilespmem:s24], [sflag:$0x4], $0x500, $0x38;
	[tilespmem:$0x1CED8] =	vst v63  }
0x49: {  	s25 =	rddreg [dreg:$0x11]  }
0x4a: {  	[spmem:s25] =	stream.linear.scatter [tilespmem:s23], [sflag:$0x3], $0x1400, $0x38;
	[tilespmem:$0x1CED8] =	vst v63  }
0x4b: {  	s30 =	rddreg [dreg:$0x12]  }
0x4c: {  	[spmem:s30] =	stream.linear.scatter [tilespmem:s24], [sflag:$0x4], $0x500, $0x38;
	[tilespmem:$0x1CED8] =	vst v63  }
0x4d: {  	s31 =	rddreg [dreg:$0x13]  }
0x4e: {  	[spmem:s31] =	stream.linear.scatter [tilespmem:s23], [sflag:$0x3], $0x1400, $0x38;
	[tilespmem:$0x1CED8] =	vst v63  }
0x4f: {  	s13 =	rddreg [dreg:$0x14]  }
0x50: {  	[spmem:s13] =	stream.linear.scatter [tilespmem:s24], [sflag:$0x4], $0x500, $0x38;
	[tilespmem:$0x1CED8] =	vst v63  }
0x51: {  	s14 =	rddreg [dreg:$0x15]  }
0x52: {  	[spmem:s14] =	stream.linear.scatter [tilespmem:s23], [sflag:$0x3], $0x1400, $0x38;
	[tilespmem:$0x1CED8] =	vst v63  }
0x53: {  	s25 =	rddreg [dreg:$0x16]  }
0x54: {  	[spmem:s25] =	stream.linear.scatter [tilespmem:s24], [sflag:$0x4], $0x500, $0x38;
	[tilespmem:$0x1CED8] =	vst v63  }
0x55: {  	s30 =	rddreg [dreg:$0x17]  }
0x56: {  	[spmem:s30] =	stream.linear.scatter [tilespmem:s23], [sflag:$0x3], $0x1400, $0x38;
	[tilespmem:$0x1CED8] =	vst v63  }
0x57: {  	s31 =	rddreg [dreg:$0x18]  }
0x58: {  	[spmem:s31] =	stream.linear.scatter [tilespmem:s24], [sflag:$0x4], $0x500, $0x38;
	[tilespmem:$0x1CED8] =	vst v63  }
0x59: {  	s13 =	rddreg [dreg:$0x19]  }
0x5a: {  	[spmem:s13] =	stream.linear.scatter [tilespmem:s23], [sflag:$0x3], $0x1400, $0x38;
	[tilespmem:$0x1CED8] =	vst v63  }
0x5b: {  	s14 =	rddreg [dreg:$0x1a]  }
0x5c: {  	[spmem:s14] =	stream.linear.scatter [tilespmem:s24], [sflag:$0x4], $0x500, $0x38;
	[tilespmem:$0x1CED8] =	vst v63  }
0x5d: {  	s25 =	rddreg [dreg:$0x1b]  }
0x5e: {  	[spmem:s25] =	stream.linear.scatter [tilespmem:s23], [sflag:$0x3], $0x1400, $0x38;
	[tilespmem:$0x1CED8] =	vst v63  }
0x5f: {  	s30 =	rddreg [dreg:$0x1c];
	s31 =	simm.s32 $0x3  }
0x60: {  	[spmem:s30] =	stream.linear.scatter [tilespmem:s24], [sflag:$0x4], $0x500, $0x38;
	[tilespmem:$0x1CED8] =	vst v63  }
0x61: {  	_ =	swait.ge [sflag:s31], $0x1400  }
0x62: {  	[sflag:s31] =	ssyncset.done $0x0  }
0x63: {  	[sflag:s31] =	ssyncadd.s32 $0xFFFFEC00  }
0x64: {  	_ =	swait.ge [sflag:s26], $0x500  }
0x65: {  	[sflag:s26] =	ssyncset.done $0x0  }
0x66: {  	[sflag:s26] =	ssyncadd.s32 $0xFFFFFB00  }
0x67: {  	_ =	swait.ge [sflag:s31], $0x1400  }
0x68: {  	[sflag:s31] =	ssyncset.done $0x0  }
0x69: {  	[sflag:s31] =	ssyncadd.s32 $0xFFFFEC00  }
0x6a: {  	_ =	swait.ge [sflag:s26], $0x500  }
0x6b: {  	[sflag:s26] =	ssyncset.done $0x0  }
0x6c: {  	[sflag:s26] =	ssyncadd.s32 $0xFFFFFB00  }
0x6d: {  	_ =	swait.ge [sflag:s31], $0x1400  }
0x6e: {  	[sflag:s31] =	ssyncset.done $0x0  }
0x6f: {  	[sflag:s31] =	ssyncadd.s32 $0xFFFFEC00  }
0x70: {  	_ =	swait.ge [sflag:s26], $0x500  }
0x71: {  	[sflag:s26] =	ssyncset.done $0x0  }
0x72: {  	[sflag:s26] =	ssyncadd.s32 $0xFFFFFB00  }
0x73: {  	_ =	swait.ge [sflag:s31], $0x1400  }
0x74: {  	[sflag:s31] =	ssyncset.done $0x0  }
0x75: {  	[sflag:s31] =	ssyncadd.s32 $0xFFFFEC00  }
0x76: {  	_ =	swait.ge [sflag:s26], $0x500  }
0x77: {  	[sflag:s26] =	ssyncset.done $0x0  }
0x78: {  	[sflag:s26] =	ssyncadd.s32 $0xFFFFFB00  }
0x79: {  	_ =	swait.ge [sflag:s31], $0x1400  }
0x7a: {  	[sflag:s31] =	ssyncset.done $0x0  }
0x7b: {  	[sflag:s31] =	ssyncadd.s32 $0xFFFFEC00  }
0x7c: {  	_ =	swait.ge [sflag:s26], $0x500  }
0x7d: {  	[sflag:s26] =	ssyncset.done $0x0  }
0x7e: {  	[sflag:s26] =	ssyncadd.s32 $0xFFFFFB00  }
0x7f: {  	_ =	swait.ge [sflag:s31], $0x1400  }
0x80: {  	[sflag:s31] =	ssyncset.done $0x0  }
0x81: {  	[sflag:s31] =	ssyncadd.s32 $0xFFFFEC00  }
0x82: {  	_ =	swait.ge [sflag:s26], $0x500  }
0x83: {  	[sflag:s26] =	ssyncset.done $0x0  }
0x84: {  	[sflag:s26] =	ssyncadd.s32 $0xFFFFFB00  }
0x85: {  	_ =	swait.ge [sflag:s31], $0x1400  }
0x86: {  	[sflag:s31] =	ssyncset.done $0x0  }
0x87: {  	[sflag:s31] =	ssyncadd.s32 $0xFFFFEC00  }
0x88: {  	_ =	swait.ge [sflag:s26], $0x500  }
0x89: {  	[sflag:s26] =	ssyncset.done $0x0  }
0x8a: {  	[sflag:s26] =	ssyncadd.s32 $0xFFFFFB00  }
0x8b: {  	_ =	swait.ge [sflag:s31], $0x1400  }
0x8c: {  	[sflag:s31] =	ssyncset.done $0x0  }
0x8d: {  	[sflag:s31] =	ssyncadd.s32 $0xFFFFEC00  }
0x8e: {  	_ =	swait.ge [sflag:s26], $0x500  }
0x8f: {  	[sflag:s26] =	ssyncset.done $0x0  }
0x90: {  	[sflag:s26] =	ssyncadd.s32 $0xFFFFFB00  }
0x91: {  	_ =	swait.ge [sflag:s28], $0x2710  }
0x92: {  	[sflag:s28] =	ssyncset.done $0x0  }
0x93: {  	[sflag:s28] =	ssyncadd.s32 $0xFFFFD8F0  }
0x94: {  	_ =	swait.ge [sflag:s28], $0x2710  }
0x95: {  	[sflag:s28] =	ssyncset.done $0x0  }
0x96: {  	[sflag:s28] =	ssyncadd.s32 $0xFFFFD8F0  }
0x97: {  	_ =	swait.ge [sflag:s28], $0xC8  }
0x98: {  	[sflag:s28] =	ssyncset.done $0x0  }
0x99: {  	[sflag:s28] =	ssyncadd.s32 $0xFFFFFF38  }
0x9a: {  	_ =	swait.ge [sflag:s28], $0x170  }
0x9b: {  	[sflag:s28] =	ssyncset.done $0x0  }
0x9c: {  	[sflag:s28] =	ssyncadd.s32 $0xFFFFFE90  }
0x9d: {  	s29 =	simm.s32 $0x0;
	s13 =	simm.s32 $0x0;
	[bflag:$0x0] =	sbarrier.arrive $0xFFFF  }
.LBB2_4:
0x9e: {  	s14 =	sld [smem:$0x7FD]  }
0x9f: {  	s12 =	smul.u32 $0x320, s13;
	_ =	sdelay $0x1  }
0xa0: {  	s12 =	sadd.s32 s14, s12  }
0xa1: {  	s31 =	rddreg [dreg:$0xb];
	s12 =	sshrl.u32 s12, $0x3  }
0xa2: {  	s25 =	rddreg [dreg:$0xc];
	s14 =	sadd.s32 s31, s12  }
0xa3: {  	[tilespmem:s29], [sflag:$0x1] =	stream.linear.gather [hbm4b:s14+s29], $0x320, $0x38;
	[tilespmem:$0x1CED8] =	vst v63  }
0xa4: {  	s30 =	rddreg [dreg:$0x1];
	s14 =	sadd.s32 s25, s12;
	s25 =	simm.s32 $0x320  }
0xa5: {  	[tilespmem:s25], [sflag:$0x1] =	stream.linear.gather [hbm4b:s14+s29], $0x320, $0x38;
	[tilespmem:$0x1CED8] =	vst v63  }
0xa6: {  	s31 =	simm.s32 $0x640;
	s14 =	sadd.s32 s30, s12;
	s30 =	rddreg [dreg:$0x2]  }
0xa7: {  	[tilespmem:s31], [sflag:$0x1] =	stream.linear.gather [hbm4b:s14+s29], $0x320, $0x38;
	[tilespmem:$0x1CED8] =	vst v63  }
0xa8: {  	s12 =	sadd.s32 s30, s12;
	s31 =	simm.s32 $0x960  }
0xa9: {  	[tilespmem:s31], [sflag:$0x1] =	stream.linear.gather [hbm4b:s12+s29], $0x320, $0x38;
	[tilespmem:$0x1CED8] =	vst v63  }
0xaa: {  	_ =	swait.ge [sflag:s0], $0x320  }
0xab: {  	[sflag:s0] =	ssyncset.done $0x0  }
0xac: {  	[sflag:s0] =	ssyncadd.s32 $0xFFFFFCE0  }
0xad: {  	_ =	swait.ge [sflag:s0], $0x320  }
0xae: {  	[sflag:s0] =	ssyncset.done $0x0  }
0xaf: {  	[sflag:s0] =	ssyncadd.s32 $0xFFFFFCE0  }
0xb0: {  	_ =	swait.ge [sflag:s0], $0x320  }
0xb1: {  	[sflag:s0] =	ssyncset.done $0x0  }
0xb2: {  	[sflag:s0] =	ssyncadd.s32 $0xFFFFFCE0  }
0xb3: {  	_ =	swait.ge [sflag:s0], $0x320  }
0xb4: {  	[sflag:s0] =	ssyncset.done $0x0  }
0xb5: {  	s12 =	simm.s32 $0x0;
	[sflag:s0] =	ssyncadd.s32 $0xFFFFFCE0  }
0xb6: {  	v0 =	vld [tilespmem:s12+$0x0]  }
0xb7: {  	v1 =	vld [tilespmem:s12+$0x640]  }
0xb8: {  	v2 =	vld [tilespmem:s12+$0x960]  }
0xb9: {  	v3 =	vld [tilespmem:s12+$0x10]  }
0xba: {  	v4 =	vld [tilespmem:s12+$0x650]  }
0xbb: {  	v5 =	vld [tilespmem:s12+$0x970];
	v0 =	vadd.s32 v9, v0  }
0xbc: {  	v6 =	vld [tilespmem:s12+$0x20];
	[tilespmem:s12+$0x0] =	vst v0;
	v0 =	vadd.s32 v10, v1  }
0xbd: {  	v7 =	vld [tilespmem:s12+$0x660];
	[tilespmem:s12+$0x640] =	vst v0;
	v0 =	vadd.s32 v11, v2  }
0xbe: {  	v8 =	vld [tilespmem:s12+$0x980];
	[tilespmem:s12+$0x960] =	vst v0;
	v0 =	vadd.s32 v9, v3  }
0xbf: {  	v1 =	vld [tilespmem:s12+$0x30];
	[tilespmem:s12+$0x10] =	vst v0;
	v0 =	vadd.s32 v10, v4  }
0xc0: {  	v2 =	vadd.s32 v11, v5;
	[tilespmem:s12+$0x650] =	vst v0;
	v0 =	vld [tilespmem:s12+$0x670]  }
0xc1: {  	[tilespmem:s12+$0x970] =	vst v2;
	v3 =	vadd.s32 v9, v6;
	v2 =	vld [tilespmem:s12+$0x990]  }
0xc2: {  	[tilespmem:s12+$0x20] =	vst v3;
	v4 =	vadd.s32 v10, v7;
	v3 =	vld [tilespmem:s12+$0x40]  }
0xc3: {  	s14 =	simm.s32 $0x140;
	v5 =	vadd.s32 v11, v8;
	[tilespmem:s12+$0x660] =	vst v4;
	v4 =	vld [tilespmem:s12+$0x680]  }
.LBB2_5:
0xc4: {  	s25 =	sshra.s32 s14, $0x2;
	p1 =	sne.s32 s14, $0xB40;
	[tilespmem:s12+$0x980] =	vst v5;
	v1 =	vadd.s32 v9, v1;
	v5 =	vld [tilespmem:s12+$0x9A0]  }
0xc5: {  	v6 =	vld [tilespmem:s25+$0x0];
	[tilespmem:s12+$0x30] =	vst v1;
	v0 =	vadd.s32 v10, v0  }
0xc6: {  	v1 =	vld [tilespmem:s25+$0x640];
	[tilespmem:s12+$0x670] =	vst v0;
	v0 =	vadd.s32 v11, v2  }
0xc7: {  	v2 =	vld [tilespmem:s25+$0x960];
	[tilespmem:s12+$0x990] =	vst v0;
	v0 =	vadd.s32 v9, v3  }
0xc8: {  	v3 =	vld [tilespmem:s25+$0x10];
	[tilespmem:s12+$0x40] =	vst v0;
	v0 =	vadd.s32 v10, v4  }
0xc9: {  	v4 =	vld [tilespmem:s25+$0x650];
	[tilespmem:s12+$0x680] =	vst v0;
	v0 =	vadd.s32 v11, v5  }
0xca: {  	v5 =	vadd.s32 v9, v6;
	v6 =	vld [tilespmem:s25+$0x970];
	[tilespmem:s12+$0x9A0] =	vst v0;
	s12 =	smov.u32 s25  }
0xcb: {  	[tilespmem:s12+$0x0] =	vst v5;
	v0 =	vadd.s32 v10, v1;
	v5 =	vld [tilespmem:s12+$0x20]  }
0xcc: {  	[tilespmem:s12+$0x640] =	vst v0;
	v0 =	vadd.s32 v11, v2;
	v7 =	vld [tilespmem:s12+$0x660]  }
0xcd: {  	[tilespmem:s12+$0x960] =	vst v0;
	v0 =	vadd.s32 v9, v3;
	v8 =	vld [tilespmem:s12+$0x980]  }
.Ltmp1:
0xce: {  	[tilespmem:s12+$0x10] =	vst v0;
	v0 =	vadd.s32 v10, v4;
	v1 =	vld [tilespmem:s12+$0x30];
	(pc) =	sbr.rel @p1 .LBB2_5-.Ltmp1, $4  }
0xcf: {  	[tilespmem:s12+$0x650] =	vst v0;
	v2 =	vadd.s32 v11, v6;
	v0 =	vld [tilespmem:s12+$0x670]  }
0xd0: {  	[tilespmem:s12+$0x970] =	vst v2;
	v3 =	vadd.s32 v9, v5;
	v2 =	vld [tilespmem:s12+$0x990]  }
0xd1: {  	[tilespmem:s12+$0x20] =	vst v3;
	v4 =	vadd.s32 v10, v7;
	v3 =	vld [tilespmem:s12+$0x40]  }
0xd2: {  	s14 =	sadd.s32 $0x140, s14;
	[tilespmem:s12+$0x660] =	vst v4;
	v5 =	vadd.s32 v11, v8;
	v4 =	vld [tilespmem:s12+$0x680]  }
0xd3: {  	[tilespmem:s12+$0x980] =	vst v5;
	v1 =	vadd.s32 v9, v1;
	v59 =	vld [tilespmem:s12+$0x9A0]  }
0xd4: {  	[tilespmem:s12+$0x30] =	vst v1;
	v0 =	vadd.s32 v10, v0  }
0xd5: {  	[tilespmem:s12+$0x670] =	vst v0;
	v60 =	vadd.s32 v11, v2  }
0xd6: {  	[tilespmem:s12+$0x990] =	vst v60;
	v61 =	vadd.s32 v9, v3  }
0xd7: {  	[tilespmem:s12+$0x40] =	vst v61;
	v62 =	vadd.s32 v10, v4  }
0xd8: {  	[tilespmem:s12+$0x680] =	vst v62;
	v63 =	vadd.s32 v11, v59  }
0xd9: {  	s14 =	simm.s32 $0x0;
	[tilespmem:s12+$0x9A0] =	vst v63  }
0xda: {  	[tilespmem:s23], [sflag:$0x1] =	stream.indirect.gather [hbm4b:s3+s6], $0x40, s14, s6, $0xb8;
	[tilespmem:$0x1CED8] =	vst v63  }
0xdb: {  	s30 =	simm.s32 $0x640  }
0xdc: {  	[tilespmem:s8], [sflag:$0x1] =	stream.indirect.gather [hbm4b:s15+s6], $0x40, s30, s6, $0xb8;
	[tilespmem:$0x1CED8] =	vst v63  }
0xdd: {  	s31 =	simm.s32 $0x960  }
0xde: {  	[tilespmem:s10], [sflag:$0x1] =	stream.indirect.gather [hbm4b:s16+s6], $0x40, s31, s6, $0xb8;
	[tilespmem:$0x1CED8] =	vst v63  }
.LBB2_7:
0xdf: {  	p1 =	seq.s32 s14, $0x0  }
0xe0: {  	s12 =	simm.s32 @!p1 $0x3  }
0xe1: {  	p2 =	sne.s32 @!p1 s9, $0x0;
	_ =	swait.ge @!p1 [sflag:s12], $0x1400  }
0xe2: {  	p2 =	por p2, p1;
	[sflag:s12] =	ssyncset.done @!p1 $0x0  }
0xe3: {  	[sflag:s12] =	ssyncadd.s32 @!p1 $0xFFFFEC00;
	s12 =	simm.s32 @!p2 $0x3  }
0xe4: {  	s30 =	smul.u32 $0xA0, s14;
	_ =	swait.ge @!p2 [sflag:s12], $0x500  }
0xe5: {  	[sflag:s12] =	ssyncset.done @!p2 $0x0  }
0xe6: {  	[sflag:s12] =	ssyncadd.s32 @!p2 $0xFFFFFB00;
	s12 =	sadd.s32 $0x50, s30  }
0xe7: {  	[tilespmem:s11], [sflag:$0x2] =	stream.indirect.gather [hbm4b:s3+s6], $0x40, s12, s6, $0xb8;
	[tilespmem:$0x1CED8] =	vst v63  }
0xe8: {  	s25 =	sadd.s32 $0x690, s30  }
0xe9: {  	[tilespmem:s7], [sflag:$0x2] =	stream.indirect.gather [hbm4b:s15+s6], $0x40, s25, s6, $0xb8;
	[tilespmem:$0x1CED8] =	vst v63  }
0xea: {  	s25 =	sadd.s32 $0x9B0, s30  }
0xeb: {  	[tilespmem:s17], [sflag:$0x2] =	stream.indirect.gather [hbm4b:s16+s6], $0x40, s25, s6, $0xb8;
	[tilespmem:$0x1CED8] =	vst v63  }
0xec: {  	_ =	swait.ge [sflag:s0], $0x1400  }
0xed: {  	[sflag:s0] =	ssyncset.done $0x0  }
0xee: {  	[sflag:s0] =	ssyncadd.s32 $0xFFFFEC00  }
0xef: {  	_ =	swait.ge [sflag:s0], $0x1400  }
0xf0: {  	[sflag:s0] =	ssyncset.done $0x0  }
0xf1: {  	[sflag:s0] =	ssyncadd.s32 $0xFFFFEC00  }
0xf2: {  	_ =	swait.ge [sflag:s0], $0x1400  }
0xf3: {  	v0 =	vmov s30;
	[sflag:s0] =	ssyncset.done $0x0  }
0xf4: {  	s31 =	simm.s32 $0x0;
	[tilespmem:$0x1FFB0] =	vst v0;
	[sflag:s0] =	ssyncadd.s32 $0xFFFFEC00  }
.LBB2_8:
0xf5: {  	v4 =	vld [tilespmem:$0x1FFB0];
	_ =	sdelay $0x6  }
0xf6: {  	s25 =	sshll.u32 s31, $0x4  }
0xf7: {  	v0 =	vld.idx.msk [tilespmem:v4+s25+$0x0 ss:$0x1], $0xffff;
	_ =	sdelay $0x1  }
0xf8: {  	v1 =	vld.idx.msk [tilespmem:v4+s25+$0x640 ss:$0x1], $0xffff  }
0xf9: {  	v3 =	vld.idx.msk [tilespmem:v4+s25+$0x320 ss:$0x1], $0xffff;
	_ =	sdelay $0x1  }
0xfa: {  	v2 =	vsub.s32 v0, v9  }
0xfb: {  	v35 =	vld.idx.msk [tilespmem:v4+s25+$0x960 ss:$0x1], $0xffff;
	v0 =	vand.u32 $0x7, v0;
	v2 =	vand.u32 $0xFFFFFFF8, v2  }
0xfc: {  	v36 =	vsub.s32 v1, v10;
	v0 =	vor.u32 v0, v2  }
0xfd: {  	v1 =	vand.u32 $0x7, v1;
	v4 =	vand.u32 $0xFFFFFFF8, v36  }
0xfe: {  	v1 =	vor.u32 v1, v4;
	_ =	sdelay $0x1  }
0xff: {  	v2 =	vsub.s32 v35, v11;
	v3 =	vld.idx.msk [tilespmem:v3+s20+$0x0], $0xffff  }
0x100: {  	v0 =	vld.idx.msk [tilespmem:v0+s19+$0x0], $0xffff;
	_ =	sdelay $0x1  }
0x101: {  	v1 =	vld.idx.msk [tilespmem:v1+s21+$0x0], $0xffff;
	_ =	sdelay $0x1  }
0x102: {  	v2 =	vld.idx.msk [tilespmem:v2+s22+$0x0], $0xffff  }
0x103: {  	v0 =	vsub.f32 v0, v3;
	_ =	sdelay $0x1  }
0x104: {  	v0 =	vadd.f32 v1, v0;
	_ =	sdelay $0x1  }
0x105: {  	v0 =	vadd.f32 v2, v0;
	_ =	sdelay $0x1  }
0x106: {  	v37 =	vmul.f32 $1.000000010e-01, v0  }
0x107: {  	vm0 =	vgt.f32 v0, $0.0e+00  }
0x108: {  	v0 =	vsel vm0, v0, v37  }
0x109: {  	v0 =	vmul.f32 $1.442695020e+00, v0;
	_ =	sdelay $0x1  }
0x10a: {  	(erf) = vpow2.f32 v0;
	_ =	sdelay $0x2  }
0x10b: {  	v38 =	vmov s25  }
0x10c: {  	v0 =	vshll.u32 v38, $0x4  }
0x10d: {  	v0 =	vor.u32 v12, v0;
	_ =	sdelay $0x3  }
0x10e: {  	v22 =	vpop (erf)  }
0x10f: {  	s25 =	sshll.u32 s31, $0xA;
	[tilespmem:v0+s24+$0x0] =	vst.idx.msk $0xffff, v22  }
0x110: {  	v3 =	vld [tilespmem:s25+$0x84D8]  }
0x111: {  	v20 =	vld [tilespmem:s25+$0x5CD8]  }
0x112: {  	v13 =	vld [tilespmem:s25+$0x70D8]  }
0x113: {  	v15 =	vld [tilespmem:s25+$0x84E8]  }
0x114: {  	v16 =	vld [tilespmem:s25+$0x5CE8]  }
0x115: {  	v17 =	vld [tilespmem:s25+$0x70E8]  }
0x116: {  	v26 =	vld [tilespmem:s25+$0x84F8]  }
0x117: {  	v31 =	vld [tilespmem:s25+$0x5CF8]  }
0x118: {  	v33 =	vld [tilespmem:s25+$0x70F8]  }
0x119: {  	v36 =	vld [tilespmem:s25+$0x8508]  }
0x11a: {  	v50 =	vld [tilespmem:s25+$0x5D08]  }
0x11b: {  	v56 =	vld [tilespmem:s25+$0x7108]  }
0x11c: {  	v0 =	vld [tilespmem:s25+$0x8518]  }
0x11d: {  	v23 =	vld [tilespmem:s25+$0x5D18]  }
0x11e: {  	v24 =	vld [tilespmem:s25+$0x7118]  }
0x11f: {  	v1 =	vld [tilespmem:s25+$0x8528]  }
0x120: {  	v25 =	vld [tilespmem:s25+$0x5D28]  }
0x121: {  	v27 =	vld [tilespmem:s25+$0x7128]  }
0x122: {  	v2 =	vld [tilespmem:s25+$0x8538]  }
0x123: {  	v29 =	vld [tilespmem:s25+$0x5D38]  }
0x124: {  	v28 =	vld [tilespmem:s25+$0x7138]  }
0x125: {  	v4 =	vld [tilespmem:s25+$0x8548]  }
0x126: {  	v30 =	vld [tilespmem:s25+$0x5D48]  }
0x127: {  	v32 =	vld [tilespmem:s25+$0x7148]  }
0x128: {  	v5 =	vld [tilespmem:s25+$0x8558]  }
0x129: {  	v40 =	vld [tilespmem:s25+$0x5D58]  }
0x12a: {  	v41 =	vld [tilespmem:s25+$0x7158]  }
0x12b: {  	v6 =	vld [tilespmem:s25+$0x8568]  }
0x12c: {  	v43 =	vld [tilespmem:s25+$0x5D68]  }
0x12d: {  	v44 =	vld [tilespmem:s25+$0x7168]  }
0x12e: {  	v7 =	vld [tilespmem:s25+$0x8578]  }
0x12f: {  	v46 =	vld [tilespmem:s25+$0x5D78]  }
0x130: {  	v45 =	vld [tilespmem:s25+$0x7178]  }
0x131: {  	v8 =	vld [tilespmem:s25+$0x8588]  }
0x132: {  	v47 =	vld [tilespmem:s25+$0x5D88]  }
0x133: {  	v48 =	vld [tilespmem:s25+$0x7188]  }
0x134: {  	v57 =	vld [tilespmem:s25+$0x8598]  }
0x135: {  	v53 =	vld [tilespmem:s25+$0x5D98]  }
0x136: {  	v54 =	vld [tilespmem:s25+$0x7198]  }
0x137: {  	v37 =	vld [tilespmem:s25+$0x85A8]  }
0x138: {  	v58 =	vld [tilespmem:s25+$0x5DA8]  }
0x139: {  	v55 =	vld [tilespmem:s25+$0x71A8]  }
0x13a: {  	v42 =	vld [tilespmem:s25+$0x85B8]  }
0x13b: {  	v9 =	vld [tilespmem:s25+$0x5DB8]  }
0x13c: {  	v63 =	vld [tilespmem:s25+$0x71B8]  }
0x13d: {  	v61 =	vld [tilespmem:s25+$0x85C8]  }
0x13e: {  	v38 =	vld [tilespmem:s25+$0x85D8]  }
0x13f: {  	v14 =	vld [tilespmem:s25+$0x85E8]  }
0x140: {  	v10 =	vld [tilespmem:s25+$0x5DF8]  }
0x141: {  	v18 =	vld [tilespmem:s25+$0x8608]  }
0x142: {  	v11 =	vld [tilespmem:s25+$0x5E18]  }
0x143: {  	v12 =	vld [tilespmem:s25+$0x5E28]  }
0x144: {  	v19 =	vld [tilespmem:s25+$0x8638]  }
0x145: {  	v21 =	vld [tilespmem:s25+$0x5E48]  }
0x146: {  	v39 =	vld [tilespmem:s25+$0x7248]  }
0x147: {  	v34 =	vld [tilespmem:s25+$0x5E58]  }
0x148: {  	v49 =	vld [tilespmem:s25+$0x7258]  }
0x149: {  	v62 =	vld [tilespmem:s25+$0x8668]  }
0x14a: {  	v51 =	vld [tilespmem:s25+$0x5E68]  }
0x14b: {  	v52 =	vld [tilespmem:s25+$0x7268]  }
0x14c: {  	v60 =	vld [tilespmem:s25+$0x8678]  }
0x14d: {  	v59 =	vld [tilespmem:s25+$0x5E78]  }
0x14e: {  	v35 =	vld [tilespmem:s25+$0x86B8]  }
0x14f: {  	[tilespmem:$0x1FC60] =	vst v9;
	v9 =	vld [tilespmem:s25+$0x5DC8]  }
0x150: {  	[tilespmem:$0x1FCD0] =	vst v10;
	v10 =	vld [tilespmem:s25+$0x71F8]  }
0x151: {  	[tilespmem:$0x1FD10] =	vst v11;
	v11 =	vld [tilespmem:s25+$0x7218]  }
0x152: {  	[tilespmem:$0x1FD30] =	vst v12;
	v12 =	vld [tilespmem:s25+$0x7228]  }
0x153: {  	[tilespmem:$0x1FD70] =	vst v21;
	v21 =	vld [tilespmem:s25+$0x8658]  }
0x154: {  	[tilespmem:$0x1FD80] =	vst v39;
	v39 =	vld [tilespmem:s25+$0x7278]  }
0x155: {  	[tilespmem:$0x1FDD0] =	vst v59;
	v59 =	vld [tilespmem:s25+$0x8688]  }
0x156: {  	[tilespmem:$0x1FDA0] =	vst v49;
	v49 =	vld [tilespmem:s25+$0x5E88]  }
0x157: {  	[tilespmem:$0x1FDB0] =	vst v51;
	v51 =	vld [tilespmem:s25+$0x7288]  }
0x158: {  	[tilespmem:$0x1FDC0] =	vst v52;
	v52 =	vld [tilespmem:s25+$0x5E98]  }
0x159: {  	[tilespmem:$0x1FD90] =	vst v34;
	v34 =	vld [tilespmem:s25+$0x86C8];
	v20 =	vadd.f32 v20, v3;
	v3 =	vadd.f32 v13, v3  }
0x15a: {  	v13 =	vld [tilespmem:s25+$0x5EE8]  }
0x15b: {  	v3 =	vmul.f32 v3, v20;
	v20 =	vadd.f32 v50, v36;
	v50 =	vld [tilespmem:s25+$0x5EF8]  }
0x15c: {  	[tilespmem:$0x1FC70] =	vst v9;
	v9 =	vld [tilespmem:s25+$0x71C8]  }
0x15d: {  	[tilespmem:$0x1FCE0] =	vst v10;
	v10 =	vld [tilespmem:s25+$0x5E08]  }
0x15e: {  	[tilespmem:$0x1FD20] =	vst v11;
	v11 =	vld [tilespmem:s25+$0x8628]  }
0x15f: {  	[tilespmem:$0x1FD40] =	vst v12;
	v12 =	vld [tilespmem:s25+$0x5E38]  }
0x160: {  	[tilespmem:$0x1FDF0] =	vst v49;
	v49 =	vld [tilespmem:s25+$0x8698]  }
0x161: {  	[tilespmem:$0x1FDE0] =	vst v39;
	v39 =	vld [tilespmem:s25+$0x7298]  }
0x162: {  	[tilespmem:$0x1FE00] =	vst v51;
	v51 =	vld [tilespmem:s25+$0x5EA8]  }
0x163: {  	[tilespmem:$0x1FE20] =	vst v52;
	v52 =	vld [tilespmem:s25+$0x72A8]  }
0x164: {  	[tilespmem:$0x1FED0] =	vst v13;
	v13 =	vadd.f32 v16, v15;
	v16 =	vld [tilespmem:s25+$0x72E8]  }
0x165: {  	v15 =	vadd.f32 v17, v15;
	v17 =	vadd.f32 v33, v26;
	v33 =	vld [tilespmem:s25+$0x8708];
	[tilespmem:$0x1FC80] =	vst v9  }
0x166: {  	v9 =	vld [tilespmem:s25+$0x5DD8];
	[tilespmem:$0x1FCF0] =	vst v10  }
0x167: {  	v10 =	vld [tilespmem:s25+$0x7208];
	[tilespmem:$0x1FD50] =	vst v12  }
0x168: {  	v12 =	vld [tilespmem:s25+$0x7238];
	[tilespmem:$0x1FE40] =	vst v39  }
0x169: {  	v39 =	vld [tilespmem:s25+$0x86A8];
	[tilespmem:$0x1FE50] =	vst v51  }
0x16a: {  	[tilespmem:$0x1FE60] =	vst v52;
	v51 =	vld [tilespmem:s25+$0x5EB8]  }
0x16b: {  	v52 =	vld [tilespmem:s25+$0x72B8];
	[tilespmem:$0x1FEE0] =	vst v16;
	v16 =	vadd.f32 v31, v26;
	v31 =	vadd.f32 v56, v36;
	v36 =	vimm.s32 $0x0  }
0x16c: {  	v13 =	vmul.f32 v15, v13;
	v26 =	vld [tilespmem:s25+$0x86F8];
	v36 =	vperm.xlane v22, v36  }
0x16d: {  	v56 =	vld [tilespmem:s25+$0x72F8];
	v15 =	vmul.f32 v17, v16  }
0x16e: {  	v31 =	vmul.f32 v31, v20;
	v16 =	vmul.f32 v13, v36;
	v13 =	vadd.f32 v25, v1;
	v25 =	vld [tilespmem:s25+$0x5F18]  }
0x16f: {  	v20 =	vadd.f32 v23, v0;
	v1 =	vadd.f32 v27, v1;
	v27 =	vld [tilespmem:s25+$0x7318]  }
0x170: {  	v23 =	vadd.f32 v24, v0;
	v3 =	vmul.f32 v3, v36;
	v24 =	vmul.f32 v31, v36;
	v31 =	vld [tilespmem:s25+$0x7308]  }
0x171: {  	[tilespmem:$0x1FEF0] =	vst v50;
	v50 =	vmul.f32 v15, v36;
	v36 =	vadd.f32 v29, v2;
	v2 =	vadd.f32 v28, v2;
	v28 =	vld [tilespmem:s25+$0x5F28]  }
0x172: {  	v15 =	vmul.f32 v23, v20;
	v23 =	vld [tilespmem:s25+$0x5F38]  }
0x173: {  	[tilespmem:$0x1FC90] =	vst v9;
	v9 =	vld [tilespmem:s25+$0x71D8]  }
0x174: {  	[tilespmem:$0x1FD00] =	vst v10;
	v10 =	vld [tilespmem:s25+$0x8618]  }
0x175: {  	[tilespmem:$0x1FD60] =	vst v12;
	v12 =	vld [tilespmem:s25+$0x8648]  }
0x176: {  	[tilespmem:$0x1FE70] =	vst v51;
	v51 =	vld [tilespmem:s25+$0x5EC8]  }
0x177: {  	[tilespmem:$0x1FE80] =	vst v52;
	v52 =	vld [tilespmem:s25+$0x5ED8]  }
0x178: {  	[tilespmem:$0x1FF00] =	vst v56;
	v56 =	vld [tilespmem:s25+$0x5F08];
	v1 =	vmul.f32 v1, v13;
	v13 =	vadd.f32 v40, v5  }
0x179: {  	v5 =	vadd.f32 v41, v5;
	v40 =	vadd.f32 v44, v6;
	v41 =	vld [tilespmem:s25+$0x7328]  }
0x17a: {  	v44 =	vadd.f32 v46, v7;
	v46 =	vadd.f32 v45, v7;
	v7 =	vld [tilespmem:$0x1FD20]  }
0x17b: {  	v2 =	vmul.f32 v2, v36;
	v36 =	vld [tilespmem:s25+$0x8728]  }
0x17c: {  	[tilespmem:$0x1FE30] =	vst v24;
	v24 =	vmul.f32 v46, v44;
	v46 =	vld [tilespmem:s25+$0x5F48]  }
0x17d: {  	v45 =	vadd.f32 v54, v57;
	[tilespmem:$0x1FE10] =	vst v50;
	v44 =	vadd.f32 v53, v57;
	v57 =	vld [tilespmem:s25+$0x7348]  }
0x17e: {  	v20 =	vimm.s32 $0x2;
	v53 =	vld [tilespmem:$0x1FC90];
	[tilespmem:$0x1FCA0] =	vst v9  }
0x17f: {  	v50 =	vadd.f32 v30, v4;
	v4 =	vadd.f32 v32, v4;
	v9 =	vld [tilespmem:s25+$0x5DE8];
	[tilespmem:$0x1FF10] =	vst v56;
	v56 =	vimm.s32 $0x1  }
0x180: {  	v32 =	vadd.f32 v43, v6;
	v43 =	vmul.f32 v5, v13;
	[tilespmem:$0x1FF30] =	vst v25;
	v25 =	vld [tilespmem:s25+$0x7338];
	v17 =	vperm.xlane v22, v56  }
0x181: {  	v13 =	vperm.xlane v22, v20;
	v4 =	vmul.f32 v4, v50;
	[tilespmem:$0x1FF70] =	vst v23;
	v23 =	vld [tilespmem:$0x1FC70];
	v56 =	vadd.f32 v47, v8  }
0x182: {  	v8 =	vadd.f32 v48, v8;
	v48 =	vadd.f32 v55, v37;
	v55 =	vld [tilespmem:$0x1FC60];
	v30 =	vmul.f32 v1, v17  }
0x183: {  	[tilespmem:$0x1FF40] =	vst v27;
	v1 =	vmul.f32 v40, v32;
	v40 =	vmul.f32 v24, v13;
	v24 =	vld [tilespmem:$0x1FC80]  }
0x184: {  	v47 =	vadd.f32 v58, v37;
	v29 =	vmul.f32 v15, v17;
	v27 =	vmul.f32 v2, v17;
	[tilespmem:$0x1FCB0] =	vst v9;
	v9 =	vld [tilespmem:s25+$0x71E8]  }
0x185: {  	[tilespmem:$0x1FF50] =	vst v28;
	v20 =	vld [tilespmem:$0x1FCA0];
	v17 =	vmul.f32 v4, v17;
	v28 =	vmul.f32 v8, v56  }
0x186: {  	v63 =	vadd.f32 v63, v42;
	v50 =	vld [tilespmem:s25+$0x8738];
	[tilespmem:$0x1FF20] =	vst v31;
	v8 =	vmul.f32 v43, v13;
	v2 =	vmul.f32 v48, v47  }
0x187: {  	v31 =	vld [tilespmem:s25+$0x8718];
	[tilespmem:$0x1FF90] =	vst v46;
	v32 =	vmul.f32 v1, v13;
	v15 =	vmul.f32 v28, v13;
	v58 =	vadd.f32 v55, v42  }
0x188: {  	v46 =	vld [tilespmem:s25+$0x5F58];
	[tilespmem:$0x1FF80] =	vst v25;
	v13 =	vadd.f32 v23, v61;
	v28 =	vimm.s32 $0x3;
	v25 =	vadd.f32 v24, v61  }
0x189: {  	v54 =	vadd.f32 v53, v38;
	v37 =	vperm.xlane v22, v28;
	v47 =	vmul.f32 v63, v58;
	[tilespmem:$0x1FCC0] =	vst v9;
	v9 =	vld [tilespmem:s25+$0x85F8]  }
0x18a: {  	v4 =	vmul.f32 v45, v44;
	v24 =	vadd.f32 v20, v38;
	v48 =	vmul.f32 v25, v13;
	v25 =	vld [tilespmem:$0x1FCB0]  }
0x18b: {  	v44 =	vmul.f32 v47, v37;
	v47 =	vld [tilespmem:$0x1FCE0]  }
0x18c: {  	[tilespmem:$0x1FF60] =	vst v41;
	v41 =	vmul.f32 v4, v37;
	v4 =	vmul.f32 v24, v54;
	v54 =	vld [tilespmem:$0x1FD00]  }
0x18d: {  	v28 =	vld [tilespmem:$0x1FCC0]  }
0x18e: {  	v43 =	vmul.f32 v2, v37;
	v45 =	vmul.f32 v48, v37;
	v37 =	vld [tilespmem:$0x1FCD0]  }
0x18f: {  	v53 =	vld [tilespmem:$0x1FCF0]  }
0x190: {  	[tilespmem:$0x1FE90] =	vst v51;
	v51 =	vld [tilespmem:s25+$0x72C8]  }
0x191: {  	v63 =	vadd.f32 v54, v18;
	v54 =	vld [tilespmem:$0x1FD10]  }
0x192: {  	[tilespmem:$0x1FEB0] =	vst v52;
	v24 =	vld [tilespmem:$0x1FD30];
	v2 =	vadd.f32 v25, v14;
	v25 =	vimm.s32 $0x4;
	v5 =	vadd.f32 v28, v14  }
0x193: {  	v52 =	vld [tilespmem:s25+$0x72D8];
	[tilespmem:$0x1FFA0] =	vst v46;
	v48 =	vadd.f32 v47, v9;
	v28 =	vperm.xlane v22, v25;
	v46 =	vadd.f32 v37, v9  }
0x194: {  	v56 =	vld [tilespmem:s25+$0x8748];
	v13 =	vadd.f32 v53, v18;
	v2 =	vmul.f32 v5, v2  }
0x195: {  	v48 =	vmul.f32 v48, v46;
	v46 =	vmul.f32 v4, v28;
	v4 =	vld [tilespmem:$0x1FD60]  }
0x196: {  	v53 =	vmul.f32 v63, v13;
	v63 =	vadd.f32 v54, v10;
	v54 =	vld [tilespmem:$0x1FD50]  }
0x197: {  	v18 =	vadd.f32 v7, v10;
	v47 =	vmul.f32 v2, v28;
	v2 =	vadd.f32 v24, v11;
	v24 =	vld [tilespmem:$0x1FD80]  }
0x198: {  	v53 =	vmul.f32 v53, v28;
	v48 =	vmul.f32 v48, v28;
	v28 =	vld [tilespmem:$0x1FD40]  }
0x199: {  	v6 =	vmul.f32 v18, v63;
	v18 =	vld [tilespmem:$0x1FD70]  }
0x19a: {  	[tilespmem:$0x1FEA0] =	vst v51;
	v51 =	vld [tilespmem:s25+$0x86D8]  }
0x19b: {  	v10 =	vadd.f32 v4, v19;
	v4 =	vld [tilespmem:$0x1FDA0];
	v63 =	vadd.f32 v54, v19  }
0x19c: {  	[tilespmem:$0x1FEC0] =	vst v52;
	v52 =	vld [tilespmem:s25+$0x86E8]  }
0x19d: {  	v5 =	vadd.f32 v28, v11;
	v7 =	vmul.f32 v10, v63;
	v63 =	vld [tilespmem:$0x1FD90]  }
0x19e: {  	v23 =	vld [tilespmem:s25+$0x7378];
	v54 =	vimm.s32 $0x5;
	v11 =	vadd.f32 v18, v12;
	v12 =	vadd.f32 v24, v12  }
0x19f: {  	v55 =	vld [tilespmem:s25+$0x8758];
	v13 =	vperm.xlane v22, v54  }
0x1a0: {  	v5 =	vmul.f32 v5, v2;
	v10 =	vmul.f32 v12, v11;
	v11 =	vadd.f32 v4, v21;
	v4 =	vld [tilespmem:$0x1FDC0]  }
0x1a1: {  	v42 =	vld [tilespmem:s25+$0x7358]  }
0x1a2: {  	v54 =	vmul.f32 v6, v13;
	v6 =	vadd.f32 v63, v21;
	v21 =	vmul.f32 v5, v13;
	v5 =	vld [tilespmem:$0x1FDD0]  }
0x1a3: {  	v58 =	vld [tilespmem:s25+$0x8768]  }
0x1a4: {  	v61 =	vld [tilespmem:s25+$0x5F68]  }
0x1a5: {  	v12 =	vadd.f32 v4, v62;
	v4 =	vld [tilespmem:$0x1FDF0]  }
0x1a6: {  	v38 =	vld [tilespmem:s25+$0x7368];
	v10 =	vmul.f32 v10, v13  }
0x1a7: {  	v63 =	vmul.f32 v7, v13;
	v13 =	vmul.f32 v11, v6;
	v11 =	vadd.f32 v5, v60;
	v5 =	vld [tilespmem:$0x1FE00]  }
0x1a8: {  	v20 =	vld [tilespmem:s25+$0x8788]  }
0x1a9: {  	[tilespmem:s25+$0x9E18] =	vst v29;
	v29 =	vld [tilespmem:$0x1FE60]  }
0x1aa: {  	[tilespmem:s25+$0x9DD8] =	vst v3;
	v3 =	vadd.f32 v4, v59;
	v4 =	vld [tilespmem:$0x1FE30]  }
0x1ab: {  	v7 =	vld [tilespmem:$0x1FDB0]  }
0x1ac: {  	[tilespmem:s25+$0x9E38] =	vst v27;
	v27 =	vld [tilespmem:$0x1FE90];
	v1 =	vadd.f32 v5, v59  }
0x1ad: {  	[tilespmem:s25+$0x9E58] =	vst v8;
	v8 =	vld [tilespmem:$0x1FEB0]  }
0x1ae: {  	[tilespmem:s25+$0x9DE8] =	vst v16;
	v1 =	vmul.f32 v1, v3;
	v3 =	vld [tilespmem:$0x1FE20]  }
0x1af: {  	[tilespmem:s25+$0x9E08] =	vst v4;
	v4 =	vld [tilespmem:$0x1FE40]  }
0x1b0: {  	[tilespmem:s25+$0x9EA8] =	vst v43;
	v43 =	vld [tilespmem:s25+$0x6008];
	v7 =	vadd.f32 v7, v62  }
0x1b1: {  	[tilespmem:s25+$0x9EB8] =	vst v44;
	v44 =	vld [tilespmem:$0x1FF30];
	v59 =	vimm.s32 $0x6  }
0x1b2: {  	[tilespmem:s25+$0x9EC8] =	vst v45;
	v45 =	vld [tilespmem:$0x1FF40];
	v16 =	vmul.f32 v12, v7;
	v0 =	vperm.xlane v22, v59  }
0x1b3: {  	v14 =	vld [tilespmem:s25+$0x8778]  }
0x1b4: {  	v3 =	vadd.f32 v3, v49;
	v49 =	vadd.f32 v4, v49;
	v4 =	vmul.f32 v16, v0;
	v16 =	vld [tilespmem:$0x1FE50]  }
0x1b5: {  	v25 =	vld [tilespmem:s25+$0x5F88]  }
0x1b6: {  	v37 =	vld [tilespmem:s25+$0x5F78]  }
0x1b7: {  	v9 =	vld [tilespmem:s25+$0x5FA8]  }
0x1b8: {  	[tilespmem:s25+$0x9E28] =	vst v30;
	v30 =	vmul.f32 v49, v3;
	v49 =	vld [tilespmem:$0x1FE70]  }
0x1b9: {  	v5 =	vmul.f32 v1, v0;
	v1 =	vadd.f32 v16, v39;
	v16 =	vld [tilespmem:$0x1FE80]  }
0x1ba: {  	[tilespmem:s25+$0x9EE8] =	vst v47;
	v47 =	vld [tilespmem:$0x1FF70]  }
0x1bb: {  	v6 =	vld [tilespmem:$0x1FDE0]  }
0x1bc: {  	v19 =	vld [tilespmem:s25+$0x8798]  }
0x1bd: {  	v28 =	vld [tilespmem:s25+$0x7388]  }
0x1be: {  	v18 =	vld [tilespmem:s25+$0x5F98];
	v49 =	vadd.f32 v49, v35;
	v35 =	vadd.f32 v16, v35  }
0x1bf: {  	v16 =	vld [tilespmem:$0x1FEA0]  }
0x1c0: {  	[tilespmem:s25+$0x9E48] =	vst v17;
	v60 =	vadd.f32 v6, v60;
	v17 =	vmul.f32 v35, v49;
	v49 =	vld [tilespmem:$0x1FEC0]  }
0x1c1: {  	v38 =	vadd.f32 v38, v58;
	v29 =	vadd.f32 v29, v39;
	v24 =	vld [tilespmem:s25+$0x7398]  }
0x1c2: {  	v27 =	vadd.f32 v27, v34;
	v25 =	vadd.f32 v25, v20;
	v11 =	vmul.f32 v60, v11;
	v60 =	vld [tilespmem:$0x1FE10]  }
0x1c3: {  	v37 =	vadd.f32 v37, v14;
	v14 =	vadd.f32 v23, v14;
	v23 =	vld [tilespmem:s25+$0x6038]  }
0x1c4: {  	v2 =	vld [tilespmem:s25+$0x87A8];
	v20 =	vadd.f32 v28, v20;
	v34 =	vadd.f32 v16, v34  }
0x1c5: {  	[tilespmem:s25+$0x9E68] =	vst v32;
	v18 =	vadd.f32 v18, v19;
	v11 =	vmul.f32 v11, v0;
	v32 =	vadd.f32 v49, v51;
	v49 =	vld [tilespmem:$0x1FED0]  }
0x1c6: {  	v16 =	vimm.s32 $0x7;
	v27 =	vmul.f32 v34, v27;
	v34 =	vadd.f32 v8, v51;
	v51 =	vld [tilespmem:$0x1FEE0]  }
0x1c7: {  	v28 =	vld [tilespmem:s25+$0x7438];
	v19 =	vadd.f32 v24, v19;
	[tilespmem:s25+$0x9DF8] =	vst v60;
	v60 =	vmul.f32 v13, v0;
	v0 =	vperm.xlane v22, v16  }
0x1c8: {  	v24 =	vld [tilespmem:s25+$0x7448];
	[tilespmem:s25+$0x9F38] =	vst v63;
	v63 =	vadd.f32 v61, v58;
	v58 =	vmul.f32 v20, v25;
	v1 =	vmul.f32 v29, v1  }
0x1c9: {  	v20 =	vld [tilespmem:s25+$0x6048];
	v61 =	vmul.f32 v19, v18;
	v30 =	vmul.f32 v30, v0  }
0x1ca: {  	v19 =	vld [tilespmem:s25+$0x7458];
	v1 =	vmul.f32 v1, v0;
	v17 =	vmul.f32 v17, v0  }
0x1cb: {  	[tilespmem:s25+$0x9E78] =	vst v40;
	v0 =	vmul.f32 v27, v0;
	v27 =	vadd.f32 v49, v52;
	v40 =	vadd.f32 v51, v52;
	v52 =	vld [tilespmem:$0x1FEF0]  }
0x1cc: {  	v51 =	vld [tilespmem:$0x1FF00]  }
0x1cd: {  	v18 =	vld [tilespmem:s25+$0x6078]  }
0x1ce: {  	v62 =	vld [tilespmem:s25+$0x73A8]  }
0x1cf: {  	v6 =	vld [tilespmem:s25+$0x87B8]  }
0x1d0: {  	[tilespmem:s25+$0x9E88] =	vst v15;
	v15 =	vmul.f32 v32, v34;
	v32 =	vadd.f32 v52, v26;
	v52 =	vld [tilespmem:$0x1FF10]  }
0x1d1: {  	v26 =	vadd.f32 v51, v26;
	v51 =	vld [tilespmem:$0x1FF20]  }
0x1d2: {  	v7 =	vld [tilespmem:s25+$0x73B8]  }
0x1d3: {  	v59 =	vld [tilespmem:s25+$0x5FB8]  }
0x1d4: {  	v12 =	vld [tilespmem:s25+$0x87C8];
	[tilespmem:s25+$0x9F78] =	vst v11  }
0x1d5: {  	v13 =	vld [tilespmem:s25+$0x5FC8];
	v11 =	vmul.f32 v14, v37;
	[tilespmem:s25+$0x9F58] =	vst v60;
	v60 =	vadd.f32 v9, v2  }
0x1d6: {  	[tilespmem:s25+$0x9E98] =	vst v41;
	v14 =	vld [tilespmem:s25+$0x8848];
	v41 =	vadd.f32 v52, v33;
	v33 =	vadd.f32 v51, v33;
	v51 =	vimm.s32 $0x8  }
0x1d7: {  	v2 =	vadd.f32 v62, v2;
	v39 =	vld [tilespmem:s25+$0x73C8];
	v27 =	vmul.f32 v40, v27;
	v51 =	vperm.xlane v22, v51  }
0x1d8: {  	v9 =	vld [tilespmem:s25+$0x8858];
	v62 =	vadd.f32 v59, v6;
	v26 =	vmul.f32 v26, v32;
	v33 =	vmul.f32 v33, v41  }
0x1d9: {  	v6 =	vadd.f32 v7, v6;
	v7 =	vld [tilespmem:s25+$0x6058];
	v15 =	vmul.f32 v15, v51;
	v27 =	vmul.f32 v27, v51  }
0x1da: {  	v26 =	vmul.f32 v26, v51;
	v33 =	vmul.f32 v33, v51;
	v51 =	vld [tilespmem:$0x1FF50]  }
0x1db: {  	v3 =	vld [tilespmem:s25+$0x87D8]  }
0x1dc: {  	v13 =	vadd.f32 v13, v12;
	v29 =	vld [tilespmem:s25+$0x73D8];
	v12 =	vadd.f32 v39, v12  }
0x1dd: {  	v35 =	vld [tilespmem:s25+$0x5FE8]  }
0x1de: {  	v12 =	vmul.f32 v12, v13;
	v13 =	vld [tilespmem:s25+$0x6068]  }
0x1df: {  	v40 =	vadd.f32 v44, v31;
	v44 =	vadd.f32 v51, v36;
	v51 =	vld [tilespmem:$0x1FF60]  }
0x1e0: {  	v16 =	vld [tilespmem:s25+$0x5FD8]  }
0x1e1: {  	v8 =	vld [tilespmem:s25+$0x87E8]  }
0x1e2: {  	v34 =	vld [tilespmem:s25+$0x87F8]  }
0x1e3: {  	[tilespmem:s25+$0x9F98] =	vst v30;
	v30 =	vmul.f32 v6, v62;
	v6 =	vld [tilespmem:s25+$0x8868]  }
0x1e4: {  	v36 =	vadd.f32 v51, v36;
	v51 =	vld [tilespmem:$0x1FF80]  }
0x1e5: {  	[tilespmem:s25+$0x9FB8] =	vst v17;
	v17 =	vld [tilespmem:s25+$0x7468]  }
0x1e6: {  	[tilespmem:s25+$0x9ED8] =	vst v46;
	v49 =	vld [tilespmem:s25+$0x73E8];
	v31 =	vadd.f32 v45, v31  }
0x1e7: {  	[tilespmem:s25+$0x9F08] =	vst v53;
	v45 =	vld [tilespmem:s25+$0x7408]  }
0x1e8: {  	v53 =	vimm.s32 $0xA;
	[tilespmem:s25+$0x9EF8] =	vst v48;
	v31 =	vmul.f32 v31, v40;
	v40 =	vadd.f32 v47, v50;
	v47 =	vld [tilespmem:s25+$0x8818]  }
0x1e9: {  	v53 =	vperm.xlane v22, v53;
	v48 =	vimm.s32 $0x9;
	[tilespmem:s25+$0x9F18] =	vst v54;
	v46 =	vadd.f32 v51, v50;
	v50 =	vld [tilespmem:$0x1FF90]  }
0x1ea: {  	v48 =	vperm.xlane v22, v48;
	[tilespmem:s25+$0x9F48] =	vst v10;
	v51 =	vadd.f32 v57, v56;
	v57 =	vld [tilespmem:$0x1FFA0]  }
0x1eb: {  	[tilespmem:s25+$0x9F28] =	vst v21;
	v11 =	vmul.f32 v11, v53;
	v16 =	vadd.f32 v16, v3;
	v3 =	vadd.f32 v29, v3;
	v32 =	vld [tilespmem:s25+$0x73F8]  }
0x1ec: {  	[tilespmem:s25+$0x9F88] =	vst v5;
	v52 =	vld [tilespmem:s25+$0x5FF8];
	v36 =	vmul.f32 v36, v44;
	v40 =	vmul.f32 v46, v40  }
0x1ed: {  	v20 =	vadd.f32 v20, v14;
	[tilespmem:s25+$0x9FA8] =	vst v1;
	v1 =	vmul.f32 v58, v53;
	v3 =	vmul.f32 v3, v16;
	v41 =	vld [tilespmem:s25+$0x8808]  }
0x1ee: {  	[tilespmem:s25+$0x9F68] =	vst v4;
	v14 =	vadd.f32 v24, v14;
	v44 =	vld [tilespmem:s25+$0x7418];
	v21 =	vmul.f32 v36, v48;
	v40 =	vmul.f32 v40, v48  }
0x1ef: {  	[tilespmem:s25+$0xA078] =	vst v11;
	v50 =	vadd.f32 v50, v56;
	v56 =	vld [tilespmem:s25+$0x6018];
	v36 =	vadd.f32 v57, v55;
	v57 =	vimm.s32 $0xB  }
0x1f0: {  	v42 =	vadd.f32 v42, v55;
	[tilespmem:s25+$0xA008] =	vst v33;
	v55 =	vmul.f32 v38, v63;
	v63 =	vperm.xlane v22, v57;
	v57 =	vld [tilespmem:s25+$0x7488]  }
0x1f1: {  	v31 =	vmul.f32 v31, v48;
	v33 =	vimm.s32 $0xC;
	[tilespmem:s25+$0xA038] =	vst v40;
	v40 =	vmul.f32 v14, v20;
	v14 =	vld [tilespmem:s25+$0x74A8]  }
0x1f2: {  	[tilespmem:s25+$0x9FC8] =	vst v0;
	v37 =	vperm.xlane v22, v33;
	v54 =	vmul.f32 v51, v50;
	v50 =	vld [tilespmem:s25+$0x8828]  }
0x1f3: {  	v2 =	vmul.f32 v2, v60;
	[tilespmem:s25+$0xA088] =	vst v1;
	v39 =	vadd.f32 v32, v34;
	v51 =	vld [tilespmem:s25+$0x6028]  }
0x1f4: {  	[tilespmem:s25+$0xA018] =	vst v31;
	v3 =	vmul.f32 v3, v37;
	v38 =	vadd.f32 v52, v34;
	v10 =	vmul.f32 v42, v36;
	v42 =	vld [tilespmem:s25+$0x8838]  }
0x1f5: {  	[tilespmem:s25+$0x9FD8] =	vst v15;
	v4 =	vmul.f32 v55, v53;
	v36 =	vadd.f32 v35, v8;
	v8 =	vadd.f32 v49, v8;
	v49 =	vld [tilespmem:s25+$0x7478]  }
0x1f6: {  	[tilespmem:s25+$0x9FE8] =	vst v27;
	v60 =	vadd.f32 v44, v47;
	v25 =	vmul.f32 v39, v38;
	v55 =	vld [tilespmem:s25+$0x6088];
	v15 =	vmul.f32 v61, v63  }
0x1f7: {  	[tilespmem:s25+$0x9FF8] =	vst v26;
	v52 =	vadd.f32 v43, v41;
	v39 =	vld [tilespmem:s25+$0x60A8];
	v2 =	vmul.f32 v2, v63;
	v5 =	vmul.f32 v30, v63  }
0x1f8: {  	[tilespmem:s25+$0xA0D8] =	vst v3;
	v34 =	vimm.s32 $0xD;
	v0 =	vmul.f32 v12, v63;
	v12 =	vld [tilespmem:s25+$0x8878];
	v46 =	vmul.f32 v54, v48  }
0x1f9: {  	[tilespmem:s25+$0xA028] =	vst v21;
	v48 =	vld [tilespmem:s25+$0x7428];
	v10 =	vmul.f32 v10, v53;
	v8 =	vmul.f32 v8, v36;
	v53 =	vadd.f32 v45, v41  }
0x1fa: {  	v61 =	vld [tilespmem:s25+$0x8898];
	v58 =	vmul.f32 v25, v37;
	v59 =	vadd.f32 v56, v47;
	[tilespmem:s25+$0xA098] =	vst v15;
	v15 =	vperm.xlane v22, v34  }
0x1fb: {  	v43 =	vadd.f32 v19, v9;
	v63 =	vld [tilespmem:s25+$0x6098];
	[tilespmem:s25+$0xA058] =	vst v10;
	v8 =	vmul.f32 v8, v37;
	v10 =	vmul.f32 v53, v52  }
0x1fc: {  	v54 =	vld [tilespmem:s25+$0x8888];
	[tilespmem:s25+$0xA068] =	vst v4;
	v11 =	vadd.f32 v51, v50;
	v33 =	vmul.f32 v60, v59;
	v23 =	vadd.f32 v23, v42  }
0x1fd: {  	v36 =	vld [tilespmem:s25+$0x7498];
	[tilespmem:s25+$0xA0B8] =	vst v5;
	v35 =	vadd.f32 v28, v42;
	v42 =	vadd.f32 v7, v9;
	v5 =	vmul.f32 v40, v15  }
0x1fe: {  	v9 =	vld [tilespmem:s25+$0x88B8];
	v10 =	vmul.f32 v10, v37;
	[tilespmem:s25+$0xA0E8] =	vst v8;
	v8 =	vadd.f32 v18, v12;
	v62 =	vadd.f32 v48, v50  }
0x1ff: {  	[tilespmem:s25+$0xA0A8] =	vst v2;
	v37 =	vld [tilespmem:s25+$0x88A8];
	v12 =	vadd.f32 v49, v12;
	v1 =	vmul.f32 v33, v15;
	v2 =	vmul.f32 v43, v42  }
0x200: {  	v45 =	vimm.s32 $0xE;
	[tilespmem:s25+$0xA048] =	vst v46;
	v48 =	vld [tilespmem:s25+$0x88C8];
	v38 =	vmul.f32 v62, v11;
	v11 =	vmul.f32 v35, v23  }
0x201: {  	v46 =	vadd.f32 v55, v54;
	[tilespmem:s25+$0xA108] =	vst v10;
	v10 =	vperm.xlane v22, v45;
	v49 =	vmul.f32 v12, v8;
	v8 =	vld [tilespmem:s25+$0x74C8]  }
0x202: {  	[tilespmem:s25+$0xA0C8] =	vst v0;
	v44 =	vmul.f32 v11, v15;
	v11 =	vadd.f32 v13, v6;
	v6 =	vadd.f32 v17, v6;
	v13 =	vld [tilespmem:s25+$0x60B8]  }
0x203: {  	[tilespmem:s25+$0xA0F8] =	vst v58;
	v47 =	vadd.f32 v57, v54;
	v50 =	vadd.f32 v63, v61;
	v41 =	vmul.f32 v38, v15;
	v15 =	vld [tilespmem:s25+$0x74B8]  }
0x204: {  	v51 =	vadd.f32 v36, v61;
	[tilespmem:s25+$0xA148] =	vst v5;
	v2 =	vmul.f32 v2, v10;
	v6 =	vmul.f32 v6, v11;
	v11 =	vld [tilespmem:s25+$0x60C8]  }
0x205: {  	[tilespmem:s25+$0xA118] =	vst v1;
	v4 =	vmul.f32 v47, v46;
	v1 =	vmul.f32 v49, v10  }
0x206: {  	v0 =	vmul.f32 v51, v50;
	v53 =	vadd.f32 v39, v37;
	v54 =	vadd.f32 v14, v37;
	[tilespmem:s25+$0xA158] =	vst v2  }
0x207: {  	v52 =	vmul.f32 v4, v10;
	[tilespmem:s25+$0xA178] =	vst v1;
	v55 =	vadd.f32 v13, v9;
	v13 =	vimm.s32 $0xF  }
0x208: {  	[tilespmem:s25+$0xA128] =	vst v41;
	v4 =	vmul.f32 v54, v53;
	v56 =	vadd.f32 v15, v9;
	v9 =	vperm.xlane v22, v13  }
0x209: {  	[tilespmem:s25+$0xA138] =	vst v44;
	v58 =	vadd.f32 v8, v48;
	v6 =	vmul.f32 v6, v10;
	v57 =	vadd.f32 v11, v48  }
0x20a: {  	p2 =	sne.s32 s31, $0x4;
	[tilespmem:s25+$0xA188] =	vst v52;
	v59 =	vmul.f32 v56, v55;
	v0 =	vmul.f32 v0, v9  }
.Ltmp2:
0x20b: {  	[tilespmem:s25+$0xA168] =	vst v6;
	v61 =	vmul.f32 v4, v9;
	v60 =	vmul.f32 v58, v57;
	(pc) =	sbr.rel @p2 .LBB2_8-.Ltmp2, $4  }
0x20c: {  	v12 =	vld [tilespmem:$0x1FFF0];
	v62 =	vmul.f32 v59, v9;
	[tilespmem:s25+$0xA198] =	vst v0  }
0x20d: {  	v10 =	vld [tilespmem:$0x1FFD0];
	[tilespmem:s25+$0xA1A8] =	vst v61;
	v63 =	vmul.f32 v60, v9  }
0x20e: {  	v11 =	vld [tilespmem:$0x1FFE0];
	[tilespmem:s25+$0xA1B8] =	vst v62  }
0x20f: {  	s31 =	sadd.s32 $0x1, s31;
	v9 =	vld [tilespmem:$0x1FFC0];
	[tilespmem:s25+$0xA1C8] =	vst v63  }
0x210: {  	s25 =	smul.u32 $0x280, s14  }
.Ltmp3:
0x211: {  	_ = 	snop;
	(pc) =	sbr.rel @p0 .LBB2_12-.Ltmp3, $4  }
0x212: {  	_ = 	snop  }
0x213: {  	s25 =	sshra.s32 s25, $0x2  }
0x214: {  	s25 =	sadd.s32 $0x320, s25  }
0x215: {  	[spmem:s4] =	stream.indirect.scatter.add.f32 [tilespmem:s18], [sflag:$0x3], $0x40, s25, s6, $0xb8;
	[tilespmem:$0x1CED8] =	vst v63  }
.Ltmp4:
0x216: {  	(pc) =	sbr.rel @p1 .LBB2_15-.Ltmp4, $2  }
0x217: {  	_ =	sdelay $0x2  }
0x218: {  	[spmem:s5] =	stream.indirect.scatter.add.f32 [tilespmem:s24], [sflag:$0x3], $0x10, s25, s6, $0xb8;
	[tilespmem:$0x1CED8] =	vst v63  }
0x219: {  	_ =	swait.ge [sflag:s26], $0x1400  }
.Ltmp5:
0x21a: {  	[sflag:s26] =	ssyncset.done $0x0;
	(pc) =	sbr.rel .LBB2_14-.Ltmp5, $4  }
0x21b: {  	[sflag:s26] =	ssyncadd.s32 $0xFFFFEC00  }
0x21c: {  	_ =	swait.ge [sflag:s26], $0x500  }
0x21d: {  	[sflag:s26] =	ssyncset.done $0x0  }
0x21e: {  	[sflag:s26] =	ssyncadd.s32 $0xFFFFFB00  }
.LBB2_12:
.Ltmp6:
0x21f: {  	(pc) =	sbr.rel @p1 .LBB2_15-.Ltmp6, $1  }
0x220: {  	_ =	sdelay $0x3  }
0x221: {  	_ =	swait.ge [sflag:s26], $0x1400  }
0x222: {  	[sflag:s26] =	ssyncset.done $0x0  }
0x223: {  	[sflag:s26] =	ssyncadd.s32 $0xFFFFEC00  }
.LBB2_14:
0x224: {  	p1 =	seq.s32 s14, $0x4  }
.Ltmp7:
0x225: {  	_ = 	snop;
	(pc) =	sbr.rel @p1 .LBB2_16-.Ltmp7, $1  }
0x226: {  	_ =	sdelay $0x3  }
.LBB2_15:
0x227: {  	s25 =	sadd.s32 $0xA0, s30  }
0x228: {  	[tilespmem:s23], [sflag:$0x1] =	stream.indirect.gather [hbm4b:s3+s6], $0x40, s25, s6, $0xb8;
	[tilespmem:$0x1CED8] =	vst v63  }
0x229: {  	s31 =	sadd.s32 $0x6E0, s30  }
0x22a: {  	[tilespmem:s8], [sflag:$0x1] =	stream.indirect.gather [hbm4b:s15+s6], $0x40, s31, s6, $0xb8;
	[tilespmem:$0x1CED8] =	vst v63  }
0x22b: {  	s31 =	sadd.s32 $0xA00, s30  }
0x22c: {  	[tilespmem:s10], [sflag:$0x1] =	stream.indirect.gather [hbm4b:s16+s6], $0x40, s31, s6, $0xb8;
	[tilespmem:$0x1CED8] =	vst v63  }
.LBB2_16:
0x22d: {  	_ =	swait.ge [sflag:s28], $0x1400  }
0x22e: {  	[sflag:s28] =	ssyncset.done $0x0  }
0x22f: {  	[sflag:s28] =	ssyncadd.s32 $0xFFFFEC00  }
0x230: {  	_ =	swait.ge [sflag:s28], $0x1400  }
0x231: {  	[sflag:s28] =	ssyncset.done $0x0  }
0x232: {  	[sflag:s28] =	ssyncadd.s32 $0xFFFFEC00  }
0x233: {  	_ =	swait.ge [sflag:s28], $0x1400  }
0x234: {  	v0 =	vmov s12;
	[sflag:s28] =	ssyncset.done $0x0  }
0x235: {  	s30 =	simm.s32 $0x0;
	[tilespmem:$0x1FC50] =	vst v0;
	[sflag:s28] =	ssyncadd.s32 $0xFFFFEC00  }
.LBB2_17:
0x236: {  	v4 =	vld [tilespmem:$0x1FC50];
	_ =	sdelay $0x6  }
0x237: {  	s25 =	sshll.u32 s30, $0x4  }
0x238: {  	v0 =	vld.idx.msk [tilespmem:v4+s25+$0x0 ss:$0x1], $0xffff;
	_ =	sdelay $0x1  }
0x239: {  	v1 =	vld.idx.msk [tilespmem:v4+s25+$0x640 ss:$0x1], $0xffff  }
0x23a: {  	v3 =	vld.idx.msk [tilespmem:v4+s25+$0x320 ss:$0x1], $0xffff;
	_ =	sdelay $0x1  }
0x23b: {  	v2 =	vsub.s32 v0, v9  }
0x23c: {  	v45 =	vld.idx.msk [tilespmem:v4+s25+$0x960 ss:$0x1], $0xffff;
	v0 =	vand.u32 $0x7, v0;
	v2 =	vand.u32 $0xFFFFFFF8, v2  }
0x23d: {  	v46 =	vsub.s32 v1, v10;
	v0 =	vor.u32 v0, v2  }
0x23e: {  	v1 =	vand.u32 $0x7, v1;
	v4 =	vand.u32 $0xFFFFFFF8, v46  }
0x23f: {  	v1 =	vor.u32 v1, v4;
	_ =	sdelay $0x1  }
0x240: {  	v2 =	vsub.s32 v45, v11;
	v3 =	vld.idx.msk [tilespmem:v3+s20+$0x0], $0xffff  }
0x241: {  	v0 =	vld.idx.msk [tilespmem:v0+s19+$0x0], $0xffff;
	_ =	sdelay $0x1  }
0x242: {  	v1 =	vld.idx.msk [tilespmem:v1+s21+$0x0], $0xffff;
	_ =	sdelay $0x1  }
0x243: {  	v2 =	vld.idx.msk [tilespmem:v2+s22+$0x0], $0xffff  }
0x244: {  	v0 =	vsub.f32 v0, v3;
	_ =	sdelay $0x1  }
0x245: {  	v0 =	vadd.f32 v1, v0;
	_ =	sdelay $0x1  }
0x246: {  	v0 =	vadd.f32 v2, v0;
	_ =	sdelay $0x1  }
0x247: {  	v47 =	vmul.f32 $1.000000010e-01, v0  }
0x248: {  	vm0 =	vgt.f32 v0, $0.0e+00  }
0x249: {  	v0 =	vsel vm0, v0, v47  }
0x24a: {  	v0 =	vmul.f32 $1.442695020e+00, v0;
	_ =	sdelay $0x1  }
0x24b: {  	(erf) = vpow2.f32 v0;
	_ =	sdelay $0x2  }
0x24c: {  	v48 =	vmov s25  }
0x24d: {  	v0 =	vshll.u32 v48, $0x4  }
0x24e: {  	v0 =	vor.u32 v12, v0;
	_ =	sdelay $0x3  }
0x24f: {  	v22 =	vpop (erf)  }
0x250: {  	s31 =	sshll.u32 s30, $0xA;
	[tilespmem:v0+s1+$0x0] =	vst.idx.msk $0xffff, v22  }
0x251: {  	v4 =	vld [tilespmem:s31+$0xD9D8]  }
0x252: {  	v15 =	vld [tilespmem:s31+$0xB1D8]  }
0x253: {  	v13 =	vld [tilespmem:s31+$0xC5D8]  }
0x254: {  	v16 =	vld [tilespmem:s31+$0xD9E8]  }
0x255: {  	v17 =	vld [tilespmem:s31+$0xB1E8]  }
0x256: {  	v21 =	vld [tilespmem:s31+$0xC5E8]  }
0x257: {  	v26 =	vld [tilespmem:s31+$0xD9F8]  }
0x258: {  	v31 =	vld [tilespmem:s31+$0xB1F8]  }
0x259: {  	v33 =	vld [tilespmem:s31+$0xC5F8]  }
0x25a: {  	v36 =	vld [tilespmem:s31+$0xDA08]  }
0x25b: {  	v50 =	vld [tilespmem:s31+$0xB208]  }
0x25c: {  	v56 =	vld [tilespmem:s31+$0xC608]  }
0x25d: {  	v0 =	vld [tilespmem:s31+$0xDA18]  }
0x25e: {  	v20 =	vld [tilespmem:s31+$0xB218]  }
0x25f: {  	v25 =	vld [tilespmem:s31+$0xC618]  }
0x260: {  	v1 =	vld [tilespmem:s31+$0xDA28]  }
0x261: {  	v27 =	vld [tilespmem:s31+$0xB228]  }
0x262: {  	v28 =	vld [tilespmem:s31+$0xC628]  }
0x263: {  	v2 =	vld [tilespmem:s31+$0xDA38]  }
0x264: {  	v30 =	vld [tilespmem:s31+$0xB238]  }
0x265: {  	v29 =	vld [tilespmem:s31+$0xC638]  }
0x266: {  	v3 =	vld [tilespmem:s31+$0xDA48]  }
0x267: {  	v32 =	vld [tilespmem:s31+$0xB248]  }
0x268: {  	v34 =	vld [tilespmem:s31+$0xC648]  }
0x269: {  	v5 =	vld [tilespmem:s31+$0xDA58]  }
0x26a: {  	v41 =	vld [tilespmem:s31+$0xB258]  }
0x26b: {  	v43 =	vld [tilespmem:s31+$0xC658]  }
0x26c: {  	v6 =	vld [tilespmem:s31+$0xDA68]  }
0x26d: {  	v44 =	vld [tilespmem:s31+$0xB268]  }
0x26e: {  	v45 =	vld [tilespmem:s31+$0xC668]  }
0x26f: {  	v7 =	vld [tilespmem:s31+$0xDA78]  }
0x270: {  	v47 =	vld [tilespmem:s31+$0xB278]  }
0x271: {  	v46 =	vld [tilespmem:s31+$0xC678]  }
0x272: {  	v8 =	vld [tilespmem:s31+$0xDA88]  }
0x273: {  	v48 =	vld [tilespmem:s31+$0xB288]  }
0x274: {  	v51 =	vld [tilespmem:s31+$0xC688]  }
0x275: {  	v63 =	vld [tilespmem:s31+$0xDA98]  }
0x276: {  	v54 =	vld [tilespmem:s31+$0xB298]  }
0x277: {  	v55 =	vld [tilespmem:s31+$0xC698]  }
0x278: {  	v40 =	vld [tilespmem:s31+$0xDAA8]  }
0x279: {  	v58 =	vld [tilespmem:s31+$0xB2A8]  }
0x27a: {  	v57 =	vld [tilespmem:s31+$0xC6A8]  }
0x27b: {  	v42 =	vld [tilespmem:s31+$0xDAB8]  }
0x27c: {  	v9 =	vld [tilespmem:s31+$0xB2B8]  }
0x27d: {  	v62 =	vld [tilespmem:s31+$0xC6B8]  }
0x27e: {  	v61 =	vld [tilespmem:s31+$0xDAC8]  }
0x27f: {  	v38 =	vld [tilespmem:s31+$0xDAD8]  }
0x280: {  	v14 =	vld [tilespmem:s31+$0xDAE8]  }
0x281: {  	v10 =	vld [tilespmem:s31+$0xDAF8]  }
0x282: {  	v18 =	vld [tilespmem:s31+$0xDB08]  }
0x283: {  	v11 =	vld [tilespmem:s31+$0xB318]  }
0x284: {  	v19 =	vld [tilespmem:s31+$0xDB28]  }
0x285: {  	v12 =	vld [tilespmem:s31+$0xB338]  }
0x286: {  	v23 =	vld [tilespmem:s31+$0xB348]  }
0x287: {  	v49 =	vld [tilespmem:s31+$0xC748]  }
0x288: {  	v24 =	vld [tilespmem:s31+$0xB358]  }
0x289: {  	v52 =	vld [tilespmem:s31+$0xC758]  }
0x28a: {  	v35 =	vld [tilespmem:s31+$0xB368]  }
0x28b: {  	v53 =	vld [tilespmem:s31+$0xC768]  }
0x28c: {  	v60 =	vld [tilespmem:s31+$0xDB78]  }
0x28d: {  	v59 =	vld [tilespmem:s31+$0xB378]  }
0x28e: {  	[tilespmem:$0x1F910] =	vst v9;
	v9 =	vld [tilespmem:s31+$0xB2C8]  }
0x28f: {  	v37 =	vld [tilespmem:s31+$0xC778]  }
0x290: {  	v39 =	vld [tilespmem:s31+$0xB388]  }
0x291: {  	[tilespmem:$0x1F9C0] =	vst v11;
	v11 =	vld [tilespmem:s31+$0xC718]  }
0x292: {  	[tilespmem:$0x1FA00] =	vst v12;
	v12 =	vld [tilespmem:s31+$0xC738]  }
0x293: {  	[tilespmem:$0x1F920] =	vst v9;
	v9 =	vld [tilespmem:s31+$0xC6C8]  }
0x294: {  	[tilespmem:$0x1FA20] =	vst v23;
	v23 =	vld [tilespmem:s31+$0xDB58]  }
0x295: {  	[tilespmem:$0x1FA40] =	vst v24;
	v24 =	vld [tilespmem:s31+$0xDB68]  }
0x296: {  	[tilespmem:$0x1FA80] =	vst v59;
	v59 =	vld [tilespmem:s31+$0xDB88]  }
0x297: {  	[tilespmem:$0x1FA30] =	vst v49;
	v49 =	vld [tilespmem:s31+$0xC788]  }
0x298: {  	[tilespmem:$0x1F930] =	vst v9;
	v9 =	vld [tilespmem:s31+$0xB2D8]  }
0x299: {  	[tilespmem:$0x1FA50] =	vst v52;
	v52 =	vld [tilespmem:s31+$0xB398]  }
0x29a: {  	[tilespmem:$0x1FA70] =	vst v53;
	v53 =	vld [tilespmem:s31+$0xC798]  }
0x29b: {  	[tilespmem:$0x1FAA0] =	vst v39;
	v39 =	vld [tilespmem:s31+$0xDBA8]  }
0x29c: {  	[tilespmem:$0x1FA90] =	vst v37;
	v37 =	vld [tilespmem:s31+$0xB3A8]  }
0x29d: {  	[tilespmem:$0x1F940] =	vst v9;
	v9 =	vld [tilespmem:s31+$0xC6D8]  }
0x29e: {  	v15 =	vadd.f32 v15, v4;
	v4 =	vadd.f32 v13, v4;
	v13 =	vld [tilespmem:s31+$0xB3E8]  }
0x29f: {  	[tilespmem:$0x1FA60] =	vst v35;
	v35 =	vld [tilespmem:s31+$0xDBB8]  }
0x2a0: {  	v4 =	vmul.f32 v4, v15;
	v15 =	vadd.f32 v31, v26;
	v31 =	vadd.f32 v56, v36;
	v56 =	vld [tilespmem:s31+$0xB3F8];
	[tilespmem:$0x1F9D0] =	vst v11  }
0x2a1: {  	v11 =	vld [tilespmem:s31+$0xB328];
	[tilespmem:$0x1FA10] =	vst v12  }
0x2a2: {  	[tilespmem:$0x1F950] =	vst v9;
	v9 =	vld [tilespmem:s31+$0xB2E8]  }
0x2a3: {  	[tilespmem:$0x1FB70] =	vst v13;
	v13 =	vadd.f32 v17, v16;
	v16 =	vadd.f32 v21, v16;
	v21 =	vld [tilespmem:s31+$0xC7E8]  }
0x2a4: {  	v12 =	vld [tilespmem:s31+$0xDB48];
	[tilespmem:$0x1FAB0] =	vst v49  }
0x2a5: {  	v49 =	vld [tilespmem:s31+$0xDB98];
	[tilespmem:$0x1FAC0] =	vst v52  }
0x2a6: {  	[tilespmem:$0x1FAF0] =	vst v37;
	v52 =	vld [tilespmem:s31+$0xC7A8]  }
0x2a7: {  	v32 =	vadd.f32 v32, v3;
	v3 =	vadd.f32 v34, v3;
	[tilespmem:$0x1F960] =	vst v9;
	v9 =	vld [tilespmem:s31+$0xC6E8]  }
0x2a8: {  	v37 =	vld [tilespmem:s31+$0xB3B8];
	v17 =	vadd.f32 v33, v26;
	[tilespmem:$0x1FB80] =	vst v21;
	v21 =	vadd.f32 v50, v36;
	v50 =	vimm.s32 $0x0  }
0x2a9: {  	v20 =	vadd.f32 v20, v0;
	v3 =	vmul.f32 v3, v32;
	[tilespmem:$0x1FAE0] =	vst v53;
	v53 =	vld [tilespmem:s31+$0xC7B8];
	v36 =	vperm.xlane v22, v50  }
0x2aa: {  	v25 =	vadd.f32 v25, v0;
	v26 =	vld [tilespmem:s31+$0xDBF8];
	v13 =	vmul.f32 v16, v13;
	v15 =	vmul.f32 v17, v15  }
0x2ab: {  	v34 =	vimm.s32 $0x1;
	v33 =	vld [tilespmem:s31+$0xDC08];
	[tilespmem:$0x1FB90] =	vst v56;
	v56 =	vmul.f32 v31, v21;
	v4 =	vmul.f32 v4, v36  }
0x2ac: {  	v17 =	vadd.f32 v44, v6;
	v16 =	vmul.f32 v13, v36;
	v21 =	vmul.f32 v15, v36;
	[tilespmem:$0x1F970] =	vst v9;
	v9 =	vld [tilespmem:s31+$0xB2F8]  }
0x2ad: {  	[tilespmem:$0x1F9E0] =	vst v11;
	v11 =	vld [tilespmem:s31+$0xC728];
	v13 =	vadd.f32 v27, v1;
	v1 =	vadd.f32 v28, v1;
	v15 =	vmul.f32 v25, v20  }
0x2ae: {  	v20 =	vadd.f32 v45, v6;
	v28 =	vld [tilespmem:s31+$0xC828];
	v36 =	vmul.f32 v56, v36;
	v56 =	vadd.f32 v30, v2  }
0x2af: {  	[tilespmem:$0x1FB10] =	vst v37;
	v37 =	vld [tilespmem:s31+$0xDBC8];
	v1 =	vmul.f32 v1, v13;
	v13 =	vadd.f32 v41, v5;
	v5 =	vadd.f32 v43, v5  }
0x2b0: {  	v44 =	vimm.s32 $0x2;
	v45 =	vld [tilespmem:s31+$0xB438];
	v43 =	vadd.f32 v48, v8;
	v8 =	vadd.f32 v51, v8  }
0x2b1: {  	v2 =	vadd.f32 v29, v2;
	v29 =	vmul.f32 v5, v13;
	v13 =	vperm.xlane v22, v44;
	[tilespmem:$0x1F980] =	vst v9;
	v9 =	vld [tilespmem:s31+$0xC6F8]  }
0x2b2: {  	v27 =	vperm.xlane v22, v34;
	v34 =	vadd.f32 v47, v7;
	v47 =	vld [tilespmem:s31+$0xC838];
	v48 =	vmul.f32 v8, v43  }
0x2b3: {  	[tilespmem:$0x1FC00] =	vst v28;
	v28 =	vadd.f32 v58, v40;
	v8 =	vmul.f32 v29, v13;
	v29 =	vadd.f32 v57, v40;
	v40 =	vld [tilespmem:$0x1F910]  }
0x2b4: {  	v41 =	vadd.f32 v46, v7;
	v32 =	vmul.f32 v1, v27;
	v1 =	vmul.f32 v20, v17;
	v20 =	vld [tilespmem:s31+$0xB448]  }
0x2b5: {  	[tilespmem:$0x1FB00] =	vst v52;
	v17 =	vmul.f32 v48, v13;
	v48 =	vld [tilespmem:s31+$0xB458]  }
0x2b6: {  	v55 =	vadd.f32 v55, v63;
	v2 =	vmul.f32 v2, v56;
	v46 =	vmul.f32 v41, v34;
	[tilespmem:$0x1F990] =	vst v9;
	v9 =	vld [tilespmem:s31+$0xB308]  }
0x2b7: {  	v30 =	vmul.f32 v15, v27;
	v51 =	vadd.f32 v54, v63;
	v44 =	vadd.f32 v62, v42;
	[tilespmem:$0x1FC10] =	vst v45;
	v45 =	vld [tilespmem:$0x1F920]  }
0x2b8: {  	v25 =	vmul.f32 v2, v27;
	[tilespmem:$0x1FC20] =	vst v47;
	v41 =	vmul.f32 v46, v13;
	v46 =	vld [tilespmem:$0x1F930];
	v43 =	vadd.f32 v40, v42  }
0x2b9: {  	v52 =	vld [tilespmem:s31+$0xB3C8];
	v27 =	vmul.f32 v3, v27;
	v3 =	vmul.f32 v55, v51;
	v47 =	vimm.s32 $0x3;
	[tilespmem:$0x1FC30] =	vst v20  }
0x2ba: {  	v20 =	vperm.xlane v22, v47;
	[tilespmem:$0x1FC40] =	vst v48;
	v51 =	vmul.f32 v44, v43;
	v48 =	vld [tilespmem:$0x1F960]  }
0x2bb: {  	[tilespmem:$0x1F9A0] =	vst v9;
	v9 =	vld [tilespmem:s31+$0xC708]  }
0x2bc: {  	v34 =	vmul.f32 v1, v13;
	v13 =	vadd.f32 v45, v61;
	v45 =	vmul.f32 v51, v20;
	v51 =	vld [tilespmem:$0x1F970]  }
0x2bd: {  	[tilespmem:$0x1FB20] =	vst v53;
	v53 =	vld [tilespmem:s31+$0xB3D8];
	v15 =	vadd.f32 v46, v61  }
0x2be: {  	v7 =	vld [tilespmem:$0x1F940];
	v2 =	vmul.f32 v29, v28  }
0x2bf: {  	v29 =	vld [tilespmem:$0x1F950];
	v54 =	vmul.f32 v15, v13  }
0x2c0: {  	v44 =	vmul.f32 v2, v20;
	v47 =	vld [tilespmem:$0x1F9A0];
	[tilespmem:$0x1F9B0] =	vst v9  }
0x2c1: {  	v46 =	vmul.f32 v54, v20;
	v2 =	vadd.f32 v48, v14;
	v54 =	vadd.f32 v51, v14;
	v48 =	vld [tilespmem:$0x1F9B0]  }
0x2c2: {  	v57 =	vld [tilespmem:$0x1F980]  }
0x2c3: {  	v2 =	vmul.f32 v54, v2;
	v54 =	vld [tilespmem:$0x1F9C0]  }
0x2c4: {  	v28 =	vadd.f32 v7, v38;
	v7 =	vld [tilespmem:$0x1F990]  }
0x2c5: {  	v38 =	vadd.f32 v29, v38;
	v9 =	vld [tilespmem:s31+$0xDB18]  }
0x2c6: {  	v50 =	vld [tilespmem:s31+$0xC7F8];
	v13 =	vadd.f32 v47, v18;
	v15 =	vadd.f32 v48, v18  }
0x2c7: {  	v31 =	vld [tilespmem:s31+$0xB408];
	v43 =	vmul.f32 v3, v20;
	v3 =	vmul.f32 v38, v28;
	v51 =	vimm.s32 $0x4  }
0x2c8: {  	[tilespmem:$0x1F9F0] =	vst v11;
	v28 =	vperm.xlane v22, v51;
	v62 =	vadd.f32 v57, v10;
	v57 =	vld [tilespmem:$0x1F9D0];
	v6 =	vmul.f32 v15, v13  }
0x2c9: {  	v20 =	vadd.f32 v7, v10;
	v18 =	vld [tilespmem:$0x1F9F0]  }
0x2ca: {  	v47 =	vmul.f32 v3, v28;
	v3 =	vadd.f32 v54, v9;
	v54 =	vmul.f32 v6, v28;
	v6 =	vld [tilespmem:$0x1F9E0]  }
0x2cb: {  	v11 =	vld [tilespmem:s31+$0xDB38]  }
0x2cc: {  	[tilespmem:$0x1FB30] =	vst v52;
	v52 =	vld [tilespmem:s31+$0xC7C8];
	v5 =	vmul.f32 v20, v62  }
0x2cd: {  	[tilespmem:$0x1FB50] =	vst v53;
	v53 =	vld [tilespmem:s31+$0xC7D8]  }
0x2ce: {  	v51 =	vmul.f32 v5, v28;
	v62 =	vadd.f32 v57, v9;
	v57 =	vld [tilespmem:$0x1FA10]  }
0x2cf: {  	v48 =	vmul.f32 v2, v28;
	v5 =	vadd.f32 v18, v19;
	v2 =	vadd.f32 v6, v19;
	v19 =	vld [tilespmem:$0x1FA00]  }
0x2d0: {  	v3 =	vmul.f32 v62, v3;
	v62 =	vld [tilespmem:$0x1FA20]  }
0x2d1: {  	v63 =	vld [tilespmem:s31+$0xC848]  }
0x2d2: {  	[tilespmem:$0x1FBA0] =	vst v50;
	v50 =	vld [tilespmem:s31+$0xC808]  }
0x2d3: {  	v18 =	vld [tilespmem:$0x1FA30]  }
0x2d4: {  	[tilespmem:$0x1FAD0] =	vst v36;
	v36 =	vld [tilespmem:s31+$0xB418];
	v7 =	vadd.f32 v57, v11;
	v6 =	vadd.f32 v19, v11  }
0x2d5: {  	v9 =	vadd.f32 v62, v12;
	v62 =	vld [tilespmem:$0x1FA40]  }
0x2d6: {  	v7 =	vmul.f32 v7, v6;
	v6 =	vld [tilespmem:$0x1FA50]  }
0x2d7: {  	v56 =	vld [tilespmem:s31+$0xB428];
	v57 =	vimm.s32 $0x5  }
0x2d8: {  	[tilespmem:$0x1FBB0] =	vst v31;
	v31 =	vld [tilespmem:s31+$0xDC18];
	v11 =	vadd.f32 v18, v12;
	v12 =	vperm.xlane v22, v57  }
0x2d9: {  	v55 =	vld [tilespmem:s31+$0xDC58];
	v5 =	vmul.f32 v5, v2  }
0x2da: {  	v58 =	vld [tilespmem:s31+$0xDC68];
	v9 =	vmul.f32 v11, v9;
	v57 =	vmul.f32 v3, v12  }
0x2db: {  	v3 =	vadd.f32 v62, v23;
	v11 =	vadd.f32 v6, v23;
	v23 =	vmul.f32 v5, v12;
	v5 =	vld [tilespmem:$0x1FA70]  }
0x2dc: {  	[tilespmem:$0x1FB40] =	vst v52;
	v52 =	vld [tilespmem:s31+$0xDBD8]  }
0x2dd: {  	[tilespmem:$0x1FB60] =	vst v53;
	v53 =	vld [tilespmem:s31+$0xDBE8]  }
0x2de: {  	[tilespmem:$0x1FBC0] =	vst v50;
	v50 =	vld [tilespmem:s31+$0xC818]  }
0x2df: {  	[tilespmem:$0x1FBD0] =	vst v36;
	v36 =	vld [tilespmem:s31+$0xDC28]  }
0x2e0: {  	v62 =	vmul.f32 v7, v12;
	v9 =	vmul.f32 v9, v12;
	v12 =	vadd.f32 v5, v24;
	v5 =	vld [tilespmem:$0x1FA80]  }
0x2e1: {  	[tilespmem:$0x1FBF0] =	vst v56;
	v56 =	vld [tilespmem:s31+$0xDC48]  }
0x2e2: {  	v42 =	vld [tilespmem:s31+$0xC858]  }
0x2e3: {  	v61 =	vld [tilespmem:s31+$0xB468]  }
0x2e4: {  	v40 =	vld [tilespmem:s31+$0xC868]  }
0x2e5: {  	v13 =	vmul.f32 v11, v3;
	v11 =	vadd.f32 v5, v60;
	v5 =	vld [tilespmem:$0x1FA90]  }
0x2e6: {  	v29 =	vld [tilespmem:s31+$0xC878]  }
0x2e7: {  	v38 =	vld [tilespmem:s31+$0xB478]  }
0x2e8: {  	v14 =	vld [tilespmem:s31+$0xDC78]  }
0x2e9: {  	[tilespmem:s31+$0xF2D8] =	vst v4;
	v4 =	vld [tilespmem:$0x1FAA0]  }
0x2ea: {  	v60 =	vadd.f32 v5, v60;
	v5 =	vld [tilespmem:$0x1FAB0]  }
0x2eb: {  	[tilespmem:$0x1FBE0] =	vst v50;
	v50 =	vld [tilespmem:s31+$0xDC38]  }
0x2ec: {  	v11 =	vmul.f32 v60, v11;
	v60 =	vld [tilespmem:$0x1FAC0]  }
0x2ed: {  	v38 =	vadd.f32 v38, v14;
	v14 =	vadd.f32 v29, v14;
	v29 =	vld [tilespmem:s31+$0xB538]  }
0x2ee: {  	v10 =	vld [tilespmem:s31+$0xC898]  }
0x2ef: {  	v20 =	vld [tilespmem:s31+$0xDC88];
	v4 =	vadd.f32 v4, v59;
	v1 =	vadd.f32 v5, v59  }
0x2f0: {  	[tilespmem:s31+$0xF318] =	vst v30;
	v30 =	vld [tilespmem:$0x1FB00]  }
0x2f1: {  	v1 =	vmul.f32 v1, v4;
	v4 =	vadd.f32 v60, v49;
	v60 =	vld [tilespmem:$0x1FAD0]  }
0x2f2: {  	[tilespmem:s31+$0xF2E8] =	vst v16;
	v7 =	vld [tilespmem:$0x1FA60]  }
0x2f3: {  	[tilespmem:s31+$0xF338] =	vst v25;
	v25 =	vld [tilespmem:$0x1FB30]  }
0x2f4: {  	[tilespmem:s31+$0xF358] =	vst v8;
	v8 =	vld [tilespmem:$0x1FB50]  }
0x2f5: {  	[tilespmem:s31+$0xF3B8] =	vst v45;
	v45 =	vld [tilespmem:$0x1FBD0]  }
0x2f6: {  	[tilespmem:s31+$0xF308] =	vst v60;
	v60 =	vld [tilespmem:$0x1FAE0]  }
0x2f7: {  	[tilespmem:s31+$0xF3F8] =	vst v51;
	v51 =	vld [tilespmem:$0x1FC30];
	v7 =	vadd.f32 v7, v24  }
0x2f8: {  	[tilespmem:s31+$0xF3A8] =	vst v44;
	v44 =	vld [tilespmem:$0x1FBE0];
	v59 =	vimm.s32 $0x6  }
0x2f9: {  	[tilespmem:s31+$0xF3C8] =	vst v46;
	v46 =	vld [tilespmem:s31+$0xC908];
	v16 =	vmul.f32 v12, v7;
	v0 =	vperm.xlane v22, v59  }
0x2fa: {  	[tilespmem:s31+$0xF3D8] =	vst v47;
	v47 =	vld [tilespmem:$0x1FC10]  }
0x2fb: {  	v49 =	vadd.f32 v60, v49;
	v60 =	vmul.f32 v16, v0;
	v16 =	vld [tilespmem:$0x1FAF0]  }
0x2fc: {  	v63 =	vadd.f32 v63, v56;
	v51 =	vadd.f32 v51, v56;
	v56 =	vld [tilespmem:s31+$0xB518]  }
0x2fd: {  	v15 =	vld [tilespmem:s31+$0xB488]  }
0x2fe: {  	[tilespmem:s31+$0xF3E8] =	vst v48;
	v48 =	vld [tilespmem:$0x1FC20]  }
0x2ff: {  	[tilespmem:s31+$0xF328] =	vst v32;
	v32 =	vmul.f32 v49, v4;
	v4 =	vld [tilespmem:$0x1FB10]  }
0x300: {  	v5 =	vmul.f32 v1, v0;
	v1 =	vadd.f32 v16, v39;
	v16 =	vld [tilespmem:$0x1FB20]  }
0x301: {  	v28 =	vld [tilespmem:s31+$0xC888]  }
0x302: {  	v63 =	vmul.f32 v63, v51;
	v51 =	vld [tilespmem:s31+$0xDD28]  }
0x303: {  	v19 =	vld [tilespmem:s31+$0xDC98]  }
0x304: {  	v18 =	vld [tilespmem:s31+$0xB498]  }
0x305: {  	v49 =	vadd.f32 v4, v35;
	v35 =	vadd.f32 v16, v35;
	v16 =	vld [tilespmem:$0x1FB40]  }
0x306: {  	v15 =	vadd.f32 v15, v20;
	v20 =	vadd.f32 v28, v20;
	v28 =	vld [tilespmem:s31+$0xC938]  }
0x307: {  	v2 =	vld [tilespmem:s31+$0xDCA8]  }
0x308: {  	v25 =	vadd.f32 v25, v37;
	[tilespmem:s31+$0xF408] =	vst v54;
	v54 =	vimm.s32 $0xA;
	v15 =	vmul.f32 v20, v15;
	v20 =	vld [tilespmem:s31+$0xB548]  }
0x309: {  	[tilespmem:s31+$0xF418] =	vst v57;
	v57 =	vadd.f32 v61, v58;
	v61 =	vperm.xlane v22, v54;
	v54 =	vld [tilespmem:s31+$0xDD88];
	v18 =	vadd.f32 v18, v19  }
0x30a: {  	v10 =	vadd.f32 v10, v19;
	v19 =	vld [tilespmem:s31+$0xC948];
	v37 =	vadd.f32 v16, v37  }
0x30b: {  	v6 =	vld [tilespmem:s31+$0xB4A8]  }
0x30c: {  	v10 =	vmul.f32 v10, v18;
	v25 =	vmul.f32 v37, v25;
	v37 =	vld [tilespmem:$0x1FB60]  }
0x30d: {  	[tilespmem:s31+$0xF2F8] =	vst v21;
	v24 =	vld [tilespmem:s31+$0xC8A8];
	v21 =	vmul.f32 v13, v0;
	v11 =	vmul.f32 v11, v0;
	v16 =	vimm.s32 $0x7  }
0x30e: {  	v18 =	vld [tilespmem:s31+$0xB578];
	v49 =	vmul.f32 v35, v49;
	v0 =	vperm.xlane v22, v16  }
0x30f: {  	v3 =	vld [tilespmem:s31+$0xDCB8]  }
0x310: {  	[tilespmem:s31+$0xF348] =	vst v27;
	v30 =	vadd.f32 v30, v39;
	v27 =	vmul.f32 v49, v0;
	v49 =	vld [tilespmem:$0x1FB70]  }
0x311: {  	[tilespmem:s31+$0xF368] =	vst v34;
	v35 =	vadd.f32 v8, v52;
	v34 =	vadd.f32 v37, v52;
	v52 =	vld [tilespmem:$0x1FB80]  }
0x312: {  	v6 =	vadd.f32 v6, v2;
	v7 =	vld [tilespmem:s31+$0xC8B8];
	v2 =	vadd.f32 v24, v2  }
0x313: {  	v12 =	vld [tilespmem:s31+$0xDCC8];
	v1 =	vmul.f32 v30, v1  }
0x314: {  	v2 =	vmul.f32 v2, v6;
	v6 =	vld [tilespmem:s31+$0xDD68]  }
0x315: {  	v59 =	vld [tilespmem:s31+$0xB4B8];
	v32 =	vmul.f32 v32, v0;
	v1 =	vmul.f32 v1, v0  }
0x316: {  	[tilespmem:s31+$0xF378] =	vst v41;
	v0 =	vmul.f32 v25, v0;
	v25 =	vadd.f32 v49, v53;
	v41 =	vadd.f32 v52, v53;
	v53 =	vld [tilespmem:$0x1FB90]  }
0x317: {  	v52 =	vld [tilespmem:$0x1FBA0]  }
0x318: {  	v13 =	vld [tilespmem:s31+$0xB4C8]  }
0x319: {  	v39 =	vld [tilespmem:s31+$0xC8C8]  }
0x31a: {  	[tilespmem:s31+$0xF478] =	vst v11;
	v11 =	vmul.f32 v14, v38;
	v14 =	vld [tilespmem:s31+$0xDD48]  }
0x31b: {  	[tilespmem:s31+$0xF388] =	vst v17;
	v17 =	vmul.f32 v34, v35;
	v34 =	vadd.f32 v53, v26;
	v53 =	vld [tilespmem:$0x1FBB0]  }
0x31c: {  	v26 =	vadd.f32 v52, v26;
	v52 =	vld [tilespmem:$0x1FBC0]  }
0x31d: {  	[tilespmem:s31+$0xF458] =	vst v21;
	v21 =	vld [tilespmem:s31+$0xC958]  }
0x31e: {  	v13 =	vadd.f32 v13, v12;
	v4 =	vld [tilespmem:s31+$0xDCD8];
	v12 =	vadd.f32 v39, v12  }
0x31f: {  	v30 =	vld [tilespmem:s31+$0xC8D8]  }
0x320: {  	v8 =	vld [tilespmem:s31+$0xDCE8];
	v12 =	vmul.f32 v12, v13;
	[tilespmem:s31+$0xF4A8] =	vst v1;
	v1 =	vmul.f32 v15, v61  }
0x321: {  	[tilespmem:s31+$0xF398] =	vst v43;
	v13 =	vld [tilespmem:s31+$0xB568];
	v43 =	vadd.f32 v53, v33;
	v33 =	vadd.f32 v52, v33;
	v52 =	vimm.s32 $0x8  }
0x322: {  	v16 =	vld [tilespmem:s31+$0xB4D8];
	v25 =	vmul.f32 v41, v25;
	v52 =	vperm.xlane v22, v52  }
0x323: {  	v15 =	vld [tilespmem:s31+$0xDD58];
	v26 =	vmul.f32 v26, v34;
	v33 =	vmul.f32 v33, v43  }
0x324: {  	v37 =	vld [tilespmem:s31+$0xB4E8];
	v17 =	vmul.f32 v17, v52;
	v25 =	vmul.f32 v25, v52  }
0x325: {  	v26 =	vmul.f32 v26, v52;
	v33 =	vmul.f32 v33, v52;
	v52 =	vld [tilespmem:$0x1FBF0]  }
0x326: {  	v42 =	vadd.f32 v42, v55;
	v49 =	vld [tilespmem:s31+$0xC8E8]  }
0x327: {  	v35 =	vld [tilespmem:s31+$0xDCF8];
	v41 =	vadd.f32 v45, v31;
	v31 =	vadd.f32 v44, v31  }
0x328: {  	v40 =	vadd.f32 v40, v58;
	[tilespmem:s31+$0xF4B8] =	vst v27;
	v27 =	vadd.f32 v59, v3;
	v44 =	vld [tilespmem:s31+$0xB508]  }
0x329: {  	v31 =	vmul.f32 v31, v41;
	v41 =	vadd.f32 v47, v50;
	v47 =	vadd.f32 v48, v50;
	v48 =	vld [tilespmem:s31+$0xDD18]  }
0x32a: {  	v3 =	vadd.f32 v7, v3;
	v45 =	vadd.f32 v52, v36;
	v52 =	vld [tilespmem:$0x1FC00]  }
0x32b: {  	[tilespmem:s31+$0xF438] =	vst v62;
	v16 =	vadd.f32 v16, v4;
	v4 =	vadd.f32 v30, v4;
	v53 =	vld [tilespmem:s31+$0xB4F8]  }
0x32c: {  	[tilespmem:s31+$0xF448] =	vst v9;
	v37 =	vadd.f32 v37, v8;
	v8 =	vadd.f32 v49, v8;
	v43 =	vld [tilespmem:s31+$0xDD08]  }
0x32d: {  	[tilespmem:s31+$0xF428] =	vst v23;
	v11 =	vmul.f32 v11, v61;
	v20 =	vadd.f32 v20, v14;
	v7 =	vld [tilespmem:s31+$0xB558];
	v3 =	vmul.f32 v3, v27  }
0x32e: {  	[tilespmem:s31+$0xF488] =	vst v5;
	v14 =	vadd.f32 v19, v14;
	v4 =	vmul.f32 v4, v16;
	v8 =	vmul.f32 v8, v37;
	v37 =	vld [tilespmem:s31+$0xC998]  }
0x32f: {  	[tilespmem:s31+$0xF578] =	vst v11;
	v41 =	vmul.f32 v47, v41;
	v34 =	vld [tilespmem:s31+$0xC8F8];
	v36 =	vadd.f32 v52, v36;
	v52 =	vimm.s32 $0x9  }
0x330: {  	[tilespmem:s31+$0xF468] =	vst v60;
	v59 =	vadd.f32 v56, v48;
	v39 =	vadd.f32 v53, v35;
	v50 =	vperm.xlane v22, v52;
	v52 =	vld [tilespmem:$0x1FC40]  }
0x331: {  	[tilespmem:s31+$0xF498] =	vst v32;
	v49 =	vadd.f32 v44, v43;
	v53 =	vadd.f32 v46, v43;
	v36 =	vmul.f32 v36, v45;
	v45 =	vld [tilespmem:s31+$0xC918]  }
0x332: {  	[tilespmem:s31+$0xF4D8] =	vst v17;
	v17 =	vld [tilespmem:s31+$0xC968];
	v41 =	vmul.f32 v41, v50;
	v47 =	vmul.f32 v63, v50;
	v63 =	vimm.s32 $0xB  }
0x333: {  	[tilespmem:s31+$0xF4F8] =	vst v26;
	v26 =	vld [tilespmem:s31+$0xC978];
	v43 =	vadd.f32 v7, v15;
	v31 =	vmul.f32 v31, v50;
	v32 =	vperm.xlane v22, v63  }
0x334: {  	v44 =	vadd.f32 v21, v15;
	v15 =	vld [tilespmem:s31+$0xDDB8];
	v23 =	vmul.f32 v36, v50;
	[tilespmem:s31+$0xF538] =	vst v41;
	v41 =	vmul.f32 v14, v20  }
0x335: {  	[tilespmem:s31+$0xF4C8] =	vst v0;
	v50 =	vld [tilespmem:s31+$0xC928];
	v36 =	vadd.f32 v52, v55;
	v10 =	vmul.f32 v10, v32;
	v2 =	vmul.f32 v2, v32  }
0x336: {  	[tilespmem:s31+$0xF588] =	vst v1;
	v52 =	vld [tilespmem:s31+$0xB528];
	v3 =	vmul.f32 v3, v32;
	v0 =	vmul.f32 v12, v32;
	v60 =	vadd.f32 v45, v48  }
0x337: {  	[tilespmem:s31+$0xF508] =	vst v33;
	v63 =	vld [tilespmem:s31+$0xB598];
	v9 =	vmul.f32 v42, v36;
	v36 =	vmul.f32 v40, v57;
	v40 =	vadd.f32 v34, v35  }
0x338: {  	v42 =	vld [tilespmem:s31+$0xDD38];
	v35 =	vimm.s32 $0xD;
	[tilespmem:s31+$0xF5A8] =	vst v2;
	v2 =	vmul.f32 v44, v43;
	v33 =	vmul.f32 v60, v59  }
0x339: {  	v12 =	vld [tilespmem:s31+$0xDD78];
	[tilespmem:s31+$0xF598] =	vst v10;
	v10 =	vperm.xlane v22, v35;
	v9 =	vmul.f32 v9, v61  }
0x33a: {  	v55 =	vld [tilespmem:s31+$0xB588];
	[tilespmem:s31+$0xF5B8] =	vst v3;
	v62 =	vmul.f32 v36, v61;
	v36 =	vimm.s32 $0xC;
	v24 =	vmul.f32 v40, v39  }
0x33b: {  	v57 =	vld [tilespmem:s31+$0xC988];
	v38 =	vperm.xlane v22, v36;
	v11 =	vadd.f32 v52, v51;
	v1 =	vmul.f32 v33, v10;
	[tilespmem:s31+$0xF558] =	vst v9  }
0x33c: {  	v14 =	vld [tilespmem:s31+$0xC9A8];
	v3 =	vmul.f32 v41, v10;
	v9 =	vmul.f32 v53, v49;
	[tilespmem:s31+$0xF568] =	vst v62;
	v62 =	vadd.f32 v50, v51  }
0x33d: {  	[tilespmem:s31+$0xF4E8] =	vst v25;
	v61 =	vld [tilespmem:s31+$0xDD98];
	v4 =	vmul.f32 v4, v38;
	v34 =	vadd.f32 v29, v42;
	v36 =	vadd.f32 v28, v42  }
0x33e: {  	v46 =	vimm.s32 $0xE;
	[tilespmem:s31+$0xF518] =	vst v31;
	v40 =	vld [tilespmem:s31+$0xB5A8];
	v8 =	vmul.f32 v8, v38;
	v58 =	vmul.f32 v24, v38  }
0x33f: {  	[tilespmem:s31+$0xF548] =	vst v47;
	v47 =	vadd.f32 v55, v54;
	v49 =	vld [tilespmem:s31+$0xDDC8];
	v39 =	vmul.f32 v62, v11;
	v11 =	vmul.f32 v36, v34  }
0x340: {  	v48 =	vadd.f32 v57, v54;
	v9 =	vmul.f32 v9, v38;
	v38 =	vld [tilespmem:s31+$0xDDA8];
	[tilespmem:s31+$0xF5E8] =	vst v8;
	v8 =	vadd.f32 v18, v12  }
0x341: {  	[tilespmem:s31+$0xF528] =	vst v23;
	v45 =	vmul.f32 v11, v10;
	v11 =	vadd.f32 v13, v6;
	v6 =	vadd.f32 v17, v6;
	v13 =	vld [tilespmem:s31+$0xB5B8]  }
0x342: {  	[tilespmem:s31+$0xF5C8] =	vst v0;
	v5 =	vmul.f32 v48, v47;
	v42 =	vmul.f32 v39, v10;
	v10 =	vadd.f32 v26, v12;
	v12 =	vld [tilespmem:s31+$0xC9B8]  }
0x343: {  	[tilespmem:s31+$0xF618] =	vst v1;
	v51 =	vadd.f32 v63, v61;
	v52 =	vadd.f32 v37, v61;
	v6 =	vmul.f32 v6, v11;
	v11 =	vld [tilespmem:s31+$0xB5C8]  }
0x344: {  	[tilespmem:s31+$0xF608] =	vst v9;
	v9 =	vperm.xlane v22, v46;
	v50 =	vmul.f32 v10, v8;
	v8 =	vld [tilespmem:s31+$0xC9C8]  }
0x345: {  	[tilespmem:s31+$0xF648] =	vst v3;
	v0 =	vmul.f32 v52, v51  }
0x346: {  	[tilespmem:s31+$0xF5D8] =	vst v4;
	v2 =	vmul.f32 v2, v9;
	v53 =	vmul.f32 v5, v9  }
0x347: {  	[tilespmem:s31+$0xF5F8] =	vst v58;
	v54 =	vadd.f32 v40, v38;
	v55 =	vadd.f32 v14, v38;
	v6 =	vmul.f32 v6, v9  }
0x348: {  	[tilespmem:s31+$0xF628] =	vst v42;
	v1 =	vmul.f32 v50, v9;
	v56 =	vadd.f32 v13, v15;
	v57 =	vadd.f32 v12, v15  }
0x349: {  	[tilespmem:s31+$0xF638] =	vst v45;
	v9 =	vimm.s32 $0xF;
	v58 =	vadd.f32 v11, v49;
	v59 =	vadd.f32 v8, v49  }
0x34a: {  	[tilespmem:s31+$0xF658] =	vst v2;
	v3 =	vmul.f32 v55, v54;
	v9 =	vperm.xlane v22, v9  }
0x34b: {  	[tilespmem:s31+$0xF688] =	vst v53;
	v60 =	vmul.f32 v57, v56;
	v61 =	vmul.f32 v59, v58  }
0x34c: {  	p1 =	sne.s32 s30, $0x4;
	[tilespmem:s31+$0xF668] =	vst v6;
	v0 =	vmul.f32 v0, v9;
	v3 =	vmul.f32 v3, v9  }
.Ltmp8:
0x34d: {  	[tilespmem:s31+$0xF678] =	vst v1;
	v62 =	vmul.f32 v60, v9;
	v63 =	vmul.f32 v61, v9;
	v9 =	vld [tilespmem:$0x1FFC0];
	(pc) =	sbr.rel @p1 .LBB2_17-.Ltmp8, $4  }
0x34e: {  	v10 =	vld [tilespmem:$0x1FFD0];
	[tilespmem:s31+$0xF698] =	vst v0  }
0x34f: {  	v11 =	vld [tilespmem:$0x1FFE0];
	[tilespmem:s31+$0xF6A8] =	vst v3  }
0x350: {  	[tilespmem:s31+$0xF6B8] =	vst v62  }
0x351: {  	s30 =	sadd.s32 $0x1, s30;
	v12 =	vld [tilespmem:$0x1FFF0];
	[tilespmem:s31+$0xF6C8] =	vst v63  }
0x352: {  	s14 =	sadd.s32 $0x1, s14  }
0x353: {  	p1 =	sne.s32 s14, $0x5  }
.Ltmp9:
0x354: {  	_ = 	snop;
	(pc) =	sbr.rel @p1 .LBB2_7-.Ltmp9, $4  }
0x355: {  	s12 =	sadd.s32 $0x320, s12  }
0x356: {  	[spmem:s4] =	stream.indirect.scatter.add.f32 [tilespmem:s2], [sflag:$0x4], $0x40, s12, s6, $0xb8;
	[tilespmem:$0x1CED8] =	vst v63  }
0x357: {  	s25 =	simm.s32 @!p0 $0x50;
	s30 =	simm.s32 @!p0 $0xEDD8  }
0x358: {  	[spmem:s5] =	stream.indirect.scatter.add.f32 @!p0 [tilespmem:s30], [sflag:$0x4], $0x10, s12, s25, $0xb8;
	[tilespmem:$0x1CED8] =	vst v63  }
0x359: {  	s12 =	simm.s32 $0x3  }
0x35a: {  	_ =	swait.ge [sflag:s12], $0x1400  }
0x35b: {  	[sflag:s12] =	ssyncset.done $0x0  }
0x35c: {  	[sflag:s12] =	ssyncadd.s32 $0xFFFFEC00;
	s12 =	simm.s32 @p0 $0x4  }
0x35d: {  	_ =	swait.ge @p0 [sflag:s12], $0x1400  }
0x35e: {  	[sflag:s12] =	ssyncset.done @p0 $0x0  }
0x35f: {  	[sflag:s12] =	ssyncadd.s32 @p0 $0xFFFFEC00;
	s12 =	simm.s32 @!p0 $0x3  }
0x360: {  	_ =	swait.ge @!p0 [sflag:s12], $0x500  }
0x361: {  	[sflag:s12] =	ssyncset.done @!p0 $0x0  }
0x362: {  	s13 =	sadd.s32 $0x1, s13;
	[sflag:s12] =	ssyncadd.s32 @!p0 $0xFFFFFB00;
	s12 =	simm.s32 @!p0 $0x4  }
0x363: {  	p1 =	sne.s32 s13, $0x19;
	_ =	swait.ge @!p0 [sflag:s12], $0x1400  }
.Ltmp10:
0x364: {  	[sflag:s12] =	ssyncset.done @!p0 $0x0;
	(pc) =	sbr.rel @p1 .LBB2_4-.Ltmp10, $4  }
0x365: {  	[sflag:s12] =	ssyncadd.s32 @!p0 $0xFFFFEC00  }
0x366: {  	_ =	swait.ge @!p0 [sflag:s12], $0x500  }
0x367: {  	[sflag:s12] =	ssyncset.done @!p0 $0x0  }
0x368: {  	[sflag:s12] =	ssyncadd.s32 @!p0 $0xFFFFFB00  }
0x369: {  	s12 =	stileid.u32;
	[bflag:$0x0] =	sbarrier.arrive $0xFFFF  }
0x36a: {  	s12 =	sshll.u32 s12, $0x6;
	s29 =	rddreg [dreg:$0xd]  }
0x36b: {  	s14 =	rddreg [dreg:$0x1d];
	s12 =	sor.u32 $0x1C05, s12;
	s13 =	sshrl.u32 s29, $0x3  }
0x36c: {  	[hbm:s14], [sflag:s12] =	dma.local [spmem:s13], $0x1400  }
0x36d: {  	s14 =	simm.s32 $0x5  }
0x36e: {  	_ =	swait.ge [sflag:s14], $0x1400  }
0x36f: {  	[sflag:s14] =	ssyncset.done $0x0;
	s30 =	rddreg [dreg:$0xe]  }
0x370: {  	[sflag:s14] =	ssyncadd.s32 $0xFFFFEC00;
	s13 =	sshrl.u32 @!p0 s30, $0x3;
	s14 =	rddreg [dreg:$0x1e]  }
0x371: {  	[hbm:s14], [sflag:s12] =	dma.local @!p0 [spmem:s13], $0x500  }
0x372: {  	s12 =	simm.s32 @!p0 $0x5  }
0x373: {  	_ =	swait.ge @!p0 [sflag:s12], $0x500  }
0x374: {  	s25 =	sld [smem:$0x7FC];
	_ =	sdelay $0x2  }
0x375: {  	s31 =	rddreg [dreg:$0x1f];
	s14 =	sadd.s32 $0x1, s25  }
0x376: {  	p1 =	sne.s32 s14, s31  }
.Ltmp11:
0x377: {  	_ = 	snop;
	(pc) =	sbr.rel @p1 .LBB2_1-.Ltmp11, $3  }
0x378: {  	_ =	sdelay $0x1  }
0x379: {  	[sflag:s12] =	ssyncset.done @!p0 $0x0  }
0x37a: {  	v1 =	vimm.f32 $0.0e+00;
	[sflag:s12] =	ssyncadd.s32 @!p0 $0xFFFFFB00  }
0x37b: {  	_ =	sfence.sel $0x180000  }
0x37c: {  	[bflag:$0x0] =	sbarrier.arrive $0xFFFF  }
0x37d: {  	_ =	strace $0x90000047  }
0x37e: {  	s0 =	stileid.u32;
	[bflag:$0x2] =	sbarrier.arrive $0xFFFF  }
0x37f: {  	p0 =	sne.s32 s0, $0x0;
	s0 =	rddreg [dreg:$0x6]  }
0x380: {  	s0 =	sadd.s32 @!p0 $0x100000, s0  }
0x381: {  	[sflag:s0] =	ssyncadd.tile.s32 @!p0 $0x1;
	_ =	shalt  }
.Lfunc_end2:
_tile_overlayer_lowered:
.L_overlay_start_2:
0x382: {  	(tag) =	ssettag $0x2  }
0x383: {  	s0 =	rddreg [dreg:$0x0];
	s2 =	stileid.u32  }
0x384: {  	s1 =	rddreg [dreg:$0x1];
	p0 =	sne.s32 s2, $0x0  }
0x385: {  	s3 =	rddreg [dreg:$0x2];
	[bflag:$0x3] =	sbarrier.arrive $0xFFFF;
	s2 =	simm.s32 @!p0 $0x1C05  }
0x386: {  	[timem:s3], [sflag:s2] =	dma.local @!p0 [hbm:s0], s1  }
0x387: {  	s0 =	simm.s32 @!p0 $0x5  }
0x388: {  	_ =	swait.ge @!p0 [sflag:s0], s1  }
0x389: {  	s1 =	ssub.s32 @!p0 $0x0, s1;
	[sflag:s0] =	ssyncset.done @!p0 $0x0  }
0x38a: {  	[sflag:s0] =	ssyncadd.s32 @!p0 s1  }
0x38b: {  	[bflag:$0x3] =	sbarrier.arrive $0xFFFF  }
0x38c: {  	_ =	shalt  }

</sc_bundles>
